<compile_context>
chip_gen: v7x
topology: tpu7x:2x2x1
jax: 0.10.2.dev20260603
libtpu: 0.0.44.dev20260713+nightly
codegen_flags: <defaults>
</compile_context>

<pallas_src>
import functools

import jax
import jax.numpy as jnp
from jax import lax
from jax.experimental import pallas as pl
from jax.experimental.pallas import tpu as pltpu
from jax.experimental.pallas import tpu_sc as plsc

L = 16


def _make_act(B, N):
    def body(z_ref, b_ref, y_ref):
        y_ref[...] = jnp.tanh(jnp.maximum(z_ref[...] + b_ref[...], 0.0) + 0.0)

    return pl.pallas_call(
        body,
        grid=(B,),
        in_specs=[
            pl.BlockSpec((1, N, 1), lambda b: (b, 0, 0)),
            pl.BlockSpec((1, 1), lambda b: (0, 0)),
        ],
        out_specs=pl.BlockSpec((1, N, 1), lambda b: (b, 0, 0)),
        out_shape=jax.ShapeDtypeStruct((B, N, 1), jnp.float32),
    )


def _make_select(B, N, K):
    NUM = N - K
    NC = 30
    mesh = plsc.VectorSubcoreMesh(
        core_axis_name="c", subcore_axis_name="s", num_cores=2, num_subcores=16
    )

    def body(y_hbm, kept_hbm, ysel_hbm, yv, bitsv, keptv, yselv):
        ncores = 2
        wid = lax.axis_index("s") * ncores + lax.axis_index("c")

        @pl.when(wid < B)
        def _():
            pltpu.sync_copy(y_hbm.at[pl.ds(wid * N, N)], yv)

            def tobits(c, carry):
                v = yv[pl.ds(c * L, L)]
                bitsv[pl.ds(c * L, L)] = plsc.bitcast(v, jnp.int32)
                return carry

            lax.fori_loop(0, N // L, tobits, 0)

            def probe(i, P):
                Q = P | (1 << (NC - 1 - i))

                def cnt(c, acc):
                    bv = bitsv[pl.ds(c * L, L)]
                    return acc + jnp.where(bv < Q, 1, 0)

                acc = lax.fori_loop(0, N // L, cnt, jnp.zeros((L,), jnp.int32))
                return jnp.where(jnp.sum(acc) <= K, Q, P)

            P = lax.fori_loop(0, NC, probe, jnp.int32(0))

            def cnt_final(c, acc):
                bv = bitsv[pl.ds(c * L, L)]
                return acc + jnp.where(bv < P, 1, 0)

            c_lt = jnp.sum(
                lax.fori_loop(0, N // L, cnt_final, jnp.zeros((L,), jnp.int32))
            )
            skip = K - c_lt

            def comp(c, carry):
                tcar, kcar = carry
                bv = bitsv[pl.ds(c * L, L)]
                v = yv[pl.ds(c * L, L)]
                tie = bv == P
                gt = bv > P
                tiei = jnp.where(tie, 1, 0)
                tcum = plsc.cumsum(tiei) + tcar
                keep = gt | (tie & (tcum > skip))
                ki = jnp.where(keep, 1, 0)
                pos = plsc.cumsum(ki) + kcar - 1
                nodeidx = c * L + lax.iota(jnp.int32, L)
                plsc.store_scatter(keptv, [pos], nodeidx, mask=keep)
                plsc.store_scatter(yselv, [pos], v, mask=keep)
                return (tcar + jnp.sum(tiei), kcar + jnp.sum(ki))

            lax.fori_loop(0, N // L, comp, (jnp.int32(0), jnp.int32(0)))

            pltpu.sync_copy(keptv, kept_hbm.at[pl.ds(wid * NUM, NUM)])
            pltpu.sync_copy(yselv, ysel_hbm.at[pl.ds(wid * NUM, NUM)])

    return pl.kernel(
        body,
        out_type=(
            jax.ShapeDtypeStruct((B * NUM,), jnp.int32),
            jax.ShapeDtypeStruct((B * NUM,), jnp.float32),
        ),
        mesh=mesh,
        scratch_types=[
            pltpu.VMEM((N,), jnp.float32),
            pltpu.VMEM((N,), jnp.int32),
            pltpu.VMEM((NUM,), jnp.int32),
            pltpu.VMEM((NUM,), jnp.float32),
        ],
        compiler_params=pltpu.CompilerParams(needs_layout_passes=False),
    )


def _make_transpose(B, NUM, T):
    def body(c_ref, o_ref):
        o_ref[0] = c_ref[0].T

    return pl.pallas_call(
        body,
        grid=(B, NUM // T, NUM // T),
        in_specs=[pl.BlockSpec((1, T, T), lambda b, i, j: (b, j, i))],
        out_specs=pl.BlockSpec((1, T, T), lambda b, i, j: (b, i, j)),
        out_shape=jax.ShapeDtypeStruct((B, NUM, NUM), jnp.float32),
    )


def _make_gather(B, N, D, NUM):
    NW = 32
    PER = B * NUM // NW
    SPLIT = NW // B
    G = 8
    NG = PER // G
    mesh = plsc.VectorSubcoreMesh(
        core_axis_name="c", subcore_axis_name="s", num_cores=2, num_subcores=16
    )

    def body(
        inputs_hbm,
        adj_hbm,
        kept_hbm,
        ysel_hbm,
        xout_hbm,
        adjout_hbm,
        keptv,
        rowidx,
        yselv,
        adjbuf,
        xbuf,
        outa,
        outx,
        sem_ia0,
        sem_ia1,
        sem_ix0,
        sem_ix1,
        sem_oa0,
        sem_oa1,
        sem_ox0,
        sem_ox1,
    ):
        ncores = 2
        wid = lax.axis_index("s") * ncores + lax.axis_index("c")
        b = wid // SPLIT
        pbase = (wid % SPLIT) * PER
        outbase = b * NUM + pbase
        sem_ia = [sem_ia0, sem_ia1]
        sem_ix = [sem_ix0, sem_ix1]
        sem_oa = [sem_oa0, sem_oa1]
        sem_ox = [sem_ox0, sem_ox1]

        pltpu.sync_copy(kept_hbm.at[pl.ds(b * NUM, NUM)], keptv)
        pltpu.sync_copy(ysel_hbm.at[pl.ds(outbase, PER)], yselv)

        def mkidx(c, carry):
            k = keptv[pl.ds(pbase + c * L, L)]
            rowidx[pl.ds(c * L, L)] = k + b * N
            return carry

        lax.fori_loop(0, PER // L, mkidx, 0)

        def in_copies(g, slot):
            idx = rowidx.at[pl.ds(g * G, G)]
            return (
                pltpu.make_async_copy(adj_hbm.at[idx], adjbuf.at[slot], sem_ia[slot]),
                pltpu.make_async_copy(inputs_hbm.at[idx], xbuf.at[slot], sem_ix[slot]),
            )

        def out_copies(g, slot):
            base = outbase + g * G
            return (
                pltpu.make_async_copy(
                    outa.at[slot], adjout_hbm.at[pl.ds(base, G)], sem_oa[slot]
                ),
                pltpu.make_async_copy(
                    outx.at[slot], xout_hbm.at[pl.ds(base, G)], sem_ox[slot]
                ),
            )

        def start_in(g, slot):
            for cp in in_copies(g, slot):
                cp.start()

        def wait_in(g, slot):
            for cp in in_copies(g, slot):
                cp.wait()

        def start_out(g, slot):
            for cp in out_copies(g, slot):
                cp.start()

        def drain_out(g, slot):
            for cp in out_copies(g, slot):
                cp.wait()

        start_in(0, 0)

        def outer(i, carry):
            for slot in (0, 1):
                g = 2 * i + slot

                @pl.when(g + 1 < NG)
                def _():
                    start_in(g + 1, 1 - slot)

                wait_in(g, slot)

                @pl.when(g >= 2)
                def _():
                    drain_out(g - 2, slot)

                U = 4
                slotv = jnp.full((L,), slot, jnp.int32)
                rowvs = [jnp.full((L,), r, jnp.int32) for r in range(G)]

                def cbody(cc, _c):
                    for u in range(U):
                        c = cc * U + u
                        cols = keptv[pl.ds(c * L, L)]
                        for row in range(G):
                            vals = plsc.load_gather(
                                adjbuf, [slotv, rowvs[row], cols]
                            )
                            outa[slot, row, pl.ds(c * L, L)] = vals
                    return _c

                lax.fori_loop(0, NUM // L // U, cbody, 0)

                for row in range(G):
                    gate = plsc.load_gather(
                        yselv, [jnp.full((L,), g * G + row, jnp.int32)]
                    )

                    def xbody(cc, _c, row=row, gate=gate):
                        for u in range(8):
                            c = cc * 8 + u
                            outx[slot, row, pl.ds(c * L, L)] = (
                                xbuf[slot, row, pl.ds(c * L, L)] * gate
                            )
                        return _c

                    lax.fori_loop(0, D // L // 8, xbody, 0)

                start_out(g, slot)
            return carry

        lax.fori_loop(0, NG // 2, outer, 0)
        drain_out(NG - 2, 0)
        drain_out(NG - 1, 1)

    return pl.kernel(
        body,
        out_type=(
            jax.ShapeDtypeStruct((B * NUM, D), jnp.float32),
            jax.ShapeDtypeStruct((B * NUM, NUM), jnp.float32),
        ),
        mesh=mesh,
        scratch_types=[
            pltpu.VMEM((NUM,), jnp.int32),
            pltpu.VMEM((PER,), jnp.int32),
            pltpu.VMEM((PER,), jnp.float32),
            pltpu.VMEM((2, G, N), jnp.float32),
            pltpu.VMEM((2, G, D), jnp.float32),
            pltpu.VMEM((2, G, NUM), jnp.float32),
            pltpu.VMEM((2, G, D), jnp.float32),
            pltpu.SemaphoreType.DMA,
            pltpu.SemaphoreType.DMA,
            pltpu.SemaphoreType.DMA,
            pltpu.SemaphoreType.DMA,
            pltpu.SemaphoreType.DMA,
            pltpu.SemaphoreType.DMA,
            pltpu.SemaphoreType.DMA,
            pltpu.SemaphoreType.DMA,
        ],
        compiler_params=pltpu.CompilerParams(needs_layout_passes=False),
    )


def kernel(inputs, adj, w, b, rate):
    B, N, D = inputs.shape
    K = N // 2
    NUM = N - K

    s = jnp.matmul(inputs, w)
    z = jnp.matmul(adj, s)
    y = _make_act(B, N)(z, b.reshape(1, 1))
    kept, ysel = _make_select(B, N, K)(y.reshape(B * N))
    xo, ao = _make_gather(B, N, D, NUM)(
        inputs.reshape(B * N, D), adj.reshape(B * N, N), kept, ysel
    )
    ao_t = _make_transpose(B, NUM, 512)(ao.reshape(B, NUM, NUM))
    return xo.reshape(B, NUM, D), ao_t

# --- scband reference (transcript-rebuilt; emitter-appended) ---
"""Pipeline reference for scband-graph-sagepool-36223754175106 (READ-ONLY COPY).

The authoritative reference and input builder live on the scoring server;
editing this copy changes nothing except your own understanding.
"""

import jax, jax.numpy as jnp
import numpy as np

B, N, D = 8, 2048, 512
RATIO = 0.5
K = int(RATIO * N)
NUM_NODES = N - K


def setup_inputs(seed: int = 0) -> dict:
    key = jax.random.key(seed)
    k1, k2, k3 = jax.random.split(key, 3)
    inputs = jax.random.normal(k1, (B, N, D), dtype=jnp.float32)
    adj = jax.random.uniform(k2, (B, N, N), dtype=jnp.float32)
    # learned params of the inner GraphConvolution (input_dim=512 -> output_dim=1)
    w = jax.random.normal(k3, (D, 1), dtype=jnp.float32) * 0.05
    b = jnp.zeros((1,), dtype=jnp.float32)
    return {"inputs": inputs, "adj": adj, "w": w, "b": b, "rate": 0}


def reference(inputs, adj, w, b, rate):
    # GraphConvolution.call: dropout(rate=0) is identity
    x = jnp.matmul(inputs, w)          # [B, N, 1]
    x = jnp.matmul(adj, x)             # [B, N, 1]
    h = jax.nn.relu(x + b)             # act output
    y = jnp.tanh(h.reshape(B, N))      # [B, N] scores
    # tf.argsort ascending; drop lowest K, keep top NUM_NODES
    idx = jnp.argsort(y, axis=-1)[:, K:]
    # tf.boolean_mask preserves original node order -> sort kept indices
    kept = jnp.sort(idx, axis=-1)      # [B, NUM_NODES]
    batch_idx = jnp.arange(B)[:, None]
    x_sel = inputs[batch_idx, kept]            # [B, NUM_NODES, D]
    y_sel = y[batch_idx, kept][..., None]      # [B, NUM_NODES, 1]
    x_out = x_sel * y_sel                      # gated features
    adj_sel = adj[batch_idx, kept]             # [B, NUM_NODES, N]
    adj_sel = jnp.transpose(adj_sel, (0, 2, 1))  # [B, N, NUM_NODES]
    adj_out = adj_sel[batch_idx, kept]         # [B, NUM_NODES, NUM_NODES]
    return (x_out, adj_out)

if __name__ == "__main__":
    import jax
    _d = setup_inputs()
    print(jax.jit(kernel)(*tuple(_d.values())))

</pallas_src>

<mosaic_0001>
#map = affine_map<(d0, d1) -> (0)>
module attributes {stable_mosaic.version = 14 : i64} {
  func.func @body(%arg0: i32, %arg1: i32, %arg2: memref<16384xf32, #tpu.memory_space<hbm>>, %arg3: memref<8192xi32, #tpu.memory_space<hbm>>, %arg4: memref<8192xf32, #tpu.memory_space<hbm>>, %arg5: memref<2048xf32, #tpu.memory_space<vmem>>, %arg6: memref<2048xi32, #tpu.memory_space<vmem>>, %arg7: memref<1024xi32, #tpu.memory_space<vmem>>, %arg8: memref<1024xf32, #tpu.memory_space<vmem>>) attributes {dimension_semantics = [#tpu.dimension_semantics<core_parallel>, #tpu.dimension_semantics<subcore_parallel>], iteration_bounds = array<i64: 2, 16>, scalar_prefetch = 0 : i64, scratch_operands = 4 : i64, tpu.core_type = #tpu.core_type<sc_vector_subcore>, window_params = [{transform_indices = #map}, {transform_indices = #map}, {transform_indices = #map}]} {
    %mul3A = arith.constant 2 : i32
    %mul3A_0 = arith.muli %arg1, %mul3A : i32
    %add3A = arith.addi %mul3A_0, %arg0 : i32
    %lt3A = arith.constant 8 : i32
    %lt3A_1 = arith.cmpi slt, %add3A, %lt3A : i32
    %convert_element_type3A = arith.extui %lt3A_1 : i1 to i32
    %cond3A = arith.constant 0 : i32
    %cond3A_2 = arith.cmpi ne, %convert_element_type3A, %cond3A : i32
    scf.if %cond3A_2 {
      %mul3A_3 = arith.constant 2048 : i32
      %mul3A_4 = arith.muli %add3A, %mul3A_3 : i32
      "tpu.region"() ({
        %run_scoped3A = tpu.sem_alloc : memref<!tpu.dma_semaphore, #tpu.memory_space<semaphore_mem>>
        %dma_start3A = tpu.memref_slice %arg2[%mul3A_4] : memref<16384xf32, #tpu.memory_space<hbm>> -> memref<2048xf32, #tpu.memory_space<hbm>>
        %dma_start3A_40 = tpu.memref_slice %arg2[%mul3A_4] : memref<16384xf32, #tpu.memory_space<hbm>> -> memref<2048xf32, #tpu.memory_space<hbm>>
        tpu.enqueue_dma source(%dma_start3A_40 : memref<2048xf32, #tpu.memory_space<hbm>>) target(%arg5 : memref<2048xf32, #tpu.memory_space<vmem>>) target_semaphore(%run_scoped3A : memref<!tpu.dma_semaphore, #tpu.memory_space<semaphore_mem>>)
        %dma_wait3A = tpu.memref_slice %arg2[%mul3A_4] : memref<16384xf32, #tpu.memory_space<hbm>> -> memref<2048xf32, #tpu.memory_space<hbm>>
        %dma_wait3A_41 = tpu.memref_slice %arg2[%mul3A_4] : memref<16384xf32, #tpu.memory_space<hbm>> -> memref<2048xf32, #tpu.memory_space<hbm>>
        tpu.wait_dma2 semaphore(%run_scoped3A : memref<!tpu.dma_semaphore, #tpu.memory_space<semaphore_mem>>) src(%dma_wait3A_41 : memref<2048xf32, #tpu.memory_space<hbm>>) dst(%arg5 : memref<2048xf32, #tpu.memory_space<vmem>>)
        tpu.yield
      }) : () -> ()
      %scan3A = arith.constant 0 : i32
      %scan3A_5 = arith.constant 0 : i32
      %scan3A_6 = arith.constant 128 : i32
      %scan3A_7 = arith.addi %scan3A_5, %scan3A_6 : i32
      %scan3A_8 = arith.constant 1 : i32
      scf.for %scan3A_40 = %scan3A_5 to %scan3A_7 step %scan3A_8  : i32 {
        %mul3A_41 = arith.constant 16 : i32
        %mul3A_42 = arith.muli %scan3A_40, %mul3A_41 : i32
        %get3A = arith.index_cast %mul3A_42 : i32 to index
        %get3A_43 = tpu.vector_load %arg5[%get3A] {strides = array<i32>} : memref<2048xf32, #tpu.memory_space<vmem>>, vector<16xf32>,
        %bitcast3A = vector.bitcast %get3A_43 : vector<16xf32> to vector<16xi32>
        %mul3A_44 = arith.constant 16 : i32
        %mul3A_45 = arith.muli %scan3A_40, %mul3A_44 : i32
        %swap3A = arith.index_cast %mul3A_45 : i32 to index
        %swap3A_46 = tpu.vector_load %arg6[%swap3A] {strides = array<i32>} : memref<2048xi32, #tpu.memory_space<vmem>>, vector<16xi32>,
        tpu.vector_store %arg6[%swap3A], %bitcast3A {strides = array<i32>} : memref<2048xi32, #tpu.memory_space<vmem>>, vector<16xi32>,
      }
      %scan3A_9 = arith.constant 128 : i32
      %scan3A_10 = arith.constant 0 : i32
      %scan3A_11 = arith.constant 0 : i32
      %scan3A_12 = arith.constant 30 : i32
      %scan3A_13 = arith.addi %scan3A_11, %scan3A_12 : i32
      %scan3A_14 = arith.constant 1 : i32
      %scan3A_15 = scf.for %scan3A_40 = %scan3A_11 to %scan3A_13 step %scan3A_14 iter_args(%scan3A_41 = %scan3A_10) -> (i32)  : i32 {
        %sub3A_42 = arith.constant 29 : i32
        %sub3A_43 = arith.subi %sub3A_42, %scan3A_40 : i32
        %shift_left3A = arith.constant 1 : i32
        %shift_left3A_44 = arith.shli %shift_left3A, %sub3A_43 : i32
        %or3A = arith.ori %scan3A_41, %shift_left3A_44 : i32
        %broadcast_in_dim3A_45 = arith.constant 0 : i32
        %broadcast_in_dim3A_46 = vector.broadcast %broadcast_in_dim3A_45 : i32 to vector<16xi32>
        %scan3A_47 = arith.constant 0 : i32
        %scan3A_48 = arith.constant 128 : i32
        %scan3A_49 = arith.addi %scan3A_47, %scan3A_48 : i32
        %scan3A_50 = arith.constant 1 : i32
        %scan3A_51 = scf.for %scan3A_58 = %scan3A_47 to %scan3A_49 step %scan3A_50 iter_args(%scan3A_59 = %broadcast_in_dim3A_46) -> (vector<16xi32>)  : i32 {
          %mul3A_60 = arith.constant 16 : i32
          %mul3A_61 = arith.muli %scan3A_58, %mul3A_60 : i32
          %get3A = arith.index_cast %mul3A_61 : i32 to index
          %get3A_62 = tpu.vector_load %arg6[%get3A] {strides = array<i32>} : memref<2048xi32, #tpu.memory_space<vmem>>, vector<16xi32>,
          %lt3A_63 = vector.broadcast %or3A : i32 to vector<16xi32>
          %lt3A_64 = arith.cmpi slt, %get3A_62, %lt3A_63 : vector<16xi32>
          %jit3A = arith.constant 1 : i32
          %jit3A_65 = arith.constant 0 : i32
          %broadcast_in_dim3A_66 = vector.broadcast %jit3A : i32 to vector<16xi32>
          %broadcast_in_dim3A_67 = vector.broadcast %jit3A_65 : i32 to vector<16xi32>
          %select_n3A_68 = arith.select %lt3A_64, %broadcast_in_dim3A_66, %broadcast_in_dim3A_67 : vector<16xi1>, vector<16xi32>
          %add3A_69 = arith.addi %scan3A_59, %select_n3A_68 : vector<16xi32>
          scf.yield %add3A_69 : vector<16xi32>
        }
        %scan3A_52 = arith.constant 128 : i32
        %reduce_sum3A_53 = arith.constant true
        %reduce_sum3A_54 = vector.broadcast %reduce_sum3A_53 : i1 to vector<16xi1>
        %reduce_sum3A_55 = tpu.scan <sum>, %scan3A_51 masked %reduce_sum3A_54 : vector<16xi32>, vector<16xi1> -> vector<16xi32>
        %reduce_sum3A_56 = vector.extract %reduce_sum3A_55[15] : i32 from vector<16xi32>
        %le3A = arith.constant 1024 : i32
        %le3A_57 = arith.cmpi sle, %reduce_sum3A_56, %le3A : i32
        %select_n3A = arith.select %le3A_57, %or3A, %scan3A_41 : i32
        scf.yield %select_n3A : i32
      }
      %scan3A_16 = arith.constant 30 : i32
      %broadcast_in_dim3A = arith.constant 0 : i32
      %broadcast_in_dim3A_17 = vector.broadcast %broadcast_in_dim3A : i32 to vector<16xi32>
      %scan3A_18 = arith.constant 0 : i32
      %scan3A_19 = arith.constant 128 : i32
      %scan3A_20 = arith.addi %scan3A_18, %scan3A_19 : i32
      %scan3A_21 = arith.constant 1 : i32
      %scan3A_22 = scf.for %scan3A_40 = %scan3A_18 to %scan3A_20 step %scan3A_21 iter_args(%scan3A_41 = %broadcast_in_dim3A_17) -> (vector<16xi32>)  : i32 {
        %mul3A_42 = arith.constant 16 : i32
        %mul3A_43 = arith.muli %scan3A_40, %mul3A_42 : i32
        %get3A = arith.index_cast %mul3A_43 : i32 to index
        %get3A_44 = tpu.vector_load %arg6[%get3A] {strides = array<i32>} : memref<2048xi32, #tpu.memory_space<vmem>>, vector<16xi32>,
        %lt3A_45 = vector.broadcast %scan3A_15 : i32 to vector<16xi32>
        %lt3A_46 = arith.cmpi slt, %get3A_44, %lt3A_45 : vector<16xi32>
        %jit3A = arith.constant 1 : i32
        %jit3A_47 = arith.constant 0 : i32
        %broadcast_in_dim3A_48 = vector.broadcast %jit3A : i32 to vector<16xi32>
        %broadcast_in_dim3A_49 = vector.broadcast %jit3A_47 : i32 to vector<16xi32>
        %select_n3A = arith.select %lt3A_46, %broadcast_in_dim3A_48, %broadcast_in_dim3A_49 : vector<16xi1>, vector<16xi32>
        %add3A_50 = arith.addi %scan3A_41, %select_n3A : vector<16xi32>
        scf.yield %add3A_50 : vector<16xi32>
      }
      %scan3A_23 = arith.constant 128 : i32
      %reduce_sum3A = arith.constant true
      %reduce_sum3A_24 = vector.broadcast %reduce_sum3A : i1 to vector<16xi1>
      %reduce_sum3A_25 = tpu.scan <sum>, %scan3A_22 masked %reduce_sum3A_24 : vector<16xi32>, vector<16xi1> -> vector<16xi32>
      %reduce_sum3A_26 = vector.extract %reduce_sum3A_25[15] : i32 from vector<16xi32>
      %sub3A = arith.constant 1024 : i32
      %sub3A_27 = arith.subi %sub3A, %reduce_sum3A_26 : i32
      %scan3A_28 = arith.constant 0 : i32
      %scan3A_29 = arith.constant 0 : i32
      %scan3A_30 = arith.constant 0 : i32
      %scan3A_31 = arith.constant 128 : i32
      %scan3A_32 = arith.addi %scan3A_30, %scan3A_31 : i32
      %scan3A_33 = arith.constant 1 : i32
      %scan3A_34:2 = scf.for %scan3A_40 = %scan3A_30 to %scan3A_32 step %scan3A_33 iter_args(%scan3A_41 = %scan3A_28, %scan3A_42 = %scan3A_29) -> (i32, i32)  : i32 {
        %mul3A_43 = arith.constant 16 : i32
        %mul3A_44 = arith.muli %scan3A_40, %mul3A_43 : i32
        %get3A = arith.index_cast %mul3A_44 : i32 to index
        %get3A_45 = tpu.vector_load %arg6[%get3A] {strides = array<i32>} : memref<2048xi32, #tpu.memory_space<vmem>>, vector<16xi32>,
        %mul3A_46 = arith.constant 16 : i32
        %mul3A_47 = arith.muli %scan3A_40, %mul3A_46 : i32
        %get3A_48 = arith.index_cast %mul3A_47 : i32 to index
        %get3A_49 = tpu.vector_load %arg5[%get3A_48] {strides = array<i32>} : memref<2048xf32, #tpu.memory_space<vmem>>, vector<16xf32>,
        %eq3A = vector.broadcast %scan3A_15 : i32 to vector<16xi32>
        %eq3A_50 = arith.cmpi eq, %get3A_45, %eq3A : vector<16xi32>
        %gt3A = vector.broadcast %scan3A_15 : i32 to vector<16xi32>
        %gt3A_51 = arith.cmpi sgt, %get3A_45, %gt3A : vector<16xi32>
        %jit3A = arith.constant 1 : i32
        %jit3A_52 = arith.constant 0 : i32
        %broadcast_in_dim3A_53 = vector.broadcast %jit3A : i32 to vector<16xi32>
        %broadcast_in_dim3A_54 = vector.broadcast %jit3A_52 : i32 to vector<16xi32>
        %select_n3A = arith.select %eq3A_50, %broadcast_in_dim3A_53, %broadcast_in_dim3A_54 : vector<16xi1>, vector<16xi32>
        %broadcast_in_dim3A_55 = arith.constant true
        %broadcast_in_dim3A_56 = vector.broadcast %broadcast_in_dim3A_55 : i1 to vector<16xi1>
        %masked_cumsum3A = tpu.scan <sum>, %select_n3A masked %broadcast_in_dim3A_56 : vector<16xi32>, vector<16xi1> -> vector<16xi32>
        %add3A_57 = vector.broadcast %scan3A_41 : i32 to vector<16xi32>
        %add3A_58 = arith.addi %masked_cumsum3A, %add3A_57 : vector<16xi32>
        %gt3A_59 = vector.broadcast %sub3A_27 : i32 to vector<16xi32>
        %gt3A_60 = arith.cmpi sgt, %add3A_58, %gt3A_59 : vector<16xi32>
        %and3A = arith.andi %eq3A_50, %gt3A_60 : vector<16xi1>
        %or3A = arith.ori %gt3A_51, %and3A : vector<16xi1>
        %jit3A_61 = arith.constant 1 : i32
        %jit3A_62 = arith.constant 0 : i32
        %broadcast_in_dim3A_63 = vector.broadcast %jit3A_61 : i32 to vector<16xi32>
        %broadcast_in_dim3A_64 = vector.broadcast %jit3A_62 : i32 to vector<16xi32>
        %select_n3A_65 = arith.select %or3A, %broadcast_in_dim3A_63, %broadcast_in_dim3A_64 : vector<16xi1>, vector<16xi32>
        %broadcast_in_dim3A_66 = arith.constant true
        %broadcast_in_dim3A_67 = vector.broadcast %broadcast_in_dim3A_66 : i1 to vector<16xi1>
        %masked_cumsum3A_68 = tpu.scan <sum>, %select_n3A_65 masked %broadcast_in_dim3A_67 : vector<16xi32>, vector<16xi1> -> vector<16xi32>
        %add3A_69 = vector.broadcast %scan3A_42 : i32 to vector<16xi32>
        %add3A_70 = arith.addi %masked_cumsum3A_68, %add3A_69 : vector<16xi32>
        %sub3A_71 = arith.constant 1 : i32
        %sub3A_72 = vector.broadcast %sub3A_71 : i32 to vector<16xi32>
        %sub3A_73 = arith.subi %add3A_70, %sub3A_72 : vector<16xi32>
        %mul3A_74 = arith.constant 16 : i32
        %mul3A_75 = arith.muli %scan3A_40, %mul3A_74 : i32
        %iota3A = tpu.iota {dimensions = array<i32: 0>} : vector<16xi32>
        %add3A_76 = vector.broadcast %mul3A_75 : i32 to vector<16xi32>
        %add3A_77 = arith.addi %add3A_76, %iota3A : vector<16xi32>
        tpu.vector_store_idx %arg7[%sub3A_73], %add3A_77 masked %or3A : memref<1024xi32, #tpu.memory_space<vmem>>[vector<16xi32>], vector<16xi32>, vector<16xi1>
        tpu.vector_store_idx %arg8[%sub3A_73], %get3A_49 masked %or3A : memref<1024xf32, #tpu.memory_space<vmem>>[vector<16xi32>], vector<16xf32>, vector<16xi1>
        %reduce_sum3A_78 = arith.constant true
        %reduce_sum3A_79 = vector.broadcast %reduce_sum3A_78 : i1 to vector<16xi1>
        %reduce_sum3A_80 = tpu.scan <sum>, %select_n3A masked %reduce_sum3A_79 : vector<16xi32>, vector<16xi1> -> vector<16xi32>
        %reduce_sum3A_81 = vector.extract %reduce_sum3A_80[15] : i32 from vector<16xi32>
        %add3A_82 = arith.addi %scan3A_41, %reduce_sum3A_81 : i32
        %reduce_sum3A_83 = arith.constant true
        %reduce_sum3A_84 = vector.broadcast %reduce_sum3A_83 : i1 to vector<16xi1>
        %reduce_sum3A_85 = tpu.scan <sum>, %select_n3A_65 masked %reduce_sum3A_84 : vector<16xi32>, vector<16xi1> -> vector<16xi32>
        %reduce_sum3A_86 = vector.extract %reduce_sum3A_85[15] : i32 from vector<16xi32>
        %add3A_87 = arith.addi %scan3A_42, %reduce_sum3A_86 : i32
        scf.yield %add3A_82, %add3A_87 : i32, i32
      }
      %scan3A_35 = arith.constant 128 : i32
      %mul3A_36 = arith.constant 1024 : i32
      %mul3A_37 = arith.muli %add3A, %mul3A_36 : i32
      "tpu.region"() ({
        %run_scoped3A = tpu.sem_alloc : memref<!tpu.dma_semaphore, #tpu.memory_space<semaphore_mem>>
        %dma_start3A = tpu.memref_slice %arg3[%mul3A_37] : memref<8192xi32, #tpu.memory_space<hbm>> -> memref<1024xi32, #tpu.memory_space<hbm>>
        %dma_start3A_40 = tpu.memref_slice %arg3[%mul3A_37] : memref<8192xi32, #tpu.memory_space<hbm>> -> memref<1024xi32, #tpu.memory_space<hbm>>
        tpu.enqueue_dma source(%arg7 : memref<1024xi32, #tpu.memory_space<vmem>>) target(%dma_start3A_40 : memref<1024xi32, #tpu.memory_space<hbm>>) target_semaphore(%run_scoped3A : memref<!tpu.dma_semaphore, #tpu.memory_space<semaphore_mem>>)
        %dma_wait3A = tpu.memref_slice %arg3[%mul3A_37] : memref<8192xi32, #tpu.memory_space<hbm>> -> memref<1024xi32, #tpu.memory_space<hbm>>
        %dma_wait3A_41 = tpu.memref_slice %arg3[%mul3A_37] : memref<8192xi32, #tpu.memory_space<hbm>> -> memref<1024xi32, #tpu.memory_space<hbm>>
        tpu.wait_dma2 semaphore(%run_scoped3A : memref<!tpu.dma_semaphore, #tpu.memory_space<semaphore_mem>>) src(%arg7 : memref<1024xi32, #tpu.memory_space<vmem>>) dst(%dma_wait3A_41 : memref<1024xi32, #tpu.memory_space<hbm>>)
        tpu.yield
      }) : () -> ()
      %mul3A_38 = arith.constant 1024 : i32
      %mul3A_39 = arith.muli %add3A, %mul3A_38 : i32
      "tpu.region"() ({
        %run_scoped3A = tpu.sem_alloc : memref<!tpu.dma_semaphore, #tpu.memory_space<semaphore_mem>>
        %dma_start3A = tpu.memref_slice %arg4[%mul3A_39] : memref<8192xf32, #tpu.memory_space<hbm>> -> memref<1024xf32, #tpu.memory_space<hbm>>
        %dma_start3A_40 = tpu.memref_slice %arg4[%mul3A_39] : memref<8192xf32, #tpu.memory_space<hbm>> -> memref<1024xf32, #tpu.memory_space<hbm>>
        tpu.enqueue_dma source(%arg8 : memref<1024xf32, #tpu.memory_space<vmem>>) target(%dma_start3A_40 : memref<1024xf32, #tpu.memory_space<hbm>>) target_semaphore(%run_scoped3A : memref<!tpu.dma_semaphore, #tpu.memory_space<semaphore_mem>>)
        %dma_wait3A = tpu.memref_slice %arg4[%mul3A_39] : memref<8192xf32, #tpu.memory_space<hbm>> -> memref<1024xf32, #tpu.memory_space<hbm>>
        %dma_wait3A_41 = tpu.memref_slice %arg4[%mul3A_39] : memref<8192xf32, #tpu.memory_space<hbm>> -> memref<1024xf32, #tpu.memory_space<hbm>>
        tpu.wait_dma2 semaphore(%run_scoped3A : memref<!tpu.dma_semaphore, #tpu.memory_space<semaphore_mem>>) src(%arg8 : memref<1024xf32, #tpu.memory_space<vmem>>) dst(%dma_wait3A_41 : memref<1024xf32, #tpu.memory_space<hbm>>)
        tpu.yield
      }) : () -> ()
    } else {
    }
    return
  }
}

#map = affine_map<(d0, d1) -> (0, 0)>
#map1 = affine_map<(d0, d1) -> (0)>
module attributes {stable_mosaic.version = 14 : i64} {
  func.func @body(%arg0: i32, %arg1: i32, %arg2: memref<16384x512xf32, #tpu.memory_space<hbm>>, %arg3: memref<16384x2048xf32, #tpu.memory_space<hbm>>, %arg4: memref<8192xi32, #tpu.memory_space<hbm>>, %arg5: memref<8192xf32, #tpu.memory_space<hbm>>, %arg6: memref<8192x512xf32, #tpu.memory_space<hbm>>, %arg7: memref<8192x1024xf32, #tpu.memory_space<hbm>>, %arg8: memref<1024xi32, #tpu.memory_space<vmem>>, %arg9: memref<256xi32, #tpu.memory_space<vmem>>, %arg10: memref<256xf32, #tpu.memory_space<vmem>>, %arg11: memref<2x8x2048xf32, #tpu.memory_space<vmem>>, %arg12: memref<2x8x512xf32, #tpu.memory_space<vmem>>, %arg13: memref<2x8x1024xf32, #tpu.memory_space<vmem>>, %arg14: memref<2x8x512xf32, #tpu.memory_space<vmem>>, %arg15: memref<!tpu.dma_semaphore, #tpu.memory_space<semaphore_mem>>, %arg16: memref<!tpu.dma_semaphore, #tpu.memory_space<semaphore_mem>>, %arg17: memref<!tpu.dma_semaphore, #tpu.memory_space<semaphore_mem>>, %arg18: memref<!tpu.dma_semaphore, #tpu.memory_space<semaphore_mem>>, %arg19: memref<!tpu.dma_semaphore, #tpu.memory_space<semaphore_mem>>, %arg20: memref<!tpu.dma_semaphore, #tpu.memory_space<semaphore_mem>>, %arg21: memref<!tpu.dma_semaphore, #tpu.memory_space<semaphore_mem>>, %arg22: memref<!tpu.dma_semaphore, #tpu.memory_space<semaphore_mem>>) attributes {dimension_semantics = [#tpu.dimension_semantics<core_parallel>, #tpu.dimension_semantics<subcore_parallel>], iteration_bounds = array<i64: 2, 16>, scalar_prefetch = 0 : i64, scratch_operands = 15 : i64, tpu.core_type = #tpu.core_type<sc_vector_subcore>, window_params = [{transform_indices = #map}, {transform_indices = #map}, {transform_indices = #map1}, {transform_indices = #map1}, {transform_indices = #map}, {transform_indices = #map}]} {
    %mul3A = arith.constant 2 : i32
    %mul3A_0 = arith.muli %arg1, %mul3A : i32
    %add3A = arith.addi %mul3A_0, %arg0 : i32
    %jit3A = arith.constant 4 : i32
    %div3A = arith.divsi %add3A, %jit3A : i32
    %sign3A = arith.constant 0 : i32
    %sign3A_1 = arith.cmpi sgt, %add3A, %sign3A : i32
    %sign3A_2 = arith.extui %sign3A_1 : i1 to i32
    %sign3A_3 = arith.constant 0 : i32
    %sign3A_4 = arith.cmpi slt, %add3A, %sign3A_3 : i32
    %sign3A_5 = arith.extui %sign3A_4 : i1 to i32
    %sign3A_6 = arith.subi %sign3A_2, %sign3A_5 : i32
    %sign3A_7 = arith.constant 0 : i32
    %sign3A_8 = arith.cmpi sgt, %jit3A, %sign3A_7 : i32
    %sign3A_9 = arith.extui %sign3A_8 : i1 to i32
    %sign3A_10 = arith.constant 0 : i32
    %sign3A_11 = arith.cmpi slt, %jit3A, %sign3A_10 : i32
    %sign3A_12 = arith.extui %sign3A_11 : i1 to i32
    %sign3A_13 = arith.subi %sign3A_9, %sign3A_12 : i32
    %ne3A = arith.cmpi ne, %sign3A_6, %sign3A_13 : i32
    %rem3A = arith.remsi %add3A, %jit3A : i32
    %ne3A_14 = arith.constant 0 : i32
    %ne3A_15 = arith.cmpi ne, %rem3A, %ne3A_14 : i32
    %and3A = arith.andi %ne3A, %ne3A_15 : i1
    %sub3A = arith.constant 1 : i32
    %sub3A_16 = arith.subi %div3A, %sub3A : i32
    %select_n3A = arith.select %and3A, %sub3A_16, %div3A : i32
    %jit3A_17 = arith.constant 4 : i32
    %eq3A = arith.constant 0 : i32
    %eq3A_18 = arith.cmpi eq, %jit3A_17, %eq3A : i32
    %jit3A_19 = arith.constant 1 : i32
    %select_n3A_20 = arith.select %eq3A_18, %jit3A_19, %jit3A_17 : i32
    %rem3A_21 = arith.remsi %add3A, %select_n3A_20 : i32
    %ne3A_22 = arith.constant 0 : i32
    %ne3A_23 = arith.cmpi ne, %rem3A_21, %ne3A_22 : i32
    %lt3A = arith.constant 0 : i32
    %lt3A_24 = arith.cmpi slt, %rem3A_21, %lt3A : i32
    %lt3A_25 = arith.constant 0 : i32
    %lt3A_26 = arith.cmpi slt, %select_n3A_20, %lt3A_25 : i32
    %ne3A_27 = arith.xori %lt3A_24, %lt3A_26 : i1
    %and3A_28 = arith.andi %ne3A_27, %ne3A_23 : i1
    %add3A_29 = arith.addi %rem3A_21, %select_n3A_20 : i32
    %select_n3A_30 = arith.select %and3A_28, %add3A_29, %rem3A_21 : i32
    %mul3A_31 = arith.constant 256 : i32
    %mul3A_32 = arith.muli %select_n3A_30, %mul3A_31 : i32
    %mul3A_33 = arith.constant 1024 : i32
    %mul3A_34 = arith.muli %select_n3A, %mul3A_33 : i32
    %add3A_35 = arith.addi %mul3A_34, %mul3A_32 : i32
    %mul3A_36 = arith.constant 1024 : i32
    %mul3A_37 = arith.muli %select_n3A, %mul3A_36 : i32
    "tpu.region"() ({
      %run_scoped3A = tpu.sem_alloc : memref<!tpu.dma_semaphore, #tpu.memory_space<semaphore_mem>>
      %dma_start3A_123 = tpu.memref_slice %arg4[%mul3A_37] : memref<8192xi32, #tpu.memory_space<hbm>> -> memref<1024xi32, #tpu.memory_space<hbm>>
      %dma_start3A_124 = tpu.memref_slice %arg4[%mul3A_37] : memref<8192xi32, #tpu.memory_space<hbm>> -> memref<1024xi32, #tpu.memory_space<hbm>>
      tpu.enqueue_dma source(%dma_start3A_124 : memref<1024xi32, #tpu.memory_space<hbm>>) target(%arg8 : memref<1024xi32, #tpu.memory_space<vmem>>) target_semaphore(%run_scoped3A : memref<!tpu.dma_semaphore, #tpu.memory_space<semaphore_mem>>)
      %dma_wait3A_125 = tpu.memref_slice %arg4[%mul3A_37] : memref<8192xi32, #tpu.memory_space<hbm>> -> memref<1024xi32, #tpu.memory_space<hbm>>
      %dma_wait3A_126 = tpu.memref_slice %arg4[%mul3A_37] : memref<8192xi32, #tpu.memory_space<hbm>> -> memref<1024xi32, #tpu.memory_space<hbm>>
      tpu.wait_dma2 semaphore(%run_scoped3A : memref<!tpu.dma_semaphore, #tpu.memory_space<semaphore_mem>>) src(%dma_wait3A_126 : memref<1024xi32, #tpu.memory_space<hbm>>) dst(%arg8 : memref<1024xi32, #tpu.memory_space<vmem>>)
      tpu.yield
    }) : () -> ()
    "tpu.region"() ({
      %run_scoped3A = tpu.sem_alloc : memref<!tpu.dma_semaphore, #tpu.memory_space<semaphore_mem>>
      %dma_start3A_123 = tpu.memref_slice %arg5[%add3A_35] : memref<8192xf32, #tpu.memory_space<hbm>> -> memref<256xf32, #tpu.memory_space<hbm>>
      %dma_start3A_124 = tpu.memref_slice %arg5[%add3A_35] : memref<8192xf32, #tpu.memory_space<hbm>> -> memref<256xf32, #tpu.memory_space<hbm>>
      tpu.enqueue_dma source(%dma_start3A_124 : memref<256xf32, #tpu.memory_space<hbm>>) target(%arg10 : memref<256xf32, #tpu.memory_space<vmem>>) target_semaphore(%run_scoped3A : memref<!tpu.dma_semaphore, #tpu.memory_space<semaphore_mem>>)
      %dma_wait3A_125 = tpu.memref_slice %arg5[%add3A_35] : memref<8192xf32, #tpu.memory_space<hbm>> -> memref<256xf32, #tpu.memory_space<hbm>>
      %dma_wait3A_126 = tpu.memref_slice %arg5[%add3A_35] : memref<8192xf32, #tpu.memory_space<hbm>> -> memref<256xf32, #tpu.memory_space<hbm>>
      tpu.wait_dma2 semaphore(%run_scoped3A : memref<!tpu.dma_semaphore, #tpu.memory_space<semaphore_mem>>) src(%dma_wait3A_126 : memref<256xf32, #tpu.memory_space<hbm>>) dst(%arg10 : memref<256xf32, #tpu.memory_space<vmem>>)
      tpu.yield
    }) : () -> ()
    %scan3A = arith.constant 0 : i32
    %scan3A_38 = arith.constant 0 : i32
    %scan3A_39 = arith.constant 16 : i32
    %scan3A_40 = arith.addi %scan3A_38, %scan3A_39 : i32
    %scan3A_41 = arith.constant 1 : i32
    scf.for %scan3A_123 = %scan3A_38 to %scan3A_40 step %scan3A_41  : i32 {
      %mul3A_124 = arith.constant 16 : i32
      %mul3A_125 = arith.muli %scan3A_123, %mul3A_124 : i32
      %add3A_126 = arith.addi %mul3A_32, %mul3A_125 : i32
      %get3A = arith.index_cast %add3A_126 : i32 to index
      %get3A_127 = tpu.vector_load %arg8[%get3A] {strides = array<i32>} : memref<1024xi32, #tpu.memory_space<vmem>>, vector<16xi32>,
      %mul3A_128 = arith.constant 2048 : i32
      %mul3A_129 = arith.muli %select_n3A, %mul3A_128 : i32
      %add3A_130 = vector.broadcast %mul3A_129 : i32 to vector<16xi32>
      %add3A_131 = arith.addi %get3A_127, %add3A_130 : vector<16xi32>
      %mul3A_132 = arith.constant 16 : i32
      %mul3A_133 = arith.muli %scan3A_123, %mul3A_132 : i32
      %swap3A = arith.index_cast %mul3A_133 : i32 to index
      %swap3A_134 = tpu.vector_load %arg9[%swap3A] {strides = array<i32>} : memref<256xi32, #tpu.memory_space<vmem>>, vector<16xi32>,
      tpu.vector_store %arg9[%swap3A], %add3A_131 {strides = array<i32>} : memref<256xi32, #tpu.memory_space<vmem>>, vector<16xi32>,
    }
    %scan3A_42 = arith.constant 16 : i32
    %dma_start3A = arith.constant 0 : i32
    %dma_start3A_43 = arith.constant 0 : i32
    %dma_start3A_44 = arith.constant 0 : i32
    %dma_start3A_45 = tpu.memref_slice %arg11[%dma_start3A, %dma_start3A_43, %dma_start3A_44] : memref<2x8x2048xf32, #tpu.memory_space<vmem>> -> memref<1x8x2048xf32, #tpu.memory_space<vmem>>
    %dma_start3A_46 = tpu.memref_squeeze %dma_start3A_45 : memref<1x8x2048xf32, #tpu.memory_space<vmem>> -> memref<8x2048xf32, #tpu.memory_space<vmem>>
    %dma_start3A_47 = arith.constant 0 : i32
    %dma_start3A_48 = tpu.memref_slice %arg9[%dma_start3A_47] : memref<256xi32, #tpu.memory_space<vmem>> -> memref<8xi32, #tpu.memory_space<vmem>>
    %dma_start3A_49 = arith.constant 0 : i32
    %dma_start3A_50 = arith.constant 0 : i32
    %dma_start3A_51 = tpu.memref_slice %arg3[%dma_start3A_49, %dma_start3A_50] : memref<16384x2048xf32, #tpu.memory_space<hbm>> -> memref<16384x2048xf32, #tpu.memory_space<hbm>>
    tpu.enqueue_indirect_dma source(%dma_start3A_51 : memref<16384x2048xf32, #tpu.memory_space<hbm>>) target(%dma_start3A_46 : memref<8x2048xf32, #tpu.memory_space<vmem>>) offsets(%dma_start3A_48 : memref<8xi32, #tpu.memory_space<vmem>>) semaphore(%arg15 : memref<!tpu.dma_semaphore, #tpu.memory_space<semaphore_mem>>)
    %dma_start3A_52 = arith.constant 0 : i32
    %dma_start3A_53 = arith.constant 0 : i32
    %dma_start3A_54 = arith.constant 0 : i32
    %dma_start3A_55 = tpu.memref_slice %arg12[%dma_start3A_52, %dma_start3A_53, %dma_start3A_54] : memref<2x8x512xf32, #tpu.memory_space<vmem>> -> memref<1x8x512xf32, #tpu.memory_space<vmem>>
    %dma_start3A_56 = tpu.memref_squeeze %dma_start3A_55 : memref<1x8x512xf32, #tpu.memory_space<vmem>> -> memref<8x512xf32, #tpu.memory_space<vmem>>
    %dma_start3A_57 = arith.constant 0 : i32
    %dma_start3A_58 = tpu.memref_slice %arg9[%dma_start3A_57] : memref<256xi32, #tpu.memory_space<vmem>> -> memref<8xi32, #tpu.memory_space<vmem>>
    %dma_start3A_59 = arith.constant 0 : i32
    %dma_start3A_60 = arith.constant 0 : i32
    %dma_start3A_61 = tpu.memref_slice %arg2[%dma_start3A_59, %dma_start3A_60] : memref<16384x512xf32, #tpu.memory_space<hbm>> -> memref<16384x512xf32, #tpu.memory_space<hbm>>
    tpu.enqueue_indirect_dma source(%dma_start3A_61 : memref<16384x512xf32, #tpu.memory_space<hbm>>) target(%dma_start3A_56 : memref<8x512xf32, #tpu.memory_space<vmem>>) offsets(%dma_start3A_58 : memref<8xi32, #tpu.memory_space<vmem>>) semaphore(%arg17 : memref<!tpu.dma_semaphore, #tpu.memory_space<semaphore_mem>>)
    %scan3A_62 = arith.constant 0 : i32
    %scan3A_63 = arith.constant 0 : i32
    %scan3A_64 = arith.constant 16 : i32
    %scan3A_65 = arith.addi %scan3A_63, %scan3A_64 : i32
    %scan3A_66 = arith.constant 1 : i32
    scf.for %scan3A_123 = %scan3A_63 to %scan3A_65 step %scan3A_66  : i32 {
      %mul3A_124 = arith.constant 2 : i32
      %mul3A_125 = arith.muli %mul3A_124, %scan3A_123 : i32
      %add3A_126 = arith.constant 0 : i32
      %add3A_127 = arith.addi %mul3A_125, %add3A_126 : i32
      %add3A_128 = arith.constant 1 : i32
      %add3A_129 = arith.addi %add3A_127, %add3A_128 : i32
      %lt3A_130 = arith.constant 32 : i32
      %lt3A_131 = arith.cmpi slt, %add3A_129, %lt3A_130 : i32
      %convert_element_type3A = arith.extui %lt3A_131 : i1 to i32
      %cond3A = arith.constant 0 : i32
      %cond3A_132 = arith.cmpi ne, %convert_element_type3A, %cond3A : i32
      scf.if %cond3A_132 {
        %add3A_489 = arith.constant 1 : i32
        %add3A_490 = arith.addi %add3A_127, %add3A_489 : i32
        %mul3A_491 = arith.constant 8 : i32
        %mul3A_492 = arith.muli %add3A_490, %mul3A_491 : i32
        %dma_start3A_493 = arith.constant 1 : i32
        %dma_start3A_494 = arith.constant 0 : i32
        %dma_start3A_495 = arith.constant 0 : i32
        %dma_start3A_496 = tpu.memref_slice %arg11[%dma_start3A_493, %dma_start3A_494, %dma_start3A_495] : memref<2x8x2048xf32, #tpu.memory_space<vmem>> -> memref<1x8x2048xf32, #tpu.memory_space<vmem>>
        %dma_start3A_497 = tpu.memref_squeeze %dma_start3A_496 : memref<1x8x2048xf32, #tpu.memory_space<vmem>> -> memref<8x2048xf32, #tpu.memory_space<vmem>>
        %dma_start3A_498 = tpu.memref_slice %arg9[%mul3A_492] : memref<256xi32, #tpu.memory_space<vmem>> -> memref<8xi32, #tpu.memory_space<vmem>>
        %dma_start3A_499 = arith.constant 0 : i32
        %dma_start3A_500 = arith.constant 0 : i32
        %dma_start3A_501 = tpu.memref_slice %arg3[%dma_start3A_499, %dma_start3A_500] : memref<16384x2048xf32, #tpu.memory_space<hbm>> -> memref<16384x2048xf32, #tpu.memory_space<hbm>>
        tpu.enqueue_indirect_dma source(%dma_start3A_501 : memref<16384x2048xf32, #tpu.memory_space<hbm>>) target(%dma_start3A_497 : memref<8x2048xf32, #tpu.memory_space<vmem>>) offsets(%dma_start3A_498 : memref<8xi32, #tpu.memory_space<vmem>>) semaphore(%arg16 : memref<!tpu.dma_semaphore, #tpu.memory_space<semaphore_mem>>)
        %dma_start3A_502 = arith.constant 1 : i32
        %dma_start3A_503 = arith.constant 0 : i32
        %dma_start3A_504 = arith.constant 0 : i32
        %dma_start3A_505 = tpu.memref_slice %arg12[%dma_start3A_502, %dma_start3A_503, %dma_start3A_504] : memref<2x8x512xf32, #tpu.memory_space<vmem>> -> memref<1x8x512xf32, #tpu.memory_space<vmem>>
        %dma_start3A_506 = tpu.memref_squeeze %dma_start3A_505 : memref<1x8x512xf32, #tpu.memory_space<vmem>> -> memref<8x512xf32, #tpu.memory_space<vmem>>
        %dma_start3A_507 = tpu.memref_slice %arg9[%mul3A_492] : memref<256xi32, #tpu.memory_space<vmem>> -> memref<8xi32, #tpu.memory_space<vmem>>
        %dma_start3A_508 = arith.constant 0 : i32
        %dma_start3A_509 = arith.constant 0 : i32
        %dma_start3A_510 = tpu.memref_slice %arg2[%dma_start3A_508, %dma_start3A_509] : memref<16384x512xf32, #tpu.memory_space<hbm>> -> memref<16384x512xf32, #tpu.memory_space<hbm>>
        tpu.enqueue_indirect_dma source(%dma_start3A_510 : memref<16384x512xf32, #tpu.memory_space<hbm>>) target(%dma_start3A_506 : memref<8x512xf32, #tpu.memory_space<vmem>>) offsets(%dma_start3A_507 : memref<8xi32, #tpu.memory_space<vmem>>) semaphore(%arg18 : memref<!tpu.dma_semaphore, #tpu.memory_space<semaphore_mem>>)
      } else {
      }
      %mul3A_133 = arith.constant 8 : i32
      %mul3A_134 = arith.muli %add3A_127, %mul3A_133 : i32
      %dma_wait3A_135 = arith.constant 0 : i32
      %dma_wait3A_136 = arith.constant 0 : i32
      %dma_wait3A_137 = arith.constant 0 : i32
      %dma_wait3A_138 = tpu.memref_slice %arg11[%dma_wait3A_135, %dma_wait3A_136, %dma_wait3A_137] : memref<2x8x2048xf32, #tpu.memory_space<vmem>> -> memref<1x8x2048xf32, #tpu.memory_space<vmem>>
      %dma_wait3A_139 = tpu.memref_squeeze %dma_wait3A_138 : memref<1x8x2048xf32, #tpu.memory_space<vmem>> -> memref<8x2048xf32, #tpu.memory_space<vmem>>
      %dma_wait3A_140 = tpu.memref_slice %arg9[%mul3A_134] : memref<256xi32, #tpu.memory_space<vmem>> -> memref<8xi32, #tpu.memory_space<vmem>>
      %dma_wait3A_141 = arith.constant 0 : i32
      %dma_wait3A_142 = arith.constant 0 : i32
      %dma_wait3A_143 = tpu.memref_slice %arg3[%dma_wait3A_141, %dma_wait3A_142] : memref<16384x2048xf32, #tpu.memory_space<hbm>> -> memref<16384x2048xf32, #tpu.memory_space<hbm>>
      tpu.wait_indirect_dma semaphore(%arg15 : memref<!tpu.dma_semaphore, #tpu.memory_space<semaphore_mem>>) src(%dma_wait3A_143 : memref<16384x2048xf32, #tpu.memory_space<hbm>>) dst(%dma_wait3A_139 : memref<8x2048xf32, #tpu.memory_space<vmem>>)
      %dma_wait3A_144 = arith.constant 0 : i32
      %dma_wait3A_145 = arith.constant 0 : i32
      %dma_wait3A_146 = arith.constant 0 : i32
      %dma_wait3A_147 = tpu.memref_slice %arg12[%dma_wait3A_144, %dma_wait3A_145, %dma_wait3A_146] : memref<2x8x512xf32, #tpu.memory_space<vmem>> -> memref<1x8x512xf32, #tpu.memory_space<vmem>>
      %dma_wait3A_148 = tpu.memref_squeeze %dma_wait3A_147 : memref<1x8x512xf32, #tpu.memory_space<vmem>> -> memref<8x512xf32, #tpu.memory_space<vmem>>
      %dma_wait3A_149 = tpu.memref_slice %arg9[%mul3A_134] : memref<256xi32, #tpu.memory_space<vmem>> -> memref<8xi32, #tpu.memory_space<vmem>>
      %dma_wait3A_150 = arith.constant 0 : i32
      %dma_wait3A_151 = arith.constant 0 : i32
      %dma_wait3A_152 = tpu.memref_slice %arg2[%dma_wait3A_150, %dma_wait3A_151] : memref<16384x512xf32, #tpu.memory_space<hbm>> -> memref<16384x512xf32, #tpu.memory_space<hbm>>
      tpu.wait_indirect_dma semaphore(%arg17 : memref<!tpu.dma_semaphore, #tpu.memory_space<semaphore_mem>>) src(%dma_wait3A_152 : memref<16384x512xf32, #tpu.memory_space<hbm>>) dst(%dma_wait3A_148 : memref<8x512xf32, #tpu.memory_space<vmem>>)
      %ge3A = arith.constant 2 : i32
      %ge3A_153 = arith.cmpi sge, %add3A_127, %ge3A : i32
      %convert_element_type3A_154 = arith.extui %ge3A_153 : i1 to i32
      %cond3A_155 = arith.constant 0 : i32
      %cond3A_156 = arith.cmpi ne, %convert_element_type3A_154, %cond3A_155 : i32
      scf.if %cond3A_156 {
        %sub3A_489 = arith.constant 2 : i32
        %sub3A_490 = arith.subi %add3A_127, %sub3A_489 : i32
        %mul3A_491 = arith.constant 8 : i32
        %mul3A_492 = arith.muli %sub3A_490, %mul3A_491 : i32
        %add3A_493 = arith.addi %add3A_35, %mul3A_492 : i32
        %dma_wait3A_494 = arith.constant 0 : i32
        %dma_wait3A_495 = arith.constant 0 : i32
        %dma_wait3A_496 = arith.constant 0 : i32
        %dma_wait3A_497 = tpu.memref_slice %arg13[%dma_wait3A_494, %dma_wait3A_495, %dma_wait3A_496] : memref<2x8x1024xf32, #tpu.memory_space<vmem>> -> memref<1x8x1024xf32, #tpu.memory_space<vmem>>
        %dma_wait3A_498 = tpu.memref_squeeze %dma_wait3A_497 : memref<1x8x1024xf32, #tpu.memory_space<vmem>> -> memref<8x1024xf32, #tpu.memory_space<vmem>>
        %dma_wait3A_499 = arith.constant 0 : i32
        %dma_wait3A_500 = tpu.memref_slice %arg7[%add3A_493, %dma_wait3A_499] : memref<8192x1024xf32, #tpu.memory_space<hbm>> -> memref<8x1024xf32, #tpu.memory_space<hbm>>
        %dma_wait3A_501 = arith.constant 0 : i32
        %dma_wait3A_502 = tpu.memref_slice %arg7[%add3A_493, %dma_wait3A_501] : memref<8192x1024xf32, #tpu.memory_space<hbm>> -> memref<8x1024xf32, #tpu.memory_space<hbm>>
        %dma_wait3A_503 = arith.constant 0 : i32
        %dma_wait3A_504 = arith.constant 0 : i32
        %dma_wait3A_505 = tpu.memref_slice %arg13[%dma_wait3A_494, %dma_wait3A_503, %dma_wait3A_504] : memref<2x8x1024xf32, #tpu.memory_space<vmem>> -> memref<1x8x1024xf32, #tpu.memory_space<vmem>>
        %dma_wait3A_506 = tpu.memref_squeeze %dma_wait3A_505 : memref<1x8x1024xf32, #tpu.memory_space<vmem>> -> memref<8x1024xf32, #tpu.memory_space<vmem>>
        tpu.wait_dma2 semaphore(%arg19 : memref<!tpu.dma_semaphore, #tpu.memory_space<semaphore_mem>>) src(%dma_wait3A_506 : memref<8x1024xf32, #tpu.memory_space<vmem>>) dst(%dma_wait3A_502 : memref<8x1024xf32, #tpu.memory_space<hbm>>)
        %dma_wait3A_507 = arith.constant 0 : i32
        %dma_wait3A_508 = arith.constant 0 : i32
        %dma_wait3A_509 = arith.constant 0 : i32
        %dma_wait3A_510 = tpu.memref_slice %arg14[%dma_wait3A_507, %dma_wait3A_508, %dma_wait3A_509] : memref<2x8x512xf32, #tpu.memory_space<vmem>> -> memref<1x8x512xf32, #tpu.memory_space<vmem>>
        %dma_wait3A_511 = tpu.memref_squeeze %dma_wait3A_510 : memref<1x8x512xf32, #tpu.memory_space<vmem>> -> memref<8x512xf32, #tpu.memory_space<vmem>>
        %dma_wait3A_512 = arith.constant 0 : i32
        %dma_wait3A_513 = tpu.memref_slice %arg6[%add3A_493, %dma_wait3A_512] : memref<8192x512xf32, #tpu.memory_space<hbm>> -> memref<8x512xf32, #tpu.memory_space<hbm>>
        %dma_wait3A_514 = arith.constant 0 : i32
        %dma_wait3A_515 = tpu.memref_slice %arg6[%add3A_493, %dma_wait3A_514] : memref<8192x512xf32, #tpu.memory_space<hbm>> -> memref<8x512xf32, #tpu.memory_space<hbm>>
        %dma_wait3A_516 = arith.constant 0 : i32
        %dma_wait3A_517 = arith.constant 0 : i32
        %dma_wait3A_518 = tpu.memref_slice %arg14[%dma_wait3A_507, %dma_wait3A_516, %dma_wait3A_517] : memref<2x8x512xf32, #tpu.memory_space<vmem>> -> memref<1x8x512xf32, #tpu.memory_space<vmem>>
        %dma_wait3A_519 = tpu.memref_squeeze %dma_wait3A_518 : memref<1x8x512xf32, #tpu.memory_space<vmem>> -> memref<8x512xf32, #tpu.memory_space<vmem>>
        tpu.wait_dma2 semaphore(%arg21 : memref<!tpu.dma_semaphore, #tpu.memory_space<semaphore_mem>>) src(%dma_wait3A_519 : memref<8x512xf32, #tpu.memory_space<vmem>>) dst(%dma_wait3A_515 : memref<8x512xf32, #tpu.memory_space<hbm>>)
      } else {
      }
      %broadcast_in_dim3A = arith.constant 0 : i32
      %broadcast_in_dim3A_157 = vector.broadcast %broadcast_in_dim3A : i32 to vector<16xi32>
      %broadcast_in_dim3A_158 = arith.constant 0 : i32
      %broadcast_in_dim3A_159 = vector.broadcast %broadcast_in_dim3A_158 : i32 to vector<16xi32>
      %broadcast_in_dim3A_160 = arith.constant 1 : i32
      %broadcast_in_dim3A_161 = vector.broadcast %broadcast_in_dim3A_160 : i32 to vector<16xi32>
      %broadcast_in_dim3A_162 = arith.constant 2 : i32
      %broadcast_in_dim3A_163 = vector.broadcast %broadcast_in_dim3A_162 : i32 to vector<16xi32>
      %broadcast_in_dim3A_164 = arith.constant 3 : i32
      %broadcast_in_dim3A_165 = vector.broadcast %broadcast_in_dim3A_164 : i32 to vector<16xi32>
      %broadcast_in_dim3A_166 = arith.constant 4 : i32
      %broadcast_in_dim3A_167 = vector.broadcast %broadcast_in_dim3A_166 : i32 to vector<16xi32>
      %broadcast_in_dim3A_168 = arith.constant 5 : i32
      %broadcast_in_dim3A_169 = vector.broadcast %broadcast_in_dim3A_168 : i32 to vector<16xi32>
      %broadcast_in_dim3A_170 = arith.constant 6 : i32
      %broadcast_in_dim3A_171 = vector.broadcast %broadcast_in_dim3A_170 : i32 to vector<16xi32>
      %broadcast_in_dim3A_172 = arith.constant 7 : i32
      %broadcast_in_dim3A_173 = vector.broadcast %broadcast_in_dim3A_172 : i32 to vector<16xi32>
      %scan3A_174 = arith.constant 0 : i32
      %scan3A_175 = arith.constant 0 : i32
      %scan3A_176 = arith.constant 16 : i32
      %scan3A_177 = arith.addi %scan3A_175, %scan3A_176 : i32
      %scan3A_178 = arith.constant 1 : i32
      scf.for %scan3A_489 = %scan3A_175 to %scan3A_177 step %scan3A_178  : i32 {
        %mul3A_490 = arith.constant 4 : i32
        %mul3A_491 = arith.muli %scan3A_489, %mul3A_490 : i32
        %add3A_492 = arith.constant 0 : i32
        %add3A_493 = arith.addi %mul3A_491, %add3A_492 : i32
        %mul3A_494 = arith.constant 16 : i32
        %mul3A_495 = arith.muli %add3A_493, %mul3A_494 : i32
        %get3A = arith.index_cast %mul3A_495 : i32 to index
        %get3A_496 = tpu.vector_load %arg8[%get3A] {strides = array<i32>} : memref<1024xi32, #tpu.memory_space<vmem>>, vector<16xi32>,
        %gather3A_497 = tpu.vector_load_idx %arg11[%broadcast_in_dim3A_157, %broadcast_in_dim3A_159, %get3A_496] : memref<2x8x2048xf32, #tpu.memory_space<vmem>>[vector<16xi32>, vector<16xi32>, vector<16xi32>], vector<16xf32>,
        %mul3A_498 = arith.constant 16 : i32
        %mul3A_499 = arith.muli %add3A_493, %mul3A_498 : i32
        %swap3A = arith.constant 0 : i32
        %swap3A_500 = arith.constant 0 : i32
        %swap3A_501 = arith.index_cast %swap3A : i32 to index
        %swap3A_502 = arith.index_cast %swap3A_500 : i32 to index
        %swap3A_503 = arith.index_cast %mul3A_499 : i32 to index
        %swap3A_504 = tpu.vector_load %arg13[%swap3A_501, %swap3A_502, %swap3A_503] {strides = array<i32>} : memref<2x8x1024xf32, #tpu.memory_space<vmem>>, vector<16xf32>,
        tpu.vector_store %arg13[%swap3A_501, %swap3A_502, %swap3A_503], %gather3A_497 {strides = array<i32>} : memref<2x8x1024xf32, #tpu.memory_space<vmem>>, vector<16xf32>,
        %gather3A_505 = tpu.vector_load_idx %arg11[%broadcast_in_dim3A_157, %broadcast_in_dim3A_161, %get3A_496] : memref<2x8x2048xf32, #tpu.memory_space<vmem>>[vector<16xi32>, vector<16xi32>, vector<16xi32>], vector<16xf32>,
        %mul3A_506 = arith.constant 16 : i32
        %mul3A_507 = arith.muli %add3A_493, %mul3A_506 : i32
        %swap3A_508 = arith.constant 0 : i32
        %swap3A_509 = arith.constant 1 : i32
        %swap3A_510 = arith.index_cast %swap3A_508 : i32 to index
        %swap3A_511 = arith.index_cast %swap3A_509 : i32 to index
        %swap3A_512 = arith.index_cast %mul3A_507 : i32 to index
        %swap3A_513 = tpu.vector_load %arg13[%swap3A_510, %swap3A_511, %swap3A_512] {strides = array<i32>} : memref<2x8x1024xf32, #tpu.memory_space<vmem>>, vector<16xf32>,
        tpu.vector_store %arg13[%swap3A_510, %swap3A_511, %swap3A_512], %gather3A_505 {strides = array<i32>} : memref<2x8x1024xf32, #tpu.memory_space<vmem>>, vector<16xf32>,
        %gather3A_514 = tpu.vector_load_idx %arg11[%broadcast_in_dim3A_157, %broadcast_in_dim3A_163, %get3A_496] : memref<2x8x2048xf32, #tpu.memory_space<vmem>>[vector<16xi32>, vector<16xi32>, vector<16xi32>], vector<16xf32>,
        %mul3A_515 = arith.constant 16 : i32
        %mul3A_516 = arith.muli %add3A_493, %mul3A_515 : i32
        %swap3A_517 = arith.constant 0 : i32
        %swap3A_518 = arith.constant 2 : i32
        %swap3A_519 = arith.index_cast %swap3A_517 : i32 to index
        %swap3A_520 = arith.index_cast %swap3A_518 : i32 to index
        %swap3A_521 = arith.index_cast %mul3A_516 : i32 to index
        %swap3A_522 = tpu.vector_load %arg13[%swap3A_519, %swap3A_520, %swap3A_521] {strides = array<i32>} : memref<2x8x1024xf32, #tpu.memory_space<vmem>>, vector<16xf32>,
        tpu.vector_store %arg13[%swap3A_519, %swap3A_520, %swap3A_521], %gather3A_514 {strides = array<i32>} : memref<2x8x1024xf32, #tpu.memory_space<vmem>>, vector<16xf32>,
        %gather3A_523 = tpu.vector_load_idx %arg11[%broadcast_in_dim3A_157, %broadcast_in_dim3A_165, %get3A_496] : memref<2x8x2048xf32, #tpu.memory_space<vmem>>[vector<16xi32>, vector<16xi32>, vector<16xi32>], vector<16xf32>,
        %mul3A_524 = arith.constant 16 : i32
        %mul3A_525 = arith.muli %add3A_493, %mul3A_524 : i32
        %swap3A_526 = arith.constant 0 : i32
        %swap3A_527 = arith.constant 3 : i32
        %swap3A_528 = arith.index_cast %swap3A_526 : i32 to index
        %swap3A_529 = arith.index_cast %swap3A_527 : i32 to index
        %swap3A_530 = arith.index_cast %mul3A_525 : i32 to index
        %swap3A_531 = tpu.vector_load %arg13[%swap3A_528, %swap3A_529, %swap3A_530] {strides = array<i32>} : memref<2x8x1024xf32, #tpu.memory_space<vmem>>, vector<16xf32>,
        tpu.vector_store %arg13[%swap3A_528, %swap3A_529, %swap3A_530], %gather3A_523 {strides = array<i32>} : memref<2x8x1024xf32, #tpu.memory_space<vmem>>, vector<16xf32>,
        %gather3A_532 = tpu.vector_load_idx %arg11[%broadcast_in_dim3A_157, %broadcast_in_dim3A_167, %get3A_496] : memref<2x8x2048xf32, #tpu.memory_space<vmem>>[vector<16xi32>, vector<16xi32>, vector<16xi32>], vector<16xf32>,
        %mul3A_533 = arith.constant 16 : i32
        %mul3A_534 = arith.muli %add3A_493, %mul3A_533 : i32
        %swap3A_535 = arith.constant 0 : i32
        %swap3A_536 = arith.constant 4 : i32
        %swap3A_537 = arith.index_cast %swap3A_535 : i32 to index
        %swap3A_538 = arith.index_cast %swap3A_536 : i32 to index
        %swap3A_539 = arith.index_cast %mul3A_534 : i32 to index
        %swap3A_540 = tpu.vector_load %arg13[%swap3A_537, %swap3A_538, %swap3A_539] {strides = array<i32>} : memref<2x8x1024xf32, #tpu.memory_space<vmem>>, vector<16xf32>,
        tpu.vector_store %arg13[%swap3A_537, %swap3A_538, %swap3A_539], %gather3A_532 {strides = array<i32>} : memref<2x8x1024xf32, #tpu.memory_space<vmem>>, vector<16xf32>,
        %gather3A_541 = tpu.vector_load_idx %arg11[%broadcast_in_dim3A_157, %broadcast_in_dim3A_169, %get3A_496] : memref<2x8x2048xf32, #tpu.memory_space<vmem>>[vector<16xi32>, vector<16xi32>, vector<16xi32>], vector<16xf32>,
        %mul3A_542 = arith.constant 16 : i32
        %mul3A_543 = arith.muli %add3A_493, %mul3A_542 : i32
        %swap3A_544 = arith.constant 0 : i32
        %swap3A_545 = arith.constant 5 : i32
        %swap3A_546 = arith.index_cast %swap3A_544 : i32 to index
        %swap3A_547 = arith.index_cast %swap3A_545 : i32 to index
        %swap3A_548 = arith.index_cast %mul3A_543 : i32 to index
        %swap3A_549 = tpu.vector_load %arg13[%swap3A_546, %swap3A_547, %swap3A_548] {strides = array<i32>} : memref<2x8x1024xf32, #tpu.memory_space<vmem>>, vector<16xf32>,
        tpu.vector_store %arg13[%swap3A_546, %swap3A_547, %swap3A_548], %gather3A_541 {strides = array<i32>} : memref<2x8x1024xf32, #tpu.memory_space<vmem>>, vector<16xf32>,
        %gather3A_550 = tpu.vector_load_idx %arg11[%broadcast_in_dim3A_157, %broadcast_in_dim3A_171, %get3A_496] : memref<2x8x2048xf32, #tpu.memory_space<vmem>>[vector<16xi32>, vector<16xi32>, vector<16xi32>], vector<16xf32>,
        %mul3A_551 = arith.constant 16 : i32
        %mul3A_552 = arith.muli %add3A_493, %mul3A_551 : i32
        %swap3A_553 = arith.constant 0 : i32
        %swap3A_554 = arith.constant 6 : i32
        %swap3A_555 = arith.index_cast %swap3A_553 : i32 to index
        %swap3A_556 = arith.index_cast %swap3A_554 : i32 to index
        %swap3A_557 = arith.index_cast %mul3A_552 : i32 to index
        %swap3A_558 = tpu.vector_load %arg13[%swap3A_555, %swap3A_556, %swap3A_557] {strides = array<i32>} : memref<2x8x1024xf32, #tpu.memory_space<vmem>>, vector<16xf32>,
        tpu.vector_store %arg13[%swap3A_555, %swap3A_556, %swap3A_557], %gather3A_550 {strides = array<i32>} : memref<2x8x1024xf32, #tpu.memory_space<vmem>>, vector<16xf32>,
        %gather3A_559 = tpu.vector_load_idx %arg11[%broadcast_in_dim3A_157, %broadcast_in_dim3A_173, %get3A_496] : memref<2x8x2048xf32, #tpu.memory_space<vmem>>[vector<16xi32>, vector<16xi32>, vector<16xi32>], vector<16xf32>,
        %mul3A_560 = arith.constant 16 : i32
        %mul3A_561 = arith.muli %add3A_493, %mul3A_560 : i32
        %swap3A_562 = arith.constant 0 : i32
        %swap3A_563 = arith.constant 7 : i32
        %swap3A_564 = arith.index_cast %swap3A_562 : i32 to index
        %swap3A_565 = arith.index_cast %swap3A_563 : i32 to index
        %swap3A_566 = arith.index_cast %mul3A_561 : i32 to index
        %swap3A_567 = tpu.vector_load %arg13[%swap3A_564, %swap3A_565, %swap3A_566] {strides = array<i32>} : memref<2x8x1024xf32, #tpu.memory_space<vmem>>, vector<16xf32>,
        tpu.vector_store %arg13[%swap3A_564, %swap3A_565, %swap3A_566], %gather3A_559 {strides = array<i32>} : memref<2x8x1024xf32, #tpu.memory_space<vmem>>, vector<16xf32>,
        %mul3A_568 = arith.constant 4 : i32
        %mul3A_569 = arith.muli %scan3A_489, %mul3A_568 : i32
        %add3A_570 = arith.constant 1 : i32
        %add3A_571 = arith.addi %mul3A_569, %add3A_570 : i32
        %mul3A_572 = arith.constant 16 : i32
        %mul3A_573 = arith.muli %add3A_571, %mul3A_572 : i32
        %get3A_574 = arith.index_cast %mul3A_573 : i32 to index
        %get3A_575 = tpu.vector_load %arg8[%get3A_574] {strides = array<i32>} : memref<1024xi32, #tpu.memory_space<vmem>>, vector<16xi32>,
        %gather3A_576 = tpu.vector_load_idx %arg11[%broadcast_in_dim3A_157, %broadcast_in_dim3A_159, %get3A_575] : memref<2x8x2048xf32, #tpu.memory_space<vmem>>[vector<16xi32>, vector<16xi32>, vector<16xi32>], vector<16xf32>,
        %mul3A_577 = arith.constant 16 : i32
        %mul3A_578 = arith.muli %add3A_571, %mul3A_577 : i32
        %swap3A_579 = arith.constant 0 : i32
        %swap3A_580 = arith.constant 0 : i32
        %swap3A_581 = arith.index_cast %swap3A_579 : i32 to index
        %swap3A_582 = arith.index_cast %swap3A_580 : i32 to index
        %swap3A_583 = arith.index_cast %mul3A_578 : i32 to index
        %swap3A_584 = tpu.vector_load %arg13[%swap3A_581, %swap3A_582, %swap3A_583] {strides = array<i32>} : memref<2x8x1024xf32, #tpu.memory_space<vmem>>, vector<16xf32>,
        tpu.vector_store %arg13[%swap3A_581, %swap3A_582, %swap3A_583], %gather3A_576 {strides = array<i32>} : memref<2x8x1024xf32, #tpu.memory_space<vmem>>, vector<16xf32>,
        %gather3A_585 = tpu.vector_load_idx %arg11[%broadcast_in_dim3A_157, %broadcast_in_dim3A_161, %get3A_575] : memref<2x8x2048xf32, #tpu.memory_space<vmem>>[vector<16xi32>, vector<16xi32>, vector<16xi32>], vector<16xf32>,
        %mul3A_586 = arith.constant 16 : i32
        %mul3A_587 = arith.muli %add3A_571, %mul3A_586 : i32
        %swap3A_588 = arith.constant 0 : i32
        %swap3A_589 = arith.constant 1 : i32
        %swap3A_590 = arith.index_cast %swap3A_588 : i32 to index
        %swap3A_591 = arith.index_cast %swap3A_589 : i32 to index
        %swap3A_592 = arith.index_cast %mul3A_587 : i32 to index
        %swap3A_593 = tpu.vector_load %arg13[%swap3A_590, %swap3A_591, %swap3A_592] {strides = array<i32>} : memref<2x8x1024xf32, #tpu.memory_space<vmem>>, vector<16xf32>,
        tpu.vector_store %arg13[%swap3A_590, %swap3A_591, %swap3A_592], %gather3A_585 {strides = array<i32>} : memref<2x8x1024xf32, #tpu.memory_space<vmem>>, vector<16xf32>,
        %gather3A_594 = tpu.vector_load_idx %arg11[%broadcast_in_dim3A_157, %broadcast_in_dim3A_163, %get3A_575] : memref<2x8x2048xf32, #tpu.memory_space<vmem>>[vector<16xi32>, vector<16xi32>, vector<16xi32>], vector<16xf32>,
        %mul3A_595 = arith.constant 16 : i32
        %mul3A_596 = arith.muli %add3A_571, %mul3A_595 : i32
        %swap3A_597 = arith.constant 0 : i32
        %swap3A_598 = arith.constant 2 : i32
        %swap3A_599 = arith.index_cast %swap3A_597 : i32 to index
        %swap3A_600 = arith.index_cast %swap3A_598 : i32 to index
        %swap3A_601 = arith.index_cast %mul3A_596 : i32 to index
        %swap3A_602 = tpu.vector_load %arg13[%swap3A_599, %swap3A_600, %swap3A_601] {strides = array<i32>} : memref<2x8x1024xf32, #tpu.memory_space<vmem>>, vector<16xf32>,
        tpu.vector_store %arg13[%swap3A_599, %swap3A_600, %swap3A_601], %gather3A_594 {strides = array<i32>} : memref<2x8x1024xf32, #tpu.memory_space<vmem>>, vector<16xf32>,
        %gather3A_603 = tpu.vector_load_idx %arg11[%broadcast_in_dim3A_157, %broadcast_in_dim3A_165, %get3A_575] : memref<2x8x2048xf32, #tpu.memory_space<vmem>>[vector<16xi32>, vector<16xi32>, vector<16xi32>], vector<16xf32>,
        %mul3A_604 = arith.constant 16 : i32
        %mul3A_605 = arith.muli %add3A_571, %mul3A_604 : i32
        %swap3A_606 = arith.constant 0 : i32
        %swap3A_607 = arith.constant 3 : i32
        %swap3A_608 = arith.index_cast %swap3A_606 : i32 to index
        %swap3A_609 = arith.index_cast %swap3A_607 : i32 to index
        %swap3A_610 = arith.index_cast %mul3A_605 : i32 to index
        %swap3A_611 = tpu.vector_load %arg13[%swap3A_608, %swap3A_609, %swap3A_610] {strides = array<i32>} : memref<2x8x1024xf32, #tpu.memory_space<vmem>>, vector<16xf32>,
        tpu.vector_store %arg13[%swap3A_608, %swap3A_609, %swap3A_610], %gather3A_603 {strides = array<i32>} : memref<2x8x1024xf32, #tpu.memory_space<vmem>>, vector<16xf32>,
        %gather3A_612 = tpu.vector_load_idx %arg11[%broadcast_in_dim3A_157, %broadcast_in_dim3A_167, %get3A_575] : memref<2x8x2048xf32, #tpu.memory_space<vmem>>[vector<16xi32>, vector<16xi32>, vector<16xi32>], vector<16xf32>,
        %mul3A_613 = arith.constant 16 : i32
        %mul3A_614 = arith.muli %add3A_571, %mul3A_613 : i32
        %swap3A_615 = arith.constant 0 : i32
        %swap3A_616 = arith.constant 4 : i32
        %swap3A_617 = arith.index_cast %swap3A_615 : i32 to index
        %swap3A_618 = arith.index_cast %swap3A_616 : i32 to index
        %swap3A_619 = arith.index_cast %mul3A_614 : i32 to index
        %swap3A_620 = tpu.vector_load %arg13[%swap3A_617, %swap3A_618, %swap3A_619] {strides = array<i32>} : memref<2x8x1024xf32, #tpu.memory_space<vmem>>, vector<16xf32>,
        tpu.vector_store %arg13[%swap3A_617, %swap3A_618, %swap3A_619], %gather3A_612 {strides = array<i32>} : memref<2x8x1024xf32, #tpu.memory_space<vmem>>, vector<16xf32>,
        %gather3A_621 = tpu.vector_load_idx %arg11[%broadcast_in_dim3A_157, %broadcast_in_dim3A_169, %get3A_575] : memref<2x8x2048xf32, #tpu.memory_space<vmem>>[vector<16xi32>, vector<16xi32>, vector<16xi32>], vector<16xf32>,
        %mul3A_622 = arith.constant 16 : i32
        %mul3A_623 = arith.muli %add3A_571, %mul3A_622 : i32
        %swap3A_624 = arith.constant 0 : i32
        %swap3A_625 = arith.constant 5 : i32
        %swap3A_626 = arith.index_cast %swap3A_624 : i32 to index
        %swap3A_627 = arith.index_cast %swap3A_625 : i32 to index
        %swap3A_628 = arith.index_cast %mul3A_623 : i32 to index
        %swap3A_629 = tpu.vector_load %arg13[%swap3A_626, %swap3A_627, %swap3A_628] {strides = array<i32>} : memref<2x8x1024xf32, #tpu.memory_space<vmem>>, vector<16xf32>,
        tpu.vector_store %arg13[%swap3A_626, %swap3A_627, %swap3A_628], %gather3A_621 {strides = array<i32>} : memref<2x8x1024xf32, #tpu.memory_space<vmem>>, vector<16xf32>,
        %gather3A_630 = tpu.vector_load_idx %arg11[%broadcast_in_dim3A_157, %broadcast_in_dim3A_171, %get3A_575] : memref<2x8x2048xf32, #tpu.memory_space<vmem>>[vector<16xi32>, vector<16xi32>, vector<16xi32>], vector<16xf32>,
        %mul3A_631 = arith.constant 16 : i32
        %mul3A_632 = arith.muli %add3A_571, %mul3A_631 : i32
        %swap3A_633 = arith.constant 0 : i32
        %swap3A_634 = arith.constant 6 : i32
        %swap3A_635 = arith.index_cast %swap3A_633 : i32 to index
        %swap3A_636 = arith.index_cast %swap3A_634 : i32 to index
        %swap3A_637 = arith.index_cast %mul3A_632 : i32 to index
        %swap3A_638 = tpu.vector_load %arg13[%swap3A_635, %swap3A_636, %swap3A_637] {strides = array<i32>} : memref<2x8x1024xf32, #tpu.memory_space<vmem>>, vector<16xf32>,
        tpu.vector_store %arg13[%swap3A_635, %swap3A_636, %swap3A_637], %gather3A_630 {strides = array<i32>} : memref<2x8x1024xf32, #tpu.memory_space<vmem>>, vector<16xf32>,
        %gather3A_639 = tpu.vector_load_idx %arg11[%broadcast_in_dim3A_157, %broadcast_in_dim3A_173, %get3A_575] : memref<2x8x2048xf32, #tpu.memory_space<vmem>>[vector<16xi32>, vector<16xi32>, vector<16xi32>], vector<16xf32>,
        %mul3A_640 = arith.constant 16 : i32
        %mul3A_641 = arith.muli %add3A_571, %mul3A_640 : i32
        %swap3A_642 = arith.constant 0 : i32
        %swap3A_643 = arith.constant 7 : i32
        %swap3A_644 = arith.index_cast %swap3A_642 : i32 to index
        %swap3A_645 = arith.index_cast %swap3A_643 : i32 to index
        %swap3A_646 = arith.index_cast %mul3A_641 : i32 to index
        %swap3A_647 = tpu.vector_load %arg13[%swap3A_644, %swap3A_645, %swap3A_646] {strides = array<i32>} : memref<2x8x1024xf32, #tpu.memory_space<vmem>>, vector<16xf32>,
        tpu.vector_store %arg13[%swap3A_644, %swap3A_645, %swap3A_646], %gather3A_639 {strides = array<i32>} : memref<2x8x1024xf32, #tpu.memory_space<vmem>>, vector<16xf32>,
        %mul3A_648 = arith.constant 4 : i32
        %mul3A_649 = arith.muli %scan3A_489, %mul3A_648 : i32
        %add3A_650 = arith.constant 2 : i32
        %add3A_651 = arith.addi %mul3A_649, %add3A_650 : i32
        %mul3A_652 = arith.constant 16 : i32
        %mul3A_653 = arith.muli %add3A_651, %mul3A_652 : i32
        %get3A_654 = arith.index_cast %mul3A_653 : i32 to index
        %get3A_655 = tpu.vector_load %arg8[%get3A_654] {strides = array<i32>} : memref<1024xi32, #tpu.memory_space<vmem>>, vector<16xi32>,
        %gather3A_656 = tpu.vector_load_idx %arg11[%broadcast_in_dim3A_157, %broadcast_in_dim3A_159, %get3A_655] : memref<2x8x2048xf32, #tpu.memory_space<vmem>>[vector<16xi32>, vector<16xi32>, vector<16xi32>], vector<16xf32>,
        %mul3A_657 = arith.constant 16 : i32
        %mul3A_658 = arith.muli %add3A_651, %mul3A_657 : i32
        %swap3A_659 = arith.constant 0 : i32
        %swap3A_660 = arith.constant 0 : i32
        %swap3A_661 = arith.index_cast %swap3A_659 : i32 to index
        %swap3A_662 = arith.index_cast %swap3A_660 : i32 to index
        %swap3A_663 = arith.index_cast %mul3A_658 : i32 to index
        %swap3A_664 = tpu.vector_load %arg13[%swap3A_661, %swap3A_662, %swap3A_663] {strides = array<i32>} : memref<2x8x1024xf32, #tpu.memory_space<vmem>>, vector<16xf32>,
        tpu.vector_store %arg13[%swap3A_661, %swap3A_662, %swap3A_663], %gather3A_656 {strides = array<i32>} : memref<2x8x1024xf32, #tpu.memory_space<vmem>>, vector<16xf32>,
        %gather3A_665 = tpu.vector_load_idx %arg11[%broadcast_in_dim3A_157, %broadcast_in_dim3A_161, %get3A_655] : memref<2x8x2048xf32, #tpu.memory_space<vmem>>[vector<16xi32>, vector<16xi32>, vector<16xi32>], vector<16xf32>,
        %mul3A_666 = arith.constant 16 : i32
        %mul3A_667 = arith.muli %add3A_651, %mul3A_666 : i32
        %swap3A_668 = arith.constant 0 : i32
        %swap3A_669 = arith.constant 1 : i32
        %swap3A_670 = arith.index_cast %swap3A_668 : i32 to index
        %swap3A_671 = arith.index_cast %swap3A_669 : i32 to index
        %swap3A_672 = arith.index_cast %mul3A_667 : i32 to index
        %swap3A_673 = tpu.vector_load %arg13[%swap3A_670, %swap3A_671, %swap3A_672] {strides = array<i32>} : memref<2x8x1024xf32, #tpu.memory_space<vmem>>, vector<16xf32>,
        tpu.vector_store %arg13[%swap3A_670, %swap3A_671, %swap3A_672], %gather3A_665 {strides = array<i32>} : memref<2x8x1024xf32, #tpu.memory_space<vmem>>, vector<16xf32>,
        %gather3A_674 = tpu.vector_load_idx %arg11[%broadcast_in_dim3A_157, %broadcast_in_dim3A_163, %get3A_655] : memref<2x8x2048xf32, #tpu.memory_space<vmem>>[vector<16xi32>, vector<16xi32>, vector<16xi32>], vector<16xf32>,
        %mul3A_675 = arith.constant 16 : i32
        %mul3A_676 = arith.muli %add3A_651, %mul3A_675 : i32
        %swap3A_677 = arith.constant 0 : i32
        %swap3A_678 = arith.constant 2 : i32
        %swap3A_679 = arith.index_cast %swap3A_677 : i32 to index
        %swap3A_680 = arith.index_cast %swap3A_678 : i32 to index
        %swap3A_681 = arith.index_cast %mul3A_676 : i32 to index
        %swap3A_682 = tpu.vector_load %arg13[%swap3A_679, %swap3A_680, %swap3A_681] {strides = array<i32>} : memref<2x8x1024xf32, #tpu.memory_space<vmem>>, vector<16xf32>,
        tpu.vector_store %arg13[%swap3A_679, %swap3A_680, %swap3A_681], %gather3A_674 {strides = array<i32>} : memref<2x8x1024xf32, #tpu.memory_space<vmem>>, vector<16xf32>,
        %gather3A_683 = tpu.vector_load_idx %arg11[%broadcast_in_dim3A_157, %broadcast_in_dim3A_165, %get3A_655] : memref<2x8x2048xf32, #tpu.memory_space<vmem>>[vector<16xi32>, vector<16xi32>, vector<16xi32>], vector<16xf32>,
        %mul3A_684 = arith.constant 16 : i32
        %mul3A_685 = arith.muli %add3A_651, %mul3A_684 : i32
        %swap3A_686 = arith.constant 0 : i32
        %swap3A_687 = arith.constant 3 : i32
        %swap3A_688 = arith.index_cast %swap3A_686 : i32 to index
        %swap3A_689 = arith.index_cast %swap3A_687 : i32 to index
        %swap3A_690 = arith.index_cast %mul3A_685 : i32 to index
        %swap3A_691 = tpu.vector_load %arg13[%swap3A_688, %swap3A_689, %swap3A_690] {strides = array<i32>} : memref<2x8x1024xf32, #tpu.memory_space<vmem>>, vector<16xf32>,
        tpu.vector_store %arg13[%swap3A_688, %swap3A_689, %swap3A_690], %gather3A_683 {strides = array<i32>} : memref<2x8x1024xf32, #tpu.memory_space<vmem>>, vector<16xf32>,
        %gather3A_692 = tpu.vector_load_idx %arg11[%broadcast_in_dim3A_157, %broadcast_in_dim3A_167, %get3A_655] : memref<2x8x2048xf32, #tpu.memory_space<vmem>>[vector<16xi32>, vector<16xi32>, vector<16xi32>], vector<16xf32>,
        %mul3A_693 = arith.constant 16 : i32
        %mul3A_694 = arith.muli %add3A_651, %mul3A_693 : i32
        %swap3A_695 = arith.constant 0 : i32
        %swap3A_696 = arith.constant 4 : i32
        %swap3A_697 = arith.index_cast %swap3A_695 : i32 to index
        %swap3A_698 = arith.index_cast %swap3A_696 : i32 to index
        %swap3A_699 = arith.index_cast %mul3A_694 : i32 to index
        %swap3A_700 = tpu.vector_load %arg13[%swap3A_697, %swap3A_698, %swap3A_699] {strides = array<i32>} : memref<2x8x1024xf32, #tpu.memory_space<vmem>>, vector<16xf32>,
        tpu.vector_store %arg13[%swap3A_697, %swap3A_698, %swap3A_699], %gather3A_692 {strides = array<i32>} : memref<2x8x1024xf32, #tpu.memory_space<vmem>>, vector<16xf32>,
        %gather3A_701 = tpu.vector_load_idx %arg11[%broadcast_in_dim3A_157, %broadcast_in_dim3A_169, %get3A_655] : memref<2x8x2048xf32, #tpu.memory_space<vmem>>[vector<16xi32>, vector<16xi32>, vector<16xi32>], vector<16xf32>,
        %mul3A_702 = arith.constant 16 : i32
        %mul3A_703 = arith.muli %add3A_651, %mul3A_702 : i32
        %swap3A_704 = arith.constant 0 : i32
        %swap3A_705 = arith.constant 5 : i32
        %swap3A_706 = arith.index_cast %swap3A_704 : i32 to index
        %swap3A_707 = arith.index_cast %swap3A_705 : i32 to index
        %swap3A_708 = arith.index_cast %mul3A_703 : i32 to index
        %swap3A_709 = tpu.vector_load %arg13[%swap3A_706, %swap3A_707, %swap3A_708] {strides = array<i32>} : memref<2x8x1024xf32, #tpu.memory_space<vmem>>, vector<16xf32>,
        tpu.vector_store %arg13[%swap3A_706, %swap3A_707, %swap3A_708], %gather3A_701 {strides = array<i32>} : memref<2x8x1024xf32, #tpu.memory_space<vmem>>, vector<16xf32>,
        %gather3A_710 = tpu.vector_load_idx %arg11[%broadcast_in_dim3A_157, %broadcast_in_dim3A_171, %get3A_655] : memref<2x8x2048xf32, #tpu.memory_space<vmem>>[vector<16xi32>, vector<16xi32>, vector<16xi32>], vector<16xf32>,
        %mul3A_711 = arith.constant 16 : i32
        %mul3A_712 = arith.muli %add3A_651, %mul3A_711 : i32
        %swap3A_713 = arith.constant 0 : i32
        %swap3A_714 = arith.constant 6 : i32
        %swap3A_715 = arith.index_cast %swap3A_713 : i32 to index
        %swap3A_716 = arith.index_cast %swap3A_714 : i32 to index
        %swap3A_717 = arith.index_cast %mul3A_712 : i32 to index
        %swap3A_718 = tpu.vector_load %arg13[%swap3A_715, %swap3A_716, %swap3A_717] {strides = array<i32>} : memref<2x8x1024xf32, #tpu.memory_space<vmem>>, vector<16xf32>,
        tpu.vector_store %arg13[%swap3A_715, %swap3A_716, %swap3A_717], %gather3A_710 {strides = array<i32>} : memref<2x8x1024xf32, #tpu.memory_space<vmem>>, vector<16xf32>,
        %gather3A_719 = tpu.vector_load_idx %arg11[%broadcast_in_dim3A_157, %broadcast_in_dim3A_173, %get3A_655] : memref<2x8x2048xf32, #tpu.memory_space<vmem>>[vector<16xi32>, vector<16xi32>, vector<16xi32>], vector<16xf32>,
        %mul3A_720 = arith.constant 16 : i32
        %mul3A_721 = arith.muli %add3A_651, %mul3A_720 : i32
        %swap3A_722 = arith.constant 0 : i32
        %swap3A_723 = arith.constant 7 : i32
        %swap3A_724 = arith.index_cast %swap3A_722 : i32 to index
        %swap3A_725 = arith.index_cast %swap3A_723 : i32 to index
        %swap3A_726 = arith.index_cast %mul3A_721 : i32 to index
        %swap3A_727 = tpu.vector_load %arg13[%swap3A_724, %swap3A_725, %swap3A_726] {strides = array<i32>} : memref<2x8x1024xf32, #tpu.memory_space<vmem>>, vector<16xf32>,
        tpu.vector_store %arg13[%swap3A_724, %swap3A_725, %swap3A_726], %gather3A_719 {strides = array<i32>} : memref<2x8x1024xf32, #tpu.memory_space<vmem>>, vector<16xf32>,
        %mul3A_728 = arith.constant 4 : i32
        %mul3A_729 = arith.muli %scan3A_489, %mul3A_728 : i32
        %add3A_730 = arith.constant 3 : i32
        %add3A_731 = arith.addi %mul3A_729, %add3A_730 : i32
        %mul3A_732 = arith.constant 16 : i32
        %mul3A_733 = arith.muli %add3A_731, %mul3A_732 : i32
        %get3A_734 = arith.index_cast %mul3A_733 : i32 to index
        %get3A_735 = tpu.vector_load %arg8[%get3A_734] {strides = array<i32>} : memref<1024xi32, #tpu.memory_space<vmem>>, vector<16xi32>,
        %gather3A_736 = tpu.vector_load_idx %arg11[%broadcast_in_dim3A_157, %broadcast_in_dim3A_159, %get3A_735] : memref<2x8x2048xf32, #tpu.memory_space<vmem>>[vector<16xi32>, vector<16xi32>, vector<16xi32>], vector<16xf32>,
        %mul3A_737 = arith.constant 16 : i32
        %mul3A_738 = arith.muli %add3A_731, %mul3A_737 : i32
        %swap3A_739 = arith.constant 0 : i32
        %swap3A_740 = arith.constant 0 : i32
        %swap3A_741 = arith.index_cast %swap3A_739 : i32 to index
        %swap3A_742 = arith.index_cast %swap3A_740 : i32 to index
        %swap3A_743 = arith.index_cast %mul3A_738 : i32 to index
        %swap3A_744 = tpu.vector_load %arg13[%swap3A_741, %swap3A_742, %swap3A_743] {strides = array<i32>} : memref<2x8x1024xf32, #tpu.memory_space<vmem>>, vector<16xf32>,
        tpu.vector_store %arg13[%swap3A_741, %swap3A_742, %swap3A_743], %gather3A_736 {strides = array<i32>} : memref<2x8x1024xf32, #tpu.memory_space<vmem>>, vector<16xf32>,
        %gather3A_745 = tpu.vector_load_idx %arg11[%broadcast_in_dim3A_157, %broadcast_in_dim3A_161, %get3A_735] : memref<2x8x2048xf32, #tpu.memory_space<vmem>>[vector<16xi32>, vector<16xi32>, vector<16xi32>], vector<16xf32>,
        %mul3A_746 = arith.constant 16 : i32
        %mul3A_747 = arith.muli %add3A_731, %mul3A_746 : i32
        %swap3A_748 = arith.constant 0 : i32
        %swap3A_749 = arith.constant 1 : i32
        %swap3A_750 = arith.index_cast %swap3A_748 : i32 to index
        %swap3A_751 = arith.index_cast %swap3A_749 : i32 to index
        %swap3A_752 = arith.index_cast %mul3A_747 : i32 to index
        %swap3A_753 = tpu.vector_load %arg13[%swap3A_750, %swap3A_751, %swap3A_752] {strides = array<i32>} : memref<2x8x1024xf32, #tpu.memory_space<vmem>>, vector<16xf32>,
        tpu.vector_store %arg13[%swap3A_750, %swap3A_751, %swap3A_752], %gather3A_745 {strides = array<i32>} : memref<2x8x1024xf32, #tpu.memory_space<vmem>>, vector<16xf32>,
        %gather3A_754 = tpu.vector_load_idx %arg11[%broadcast_in_dim3A_157, %broadcast_in_dim3A_163, %get3A_735] : memref<2x8x2048xf32, #tpu.memory_space<vmem>>[vector<16xi32>, vector<16xi32>, vector<16xi32>], vector<16xf32>,
        %mul3A_755 = arith.constant 16 : i32
        %mul3A_756 = arith.muli %add3A_731, %mul3A_755 : i32
        %swap3A_757 = arith.constant 0 : i32
        %swap3A_758 = arith.constant 2 : i32
        %swap3A_759 = arith.index_cast %swap3A_757 : i32 to index
        %swap3A_760 = arith.index_cast %swap3A_758 : i32 to index
        %swap3A_761 = arith.index_cast %mul3A_756 : i32 to index
        %swap3A_762 = tpu.vector_load %arg13[%swap3A_759, %swap3A_760, %swap3A_761] {strides = array<i32>} : memref<2x8x1024xf32, #tpu.memory_space<vmem>>, vector<16xf32>,
        tpu.vector_store %arg13[%swap3A_759, %swap3A_760, %swap3A_761], %gather3A_754 {strides = array<i32>} : memref<2x8x1024xf32, #tpu.memory_space<vmem>>, vector<16xf32>,
        %gather3A_763 = tpu.vector_load_idx %arg11[%broadcast_in_dim3A_157, %broadcast_in_dim3A_165, %get3A_735] : memref<2x8x2048xf32, #tpu.memory_space<vmem>>[vector<16xi32>, vector<16xi32>, vector<16xi32>], vector<16xf32>,
        %mul3A_764 = arith.constant 16 : i32
        %mul3A_765 = arith.muli %add3A_731, %mul3A_764 : i32
        %swap3A_766 = arith.constant 0 : i32
        %swap3A_767 = arith.constant 3 : i32
        %swap3A_768 = arith.index_cast %swap3A_766 : i32 to index
        %swap3A_769 = arith.index_cast %swap3A_767 : i32 to index
        %swap3A_770 = arith.index_cast %mul3A_765 : i32 to index
        %swap3A_771 = tpu.vector_load %arg13[%swap3A_768, %swap3A_769, %swap3A_770] {strides = array<i32>} : memref<2x8x1024xf32, #tpu.memory_space<vmem>>, vector<16xf32>,
        tpu.vector_store %arg13[%swap3A_768, %swap3A_769, %swap3A_770], %gather3A_763 {strides = array<i32>} : memref<2x8x1024xf32, #tpu.memory_space<vmem>>, vector<16xf32>,
        %gather3A_772 = tpu.vector_load_idx %arg11[%broadcast_in_dim3A_157, %broadcast_in_dim3A_167, %get3A_735] : memref<2x8x2048xf32, #tpu.memory_space<vmem>>[vector<16xi32>, vector<16xi32>, vector<16xi32>], vector<16xf32>,
        %mul3A_773 = arith.constant 16 : i32
        %mul3A_774 = arith.muli %add3A_731, %mul3A_773 : i32
        %swap3A_775 = arith.constant 0 : i32
        %swap3A_776 = arith.constant 4 : i32
        %swap3A_777 = arith.index_cast %swap3A_775 : i32 to index
        %swap3A_778 = arith.index_cast %swap3A_776 : i32 to index
        %swap3A_779 = arith.index_cast %mul3A_774 : i32 to index
        %swap3A_780 = tpu.vector_load %arg13[%swap3A_777, %swap3A_778, %swap3A_779] {strides = array<i32>} : memref<2x8x1024xf32, #tpu.memory_space<vmem>>, vector<16xf32>,
        tpu.vector_store %arg13[%swap3A_777, %swap3A_778, %swap3A_779], %gather3A_772 {strides = array<i32>} : memref<2x8x1024xf32, #tpu.memory_space<vmem>>, vector<16xf32>,
        %gather3A_781 = tpu.vector_load_idx %arg11[%broadcast_in_dim3A_157, %broadcast_in_dim3A_169, %get3A_735] : memref<2x8x2048xf32, #tpu.memory_space<vmem>>[vector<16xi32>, vector<16xi32>, vector<16xi32>], vector<16xf32>,
        %mul3A_782 = arith.constant 16 : i32
        %mul3A_783 = arith.muli %add3A_731, %mul3A_782 : i32
        %swap3A_784 = arith.constant 0 : i32
        %swap3A_785 = arith.constant 5 : i32
        %swap3A_786 = arith.index_cast %swap3A_784 : i32 to index
        %swap3A_787 = arith.index_cast %swap3A_785 : i32 to index
        %swap3A_788 = arith.index_cast %mul3A_783 : i32 to index
        %swap3A_789 = tpu.vector_load %arg13[%swap3A_786, %swap3A_787, %swap3A_788] {strides = array<i32>} : memref<2x8x1024xf32, #tpu.memory_space<vmem>>, vector<16xf32>,
        tpu.vector_store %arg13[%swap3A_786, %swap3A_787, %swap3A_788], %gather3A_781 {strides = array<i32>} : memref<2x8x1024xf32, #tpu.memory_space<vmem>>, vector<16xf32>,
        %gather3A_790 = tpu.vector_load_idx %arg11[%broadcast_in_dim3A_157, %broadcast_in_dim3A_171, %get3A_735] : memref<2x8x2048xf32, #tpu.memory_space<vmem>>[vector<16xi32>, vector<16xi32>, vector<16xi32>], vector<16xf32>,
        %mul3A_791 = arith.constant 16 : i32
        %mul3A_792 = arith.muli %add3A_731, %mul3A_791 : i32
        %swap3A_793 = arith.constant 0 : i32
        %swap3A_794 = arith.constant 6 : i32
        %swap3A_795 = arith.index_cast %swap3A_793 : i32 to index
        %swap3A_796 = arith.index_cast %swap3A_794 : i32 to index
        %swap3A_797 = arith.index_cast %mul3A_792 : i32 to index
        %swap3A_798 = tpu.vector_load %arg13[%swap3A_795, %swap3A_796, %swap3A_797] {strides = array<i32>} : memref<2x8x1024xf32, #tpu.memory_space<vmem>>, vector<16xf32>,
        tpu.vector_store %arg13[%swap3A_795, %swap3A_796, %swap3A_797], %gather3A_790 {strides = array<i32>} : memref<2x8x1024xf32, #tpu.memory_space<vmem>>, vector<16xf32>,
        %gather3A_799 = tpu.vector_load_idx %arg11[%broadcast_in_dim3A_157, %broadcast_in_dim3A_173, %get3A_735] : memref<2x8x2048xf32, #tpu.memory_space<vmem>>[vector<16xi32>, vector<16xi32>, vector<16xi32>], vector<16xf32>,
        %mul3A_800 = arith.constant 16 : i32
        %mul3A_801 = arith.muli %add3A_731, %mul3A_800 : i32
        %swap3A_802 = arith.constant 0 : i32
        %swap3A_803 = arith.constant 7 : i32
        %swap3A_804 = arith.index_cast %swap3A_802 : i32 to index
        %swap3A_805 = arith.index_cast %swap3A_803 : i32 to index
        %swap3A_806 = arith.index_cast %mul3A_801 : i32 to index
        %swap3A_807 = tpu.vector_load %arg13[%swap3A_804, %swap3A_805, %swap3A_806] {strides = array<i32>} : memref<2x8x1024xf32, #tpu.memory_space<vmem>>, vector<16xf32>,
        tpu.vector_store %arg13[%swap3A_804, %swap3A_805, %swap3A_806], %gather3A_799 {strides = array<i32>} : memref<2x8x1024xf32, #tpu.memory_space<vmem>>, vector<16xf32>,
      }
      %scan3A_179 = arith.constant 16 : i32
      %mul3A_180 = arith.constant 8 : i32
      %mul3A_181 = arith.muli %add3A_127, %mul3A_180 : i32
      %add3A_182 = arith.constant 0 : i32
      %add3A_183 = arith.addi %mul3A_181, %add3A_182 : i32
      %broadcast_in_dim3A_184 = vector.broadcast %add3A_183 : i32 to vector<16xi32>
      %gather3A = tpu.vector_load_idx %arg10[%broadcast_in_dim3A_184] : memref<256xf32, #tpu.memory_space<vmem>>[vector<16xi32>], vector<16xf32>,
      %scan3A_185 = arith.constant 0 : i32
      %scan3A_186 = arith.constant 0 : i32
      %scan3A_187 = arith.constant 4 : i32
      %scan3A_188 = arith.addi %scan3A_186, %scan3A_187 : i32
      %scan3A_189 = arith.constant 1 : i32
      scf.for %scan3A_489 = %scan3A_186 to %scan3A_188 step %scan3A_189  : i32 {
        %mul3A_490 = arith.constant 8 : i32
        %mul3A_491 = arith.muli %scan3A_489, %mul3A_490 : i32
        %add3A_492 = arith.constant 0 : i32
        %add3A_493 = arith.addi %mul3A_491, %add3A_492 : i32
        %mul3A_494 = arith.constant 16 : i32
        %mul3A_495 = arith.muli %add3A_493, %mul3A_494 : i32
        %get3A = arith.constant 0 : i32
        %get3A_496 = arith.constant 0 : i32
        %get3A_497 = arith.index_cast %get3A : i32 to index
        %get3A_498 = arith.index_cast %get3A_496 : i32 to index
        %get3A_499 = arith.index_cast %mul3A_495 : i32 to index
        %get3A_500 = tpu.vector_load %arg12[%get3A_497, %get3A_498, %get3A_499] {strides = array<i32>} : memref<2x8x512xf32, #tpu.memory_space<vmem>>, vector<16xf32>,
        %mul3A_501 = arith.mulf %get3A_500, %gather3A : vector<16xf32>
        %mul3A_502 = arith.constant 16 : i32
        %mul3A_503 = arith.muli %add3A_493, %mul3A_502 : i32
        %swap3A = arith.constant 0 : i32
        %swap3A_504 = arith.constant 0 : i32
        %swap3A_505 = arith.index_cast %swap3A : i32 to index
        %swap3A_506 = arith.index_cast %swap3A_504 : i32 to index
        %swap3A_507 = arith.index_cast %mul3A_503 : i32 to index
        %swap3A_508 = tpu.vector_load %arg14[%swap3A_505, %swap3A_506, %swap3A_507] {strides = array<i32>} : memref<2x8x512xf32, #tpu.memory_space<vmem>>, vector<16xf32>,
        tpu.vector_store %arg14[%swap3A_505, %swap3A_506, %swap3A_507], %mul3A_501 {strides = array<i32>} : memref<2x8x512xf32, #tpu.memory_space<vmem>>, vector<16xf32>,
        %mul3A_509 = arith.constant 8 : i32
        %mul3A_510 = arith.muli %scan3A_489, %mul3A_509 : i32
        %add3A_511 = arith.constant 1 : i32
        %add3A_512 = arith.addi %mul3A_510, %add3A_511 : i32
        %mul3A_513 = arith.constant 16 : i32
        %mul3A_514 = arith.muli %add3A_512, %mul3A_513 : i32
        %get3A_515 = arith.constant 0 : i32
        %get3A_516 = arith.constant 0 : i32
        %get3A_517 = arith.index_cast %get3A_515 : i32 to index
        %get3A_518 = arith.index_cast %get3A_516 : i32 to index
        %get3A_519 = arith.index_cast %mul3A_514 : i32 to index
        %get3A_520 = tpu.vector_load %arg12[%get3A_517, %get3A_518, %get3A_519] {strides = array<i32>} : memref<2x8x512xf32, #tpu.memory_space<vmem>>, vector<16xf32>,
        %mul3A_521 = arith.mulf %get3A_520, %gather3A : vector<16xf32>
        %mul3A_522 = arith.constant 16 : i32
        %mul3A_523 = arith.muli %add3A_512, %mul3A_522 : i32
        %swap3A_524 = arith.constant 0 : i32
        %swap3A_525 = arith.constant 0 : i32
        %swap3A_526 = arith.index_cast %swap3A_524 : i32 to index
        %swap3A_527 = arith.index_cast %swap3A_525 : i32 to index
        %swap3A_528 = arith.index_cast %mul3A_523 : i32 to index
        %swap3A_529 = tpu.vector_load %arg14[%swap3A_526, %swap3A_527, %swap3A_528] {strides = array<i32>} : memref<2x8x512xf32, #tpu.memory_space<vmem>>, vector<16xf32>,
        tpu.vector_store %arg14[%swap3A_526, %swap3A_527, %swap3A_528], %mul3A_521 {strides = array<i32>} : memref<2x8x512xf32, #tpu.memory_space<vmem>>, vector<16xf32>,
        %mul3A_530 = arith.constant 8 : i32
        %mul3A_531 = arith.muli %scan3A_489, %mul3A_530 : i32
        %add3A_532 = arith.constant 2 : i32
        %add3A_533 = arith.addi %mul3A_531, %add3A_532 : i32
        %mul3A_534 = arith.constant 16 : i32
        %mul3A_535 = arith.muli %add3A_533, %mul3A_534 : i32
        %get3A_536 = arith.constant 0 : i32
        %get3A_537 = arith.constant 0 : i32
        %get3A_538 = arith.index_cast %get3A_536 : i32 to index
        %get3A_539 = arith.index_cast %get3A_537 : i32 to index
        %get3A_540 = arith.index_cast %mul3A_535 : i32 to index
        %get3A_541 = tpu.vector_load %arg12[%get3A_538, %get3A_539, %get3A_540] {strides = array<i32>} : memref<2x8x512xf32, #tpu.memory_space<vmem>>, vector<16xf32>,
        %mul3A_542 = arith.mulf %get3A_541, %gather3A : vector<16xf32>
        %mul3A_543 = arith.constant 16 : i32
        %mul3A_544 = arith.muli %add3A_533, %mul3A_543 : i32
        %swap3A_545 = arith.constant 0 : i32
        %swap3A_546 = arith.constant 0 : i32
        %swap3A_547 = arith.index_cast %swap3A_545 : i32 to index
        %swap3A_548 = arith.index_cast %swap3A_546 : i32 to index
        %swap3A_549 = arith.index_cast %mul3A_544 : i32 to index
        %swap3A_550 = tpu.vector_load %arg14[%swap3A_547, %swap3A_548, %swap3A_549] {strides = array<i32>} : memref<2x8x512xf32, #tpu.memory_space<vmem>>, vector<16xf32>,
        tpu.vector_store %arg14[%swap3A_547, %swap3A_548, %swap3A_549], %mul3A_542 {strides = array<i32>} : memref<2x8x512xf32, #tpu.memory_space<vmem>>, vector<16xf32>,
        %mul3A_551 = arith.constant 8 : i32
        %mul3A_552 = arith.muli %scan3A_489, %mul3A_551 : i32
        %add3A_553 = arith.constant 3 : i32
        %add3A_554 = arith.addi %mul3A_552, %add3A_553 : i32
        %mul3A_555 = arith.constant 16 : i32
        %mul3A_556 = arith.muli %add3A_554, %mul3A_555 : i32
        %get3A_557 = arith.constant 0 : i32
        %get3A_558 = arith.constant 0 : i32
        %get3A_559 = arith.index_cast %get3A_557 : i32 to index
        %get3A_560 = arith.index_cast %get3A_558 : i32 to index
        %get3A_561 = arith.index_cast %mul3A_556 : i32 to index
        %get3A_562 = tpu.vector_load %arg12[%get3A_559, %get3A_560, %get3A_561] {strides = array<i32>} : memref<2x8x512xf32, #tpu.memory_space<vmem>>, vector<16xf32>,
        %mul3A_563 = arith.mulf %get3A_562, %gather3A : vector<16xf32>
        %mul3A_564 = arith.constant 16 : i32
        %mul3A_565 = arith.muli %add3A_554, %mul3A_564 : i32
        %swap3A_566 = arith.constant 0 : i32
        %swap3A_567 = arith.constant 0 : i32
        %swap3A_568 = arith.index_cast %swap3A_566 : i32 to index
        %swap3A_569 = arith.index_cast %swap3A_567 : i32 to index
        %swap3A_570 = arith.index_cast %mul3A_565 : i32 to index
        %swap3A_571 = tpu.vector_load %arg14[%swap3A_568, %swap3A_569, %swap3A_570] {strides = array<i32>} : memref<2x8x512xf32, #tpu.memory_space<vmem>>, vector<16xf32>,
        tpu.vector_store %arg14[%swap3A_568, %swap3A_569, %swap3A_570], %mul3A_563 {strides = array<i32>} : memref<2x8x512xf32, #tpu.memory_space<vmem>>, vector<16xf32>,
        %mul3A_572 = arith.constant 8 : i32
        %mul3A_573 = arith.muli %scan3A_489, %mul3A_572 : i32
        %add3A_574 = arith.constant 4 : i32
        %add3A_575 = arith.addi %mul3A_573, %add3A_574 : i32
        %mul3A_576 = arith.constant 16 : i32
        %mul3A_577 = arith.muli %add3A_575, %mul3A_576 : i32
        %get3A_578 = arith.constant 0 : i32
        %get3A_579 = arith.constant 0 : i32
        %get3A_580 = arith.index_cast %get3A_578 : i32 to index
        %get3A_581 = arith.index_cast %get3A_579 : i32 to index
        %get3A_582 = arith.index_cast %mul3A_577 : i32 to index
        %get3A_583 = tpu.vector_load %arg12[%get3A_580, %get3A_581, %get3A_582] {strides = array<i32>} : memref<2x8x512xf32, #tpu.memory_space<vmem>>, vector<16xf32>,
        %mul3A_584 = arith.mulf %get3A_583, %gather3A : vector<16xf32>
        %mul3A_585 = arith.constant 16 : i32
        %mul3A_586 = arith.muli %add3A_575, %mul3A_585 : i32
        %swap3A_587 = arith.constant 0 : i32
        %swap3A_588 = arith.constant 0 : i32
        %swap3A_589 = arith.index_cast %swap3A_587 : i32 to index
        %swap3A_590 = arith.index_cast %swap3A_588 : i32 to index
        %swap3A_591 = arith.index_cast %mul3A_586 : i32 to index
        %swap3A_592 = tpu.vector_load %arg14[%swap3A_589, %swap3A_590, %swap3A_591] {strides = array<i32>} : memref<2x8x512xf32, #tpu.memory_space<vmem>>, vector<16xf32>,
        tpu.vector_store %arg14[%swap3A_589, %swap3A_590, %swap3A_591], %mul3A_584 {strides = array<i32>} : memref<2x8x512xf32, #tpu.memory_space<vmem>>, vector<16xf32>,
        %mul3A_593 = arith.constant 8 : i32
        %mul3A_594 = arith.muli %scan3A_489, %mul3A_593 : i32
        %add3A_595 = arith.constant 5 : i32
        %add3A_596 = arith.addi %mul3A_594, %add3A_595 : i32
        %mul3A_597 = arith.constant 16 : i32
        %mul3A_598 = arith.muli %add3A_596, %mul3A_597 : i32
        %get3A_599 = arith.constant 0 : i32
        %get3A_600 = arith.constant 0 : i32
        %get3A_601 = arith.index_cast %get3A_599 : i32 to index
        %get3A_602 = arith.index_cast %get3A_600 : i32 to index
        %get3A_603 = arith.index_cast %mul3A_598 : i32 to index
        %get3A_604 = tpu.vector_load %arg12[%get3A_601, %get3A_602, %get3A_603] {strides = array<i32>} : memref<2x8x512xf32, #tpu.memory_space<vmem>>, vector<16xf32>,
        %mul3A_605 = arith.mulf %get3A_604, %gather3A : vector<16xf32>
        %mul3A_606 = arith.constant 16 : i32
        %mul3A_607 = arith.muli %add3A_596, %mul3A_606 : i32
        %swap3A_608 = arith.constant 0 : i32
        %swap3A_609 = arith.constant 0 : i32
        %swap3A_610 = arith.index_cast %swap3A_608 : i32 to index
        %swap3A_611 = arith.index_cast %swap3A_609 : i32 to index
        %swap3A_612 = arith.index_cast %mul3A_607 : i32 to index
        %swap3A_613 = tpu.vector_load %arg14[%swap3A_610, %swap3A_611, %swap3A_612] {strides = array<i32>} : memref<2x8x512xf32, #tpu.memory_space<vmem>>, vector<16xf32>,
        tpu.vector_store %arg14[%swap3A_610, %swap3A_611, %swap3A_612], %mul3A_605 {strides = array<i32>} : memref<2x8x512xf32, #tpu.memory_space<vmem>>, vector<16xf32>,
        %mul3A_614 = arith.constant 8 : i32
        %mul3A_615 = arith.muli %scan3A_489, %mul3A_614 : i32
        %add3A_616 = arith.constant 6 : i32
        %add3A_617 = arith.addi %mul3A_615, %add3A_616 : i32
        %mul3A_618 = arith.constant 16 : i32
        %mul3A_619 = arith.muli %add3A_617, %mul3A_618 : i32
        %get3A_620 = arith.constant 0 : i32
        %get3A_621 = arith.constant 0 : i32
        %get3A_622 = arith.index_cast %get3A_620 : i32 to index
        %get3A_623 = arith.index_cast %get3A_621 : i32 to index
        %get3A_624 = arith.index_cast %mul3A_619 : i32 to index
        %get3A_625 = tpu.vector_load %arg12[%get3A_622, %get3A_623, %get3A_624] {strides = array<i32>} : memref<2x8x512xf32, #tpu.memory_space<vmem>>, vector<16xf32>,
        %mul3A_626 = arith.mulf %get3A_625, %gather3A : vector<16xf32>
        %mul3A_627 = arith.constant 16 : i32
        %mul3A_628 = arith.muli %add3A_617, %mul3A_627 : i32
        %swap3A_629 = arith.constant 0 : i32
        %swap3A_630 = arith.constant 0 : i32
        %swap3A_631 = arith.index_cast %swap3A_629 : i32 to index
        %swap3A_632 = arith.index_cast %swap3A_630 : i32 to index
        %swap3A_633 = arith.index_cast %mul3A_628 : i32 to index
        %swap3A_634 = tpu.vector_load %arg14[%swap3A_631, %swap3A_632, %swap3A_633] {strides = array<i32>} : memref<2x8x512xf32, #tpu.memory_space<vmem>>, vector<16xf32>,
        tpu.vector_store %arg14[%swap3A_631, %swap3A_632, %swap3A_633], %mul3A_626 {strides = array<i32>} : memref<2x8x512xf32, #tpu.memory_space<vmem>>, vector<16xf32>,
        %mul3A_635 = arith.constant 8 : i32
        %mul3A_636 = arith.muli %scan3A_489, %mul3A_635 : i32
        %add3A_637 = arith.constant 7 : i32
        %add3A_638 = arith.addi %mul3A_636, %add3A_637 : i32
        %mul3A_639 = arith.constant 16 : i32
        %mul3A_640 = arith.muli %add3A_638, %mul3A_639 : i32
        %get3A_641 = arith.constant 0 : i32
        %get3A_642 = arith.constant 0 : i32
        %get3A_643 = arith.index_cast %get3A_641 : i32 to index
        %get3A_644 = arith.index_cast %get3A_642 : i32 to index
        %get3A_645 = arith.index_cast %mul3A_640 : i32 to index
        %get3A_646 = tpu.vector_load %arg12[%get3A_643, %get3A_644, %get3A_645] {strides = array<i32>} : memref<2x8x512xf32, #tpu.memory_space<vmem>>, vector<16xf32>,
        %mul3A_647 = arith.mulf %get3A_646, %gather3A : vector<16xf32>
        %mul3A_648 = arith.constant 16 : i32
        %mul3A_649 = arith.muli %add3A_638, %mul3A_648 : i32
        %swap3A_650 = arith.constant 0 : i32
        %swap3A_651 = arith.constant 0 : i32
        %swap3A_652 = arith.index_cast %swap3A_650 : i32 to index
        %swap3A_653 = arith.index_cast %swap3A_651 : i32 to index
        %swap3A_654 = arith.index_cast %mul3A_649 : i32 to index
        %swap3A_655 = tpu.vector_load %arg14[%swap3A_652, %swap3A_653, %swap3A_654] {strides = array<i32>} : memref<2x8x512xf32, #tpu.memory_space<vmem>>, vector<16xf32>,
        tpu.vector_store %arg14[%swap3A_652, %swap3A_653, %swap3A_654], %mul3A_647 {strides = array<i32>} : memref<2x8x512xf32, #tpu.memory_space<vmem>>, vector<16xf32>,
      }
      %scan3A_190 = arith.constant 4 : i32
      %mul3A_191 = arith.constant 8 : i32
      %mul3A_192 = arith.muli %add3A_127, %mul3A_191 : i32
      %add3A_193 = arith.constant 1 : i32
      %add3A_194 = arith.addi %mul3A_192, %add3A_193 : i32
      %broadcast_in_dim3A_195 = vector.broadcast %add3A_194 : i32 to vector<16xi32>
      %gather3A_196 = tpu.vector_load_idx %arg10[%broadcast_in_dim3A_195] : memref<256xf32, #tpu.memory_space<vmem>>[vector<16xi32>], vector<16xf32>,
      %scan3A_197 = arith.constant 0 : i32
      %scan3A_198 = arith.constant 0 : i32
      %scan3A_199 = arith.constant 4 : i32
      %scan3A_200 = arith.addi %scan3A_198, %scan3A_199 : i32
      %scan3A_201 = arith.constant 1 : i32
      scf.for %scan3A_489 = %scan3A_198 to %scan3A_200 step %scan3A_201  : i32 {
        %mul3A_490 = arith.constant 8 : i32
        %mul3A_491 = arith.muli %scan3A_489, %mul3A_490 : i32
        %add3A_492 = arith.constant 0 : i32
        %add3A_493 = arith.addi %mul3A_491, %add3A_492 : i32
        %mul3A_494 = arith.constant 16 : i32
        %mul3A_495 = arith.muli %add3A_493, %mul3A_494 : i32
        %get3A = arith.constant 0 : i32
        %get3A_496 = arith.constant 1 : i32
        %get3A_497 = arith.index_cast %get3A : i32 to index
        %get3A_498 = arith.index_cast %get3A_496 : i32 to index
        %get3A_499 = arith.index_cast %mul3A_495 : i32 to index
        %get3A_500 = tpu.vector_load %arg12[%get3A_497, %get3A_498, %get3A_499] {strides = array<i32>} : memref<2x8x512xf32, #tpu.memory_space<vmem>>, vector<16xf32>,
        %mul3A_501 = arith.mulf %get3A_500, %gather3A_196 : vector<16xf32>
        %mul3A_502 = arith.constant 16 : i32
        %mul3A_503 = arith.muli %add3A_493, %mul3A_502 : i32
        %swap3A = arith.constant 0 : i32
        %swap3A_504 = arith.constant 1 : i32
        %swap3A_505 = arith.index_cast %swap3A : i32 to index
        %swap3A_506 = arith.index_cast %swap3A_504 : i32 to index
        %swap3A_507 = arith.index_cast %mul3A_503 : i32 to index
        %swap3A_508 = tpu.vector_load %arg14[%swap3A_505, %swap3A_506, %swap3A_507] {strides = array<i32>} : memref<2x8x512xf32, #tpu.memory_space<vmem>>, vector<16xf32>,
        tpu.vector_store %arg14[%swap3A_505, %swap3A_506, %swap3A_507], %mul3A_501 {strides = array<i32>} : memref<2x8x512xf32, #tpu.memory_space<vmem>>, vector<16xf32>,
        %mul3A_509 = arith.constant 8 : i32
        %mul3A_510 = arith.muli %scan3A_489, %mul3A_509 : i32
        %add3A_511 = arith.constant 1 : i32
        %add3A_512 = arith.addi %mul3A_510, %add3A_511 : i32
        %mul3A_513 = arith.constant 16 : i32
        %mul3A_514 = arith.muli %add3A_512, %mul3A_513 : i32
        %get3A_515 = arith.constant 0 : i32
        %get3A_516 = arith.constant 1 : i32
        %get3A_517 = arith.index_cast %get3A_515 : i32 to index
        %get3A_518 = arith.index_cast %get3A_516 : i32 to index
        %get3A_519 = arith.index_cast %mul3A_514 : i32 to index
        %get3A_520 = tpu.vector_load %arg12[%get3A_517, %get3A_518, %get3A_519] {strides = array<i32>} : memref<2x8x512xf32, #tpu.memory_space<vmem>>, vector<16xf32>,
        %mul3A_521 = arith.mulf %get3A_520, %gather3A_196 : vector<16xf32>
        %mul3A_522 = arith.constant 16 : i32
        %mul3A_523 = arith.muli %add3A_512, %mul3A_522 : i32
        %swap3A_524 = arith.constant 0 : i32
        %swap3A_525 = arith.constant 1 : i32
        %swap3A_526 = arith.index_cast %swap3A_524 : i32 to index
        %swap3A_527 = arith.index_cast %swap3A_525 : i32 to index
        %swap3A_528 = arith.index_cast %mul3A_523 : i32 to index
        %swap3A_529 = tpu.vector_load %arg14[%swap3A_526, %swap3A_527, %swap3A_528] {strides = array<i32>} : memref<2x8x512xf32, #tpu.memory_space<vmem>>, vector<16xf32>,
        tpu.vector_store %arg14[%swap3A_526, %swap3A_527, %swap3A_528], %mul3A_521 {strides = array<i32>} : memref<2x8x512xf32, #tpu.memory_space<vmem>>, vector<16xf32>,
        %mul3A_530 = arith.constant 8 : i32
        %mul3A_531 = arith.muli %scan3A_489, %mul3A_530 : i32
        %add3A_532 = arith.constant 2 : i32
        %add3A_533 = arith.addi %mul3A_531, %add3A_532 : i32
        %mul3A_534 = arith.constant 16 : i32
        %mul3A_535 = arith.muli %add3A_533, %mul3A_534 : i32
        %get3A_536 = arith.constant 0 : i32
        %get3A_537 = arith.constant 1 : i32
        %get3A_538 = arith.index_cast %get3A_536 : i32 to index
        %get3A_539 = arith.index_cast %get3A_537 : i32 to index
        %get3A_540 = arith.index_cast %mul3A_535 : i32 to index
        %get3A_541 = tpu.vector_load %arg12[%get3A_538, %get3A_539, %get3A_540] {strides = array<i32>} : memref<2x8x512xf32, #tpu.memory_space<vmem>>, vector<16xf32>,
        %mul3A_542 = arith.mulf %get3A_541, %gather3A_196 : vector<16xf32>
        %mul3A_543 = arith.constant 16 : i32
        %mul3A_544 = arith.muli %add3A_533, %mul3A_543 : i32
        %swap3A_545 = arith.constant 0 : i32
        %swap3A_546 = arith.constant 1 : i32
        %swap3A_547 = arith.index_cast %swap3A_545 : i32 to index
        %swap3A_548 = arith.index_cast %swap3A_546 : i32 to index
        %swap3A_549 = arith.index_cast %mul3A_544 : i32 to index
        %swap3A_550 = tpu.vector_load %arg14[%swap3A_547, %swap3A_548, %swap3A_549] {strides = array<i32>} : memref<2x8x512xf32, #tpu.memory_space<vmem>>, vector<16xf32>,
        tpu.vector_store %arg14[%swap3A_547, %swap3A_548, %swap3A_549], %mul3A_542 {strides = array<i32>} : memref<2x8x512xf32, #tpu.memory_space<vmem>>, vector<16xf32>,
        %mul3A_551 = arith.constant 8 : i32
        %mul3A_552 = arith.muli %scan3A_489, %mul3A_551 : i32
        %add3A_553 = arith.constant 3 : i32
        %add3A_554 = arith.addi %mul3A_552, %add3A_553 : i32
        %mul3A_555 = arith.constant 16 : i32
        %mul3A_556 = arith.muli %add3A_554, %mul3A_555 : i32
        %get3A_557 = arith.constant 0 : i32
        %get3A_558 = arith.constant 1 : i32
        %get3A_559 = arith.index_cast %get3A_557 : i32 to index
        %get3A_560 = arith.index_cast %get3A_558 : i32 to index
        %get3A_561 = arith.index_cast %mul3A_556 : i32 to index
        %get3A_562 = tpu.vector_load %arg12[%get3A_559, %get3A_560, %get3A_561] {strides = array<i32>} : memref<2x8x512xf32, #tpu.memory_space<vmem>>, vector<16xf32>,
        %mul3A_563 = arith.mulf %get3A_562, %gather3A_196 : vector<16xf32>
        %mul3A_564 = arith.constant 16 : i32
        %mul3A_565 = arith.muli %add3A_554, %mul3A_564 : i32
        %swap3A_566 = arith.constant 0 : i32
        %swap3A_567 = arith.constant 1 : i32
        %swap3A_568 = arith.index_cast %swap3A_566 : i32 to index
        %swap3A_569 = arith.index_cast %swap3A_567 : i32 to index
        %swap3A_570 = arith.index_cast %mul3A_565 : i32 to index
        %swap3A_571 = tpu.vector_load %arg14[%swap3A_568, %swap3A_569, %swap3A_570] {strides = array<i32>} : memref<2x8x512xf32, #tpu.memory_space<vmem>>, vector<16xf32>,
        tpu.vector_store %arg14[%swap3A_568, %swap3A_569, %swap3A_570], %mul3A_563 {strides = array<i32>} : memref<2x8x512xf32, #tpu.memory_space<vmem>>, vector<16xf32>,
        %mul3A_572 = arith.constant 8 : i32
        %mul3A_573 = arith.muli %scan3A_489, %mul3A_572 : i32
        %add3A_574 = arith.constant 4 : i32
        %add3A_575 = arith.addi %mul3A_573, %add3A_574 : i32
        %mul3A_576 = arith.constant 16 : i32
        %mul3A_577 = arith.muli %add3A_575, %mul3A_576 : i32
        %get3A_578 = arith.constant 0 : i32
        %get3A_579 = arith.constant 1 : i32
        %get3A_580 = arith.index_cast %get3A_578 : i32 to index
        %get3A_581 = arith.index_cast %get3A_579 : i32 to index
        %get3A_582 = arith.index_cast %mul3A_577 : i32 to index
        %get3A_583 = tpu.vector_load %arg12[%get3A_580, %get3A_581, %get3A_582] {strides = array<i32>} : memref<2x8x512xf32, #tpu.memory_space<vmem>>, vector<16xf32>,
        %mul3A_584 = arith.mulf %get3A_583, %gather3A_196 : vector<16xf32>
        %mul3A_585 = arith.constant 16 : i32
        %mul3A_586 = arith.muli %add3A_575, %mul3A_585 : i32
        %swap3A_587 = arith.constant 0 : i32
        %swap3A_588 = arith.constant 1 : i32
        %swap3A_589 = arith.index_cast %swap3A_587 : i32 to index
        %swap3A_590 = arith.index_cast %swap3A_588 : i32 to index
        %swap3A_591 = arith.index_cast %mul3A_586 : i32 to index
        %swap3A_592 = tpu.vector_load %arg14[%swap3A_589, %swap3A_590, %swap3A_591] {strides = array<i32>} : memref<2x8x512xf32, #tpu.memory_space<vmem>>, vector<16xf32>,
        tpu.vector_store %arg14[%swap3A_589, %swap3A_590, %swap3A_591], %mul3A_584 {strides = array<i32>} : memref<2x8x512xf32, #tpu.memory_space<vmem>>, vector<16xf32>,
        %mul3A_593 = arith.constant 8 : i32
        %mul3A_594 = arith.muli %scan3A_489, %mul3A_593 : i32
        %add3A_595 = arith.constant 5 : i32
        %add3A_596 = arith.addi %mul3A_594, %add3A_595 : i32
        %mul3A_597 = arith.constant 16 : i32
        %mul3A_598 = arith.muli %add3A_596, %mul3A_597 : i32
        %get3A_599 = arith.constant 0 : i32
        %get3A_600 = arith.constant 1 : i32
        %get3A_601 = arith.index_cast %get3A_599 : i32 to index
        %get3A_602 = arith.index_cast %get3A_600 : i32 to index
        %get3A_603 = arith.index_cast %mul3A_598 : i32 to index
        %get3A_604 = tpu.vector_load %arg12[%get3A_601, %get3A_602, %get3A_603] {strides = array<i32>} : memref<2x8x512xf32, #tpu.memory_space<vmem>>, vector<16xf32>,
        %mul3A_605 = arith.mulf %get3A_604, %gather3A_196 : vector<16xf32>
        %mul3A_606 = arith.constant 16 : i32
        %mul3A_607 = arith.muli %add3A_596, %mul3A_606 : i32
        %swap3A_608 = arith.constant 0 : i32
        %swap3A_609 = arith.constant 1 : i32
        %swap3A_610 = arith.index_cast %swap3A_608 : i32 to index
        %swap3A_611 = arith.index_cast %swap3A_609 : i32 to index
        %swap3A_612 = arith.index_cast %mul3A_607 : i32 to index
        %swap3A_613 = tpu.vector_load %arg14[%swap3A_610, %swap3A_611, %swap3A_612] {strides = array<i32>} : memref<2x8x512xf32, #tpu.memory_space<vmem>>, vector<16xf32>,
        tpu.vector_store %arg14[%swap3A_610, %swap3A_611, %swap3A_612], %mul3A_605 {strides = array<i32>} : memref<2x8x512xf32, #tpu.memory_space<vmem>>, vector<16xf32>,
        %mul3A_614 = arith.constant 8 : i32
        %mul3A_615 = arith.muli %scan3A_489, %mul3A_614 : i32
        %add3A_616 = arith.constant 6 : i32
        %add3A_617 = arith.addi %mul3A_615, %add3A_616 : i32
        %mul3A_618 = arith.constant 16 : i32
        %mul3A_619 = arith.muli %add3A_617, %mul3A_618 : i32
        %get3A_620 = arith.constant 0 : i32
        %get3A_621 = arith.constant 1 : i32
        %get3A_622 = arith.index_cast %get3A_620 : i32 to index
        %get3A_623 = arith.index_cast %get3A_621 : i32 to index
        %get3A_624 = arith.index_cast %mul3A_619 : i32 to index
        %get3A_625 = tpu.vector_load %arg12[%get3A_622, %get3A_623, %get3A_624] {strides = array<i32>} : memref<2x8x512xf32, #tpu.memory_space<vmem>>, vector<16xf32>,
        %mul3A_626 = arith.mulf %get3A_625, %gather3A_196 : vector<16xf32>
        %mul3A_627 = arith.constant 16 : i32
        %mul3A_628 = arith.muli %add3A_617, %mul3A_627 : i32
        %swap3A_629 = arith.constant 0 : i32
        %swap3A_630 = arith.constant 1 : i32
        %swap3A_631 = arith.index_cast %swap3A_629 : i32 to index
        %swap3A_632 = arith.index_cast %swap3A_630 : i32 to index
        %swap3A_633 = arith.index_cast %mul3A_628 : i32 to index
        %swap3A_634 = tpu.vector_load %arg14[%swap3A_631, %swap3A_632, %swap3A_633] {strides = array<i32>} : memref<2x8x512xf32, #tpu.memory_space<vmem>>, vector<16xf32>,
        tpu.vector_store %arg14[%swap3A_631, %swap3A_632, %swap3A_633], %mul3A_626 {strides = array<i32>} : memref<2x8x512xf32, #tpu.memory_space<vmem>>, vector<16xf32>,
        %mul3A_635 = arith.constant 8 : i32
        %mul3A_636 = arith.muli %scan3A_489, %mul3A_635 : i32
        %add3A_637 = arith.constant 7 : i32
        %add3A_638 = arith.addi %mul3A_636, %add3A_637 : i32
        %mul3A_639 = arith.constant 16 : i32
        %mul3A_640 = arith.muli %add3A_638, %mul3A_639 : i32
        %get3A_641 = arith.constant 0 : i32
        %get3A_642 = arith.constant 1 : i32
        %get3A_643 = arith.index_cast %get3A_641 : i32 to index
        %get3A_644 = arith.index_cast %get3A_642 : i32 to index
        %get3A_645 = arith.index_cast %mul3A_640 : i32 to index
        %get3A_646 = tpu.vector_load %arg12[%get3A_643, %get3A_644, %get3A_645] {strides = array<i32>} : memref<2x8x512xf32, #tpu.memory_space<vmem>>, vector<16xf32>,
        %mul3A_647 = arith.mulf %get3A_646, %gather3A_196 : vector<16xf32>
        %mul3A_648 = arith.constant 16 : i32
        %mul3A_649 = arith.muli %add3A_638, %mul3A_648 : i32
        %swap3A_650 = arith.constant 0 : i32
        %swap3A_651 = arith.constant 1 : i32
        %swap3A_652 = arith.index_cast %swap3A_650 : i32 to index
        %swap3A_653 = arith.index_cast %swap3A_651 : i32 to index
        %swap3A_654 = arith.index_cast %mul3A_649 : i32 to index
        %swap3A_655 = tpu.vector_load %arg14[%swap3A_652, %swap3A_653, %swap3A_654] {strides = array<i32>} : memref<2x8x512xf32, #tpu.memory_space<vmem>>, vector<16xf32>,
        tpu.vector_store %arg14[%swap3A_652, %swap3A_653, %swap3A_654], %mul3A_647 {strides = array<i32>} : memref<2x8x512xf32, #tpu.memory_space<vmem>>, vector<16xf32>,
      }
      %scan3A_202 = arith.constant 4 : i32
      %mul3A_203 = arith.constant 8 : i32
      %mul3A_204 = arith.muli %add3A_127, %mul3A_203 : i32
      %add3A_205 = arith.constant 2 : i32
      %add3A_206 = arith.addi %mul3A_204, %add3A_205 : i32
      %broadcast_in_dim3A_207 = vector.broadcast %add3A_206 : i32 to vector<16xi32>
      %gather3A_208 = tpu.vector_load_idx %arg10[%broadcast_in_dim3A_207] : memref<256xf32, #tpu.memory_space<vmem>>[vector<16xi32>], vector<16xf32>,
      %scan3A_209 = arith.constant 0 : i32
      %scan3A_210 = arith.constant 0 : i32
      %scan3A_211 = arith.constant 4 : i32
      %scan3A_212 = arith.addi %scan3A_210, %scan3A_211 : i32
      %scan3A_213 = arith.constant 1 : i32
      scf.for %scan3A_489 = %scan3A_210 to %scan3A_212 step %scan3A_213  : i32 {
        %mul3A_490 = arith.constant 8 : i32
        %mul3A_491 = arith.muli %scan3A_489, %mul3A_490 : i32
        %add3A_492 = arith.constant 0 : i32
        %add3A_493 = arith.addi %mul3A_491, %add3A_492 : i32
        %mul3A_494 = arith.constant 16 : i32
        %mul3A_495 = arith.muli %add3A_493, %mul3A_494 : i32
        %get3A = arith.constant 0 : i32
        %get3A_496 = arith.constant 2 : i32
        %get3A_497 = arith.index_cast %get3A : i32 to index
        %get3A_498 = arith.index_cast %get3A_496 : i32 to index
        %get3A_499 = arith.index_cast %mul3A_495 : i32 to index
        %get3A_500 = tpu.vector_load %arg12[%get3A_497, %get3A_498, %get3A_499] {strides = array<i32>} : memref<2x8x512xf32, #tpu.memory_space<vmem>>, vector<16xf32>,
        %mul3A_501 = arith.mulf %get3A_500, %gather3A_208 : vector<16xf32>
        %mul3A_502 = arith.constant 16 : i32
        %mul3A_503 = arith.muli %add3A_493, %mul3A_502 : i32
        %swap3A = arith.constant 0 : i32
        %swap3A_504 = arith.constant 2 : i32
        %swap3A_505 = arith.index_cast %swap3A : i32 to index
        %swap3A_506 = arith.index_cast %swap3A_504 : i32 to index
        %swap3A_507 = arith.index_cast %mul3A_503 : i32 to index
        %swap3A_508 = tpu.vector_load %arg14[%swap3A_505, %swap3A_506, %swap3A_507] {strides = array<i32>} : memref<2x8x512xf32, #tpu.memory_space<vmem>>, vector<16xf32>,
        tpu.vector_store %arg14[%swap3A_505, %swap3A_506, %swap3A_507], %mul3A_501 {strides = array<i32>} : memref<2x8x512xf32, #tpu.memory_space<vmem>>, vector<16xf32>,
        %mul3A_509 = arith.constant 8 : i32
        %mul3A_510 = arith.muli %scan3A_489, %mul3A_509 : i32
        %add3A_511 = arith.constant 1 : i32
        %add3A_512 = arith.addi %mul3A_510, %add3A_511 : i32
        %mul3A_513 = arith.constant 16 : i32
        %mul3A_514 = arith.muli %add3A_512, %mul3A_513 : i32
        %get3A_515 = arith.constant 0 : i32
        %get3A_516 = arith.constant 2 : i32
        %get3A_517 = arith.index_cast %get3A_515 : i32 to index
        %get3A_518 = arith.index_cast %get3A_516 : i32 to index
        %get3A_519 = arith.index_cast %mul3A_514 : i32 to index
        %get3A_520 = tpu.vector_load %arg12[%get3A_517, %get3A_518, %get3A_519] {strides = array<i32>} : memref<2x8x512xf32, #tpu.memory_space<vmem>>, vector<16xf32>,
        %mul3A_521 = arith.mulf %get3A_520, %gather3A_208 : vector<16xf32>
        %mul3A_522 = arith.constant 16 : i32
        %mul3A_523 = arith.muli %add3A_512, %mul3A_522 : i32
        %swap3A_524 = arith.constant 0 : i32
        %swap3A_525 = arith.constant 2 : i32
        %swap3A_526 = arith.index_cast %swap3A_524 : i32 to index
        %swap3A_527 = arith.index_cast %swap3A_525 : i32 to index
        %swap3A_528 = arith.index_cast %mul3A_523 : i32 to index
        %swap3A_529 = tpu.vector_load %arg14[%swap3A_526, %swap3A_527, %swap3A_528] {strides = array<i32>} : memref<2x8x512xf32, #tpu.memory_space<vmem>>, vector<16xf32>,
        tpu.vector_store %arg14[%swap3A_526, %swap3A_527, %swap3A_528], %mul3A_521 {strides = array<i32>} : memref<2x8x512xf32, #tpu.memory_space<vmem>>, vector<16xf32>,
        %mul3A_530 = arith.constant 8 : i32
        %mul3A_531 = arith.muli %scan3A_489, %mul3A_530 : i32
        %add3A_532 = arith.constant 2 : i32
        %add3A_533 = arith.addi %mul3A_531, %add3A_532 : i32
        %mul3A_534 = arith.constant 16 : i32
        %mul3A_535 = arith.muli %add3A_533, %mul3A_534 : i32
        %get3A_536 = arith.constant 0 : i32
        %get3A_537 = arith.constant 2 : i32
        %get3A_538 = arith.index_cast %get3A_536 : i32 to index
        %get3A_539 = arith.index_cast %get3A_537 : i32 to index
        %get3A_540 = arith.index_cast %mul3A_535 : i32 to index
        %get3A_541 = tpu.vector_load %arg12[%get3A_538, %get3A_539, %get3A_540] {strides = array<i32>} : memref<2x8x512xf32, #tpu.memory_space<vmem>>, vector<16xf32>,
        %mul3A_542 = arith.mulf %get3A_541, %gather3A_208 : vector<16xf32>
        %mul3A_543 = arith.constant 16 : i32
        %mul3A_544 = arith.muli %add3A_533, %mul3A_543 : i32
        %swap3A_545 = arith.constant 0 : i32
        %swap3A_546 = arith.constant 2 : i32
        %swap3A_547 = arith.index_cast %swap3A_545 : i32 to index
        %swap3A_548 = arith.index_cast %swap3A_546 : i32 to index
        %swap3A_549 = arith.index_cast %mul3A_544 : i32 to index
        %swap3A_550 = tpu.vector_load %arg14[%swap3A_547, %swap3A_548, %swap3A_549] {strides = array<i32>} : memref<2x8x512xf32, #tpu.memory_space<vmem>>, vector<16xf32>,
        tpu.vector_store %arg14[%swap3A_547, %swap3A_548, %swap3A_549], %mul3A_542 {strides = array<i32>} : memref<2x8x512xf32, #tpu.memory_space<vmem>>, vector<16xf32>,
        %mul3A_551 = arith.constant 8 : i32
        %mul3A_552 = arith.muli %scan3A_489, %mul3A_551 : i32
        %add3A_553 = arith.constant 3 : i32
        %add3A_554 = arith.addi %mul3A_552, %add3A_553 : i32
        %mul3A_555 = arith.constant 16 : i32
        %mul3A_556 = arith.muli %add3A_554, %mul3A_555 : i32
        %get3A_557 = arith.constant 0 : i32
        %get3A_558 = arith.constant 2 : i32
        %get3A_559 = arith.index_cast %get3A_557 : i32 to index
        %get3A_560 = arith.index_cast %get3A_558 : i32 to index
        %get3A_561 = arith.index_cast %mul3A_556 : i32 to index
        %get3A_562 = tpu.vector_load %arg12[%get3A_559, %get3A_560, %get3A_561] {strides = array<i32>} : memref<2x8x512xf32, #tpu.memory_space<vmem>>, vector<16xf32>,
        %mul3A_563 = arith.mulf %get3A_562, %gather3A_208 : vector<16xf32>
        %mul3A_564 = arith.constant 16 : i32
        %mul3A_565 = arith.muli %add3A_554, %mul3A_564 : i32
        %swap3A_566 = arith.constant 0 : i32
        %swap3A_567 = arith.constant 2 : i32
        %swap3A_568 = arith.index_cast %swap3A_566 : i32 to index
        %swap3A_569 = arith.index_cast %swap3A_567 : i32 to index
        %swap3A_570 = arith.index_cast %mul3A_565 : i32 to index
        %swap3A_571 = tpu.vector_load %arg14[%swap3A_568, %swap3A_569, %swap3A_570] {strides = array<i32>} : memref<2x8x512xf32, #tpu.memory_space<vmem>>, vector<16xf32>,
        tpu.vector_store %arg14[%swap3A_568, %swap3A_569, %swap3A_570], %mul3A_563 {strides = array<i32>} : memref<2x8x512xf32, #tpu.memory_space<vmem>>, vector<16xf32>,
        %mul3A_572 = arith.constant 8 : i32
        %mul3A_573 = arith.muli %scan3A_489, %mul3A_572 : i32
        %add3A_574 = arith.constant 4 : i32
        %add3A_575 = arith.addi %mul3A_573, %add3A_574 : i32
        %mul3A_576 = arith.constant 16 : i32
        %mul3A_577 = arith.muli %add3A_575, %mul3A_576 : i32
        %get3A_578 = arith.constant 0 : i32
        %get3A_579 = arith.constant 2 : i32
        %get3A_580 = arith.index_cast %get3A_578 : i32 to index
        %get3A_581 = arith.index_cast %get3A_579 : i32 to index
        %get3A_582 = arith.index_cast %mul3A_577 : i32 to index
        %get3A_583 = tpu.vector_load %arg12[%get3A_580, %get3A_581, %get3A_582] {strides = array<i32>} : memref<2x8x512xf32, #tpu.memory_space<vmem>>, vector<16xf32>,
        %mul3A_584 = arith.mulf %get3A_583, %gather3A_208 : vector<16xf32>
        %mul3A_585 = arith.constant 16 : i32
        %mul3A_586 = arith.muli %add3A_575, %mul3A_585 : i32
        %swap3A_587 = arith.constant 0 : i32
        %swap3A_588 = arith.constant 2 : i32
        %swap3A_589 = arith.index_cast %swap3A_587 : i32 to index
        %swap3A_590 = arith.index_cast %swap3A_588 : i32 to index
        %swap3A_591 = arith.index_cast %mul3A_586 : i32 to index
        %swap3A_592 = tpu.vector_load %arg14[%swap3A_589, %swap3A_590, %swap3A_591] {strides = array<i32>} : memref<2x8x512xf32, #tpu.memory_space<vmem>>, vector<16xf32>,
        tpu.vector_store %arg14[%swap3A_589, %swap3A_590, %swap3A_591], %mul3A_584 {strides = array<i32>} : memref<2x8x512xf32, #tpu.memory_space<vmem>>, vector<16xf32>,
        %mul3A_593 = arith.constant 8 : i32
        %mul3A_594 = arith.muli %scan3A_489, %mul3A_593 : i32
        %add3A_595 = arith.constant 5 : i32
        %add3A_596 = arith.addi %mul3A_594, %add3A_595 : i32
        %mul3A_597 = arith.constant 16 : i32
        %mul3A_598 = arith.muli %add3A_596, %mul3A_597 : i32
        %get3A_599 = arith.constant 0 : i32
        %get3A_600 = arith.constant 2 : i32
        %get3A_601 = arith.index_cast %get3A_599 : i32 to index
        %get3A_602 = arith.index_cast %get3A_600 : i32 to index
        %get3A_603 = arith.index_cast %mul3A_598 : i32 to index
        %get3A_604 = tpu.vector_load %arg12[%get3A_601, %get3A_602, %get3A_603] {strides = array<i32>} : memref<2x8x512xf32, #tpu.memory_space<vmem>>, vector<16xf32>,
        %mul3A_605 = arith.mulf %get3A_604, %gather3A_208 : vector<16xf32>
        %mul3A_606 = arith.constant 16 : i32
        %mul3A_607 = arith.muli %add3A_596, %mul3A_606 : i32
        %swap3A_608 = arith.constant 0 : i32
        %swap3A_609 = arith.constant 2 : i32
        %swap3A_610 = arith.index_cast %swap3A_608 : i32 to index
        %swap3A_611 = arith.index_cast %swap3A_609 : i32 to index
        %swap3A_612 = arith.index_cast %mul3A_607 : i32 to index
        %swap3A_613 = tpu.vector_load %arg14[%swap3A_610, %swap3A_611, %swap3A_612] {strides = array<i32>} : memref<2x8x512xf32, #tpu.memory_space<vmem>>, vector<16xf32>,
        tpu.vector_store %arg14[%swap3A_610, %swap3A_611, %swap3A_612], %mul3A_605 {strides = array<i32>} : memref<2x8x512xf32, #tpu.memory_space<vmem>>, vector<16xf32>,
        %mul3A_614 = arith.constant 8 : i32
        %mul3A_615 = arith.muli %scan3A_489, %mul3A_614 : i32
        %add3A_616 = arith.constant 6 : i32
        %add3A_617 = arith.addi %mul3A_615, %add3A_616 : i32
        %mul3A_618 = arith.constant 16 : i32
        %mul3A_619 = arith.muli %add3A_617, %mul3A_618 : i32
        %get3A_620 = arith.constant 0 : i32
        %get3A_621 = arith.constant 2 : i32
        %get3A_622 = arith.index_cast %get3A_620 : i32 to index
        %get3A_623 = arith.index_cast %get3A_621 : i32 to index
        %get3A_624 = arith.index_cast %mul3A_619 : i32 to index
        %get3A_625 = tpu.vector_load %arg12[%get3A_622, %get3A_623, %get3A_624] {strides = array<i32>} : memref<2x8x512xf32, #tpu.memory_space<vmem>>, vector<16xf32>,
        %mul3A_626 = arith.mulf %get3A_625, %gather3A_208 : vector<16xf32>
        %mul3A_627 = arith.constant 16 : i32
        %mul3A_628 = arith.muli %add3A_617, %mul3A_627 : i32
        %swap3A_629 = arith.constant 0 : i32
        %swap3A_630 = arith.constant 2 : i32
        %swap3A_631 = arith.index_cast %swap3A_629 : i32 to index
        %swap3A_632 = arith.index_cast %swap3A_630 : i32 to index
        %swap3A_633 = arith.index_cast %mul3A_628 : i32 to index
        %swap3A_634 = tpu.vector_load %arg14[%swap3A_631, %swap3A_632, %swap3A_633] {strides = array<i32>} : memref<2x8x512xf32, #tpu.memory_space<vmem>>, vector<16xf32>,
        tpu.vector_store %arg14[%swap3A_631, %swap3A_632, %swap3A_633], %mul3A_626 {strides = array<i32>} : memref<2x8x512xf32, #tpu.memory_space<vmem>>, vector<16xf32>,
        %mul3A_635 = arith.constant 8 : i32
        %mul3A_636 = arith.muli %scan3A_489, %mul3A_635 : i32
        %add3A_637 = arith.constant 7 : i32
        %add3A_638 = arith.addi %mul3A_636, %add3A_637 : i32
        %mul3A_639 = arith.constant 16 : i32
        %mul3A_640 = arith.muli %add3A_638, %mul3A_639 : i32
        %get3A_641 = arith.constant 0 : i32
        %get3A_642 = arith.constant 2 : i32
        %get3A_643 = arith.index_cast %get3A_641 : i32 to index
        %get3A_644 = arith.index_cast %get3A_642 : i32 to index
        %get3A_645 = arith.index_cast %mul3A_640 : i32 to index
        %get3A_646 = tpu.vector_load %arg12[%get3A_643, %get3A_644, %get3A_645] {strides = array<i32>} : memref<2x8x512xf32, #tpu.memory_space<vmem>>, vector<16xf32>,
        %mul3A_647 = arith.mulf %get3A_646, %gather3A_208 : vector<16xf32>
        %mul3A_648 = arith.constant 16 : i32
        %mul3A_649 = arith.muli %add3A_638, %mul3A_648 : i32
        %swap3A_650 = arith.constant 0 : i32
        %swap3A_651 = arith.constant 2 : i32
        %swap3A_652 = arith.index_cast %swap3A_650 : i32 to index
        %swap3A_653 = arith.index_cast %swap3A_651 : i32 to index
        %swap3A_654 = arith.index_cast %mul3A_649 : i32 to index
        %swap3A_655 = tpu.vector_load %arg14[%swap3A_652, %swap3A_653, %swap3A_654] {strides = array<i32>} : memref<2x8x512xf32, #tpu.memory_space<vmem>>, vector<16xf32>,
        tpu.vector_store %arg14[%swap3A_652, %swap3A_653, %swap3A_654], %mul3A_647 {strides = array<i32>} : memref<2x8x512xf32, #tpu.memory_space<vmem>>, vector<16xf32>,
      }
      %scan3A_214 = arith.constant 4 : i32
      %mul3A_215 = arith.constant 8 : i32
      %mul3A_216 = arith.muli %add3A_127, %mul3A_215 : i32
      %add3A_217 = arith.constant 3 : i32
      %add3A_218 = arith.addi %mul3A_216, %add3A_217 : i32
      %broadcast_in_dim3A_219 = vector.broadcast %add3A_218 : i32 to vector<16xi32>
      %gather3A_220 = tpu.vector_load_idx %arg10[%broadcast_in_dim3A_219] : memref<256xf32, #tpu.memory_space<vmem>>[vector<16xi32>], vector<16xf32>,
      %scan3A_221 = arith.constant 0 : i32
      %scan3A_222 = arith.constant 0 : i32
      %scan3A_223 = arith.constant 4 : i32
      %scan3A_224 = arith.addi %scan3A_222, %scan3A_223 : i32
      %scan3A_225 = arith.constant 1 : i32
      scf.for %scan3A_489 = %scan3A_222 to %scan3A_224 step %scan3A_225  : i32 {
        %mul3A_490 = arith.constant 8 : i32
        %mul3A_491 = arith.muli %scan3A_489, %mul3A_490 : i32
        %add3A_492 = arith.constant 0 : i32
        %add3A_493 = arith.addi %mul3A_491, %add3A_492 : i32
        %mul3A_494 = arith.constant 16 : i32
        %mul3A_495 = arith.muli %add3A_493, %mul3A_494 : i32
        %get3A = arith.constant 0 : i32
        %get3A_496 = arith.constant 3 : i32
        %get3A_497 = arith.index_cast %get3A : i32 to index
        %get3A_498 = arith.index_cast %get3A_496 : i32 to index
        %get3A_499 = arith.index_cast %mul3A_495 : i32 to index
        %get3A_500 = tpu.vector_load %arg12[%get3A_497, %get3A_498, %get3A_499] {strides = array<i32>} : memref<2x8x512xf32, #tpu.memory_space<vmem>>, vector<16xf32>,
        %mul3A_501 = arith.mulf %get3A_500, %gather3A_220 : vector<16xf32>
        %mul3A_502 = arith.constant 16 : i32
        %mul3A_503 = arith.muli %add3A_493, %mul3A_502 : i32
        %swap3A = arith.constant 0 : i32
        %swap3A_504 = arith.constant 3 : i32
        %swap3A_505 = arith.index_cast %swap3A : i32 to index
        %swap3A_506 = arith.index_cast %swap3A_504 : i32 to index
        %swap3A_507 = arith.index_cast %mul3A_503 : i32 to index
        %swap3A_508 = tpu.vector_load %arg14[%swap3A_505, %swap3A_506, %swap3A_507] {strides = array<i32>} : memref<2x8x512xf32, #tpu.memory_space<vmem>>, vector<16xf32>,
        tpu.vector_store %arg14[%swap3A_505, %swap3A_506, %swap3A_507], %mul3A_501 {strides = array<i32>} : memref<2x8x512xf32, #tpu.memory_space<vmem>>, vector<16xf32>,
        %mul3A_509 = arith.constant 8 : i32
        %mul3A_510 = arith.muli %scan3A_489, %mul3A_509 : i32
        %add3A_511 = arith.constant 1 : i32
        %add3A_512 = arith.addi %mul3A_510, %add3A_511 : i32
        %mul3A_513 = arith.constant 16 : i32
        %mul3A_514 = arith.muli %add3A_512, %mul3A_513 : i32
        %get3A_515 = arith.constant 0 : i32
        %get3A_516 = arith.constant 3 : i32
        %get3A_517 = arith.index_cast %get3A_515 : i32 to index
        %get3A_518 = arith.index_cast %get3A_516 : i32 to index
        %get3A_519 = arith.index_cast %mul3A_514 : i32 to index
        %get3A_520 = tpu.vector_load %arg12[%get3A_517, %get3A_518, %get3A_519] {strides = array<i32>} : memref<2x8x512xf32, #tpu.memory_space<vmem>>, vector<16xf32>,
        %mul3A_521 = arith.mulf %get3A_520, %gather3A_220 : vector<16xf32>
        %mul3A_522 = arith.constant 16 : i32
        %mul3A_523 = arith.muli %add3A_512, %mul3A_522 : i32
        %swap3A_524 = arith.constant 0 : i32
        %swap3A_525 = arith.constant 3 : i32
        %swap3A_526 = arith.index_cast %swap3A_524 : i32 to index
        %swap3A_527 = arith.index_cast %swap3A_525 : i32 to index
        %swap3A_528 = arith.index_cast %mul3A_523 : i32 to index
        %swap3A_529 = tpu.vector_load %arg14[%swap3A_526, %swap3A_527, %swap3A_528] {strides = array<i32>} : memref<2x8x512xf32, #tpu.memory_space<vmem>>, vector<16xf32>,
        tpu.vector_store %arg14[%swap3A_526, %swap3A_527, %swap3A_528], %mul3A_521 {strides = array<i32>} : memref<2x8x512xf32, #tpu.memory_space<vmem>>, vector<16xf32>,
        %mul3A_530 = arith.constant 8 : i32
        %mul3A_531 = arith.muli %scan3A_489, %mul3A_530 : i32
        %add3A_532 = arith.constant 2 : i32
        %add3A_533 = arith.addi %mul3A_531, %add3A_532 : i32
        %mul3A_534 = arith.constant 16 : i32
        %mul3A_535 = arith.muli %add3A_533, %mul3A_534 : i32
        %get3A_536 = arith.constant 0 : i32
        %get3A_537 = arith.constant 3 : i32
        %get3A_538 = arith.index_cast %get3A_536 : i32 to index
        %get3A_539 = arith.index_cast %get3A_537 : i32 to index
        %get3A_540 = arith.index_cast %mul3A_535 : i32 to index
        %get3A_541 = tpu.vector_load %arg12[%get3A_538, %get3A_539, %get3A_540] {strides = array<i32>} : memref<2x8x512xf32, #tpu.memory_space<vmem>>, vector<16xf32>,
        %mul3A_542 = arith.mulf %get3A_541, %gather3A_220 : vector<16xf32>
        %mul3A_543 = arith.constant 16 : i32
        %mul3A_544 = arith.muli %add3A_533, %mul3A_543 : i32
        %swap3A_545 = arith.constant 0 : i32
        %swap3A_546 = arith.constant 3 : i32
        %swap3A_547 = arith.index_cast %swap3A_545 : i32 to index
        %swap3A_548 = arith.index_cast %swap3A_546 : i32 to index
        %swap3A_549 = arith.index_cast %mul3A_544 : i32 to index
        %swap3A_550 = tpu.vector_load %arg14[%swap3A_547, %swap3A_548, %swap3A_549] {strides = array<i32>} : memref<2x8x512xf32, #tpu.memory_space<vmem>>, vector<16xf32>,
        tpu.vector_store %arg14[%swap3A_547, %swap3A_548, %swap3A_549], %mul3A_542 {strides = array<i32>} : memref<2x8x512xf32, #tpu.memory_space<vmem>>, vector<16xf32>,
        %mul3A_551 = arith.constant 8 : i32
        %mul3A_552 = arith.muli %scan3A_489, %mul3A_551 : i32
        %add3A_553 = arith.constant 3 : i32
        %add3A_554 = arith.addi %mul3A_552, %add3A_553 : i32
        %mul3A_555 = arith.constant 16 : i32
        %mul3A_556 = arith.muli %add3A_554, %mul3A_555 : i32
        %get3A_557 = arith.constant 0 : i32
        %get3A_558 = arith.constant 3 : i32
        %get3A_559 = arith.index_cast %get3A_557 : i32 to index
        %get3A_560 = arith.index_cast %get3A_558 : i32 to index
        %get3A_561 = arith.index_cast %mul3A_556 : i32 to index
        %get3A_562 = tpu.vector_load %arg12[%get3A_559, %get3A_560, %get3A_561] {strides = array<i32>} : memref<2x8x512xf32, #tpu.memory_space<vmem>>, vector<16xf32>,
        %mul3A_563 = arith.mulf %get3A_562, %gather3A_220 : vector<16xf32>
        %mul3A_564 = arith.constant 16 : i32
        %mul3A_565 = arith.muli %add3A_554, %mul3A_564 : i32
        %swap3A_566 = arith.constant 0 : i32
        %swap3A_567 = arith.constant 3 : i32
        %swap3A_568 = arith.index_cast %swap3A_566 : i32 to index
        %swap3A_569 = arith.index_cast %swap3A_567 : i32 to index
        %swap3A_570 = arith.index_cast %mul3A_565 : i32 to index
        %swap3A_571 = tpu.vector_load %arg14[%swap3A_568, %swap3A_569, %swap3A_570] {strides = array<i32>} : memref<2x8x512xf32, #tpu.memory_space<vmem>>, vector<16xf32>,
        tpu.vector_store %arg14[%swap3A_568, %swap3A_569, %swap3A_570], %mul3A_563 {strides = array<i32>} : memref<2x8x512xf32, #tpu.memory_space<vmem>>, vector<16xf32>,
        %mul3A_572 = arith.constant 8 : i32
        %mul3A_573 = arith.muli %scan3A_489, %mul3A_572 : i32
        %add3A_574 = arith.constant 4 : i32
        %add3A_575 = arith.addi %mul3A_573, %add3A_574 : i32
        %mul3A_576 = arith.constant 16 : i32
        %mul3A_577 = arith.muli %add3A_575, %mul3A_576 : i32
        %get3A_578 = arith.constant 0 : i32
        %get3A_579 = arith.constant 3 : i32
        %get3A_580 = arith.index_cast %get3A_578 : i32 to index
        %get3A_581 = arith.index_cast %get3A_579 : i32 to index
        %get3A_582 = arith.index_cast %mul3A_577 : i32 to index
        %get3A_583 = tpu.vector_load %arg12[%get3A_580, %get3A_581, %get3A_582] {strides = array<i32>} : memref<2x8x512xf32, #tpu.memory_space<vmem>>, vector<16xf32>,
        %mul3A_584 = arith.mulf %get3A_583, %gather3A_220 : vector<16xf32>
        %mul3A_585 = arith.constant 16 : i32
        %mul3A_586 = arith.muli %add3A_575, %mul3A_585 : i32
        %swap3A_587 = arith.constant 0 : i32
        %swap3A_588 = arith.constant 3 : i32
        %swap3A_589 = arith.index_cast %swap3A_587 : i32 to index
        %swap3A_590 = arith.index_cast %swap3A_588 : i32 to index
        %swap3A_591 = arith.index_cast %mul3A_586 : i32 to index
        %swap3A_592 = tpu.vector_load %arg14[%swap3A_589, %swap3A_590, %swap3A_591] {strides = array<i32>} : memref<2x8x512xf32, #tpu.memory_space<vmem>>, vector<16xf32>,
        tpu.vector_store %arg14[%swap3A_589, %swap3A_590, %swap3A_591], %mul3A_584 {strides = array<i32>} : memref<2x8x512xf32, #tpu.memory_space<vmem>>, vector<16xf32>,
        %mul3A_593 = arith.constant 8 : i32
        %mul3A_594 = arith.muli %scan3A_489, %mul3A_593 : i32
        %add3A_595 = arith.constant 5 : i32
        %add3A_596 = arith.addi %mul3A_594, %add3A_595 : i32
        %mul3A_597 = arith.constant 16 : i32
        %mul3A_598 = arith.muli %add3A_596, %mul3A_597 : i32
        %get3A_599 = arith.constant 0 : i32
        %get3A_600 = arith.constant 3 : i32
        %get3A_601 = arith.index_cast %get3A_599 : i32 to index
        %get3A_602 = arith.index_cast %get3A_600 : i32 to index
        %get3A_603 = arith.index_cast %mul3A_598 : i32 to index
        %get3A_604 = tpu.vector_load %arg12[%get3A_601, %get3A_602, %get3A_603] {strides = array<i32>} : memref<2x8x512xf32, #tpu.memory_space<vmem>>, vector<16xf32>,
        %mul3A_605 = arith.mulf %get3A_604, %gather3A_220 : vector<16xf32>
        %mul3A_606 = arith.constant 16 : i32
        %mul3A_607 = arith.muli %add3A_596, %mul3A_606 : i32
        %swap3A_608 = arith.constant 0 : i32
        %swap3A_609 = arith.constant 3 : i32
        %swap3A_610 = arith.index_cast %swap3A_608 : i32 to index
        %swap3A_611 = arith.index_cast %swap3A_609 : i32 to index
        %swap3A_612 = arith.index_cast %mul3A_607 : i32 to index
        %swap3A_613 = tpu.vector_load %arg14[%swap3A_610, %swap3A_611, %swap3A_612] {strides = array<i32>} : memref<2x8x512xf32, #tpu.memory_space<vmem>>, vector<16xf32>,
        tpu.vector_store %arg14[%swap3A_610, %swap3A_611, %swap3A_612], %mul3A_605 {strides = array<i32>} : memref<2x8x512xf32, #tpu.memory_space<vmem>>, vector<16xf32>,
        %mul3A_614 = arith.constant 8 : i32
        %mul3A_615 = arith.muli %scan3A_489, %mul3A_614 : i32
        %add3A_616 = arith.constant 6 : i32
        %add3A_617 = arith.addi %mul3A_615, %add3A_616 : i32
        %mul3A_618 = arith.constant 16 : i32
        %mul3A_619 = arith.muli %add3A_617, %mul3A_618 : i32
        %get3A_620 = arith.constant 0 : i32
        %get3A_621 = arith.constant 3 : i32
        %get3A_622 = arith.index_cast %get3A_620 : i32 to index
        %get3A_623 = arith.index_cast %get3A_621 : i32 to index
        %get3A_624 = arith.index_cast %mul3A_619 : i32 to index
        %get3A_625 = tpu.vector_load %arg12[%get3A_622, %get3A_623, %get3A_624] {strides = array<i32>} : memref<2x8x512xf32, #tpu.memory_space<vmem>>, vector<16xf32>,
        %mul3A_626 = arith.mulf %get3A_625, %gather3A_220 : vector<16xf32>
        %mul3A_627 = arith.constant 16 : i32
        %mul3A_628 = arith.muli %add3A_617, %mul3A_627 : i32
        %swap3A_629 = arith.constant 0 : i32
        %swap3A_630 = arith.constant 3 : i32
        %swap3A_631 = arith.index_cast %swap3A_629 : i32 to index
        %swap3A_632 = arith.index_cast %swap3A_630 : i32 to index
        %swap3A_633 = arith.index_cast %mul3A_628 : i32 to index
        %swap3A_634 = tpu.vector_load %arg14[%swap3A_631, %swap3A_632, %swap3A_633] {strides = array<i32>} : memref<2x8x512xf32, #tpu.memory_space<vmem>>, vector<16xf32>,
        tpu.vector_store %arg14[%swap3A_631, %swap3A_632, %swap3A_633], %mul3A_626 {strides = array<i32>} : memref<2x8x512xf32, #tpu.memory_space<vmem>>, vector<16xf32>,
        %mul3A_635 = arith.constant 8 : i32
        %mul3A_636 = arith.muli %scan3A_489, %mul3A_635 : i32
        %add3A_637 = arith.constant 7 : i32
        %add3A_638 = arith.addi %mul3A_636, %add3A_637 : i32
        %mul3A_639 = arith.constant 16 : i32
        %mul3A_640 = arith.muli %add3A_638, %mul3A_639 : i32
        %get3A_641 = arith.constant 0 : i32
        %get3A_642 = arith.constant 3 : i32
        %get3A_643 = arith.index_cast %get3A_641 : i32 to index
        %get3A_644 = arith.index_cast %get3A_642 : i32 to index
        %get3A_645 = arith.index_cast %mul3A_640 : i32 to index
        %get3A_646 = tpu.vector_load %arg12[%get3A_643, %get3A_644, %get3A_645] {strides = array<i32>} : memref<2x8x512xf32, #tpu.memory_space<vmem>>, vector<16xf32>,
        %mul3A_647 = arith.mulf %get3A_646, %gather3A_220 : vector<16xf32>
        %mul3A_648 = arith.constant 16 : i32
        %mul3A_649 = arith.muli %add3A_638, %mul3A_648 : i32
        %swap3A_650 = arith.constant 0 : i32
        %swap3A_651 = arith.constant 3 : i32
        %swap3A_652 = arith.index_cast %swap3A_650 : i32 to index
        %swap3A_653 = arith.index_cast %swap3A_651 : i32 to index
        %swap3A_654 = arith.index_cast %mul3A_649 : i32 to index
        %swap3A_655 = tpu.vector_load %arg14[%swap3A_652, %swap3A_653, %swap3A_654] {strides = array<i32>} : memref<2x8x512xf32, #tpu.memory_space<vmem>>, vector<16xf32>,
        tpu.vector_store %arg14[%swap3A_652, %swap3A_653, %swap3A_654], %mul3A_647 {strides = array<i32>} : memref<2x8x512xf32, #tpu.memory_space<vmem>>, vector<16xf32>,
      }
      %scan3A_226 = arith.constant 4 : i32
      %mul3A_227 = arith.constant 8 : i32
      %mul3A_228 = arith.muli %add3A_127, %mul3A_227 : i32
      %add3A_229 = arith.constant 4 : i32
      %add3A_230 = arith.addi %mul3A_228, %add3A_229 : i32
      %broadcast_in_dim3A_231 = vector.broadcast %add3A_230 : i32 to vector<16xi32>
      %gather3A_232 = tpu.vector_load_idx %arg10[%broadcast_in_dim3A_231] : memref<256xf32, #tpu.memory_space<vmem>>[vector<16xi32>], vector<16xf32>,
      %scan3A_233 = arith.constant 0 : i32
      %scan3A_234 = arith.constant 0 : i32
      %scan3A_235 = arith.constant 4 : i32
      %scan3A_236 = arith.addi %scan3A_234, %scan3A_235 : i32
      %scan3A_237 = arith.constant 1 : i32
      scf.for %scan3A_489 = %scan3A_234 to %scan3A_236 step %scan3A_237  : i32 {
        %mul3A_490 = arith.constant 8 : i32
        %mul3A_491 = arith.muli %scan3A_489, %mul3A_490 : i32
        %add3A_492 = arith.constant 0 : i32
        %add3A_493 = arith.addi %mul3A_491, %add3A_492 : i32
        %mul3A_494 = arith.constant 16 : i32
        %mul3A_495 = arith.muli %add3A_493, %mul3A_494 : i32
        %get3A = arith.constant 0 : i32
        %get3A_496 = arith.constant 4 : i32
        %get3A_497 = arith.index_cast %get3A : i32 to index
        %get3A_498 = arith.index_cast %get3A_496 : i32 to index
        %get3A_499 = arith.index_cast %mul3A_495 : i32 to index
        %get3A_500 = tpu.vector_load %arg12[%get3A_497, %get3A_498, %get3A_499] {strides = array<i32>} : memref<2x8x512xf32, #tpu.memory_space<vmem>>, vector<16xf32>,
        %mul3A_501 = arith.mulf %get3A_500, %gather3A_232 : vector<16xf32>
        %mul3A_502 = arith.constant 16 : i32
        %mul3A_503 = arith.muli %add3A_493, %mul3A_502 : i32
        %swap3A = arith.constant 0 : i32
        %swap3A_504 = arith.constant 4 : i32
        %swap3A_505 = arith.index_cast %swap3A : i32 to index
        %swap3A_506 = arith.index_cast %swap3A_504 : i32 to index
        %swap3A_507 = arith.index_cast %mul3A_503 : i32 to index
        %swap3A_508 = tpu.vector_load %arg14[%swap3A_505, %swap3A_506, %swap3A_507] {strides = array<i32>} : memref<2x8x512xf32, #tpu.memory_space<vmem>>, vector<16xf32>,
        tpu.vector_store %arg14[%swap3A_505, %swap3A_506, %swap3A_507], %mul3A_501 {strides = array<i32>} : memref<2x8x512xf32, #tpu.memory_space<vmem>>, vector<16xf32>,
        %mul3A_509 = arith.constant 8 : i32
        %mul3A_510 = arith.muli %scan3A_489, %mul3A_509 : i32
        %add3A_511 = arith.constant 1 : i32
        %add3A_512 = arith.addi %mul3A_510, %add3A_511 : i32
        %mul3A_513 = arith.constant 16 : i32
        %mul3A_514 = arith.muli %add3A_512, %mul3A_513 : i32
        %get3A_515 = arith.constant 0 : i32
        %get3A_516 = arith.constant 4 : i32
        %get3A_517 = arith.index_cast %get3A_515 : i32 to index
        %get3A_518 = arith.index_cast %get3A_516 : i32 to index
        %get3A_519 = arith.index_cast %mul3A_514 : i32 to index
        %get3A_520 = tpu.vector_load %arg12[%get3A_517, %get3A_518, %get3A_519] {strides = array<i32>} : memref<2x8x512xf32, #tpu.memory_space<vmem>>, vector<16xf32>,
        %mul3A_521 = arith.mulf %get3A_520, %gather3A_232 : vector<16xf32>
        %mul3A_522 = arith.constant 16 : i32
        %mul3A_523 = arith.muli %add3A_512, %mul3A_522 : i32
        %swap3A_524 = arith.constant 0 : i32
        %swap3A_525 = arith.constant 4 : i32
        %swap3A_526 = arith.index_cast %swap3A_524 : i32 to index
        %swap3A_527 = arith.index_cast %swap3A_525 : i32 to index
        %swap3A_528 = arith.index_cast %mul3A_523 : i32 to index
        %swap3A_529 = tpu.vector_load %arg14[%swap3A_526, %swap3A_527, %swap3A_528] {strides = array<i32>} : memref<2x8x512xf32, #tpu.memory_space<vmem>>, vector<16xf32>,
        tpu.vector_store %arg14[%swap3A_526, %swap3A_527, %swap3A_528], %mul3A_521 {strides = array<i32>} : memref<2x8x512xf32, #tpu.memory_space<vmem>>, vector<16xf32>,
        %mul3A_530 = arith.constant 8 : i32
        %mul3A_531 = arith.muli %scan3A_489, %mul3A_530 : i32
        %add3A_532 = arith.constant 2 : i32
        %add3A_533 = arith.addi %mul3A_531, %add3A_532 : i32
        %mul3A_534 = arith.constant 16 : i32
        %mul3A_535 = arith.muli %add3A_533, %mul3A_534 : i32
        %get3A_536 = arith.constant 0 : i32
        %get3A_537 = arith.constant 4 : i32
        %get3A_538 = arith.index_cast %get3A_536 : i32 to index
        %get3A_539 = arith.index_cast %get3A_537 : i32 to index
        %get3A_540 = arith.index_cast %mul3A_535 : i32 to index
        %get3A_541 = tpu.vector_load %arg12[%get3A_538, %get3A_539, %get3A_540] {strides = array<i32>} : memref<2x8x512xf32, #tpu.memory_space<vmem>>, vector<16xf32>,
        %mul3A_542 = arith.mulf %get3A_541, %gather3A_232 : vector<16xf32>
        %mul3A_543 = arith.constant 16 : i32
        %mul3A_544 = arith.muli %add3A_533, %mul3A_543 : i32
        %swap3A_545 = arith.constant 0 : i32
        %swap3A_546 = arith.constant 4 : i32
        %swap3A_547 = arith.index_cast %swap3A_545 : i32 to index
        %swap3A_548 = arith.index_cast %swap3A_546 : i32 to index
        %swap3A_549 = arith.index_cast %mul3A_544 : i32 to index
        %swap3A_550 = tpu.vector_load %arg14[%swap3A_547, %swap3A_548, %swap3A_549] {strides = array<i32>} : memref<2x8x512xf32, #tpu.memory_space<vmem>>, vector<16xf32>,
        tpu.vector_store %arg14[%swap3A_547, %swap3A_548, %swap3A_549], %mul3A_542 {strides = array<i32>} : memref<2x8x512xf32, #tpu.memory_space<vmem>>, vector<16xf32>,
        %mul3A_551 = arith.constant 8 : i32
        %mul3A_552 = arith.muli %scan3A_489, %mul3A_551 : i32
        %add3A_553 = arith.constant 3 : i32
        %add3A_554 = arith.addi %mul3A_552, %add3A_553 : i32
        %mul3A_555 = arith.constant 16 : i32
        %mul3A_556 = arith.muli %add3A_554, %mul3A_555 : i32
        %get3A_557 = arith.constant 0 : i32
        %get3A_558 = arith.constant 4 : i32
        %get3A_559 = arith.index_cast %get3A_557 : i32 to index
        %get3A_560 = arith.index_cast %get3A_558 : i32 to index
        %get3A_561 = arith.index_cast %mul3A_556 : i32 to index
        %get3A_562 = tpu.vector_load %arg12[%get3A_559, %get3A_560, %get3A_561] {strides = array<i32>} : memref<2x8x512xf32, #tpu.memory_space<vmem>>, vector<16xf32>,
        %mul3A_563 = arith.mulf %get3A_562, %gather3A_232 : vector<16xf32>
        %mul3A_564 = arith.constant 16 : i32
        %mul3A_565 = arith.muli %add3A_554, %mul3A_564 : i32
        %swap3A_566 = arith.constant 0 : i32
        %swap3A_567 = arith.constant 4 : i32
        %swap3A_568 = arith.index_cast %swap3A_566 : i32 to index
        %swap3A_569 = arith.index_cast %swap3A_567 : i32 to index
        %swap3A_570 = arith.index_cast %mul3A_565 : i32 to index
        %swap3A_571 = tpu.vector_load %arg14[%swap3A_568, %swap3A_569, %swap3A_570] {strides = array<i32>} : memref<2x8x512xf32, #tpu.memory_space<vmem>>, vector<16xf32>,
        tpu.vector_store %arg14[%swap3A_568, %swap3A_569, %swap3A_570], %mul3A_563 {strides = array<i32>} : memref<2x8x512xf32, #tpu.memory_space<vmem>>, vector<16xf32>,
        %mul3A_572 = arith.constant 8 : i32
        %mul3A_573 = arith.muli %scan3A_489, %mul3A_572 : i32
        %add3A_574 = arith.constant 4 : i32
        %add3A_575 = arith.addi %mul3A_573, %add3A_574 : i32
        %mul3A_576 = arith.constant 16 : i32
        %mul3A_577 = arith.muli %add3A_575, %mul3A_576 : i32
        %get3A_578 = arith.constant 0 : i32
        %get3A_579 = arith.constant 4 : i32
        %get3A_580 = arith.index_cast %get3A_578 : i32 to index
        %get3A_581 = arith.index_cast %get3A_579 : i32 to index
        %get3A_582 = arith.index_cast %mul3A_577 : i32 to index
        %get3A_583 = tpu.vector_load %arg12[%get3A_580, %get3A_581, %get3A_582] {strides = array<i32>} : memref<2x8x512xf32, #tpu.memory_space<vmem>>, vector<16xf32>,
        %mul3A_584 = arith.mulf %get3A_583, %gather3A_232 : vector<16xf32>
        %mul3A_585 = arith.constant 16 : i32
        %mul3A_586 = arith.muli %add3A_575, %mul3A_585 : i32
        %swap3A_587 = arith.constant 0 : i32
        %swap3A_588 = arith.constant 4 : i32
        %swap3A_589 = arith.index_cast %swap3A_587 : i32 to index
        %swap3A_590 = arith.index_cast %swap3A_588 : i32 to index
        %swap3A_591 = arith.index_cast %mul3A_586 : i32 to index
        %swap3A_592 = tpu.vector_load %arg14[%swap3A_589, %swap3A_590, %swap3A_591] {strides = array<i32>} : memref<2x8x512xf32, #tpu.memory_space<vmem>>, vector<16xf32>,
        tpu.vector_store %arg14[%swap3A_589, %swap3A_590, %swap3A_591], %mul3A_584 {strides = array<i32>} : memref<2x8x512xf32, #tpu.memory_space<vmem>>, vector<16xf32>,
        %mul3A_593 = arith.constant 8 : i32
        %mul3A_594 = arith.muli %scan3A_489, %mul3A_593 : i32
        %add3A_595 = arith.constant 5 : i32
        %add3A_596 = arith.addi %mul3A_594, %add3A_595 : i32
        %mul3A_597 = arith.constant 16 : i32
        %mul3A_598 = arith.muli %add3A_596, %mul3A_597 : i32
        %get3A_599 = arith.constant 0 : i32
        %get3A_600 = arith.constant 4 : i32
        %get3A_601 = arith.index_cast %get3A_599 : i32 to index
        %get3A_602 = arith.index_cast %get3A_600 : i32 to index
        %get3A_603 = arith.index_cast %mul3A_598 : i32 to index
        %get3A_604 = tpu.vector_load %arg12[%get3A_601, %get3A_602, %get3A_603] {strides = array<i32>} : memref<2x8x512xf32, #tpu.memory_space<vmem>>, vector<16xf32>,
        %mul3A_605 = arith.mulf %get3A_604, %gather3A_232 : vector<16xf32>
        %mul3A_606 = arith.constant 16 : i32
        %mul3A_607 = arith.muli %add3A_596, %mul3A_606 : i32
        %swap3A_608 = arith.constant 0 : i32
        %swap3A_609 = arith.constant 4 : i32
        %swap3A_610 = arith.index_cast %swap3A_608 : i32 to index
        %swap3A_611 = arith.index_cast %swap3A_609 : i32 to index
        %swap3A_612 = arith.index_cast %mul3A_607 : i32 to index
        %swap3A_613 = tpu.vector_load %arg14[%swap3A_610, %swap3A_611, %swap3A_612] {strides = array<i32>} : memref<2x8x512xf32, #tpu.memory_space<vmem>>, vector<16xf32>,
        tpu.vector_store %arg14[%swap3A_610, %swap3A_611, %swap3A_612], %mul3A_605 {strides = array<i32>} : memref<2x8x512xf32, #tpu.memory_space<vmem>>, vector<16xf32>,
        %mul3A_614 = arith.constant 8 : i32
        %mul3A_615 = arith.muli %scan3A_489, %mul3A_614 : i32
        %add3A_616 = arith.constant 6 : i32
        %add3A_617 = arith.addi %mul3A_615, %add3A_616 : i32
        %mul3A_618 = arith.constant 16 : i32
        %mul3A_619 = arith.muli %add3A_617, %mul3A_618 : i32
        %get3A_620 = arith.constant 0 : i32
        %get3A_621 = arith.constant 4 : i32
        %get3A_622 = arith.index_cast %get3A_620 : i32 to index
        %get3A_623 = arith.index_cast %get3A_621 : i32 to index
        %get3A_624 = arith.index_cast %mul3A_619 : i32 to index
        %get3A_625 = tpu.vector_load %arg12[%get3A_622, %get3A_623, %get3A_624] {strides = array<i32>} : memref<2x8x512xf32, #tpu.memory_space<vmem>>, vector<16xf32>,
        %mul3A_626 = arith.mulf %get3A_625, %gather3A_232 : vector<16xf32>
        %mul3A_627 = arith.constant 16 : i32
        %mul3A_628 = arith.muli %add3A_617, %mul3A_627 : i32
        %swap3A_629 = arith.constant 0 : i32
        %swap3A_630 = arith.constant 4 : i32
        %swap3A_631 = arith.index_cast %swap3A_629 : i32 to index
        %swap3A_632 = arith.index_cast %swap3A_630 : i32 to index
        %swap3A_633 = arith.index_cast %mul3A_628 : i32 to index
        %swap3A_634 = tpu.vector_load %arg14[%swap3A_631, %swap3A_632, %swap3A_633] {strides = array<i32>} : memref<2x8x512xf32, #tpu.memory_space<vmem>>, vector<16xf32>,
        tpu.vector_store %arg14[%swap3A_631, %swap3A_632, %swap3A_633], %mul3A_626 {strides = array<i32>} : memref<2x8x512xf32, #tpu.memory_space<vmem>>, vector<16xf32>,
        %mul3A_635 = arith.constant 8 : i32
        %mul3A_636 = arith.muli %scan3A_489, %mul3A_635 : i32
        %add3A_637 = arith.constant 7 : i32
        %add3A_638 = arith.addi %mul3A_636, %add3A_637 : i32
        %mul3A_639 = arith.constant 16 : i32
        %mul3A_640 = arith.muli %add3A_638, %mul3A_639 : i32
        %get3A_641 = arith.constant 0 : i32
        %get3A_642 = arith.constant 4 : i32
        %get3A_643 = arith.index_cast %get3A_641 : i32 to index
        %get3A_644 = arith.index_cast %get3A_642 : i32 to index
        %get3A_645 = arith.index_cast %mul3A_640 : i32 to index
        %get3A_646 = tpu.vector_load %arg12[%get3A_643, %get3A_644, %get3A_645] {strides = array<i32>} : memref<2x8x512xf32, #tpu.memory_space<vmem>>, vector<16xf32>,
        %mul3A_647 = arith.mulf %get3A_646, %gather3A_232 : vector<16xf32>
        %mul3A_648 = arith.constant 16 : i32
        %mul3A_649 = arith.muli %add3A_638, %mul3A_648 : i32
        %swap3A_650 = arith.constant 0 : i32
        %swap3A_651 = arith.constant 4 : i32
        %swap3A_652 = arith.index_cast %swap3A_650 : i32 to index
        %swap3A_653 = arith.index_cast %swap3A_651 : i32 to index
        %swap3A_654 = arith.index_cast %mul3A_649 : i32 to index
        %swap3A_655 = tpu.vector_load %arg14[%swap3A_652, %swap3A_653, %swap3A_654] {strides = array<i32>} : memref<2x8x512xf32, #tpu.memory_space<vmem>>, vector<16xf32>,
        tpu.vector_store %arg14[%swap3A_652, %swap3A_653, %swap3A_654], %mul3A_647 {strides = array<i32>} : memref<2x8x512xf32, #tpu.memory_space<vmem>>, vector<16xf32>,
      }
      %scan3A_238 = arith.constant 4 : i32
      %mul3A_239 = arith.constant 8 : i32
      %mul3A_240 = arith.muli %add3A_127, %mul3A_239 : i32
      %add3A_241 = arith.constant 5 : i32
      %add3A_242 = arith.addi %mul3A_240, %add3A_241 : i32
      %broadcast_in_dim3A_243 = vector.broadcast %add3A_242 : i32 to vector<16xi32>
      %gather3A_244 = tpu.vector_load_idx %arg10[%broadcast_in_dim3A_243] : memref<256xf32, #tpu.memory_space<vmem>>[vector<16xi32>], vector<16xf32>,
      %scan3A_245 = arith.constant 0 : i32
      %scan3A_246 = arith.constant 0 : i32
      %scan3A_247 = arith.constant 4 : i32
      %scan3A_248 = arith.addi %scan3A_246, %scan3A_247 : i32
      %scan3A_249 = arith.constant 1 : i32
      scf.for %scan3A_489 = %scan3A_246 to %scan3A_248 step %scan3A_249  : i32 {
        %mul3A_490 = arith.constant 8 : i32
        %mul3A_491 = arith.muli %scan3A_489, %mul3A_490 : i32
        %add3A_492 = arith.constant 0 : i32
        %add3A_493 = arith.addi %mul3A_491, %add3A_492 : i32
        %mul3A_494 = arith.constant 16 : i32
        %mul3A_495 = arith.muli %add3A_493, %mul3A_494 : i32
        %get3A = arith.constant 0 : i32
        %get3A_496 = arith.constant 5 : i32
        %get3A_497 = arith.index_cast %get3A : i32 to index
        %get3A_498 = arith.index_cast %get3A_496 : i32 to index
        %get3A_499 = arith.index_cast %mul3A_495 : i32 to index
        %get3A_500 = tpu.vector_load %arg12[%get3A_497, %get3A_498, %get3A_499] {strides = array<i32>} : memref<2x8x512xf32, #tpu.memory_space<vmem>>, vector<16xf32>,
        %mul3A_501 = arith.mulf %get3A_500, %gather3A_244 : vector<16xf32>
        %mul3A_502 = arith.constant 16 : i32
        %mul3A_503 = arith.muli %add3A_493, %mul3A_502 : i32
        %swap3A = arith.constant 0 : i32
        %swap3A_504 = arith.constant 5 : i32
        %swap3A_505 = arith.index_cast %swap3A : i32 to index
        %swap3A_506 = arith.index_cast %swap3A_504 : i32 to index
        %swap3A_507 = arith.index_cast %mul3A_503 : i32 to index
        %swap3A_508 = tpu.vector_load %arg14[%swap3A_505, %swap3A_506, %swap3A_507] {strides = array<i32>} : memref<2x8x512xf32, #tpu.memory_space<vmem>>, vector<16xf32>,
        tpu.vector_store %arg14[%swap3A_505, %swap3A_506, %swap3A_507], %mul3A_501 {strides = array<i32>} : memref<2x8x512xf32, #tpu.memory_space<vmem>>, vector<16xf32>,
        %mul3A_509 = arith.constant 8 : i32
        %mul3A_510 = arith.muli %scan3A_489, %mul3A_509 : i32
        %add3A_511 = arith.constant 1 : i32
        %add3A_512 = arith.addi %mul3A_510, %add3A_511 : i32
        %mul3A_513 = arith.constant 16 : i32
        %mul3A_514 = arith.muli %add3A_512, %mul3A_513 : i32
        %get3A_515 = arith.constant 0 : i32
        %get3A_516 = arith.constant 5 : i32
        %get3A_517 = arith.index_cast %get3A_515 : i32 to index
        %get3A_518 = arith.index_cast %get3A_516 : i32 to index
        %get3A_519 = arith.index_cast %mul3A_514 : i32 to index
        %get3A_520 = tpu.vector_load %arg12[%get3A_517, %get3A_518, %get3A_519] {strides = array<i32>} : memref<2x8x512xf32, #tpu.memory_space<vmem>>, vector<16xf32>,
        %mul3A_521 = arith.mulf %get3A_520, %gather3A_244 : vector<16xf32>
        %mul3A_522 = arith.constant 16 : i32
        %mul3A_523 = arith.muli %add3A_512, %mul3A_522 : i32
        %swap3A_524 = arith.constant 0 : i32
        %swap3A_525 = arith.constant 5 : i32
        %swap3A_526 = arith.index_cast %swap3A_524 : i32 to index
        %swap3A_527 = arith.index_cast %swap3A_525 : i32 to index
        %swap3A_528 = arith.index_cast %mul3A_523 : i32 to index
        %swap3A_529 = tpu.vector_load %arg14[%swap3A_526, %swap3A_527, %swap3A_528] {strides = array<i32>} : memref<2x8x512xf32, #tpu.memory_space<vmem>>, vector<16xf32>,
        tpu.vector_store %arg14[%swap3A_526, %swap3A_527, %swap3A_528], %mul3A_521 {strides = array<i32>} : memref<2x8x512xf32, #tpu.memory_space<vmem>>, vector<16xf32>,
        %mul3A_530 = arith.constant 8 : i32
        %mul3A_531 = arith.muli %scan3A_489, %mul3A_530 : i32
        %add3A_532 = arith.constant 2 : i32
        %add3A_533 = arith.addi %mul3A_531, %add3A_532 : i32
        %mul3A_534 = arith.constant 16 : i32
        %mul3A_535 = arith.muli %add3A_533, %mul3A_534 : i32
        %get3A_536 = arith.constant 0 : i32
        %get3A_537 = arith.constant 5 : i32
        %get3A_538 = arith.index_cast %get3A_536 : i32 to index
        %get3A_539 = arith.index_cast %get3A_537 : i32 to index
        %get3A_540 = arith.index_cast %mul3A_535 : i32 to index
        %get3A_541 = tpu.vector_load %arg12[%get3A_538, %get3A_539, %get3A_540] {strides = array<i32>} : memref<2x8x512xf32, #tpu.memory_space<vmem>>, vector<16xf32>,
        %mul3A_542 = arith.mulf %get3A_541, %gather3A_244 : vector<16xf32>
        %mul3A_543 = arith.constant 16 : i32
        %mul3A_544 = arith.muli %add3A_533, %mul3A_543 : i32
        %swap3A_545 = arith.constant 0 : i32
        %swap3A_546 = arith.constant 5 : i32
        %swap3A_547 = arith.index_cast %swap3A_545 : i32 to index
        %swap3A_548 = arith.index_cast %swap3A_546 : i32 to index
        %swap3A_549 = arith.index_cast %mul3A_544 : i32 to index
        %swap3A_550 = tpu.vector_load %arg14[%swap3A_547, %swap3A_548, %swap3A_549] {strides = array<i32>} : memref<2x8x512xf32, #tpu.memory_space<vmem>>, vector<16xf32>,
        tpu.vector_store %arg14[%swap3A_547, %swap3A_548, %swap3A_549], %mul3A_542 {strides = array<i32>} : memref<2x8x512xf32, #tpu.memory_space<vmem>>, vector<16xf32>,
        %mul3A_551 = arith.constant 8 : i32
        %mul3A_552 = arith.muli %scan3A_489, %mul3A_551 : i32
        %add3A_553 = arith.constant 3 : i32
        %add3A_554 = arith.addi %mul3A_552, %add3A_553 : i32
        %mul3A_555 = arith.constant 16 : i32
        %mul3A_556 = arith.muli %add3A_554, %mul3A_555 : i32
        %get3A_557 = arith.constant 0 : i32
        %get3A_558 = arith.constant 5 : i32
        %get3A_559 = arith.index_cast %get3A_557 : i32 to index
        %get3A_560 = arith.index_cast %get3A_558 : i32 to index
        %get3A_561 = arith.index_cast %mul3A_556 : i32 to index
        %get3A_562 = tpu.vector_load %arg12[%get3A_559, %get3A_560, %get3A_561] {strides = array<i32>} : memref<2x8x512xf32, #tpu.memory_space<vmem>>, vector<16xf32>,
        %mul3A_563 = arith.mulf %get3A_562, %gather3A_244 : vector<16xf32>
        %mul3A_564 = arith.constant 16 : i32
        %mul3A_565 = arith.muli %add3A_554, %mul3A_564 : i32
        %swap3A_566 = arith.constant 0 : i32
        %swap3A_567 = arith.constant 5 : i32
        %swap3A_568 = arith.index_cast %swap3A_566 : i32 to index
        %swap3A_569 = arith.index_cast %swap3A_567 : i32 to index
        %swap3A_570 = arith.index_cast %mul3A_565 : i32 to index
        %swap3A_571 = tpu.vector_load %arg14[%swap3A_568, %swap3A_569, %swap3A_570] {strides = array<i32>} : memref<2x8x512xf32, #tpu.memory_space<vmem>>, vector<16xf32>,
        tpu.vector_store %arg14[%swap3A_568, %swap3A_569, %swap3A_570], %mul3A_563 {strides = array<i32>} : memref<2x8x512xf32, #tpu.memory_space<vmem>>, vector<16xf32>,
        %mul3A_572 = arith.constant 8 : i32
        %mul3A_573 = arith.muli %scan3A_489, %mul3A_572 : i32
        %add3A_574 = arith.constant 4 : i32
        %add3A_575 = arith.addi %mul3A_573, %add3A_574 : i32
        %mul3A_576 = arith.constant 16 : i32
        %mul3A_577 = arith.muli %add3A_575, %mul3A_576 : i32
        %get3A_578 = arith.constant 0 : i32
        %get3A_579 = arith.constant 5 : i32
        %get3A_580 = arith.index_cast %get3A_578 : i32 to index
        %get3A_581 = arith.index_cast %get3A_579 : i32 to index
        %get3A_582 = arith.index_cast %mul3A_577 : i32 to index
        %get3A_583 = tpu.vector_load %arg12[%get3A_580, %get3A_581, %get3A_582] {strides = array<i32>} : memref<2x8x512xf32, #tpu.memory_space<vmem>>, vector<16xf32>,
        %mul3A_584 = arith.mulf %get3A_583, %gather3A_244 : vector<16xf32>
        %mul3A_585 = arith.constant 16 : i32
        %mul3A_586 = arith.muli %add3A_575, %mul3A_585 : i32
        %swap3A_587 = arith.constant 0 : i32
        %swap3A_588 = arith.constant 5 : i32
        %swap3A_589 = arith.index_cast %swap3A_587 : i32 to index
        %swap3A_590 = arith.index_cast %swap3A_588 : i32 to index
        %swap3A_591 = arith.index_cast %mul3A_586 : i32 to index
        %swap3A_592 = tpu.vector_load %arg14[%swap3A_589, %swap3A_590, %swap3A_591] {strides = array<i32>} : memref<2x8x512xf32, #tpu.memory_space<vmem>>, vector<16xf32>,
        tpu.vector_store %arg14[%swap3A_589, %swap3A_590, %swap3A_591], %mul3A_584 {strides = array<i32>} : memref<2x8x512xf32, #tpu.memory_space<vmem>>, vector<16xf32>,
        %mul3A_593 = arith.constant 8 : i32
        %mul3A_594 = arith.muli %scan3A_489, %mul3A_593 : i32
        %add3A_595 = arith.constant 5 : i32
        %add3A_596 = arith.addi %mul3A_594, %add3A_595 : i32
        %mul3A_597 = arith.constant 16 : i32
        %mul3A_598 = arith.muli %add3A_596, %mul3A_597 : i32
        %get3A_599 = arith.constant 0 : i32
        %get3A_600 = arith.constant 5 : i32
        %get3A_601 = arith.index_cast %get3A_599 : i32 to index
        %get3A_602 = arith.index_cast %get3A_600 : i32 to index
        %get3A_603 = arith.index_cast %mul3A_598 : i32 to index
        %get3A_604 = tpu.vector_load %arg12[%get3A_601, %get3A_602, %get3A_603] {strides = array<i32>} : memref<2x8x512xf32, #tpu.memory_space<vmem>>, vector<16xf32>,
        %mul3A_605 = arith.mulf %get3A_604, %gather3A_244 : vector<16xf32>
        %mul3A_606 = arith.constant 16 : i32
        %mul3A_607 = arith.muli %add3A_596, %mul3A_606 : i32
        %swap3A_608 = arith.constant 0 : i32
        %swap3A_609 = arith.constant 5 : i32
        %swap3A_610 = arith.index_cast %swap3A_608 : i32 to index
        %swap3A_611 = arith.index_cast %swap3A_609 : i32 to index
        %swap3A_612 = arith.index_cast %mul3A_607 : i32 to index
        %swap3A_613 = tpu.vector_load %arg14[%swap3A_610, %swap3A_611, %swap3A_612] {strides = array<i32>} : memref<2x8x512xf32, #tpu.memory_space<vmem>>, vector<16xf32>,
        tpu.vector_store %arg14[%swap3A_610, %swap3A_611, %swap3A_612], %mul3A_605 {strides = array<i32>} : memref<2x8x512xf32, #tpu.memory_space<vmem>>, vector<16xf32>,
        %mul3A_614 = arith.constant 8 : i32
        %mul3A_615 = arith.muli %scan3A_489, %mul3A_614 : i32
        %add3A_616 = arith.constant 6 : i32
        %add3A_617 = arith.addi %mul3A_615, %add3A_616 : i32
        %mul3A_618 = arith.constant 16 : i32
        %mul3A_619 = arith.muli %add3A_617, %mul3A_618 : i32
        %get3A_620 = arith.constant 0 : i32
        %get3A_621 = arith.constant 5 : i32
        %get3A_622 = arith.index_cast %get3A_620 : i32 to index
        %get3A_623 = arith.index_cast %get3A_621 : i32 to index
        %get3A_624 = arith.index_cast %mul3A_619 : i32 to index
        %get3A_625 = tpu.vector_load %arg12[%get3A_622, %get3A_623, %get3A_624] {strides = array<i32>} : memref<2x8x512xf32, #tpu.memory_space<vmem>>, vector<16xf32>,
        %mul3A_626 = arith.mulf %get3A_625, %gather3A_244 : vector<16xf32>
        %mul3A_627 = arith.constant 16 : i32
        %mul3A_628 = arith.muli %add3A_617, %mul3A_627 : i32
        %swap3A_629 = arith.constant 0 : i32
        %swap3A_630 = arith.constant 5 : i32
        %swap3A_631 = arith.index_cast %swap3A_629 : i32 to index
        %swap3A_632 = arith.index_cast %swap3A_630 : i32 to index
        %swap3A_633 = arith.index_cast %mul3A_628 : i32 to index
        %swap3A_634 = tpu.vector_load %arg14[%swap3A_631, %swap3A_632, %swap3A_633] {strides = array<i32>} : memref<2x8x512xf32, #tpu.memory_space<vmem>>, vector<16xf32>,
        tpu.vector_store %arg14[%swap3A_631, %swap3A_632, %swap3A_633], %mul3A_626 {strides = array<i32>} : memref<2x8x512xf32, #tpu.memory_space<vmem>>, vector<16xf32>,
        %mul3A_635 = arith.constant 8 : i32
        %mul3A_636 = arith.muli %scan3A_489, %mul3A_635 : i32
        %add3A_637 = arith.constant 7 : i32
        %add3A_638 = arith.addi %mul3A_636, %add3A_637 : i32
        %mul3A_639 = arith.constant 16 : i32
        %mul3A_640 = arith.muli %add3A_638, %mul3A_639 : i32
        %get3A_641 = arith.constant 0 : i32
        %get3A_642 = arith.constant 5 : i32
        %get3A_643 = arith.index_cast %get3A_641 : i32 to index
        %get3A_644 = arith.index_cast %get3A_642 : i32 to index
        %get3A_645 = arith.index_cast %mul3A_640 : i32 to index
        %get3A_646 = tpu.vector_load %arg12[%get3A_643, %get3A_644, %get3A_645] {strides = array<i32>} : memref<2x8x512xf32, #tpu.memory_space<vmem>>, vector<16xf32>,
        %mul3A_647 = arith.mulf %get3A_646, %gather3A_244 : vector<16xf32>
        %mul3A_648 = arith.constant 16 : i32
        %mul3A_649 = arith.muli %add3A_638, %mul3A_648 : i32
        %swap3A_650 = arith.constant 0 : i32
        %swap3A_651 = arith.constant 5 : i32
        %swap3A_652 = arith.index_cast %swap3A_650 : i32 to index
        %swap3A_653 = arith.index_cast %swap3A_651 : i32 to index
        %swap3A_654 = arith.index_cast %mul3A_649 : i32 to index
        %swap3A_655 = tpu.vector_load %arg14[%swap3A_652, %swap3A_653, %swap3A_654] {strides = array<i32>} : memref<2x8x512xf32, #tpu.memory_space<vmem>>, vector<16xf32>,
        tpu.vector_store %arg14[%swap3A_652, %swap3A_653, %swap3A_654], %mul3A_647 {strides = array<i32>} : memref<2x8x512xf32, #tpu.memory_space<vmem>>, vector<16xf32>,
      }
      %scan3A_250 = arith.constant 4 : i32
      %mul3A_251 = arith.constant 8 : i32
      %mul3A_252 = arith.muli %add3A_127, %mul3A_251 : i32
      %add3A_253 = arith.constant 6 : i32
      %add3A_254 = arith.addi %mul3A_252, %add3A_253 : i32
      %broadcast_in_dim3A_255 = vector.broadcast %add3A_254 : i32 to vector<16xi32>
      %gather3A_256 = tpu.vector_load_idx %arg10[%broadcast_in_dim3A_255] : memref<256xf32, #tpu.memory_space<vmem>>[vector<16xi32>], vector<16xf32>,
      %scan3A_257 = arith.constant 0 : i32
      %scan3A_258 = arith.constant 0 : i32
      %scan3A_259 = arith.constant 4 : i32
      %scan3A_260 = arith.addi %scan3A_258, %scan3A_259 : i32
      %scan3A_261 = arith.constant 1 : i32
      scf.for %scan3A_489 = %scan3A_258 to %scan3A_260 step %scan3A_261  : i32 {
        %mul3A_490 = arith.constant 8 : i32
        %mul3A_491 = arith.muli %scan3A_489, %mul3A_490 : i32
        %add3A_492 = arith.constant 0 : i32
        %add3A_493 = arith.addi %mul3A_491, %add3A_492 : i32
        %mul3A_494 = arith.constant 16 : i32
        %mul3A_495 = arith.muli %add3A_493, %mul3A_494 : i32
        %get3A = arith.constant 0 : i32
        %get3A_496 = arith.constant 6 : i32
        %get3A_497 = arith.index_cast %get3A : i32 to index
        %get3A_498 = arith.index_cast %get3A_496 : i32 to index
        %get3A_499 = arith.index_cast %mul3A_495 : i32 to index
        %get3A_500 = tpu.vector_load %arg12[%get3A_497, %get3A_498, %get3A_499] {strides = array<i32>} : memref<2x8x512xf32, #tpu.memory_space<vmem>>, vector<16xf32>,
        %mul3A_501 = arith.mulf %get3A_500, %gather3A_256 : vector<16xf32>
        %mul3A_502 = arith.constant 16 : i32
        %mul3A_503 = arith.muli %add3A_493, %mul3A_502 : i32
        %swap3A = arith.constant 0 : i32
        %swap3A_504 = arith.constant 6 : i32
        %swap3A_505 = arith.index_cast %swap3A : i32 to index
        %swap3A_506 = arith.index_cast %swap3A_504 : i32 to index
        %swap3A_507 = arith.index_cast %mul3A_503 : i32 to index
        %swap3A_508 = tpu.vector_load %arg14[%swap3A_505, %swap3A_506, %swap3A_507] {strides = array<i32>} : memref<2x8x512xf32, #tpu.memory_space<vmem>>, vector<16xf32>,
        tpu.vector_store %arg14[%swap3A_505, %swap3A_506, %swap3A_507], %mul3A_501 {strides = array<i32>} : memref<2x8x512xf32, #tpu.memory_space<vmem>>, vector<16xf32>,
        %mul3A_509 = arith.constant 8 : i32
        %mul3A_510 = arith.muli %scan3A_489, %mul3A_509 : i32
        %add3A_511 = arith.constant 1 : i32
        %add3A_512 = arith.addi %mul3A_510, %add3A_511 : i32
        %mul3A_513 = arith.constant 16 : i32
        %mul3A_514 = arith.muli %add3A_512, %mul3A_513 : i32
        %get3A_515 = arith.constant 0 : i32
        %get3A_516 = arith.constant 6 : i32
        %get3A_517 = arith.index_cast %get3A_515 : i32 to index
        %get3A_518 = arith.index_cast %get3A_516 : i32 to index
        %get3A_519 = arith.index_cast %mul3A_514 : i32 to index
        %get3A_520 = tpu.vector_load %arg12[%get3A_517, %get3A_518, %get3A_519] {strides = array<i32>} : memref<2x8x512xf32, #tpu.memory_space<vmem>>, vector<16xf32>,
        %mul3A_521 = arith.mulf %get3A_520, %gather3A_256 : vector<16xf32>
        %mul3A_522 = arith.constant 16 : i32
        %mul3A_523 = arith.muli %add3A_512, %mul3A_522 : i32
        %swap3A_524 = arith.constant 0 : i32
        %swap3A_525 = arith.constant 6 : i32
        %swap3A_526 = arith.index_cast %swap3A_524 : i32 to index
        %swap3A_527 = arith.index_cast %swap3A_525 : i32 to index
        %swap3A_528 = arith.index_cast %mul3A_523 : i32 to index
        %swap3A_529 = tpu.vector_load %arg14[%swap3A_526, %swap3A_527, %swap3A_528] {strides = array<i32>} : memref<2x8x512xf32, #tpu.memory_space<vmem>>, vector<16xf32>,
        tpu.vector_store %arg14[%swap3A_526, %swap3A_527, %swap3A_528], %mul3A_521 {strides = array<i32>} : memref<2x8x512xf32, #tpu.memory_space<vmem>>, vector<16xf32>,
        %mul3A_530 = arith.constant 8 : i32
        %mul3A_531 = arith.muli %scan3A_489, %mul3A_530 : i32
        %add3A_532 = arith.constant 2 : i32
        %add3A_533 = arith.addi %mul3A_531, %add3A_532 : i32
        %mul3A_534 = arith.constant 16 : i32
        %mul3A_535 = arith.muli %add3A_533, %mul3A_534 : i32
        %get3A_536 = arith.constant 0 : i32
        %get3A_537 = arith.constant 6 : i32
        %get3A_538 = arith.index_cast %get3A_536 : i32 to index
        %get3A_539 = arith.index_cast %get3A_537 : i32 to index
        %get3A_540 = arith.index_cast %mul3A_535 : i32 to index
        %get3A_541 = tpu.vector_load %arg12[%get3A_538, %get3A_539, %get3A_540] {strides = array<i32>} : memref<2x8x512xf32, #tpu.memory_space<vmem>>, vector<16xf32>,
        %mul3A_542 = arith.mulf %get3A_541, %gather3A_256 : vector<16xf32>
        %mul3A_543 = arith.constant 16 : i32
        %mul3A_544 = arith.muli %add3A_533, %mul3A_543 : i32
        %swap3A_545 = arith.constant 0 : i32
        %swap3A_546 = arith.constant 6 : i32
        %swap3A_547 = arith.index_cast %swap3A_545 : i32 to index
        %swap3A_548 = arith.index_cast %swap3A_546 : i32 to index
        %swap3A_549 = arith.index_cast %mul3A_544 : i32 to index
        %swap3A_550 = tpu.vector_load %arg14[%swap3A_547, %swap3A_548, %swap3A_549] {strides = array<i32>} : memref<2x8x512xf32, #tpu.memory_space<vmem>>, vector<16xf32>,
        tpu.vector_store %arg14[%swap3A_547, %swap3A_548, %swap3A_549], %mul3A_542 {strides = array<i32>} : memref<2x8x512xf32, #tpu.memory_space<vmem>>, vector<16xf32>,
        %mul3A_551 = arith.constant 8 : i32
        %mul3A_552 = arith.muli %scan3A_489, %mul3A_551 : i32
        %add3A_553 = arith.constant 3 : i32
        %add3A_554 = arith.addi %mul3A_552, %add3A_553 : i32
        %mul3A_555 = arith.constant 16 : i32
        %mul3A_556 = arith.muli %add3A_554, %mul3A_555 : i32
        %get3A_557 = arith.constant 0 : i32
        %get3A_558 = arith.constant 6 : i32
        %get3A_559 = arith.index_cast %get3A_557 : i32 to index
        %get3A_560 = arith.index_cast %get3A_558 : i32 to index
        %get3A_561 = arith.index_cast %mul3A_556 : i32 to index
        %get3A_562 = tpu.vector_load %arg12[%get3A_559, %get3A_560, %get3A_561] {strides = array<i32>} : memref<2x8x512xf32, #tpu.memory_space<vmem>>, vector<16xf32>,
        %mul3A_563 = arith.mulf %get3A_562, %gather3A_256 : vector<16xf32>
        %mul3A_564 = arith.constant 16 : i32
        %mul3A_565 = arith.muli %add3A_554, %mul3A_564 : i32
        %swap3A_566 = arith.constant 0 : i32
        %swap3A_567 = arith.constant 6 : i32
        %swap3A_568 = arith.index_cast %swap3A_566 : i32 to index
        %swap3A_569 = arith.index_cast %swap3A_567 : i32 to index
        %swap3A_570 = arith.index_cast %mul3A_565 : i32 to index
        %swap3A_571 = tpu.vector_load %arg14[%swap3A_568, %swap3A_569, %swap3A_570] {strides = array<i32>} : memref<2x8x512xf32, #tpu.memory_space<vmem>>, vector<16xf32>,
        tpu.vector_store %arg14[%swap3A_568, %swap3A_569, %swap3A_570], %mul3A_563 {strides = array<i32>} : memref<2x8x512xf32, #tpu.memory_space<vmem>>, vector<16xf32>,
        %mul3A_572 = arith.constant 8 : i32
        %mul3A_573 = arith.muli %scan3A_489, %mul3A_572 : i32
        %add3A_574 = arith.constant 4 : i32
        %add3A_575 = arith.addi %mul3A_573, %add3A_574 : i32
        %mul3A_576 = arith.constant 16 : i32
        %mul3A_577 = arith.muli %add3A_575, %mul3A_576 : i32
        %get3A_578 = arith.constant 0 : i32
        %get3A_579 = arith.constant 6 : i32
        %get3A_580 = arith.index_cast %get3A_578 : i32 to index
        %get3A_581 = arith.index_cast %get3A_579 : i32 to index
        %get3A_582 = arith.index_cast %mul3A_577 : i32 to index
        %get3A_583 = tpu.vector_load %arg12[%get3A_580, %get3A_581, %get3A_582] {strides = array<i32>} : memref<2x8x512xf32, #tpu.memory_space<vmem>>, vector<16xf32>,
        %mul3A_584 = arith.mulf %get3A_583, %gather3A_256 : vector<16xf32>
        %mul3A_585 = arith.constant 16 : i32
        %mul3A_586 = arith.muli %add3A_575, %mul3A_585 : i32
        %swap3A_587 = arith.constant 0 : i32
        %swap3A_588 = arith.constant 6 : i32
        %swap3A_589 = arith.index_cast %swap3A_587 : i32 to index
        %swap3A_590 = arith.index_cast %swap3A_588 : i32 to index
        %swap3A_591 = arith.index_cast %mul3A_586 : i32 to index
        %swap3A_592 = tpu.vector_load %arg14[%swap3A_589, %swap3A_590, %swap3A_591] {strides = array<i32>} : memref<2x8x512xf32, #tpu.memory_space<vmem>>, vector<16xf32>,
        tpu.vector_store %arg14[%swap3A_589, %swap3A_590, %swap3A_591], %mul3A_584 {strides = array<i32>} : memref<2x8x512xf32, #tpu.memory_space<vmem>>, vector<16xf32>,
        %mul3A_593 = arith.constant 8 : i32
        %mul3A_594 = arith.muli %scan3A_489, %mul3A_593 : i32
        %add3A_595 = arith.constant 5 : i32
        %add3A_596 = arith.addi %mul3A_594, %add3A_595 : i32
        %mul3A_597 = arith.constant 16 : i32
        %mul3A_598 = arith.muli %add3A_596, %mul3A_597 : i32
        %get3A_599 = arith.constant 0 : i32
        %get3A_600 = arith.constant 6 : i32
        %get3A_601 = arith.index_cast %get3A_599 : i32 to index
        %get3A_602 = arith.index_cast %get3A_600 : i32 to index
        %get3A_603 = arith.index_cast %mul3A_598 : i32 to index
        %get3A_604 = tpu.vector_load %arg12[%get3A_601, %get3A_602, %get3A_603] {strides = array<i32>} : memref<2x8x512xf32, #tpu.memory_space<vmem>>, vector<16xf32>,
        %mul3A_605 = arith.mulf %get3A_604, %gather3A_256 : vector<16xf32>
        %mul3A_606 = arith.constant 16 : i32
        %mul3A_607 = arith.muli %add3A_596, %mul3A_606 : i32
        %swap3A_608 = arith.constant 0 : i32
        %swap3A_609 = arith.constant 6 : i32
        %swap3A_610 = arith.index_cast %swap3A_608 : i32 to index
        %swap3A_611 = arith.index_cast %swap3A_609 : i32 to index
        %swap3A_612 = arith.index_cast %mul3A_607 : i32 to index
        %swap3A_613 = tpu.vector_load %arg14[%swap3A_610, %swap3A_611, %swap3A_612] {strides = array<i32>} : memref<2x8x512xf32, #tpu.memory_space<vmem>>, vector<16xf32>,
        tpu.vector_store %arg14[%swap3A_610, %swap3A_611, %swap3A_612], %mul3A_605 {strides = array<i32>} : memref<2x8x512xf32, #tpu.memory_space<vmem>>, vector<16xf32>,
        %mul3A_614 = arith.constant 8 : i32
        %mul3A_615 = arith.muli %scan3A_489, %mul3A_614 : i32
        %add3A_616 = arith.constant 6 : i32
        %add3A_617 = arith.addi %mul3A_615, %add3A_616 : i32
        %mul3A_618 = arith.constant 16 : i32
        %mul3A_619 = arith.muli %add3A_617, %mul3A_618 : i32
        %get3A_620 = arith.constant 0 : i32
        %get3A_621 = arith.constant 6 : i32
        %get3A_622 = arith.index_cast %get3A_620 : i32 to index
        %get3A_623 = arith.index_cast %get3A_621 : i32 to index
        %get3A_624 = arith.index_cast %mul3A_619 : i32 to index
        %get3A_625 = tpu.vector_load %arg12[%get3A_622, %get3A_623, %get3A_624] {strides = array<i32>} : memref<2x8x512xf32, #tpu.memory_space<vmem>>, vector<16xf32>,
        %mul3A_626 = arith.mulf %get3A_625, %gather3A_256 : vector<16xf32>
        %mul3A_627 = arith.constant 16 : i32
        %mul3A_628 = arith.muli %add3A_617, %mul3A_627 : i32
        %swap3A_629 = arith.constant 0 : i32
        %swap3A_630 = arith.constant 6 : i32
        %swap3A_631 = arith.index_cast %swap3A_629 : i32 to index
        %swap3A_632 = arith.index_cast %swap3A_630 : i32 to index
        %swap3A_633 = arith.index_cast %mul3A_628 : i32 to index
        %swap3A_634 = tpu.vector_load %arg14[%swap3A_631, %swap3A_632, %swap3A_633] {strides = array<i32>} : memref<2x8x512xf32, #tpu.memory_space<vmem>>, vector<16xf32>,
        tpu.vector_store %arg14[%swap3A_631, %swap3A_632, %swap3A_633], %mul3A_626 {strides = array<i32>} : memref<2x8x512xf32, #tpu.memory_space<vmem>>, vector<16xf32>,
        %mul3A_635 = arith.constant 8 : i32
        %mul3A_636 = arith.muli %scan3A_489, %mul3A_635 : i32
        %add3A_637 = arith.constant 7 : i32
        %add3A_638 = arith.addi %mul3A_636, %add3A_637 : i32
        %mul3A_639 = arith.constant 16 : i32
        %mul3A_640 = arith.muli %add3A_638, %mul3A_639 : i32
        %get3A_641 = arith.constant 0 : i32
        %get3A_642 = arith.constant 6 : i32
        %get3A_643 = arith.index_cast %get3A_641 : i32 to index
        %get3A_644 = arith.index_cast %get3A_642 : i32 to index
        %get3A_645 = arith.index_cast %mul3A_640 : i32 to index
        %get3A_646 = tpu.vector_load %arg12[%get3A_643, %get3A_644, %get3A_645] {strides = array<i32>} : memref<2x8x512xf32, #tpu.memory_space<vmem>>, vector<16xf32>,
        %mul3A_647 = arith.mulf %get3A_646, %gather3A_256 : vector<16xf32>
        %mul3A_648 = arith.constant 16 : i32
        %mul3A_649 = arith.muli %add3A_638, %mul3A_648 : i32
        %swap3A_650 = arith.constant 0 : i32
        %swap3A_651 = arith.constant 6 : i32
        %swap3A_652 = arith.index_cast %swap3A_650 : i32 to index
        %swap3A_653 = arith.index_cast %swap3A_651 : i32 to index
        %swap3A_654 = arith.index_cast %mul3A_649 : i32 to index
        %swap3A_655 = tpu.vector_load %arg14[%swap3A_652, %swap3A_653, %swap3A_654] {strides = array<i32>} : memref<2x8x512xf32, #tpu.memory_space<vmem>>, vector<16xf32>,
        tpu.vector_store %arg14[%swap3A_652, %swap3A_653, %swap3A_654], %mul3A_647 {strides = array<i32>} : memref<2x8x512xf32, #tpu.memory_space<vmem>>, vector<16xf32>,
      }
      %scan3A_262 = arith.constant 4 : i32
      %mul3A_263 = arith.constant 8 : i32
      %mul3A_264 = arith.muli %add3A_127, %mul3A_263 : i32
      %add3A_265 = arith.constant 7 : i32
      %add3A_266 = arith.addi %mul3A_264, %add3A_265 : i32
      %broadcast_in_dim3A_267 = vector.broadcast %add3A_266 : i32 to vector<16xi32>
      %gather3A_268 = tpu.vector_load_idx %arg10[%broadcast_in_dim3A_267] : memref<256xf32, #tpu.memory_space<vmem>>[vector<16xi32>], vector<16xf32>,
      %scan3A_269 = arith.constant 0 : i32
      %scan3A_270 = arith.constant 0 : i32
      %scan3A_271 = arith.constant 4 : i32
      %scan3A_272 = arith.addi %scan3A_270, %scan3A_271 : i32
      %scan3A_273 = arith.constant 1 : i32
      scf.for %scan3A_489 = %scan3A_270 to %scan3A_272 step %scan3A_273  : i32 {
        %mul3A_490 = arith.constant 8 : i32
        %mul3A_491 = arith.muli %scan3A_489, %mul3A_490 : i32
        %add3A_492 = arith.constant 0 : i32
        %add3A_493 = arith.addi %mul3A_491, %add3A_492 : i32
        %mul3A_494 = arith.constant 16 : i32
        %mul3A_495 = arith.muli %add3A_493, %mul3A_494 : i32
        %get3A = arith.constant 0 : i32
        %get3A_496 = arith.constant 7 : i32
        %get3A_497 = arith.index_cast %get3A : i32 to index
        %get3A_498 = arith.index_cast %get3A_496 : i32 to index
        %get3A_499 = arith.index_cast %mul3A_495 : i32 to index
        %get3A_500 = tpu.vector_load %arg12[%get3A_497, %get3A_498, %get3A_499] {strides = array<i32>} : memref<2x8x512xf32, #tpu.memory_space<vmem>>, vector<16xf32>,
        %mul3A_501 = arith.mulf %get3A_500, %gather3A_268 : vector<16xf32>
        %mul3A_502 = arith.constant 16 : i32
        %mul3A_503 = arith.muli %add3A_493, %mul3A_502 : i32
        %swap3A = arith.constant 0 : i32
        %swap3A_504 = arith.constant 7 : i32
        %swap3A_505 = arith.index_cast %swap3A : i32 to index
        %swap3A_506 = arith.index_cast %swap3A_504 : i32 to index
        %swap3A_507 = arith.index_cast %mul3A_503 : i32 to index
        %swap3A_508 = tpu.vector_load %arg14[%swap3A_505, %swap3A_506, %swap3A_507] {strides = array<i32>} : memref<2x8x512xf32, #tpu.memory_space<vmem>>, vector<16xf32>,
        tpu.vector_store %arg14[%swap3A_505, %swap3A_506, %swap3A_507], %mul3A_501 {strides = array<i32>} : memref<2x8x512xf32, #tpu.memory_space<vmem>>, vector<16xf32>,
        %mul3A_509 = arith.constant 8 : i32
        %mul3A_510 = arith.muli %scan3A_489, %mul3A_509 : i32
        %add3A_511 = arith.constant 1 : i32
        %add3A_512 = arith.addi %mul3A_510, %add3A_511 : i32
        %mul3A_513 = arith.constant 16 : i32
        %mul3A_514 = arith.muli %add3A_512, %mul3A_513 : i32
        %get3A_515 = arith.constant 0 : i32
        %get3A_516 = arith.constant 7 : i32
        %get3A_517 = arith.index_cast %get3A_515 : i32 to index
        %get3A_518 = arith.index_cast %get3A_516 : i32 to index
        %get3A_519 = arith.index_cast %mul3A_514 : i32 to index
        %get3A_520 = tpu.vector_load %arg12[%get3A_517, %get3A_518, %get3A_519] {strides = array<i32>} : memref<2x8x512xf32, #tpu.memory_space<vmem>>, vector<16xf32>,
        %mul3A_521 = arith.mulf %get3A_520, %gather3A_268 : vector<16xf32>
        %mul3A_522 = arith.constant 16 : i32
        %mul3A_523 = arith.muli %add3A_512, %mul3A_522 : i32
        %swap3A_524 = arith.constant 0 : i32
        %swap3A_525 = arith.constant 7 : i32
        %swap3A_526 = arith.index_cast %swap3A_524 : i32 to index
        %swap3A_527 = arith.index_cast %swap3A_525 : i32 to index
        %swap3A_528 = arith.index_cast %mul3A_523 : i32 to index
        %swap3A_529 = tpu.vector_load %arg14[%swap3A_526, %swap3A_527, %swap3A_528] {strides = array<i32>} : memref<2x8x512xf32, #tpu.memory_space<vmem>>, vector<16xf32>,
        tpu.vector_store %arg14[%swap3A_526, %swap3A_527, %swap3A_528], %mul3A_521 {strides = array<i32>} : memref<2x8x512xf32, #tpu.memory_space<vmem>>, vector<16xf32>,
        %mul3A_530 = arith.constant 8 : i32
        %mul3A_531 = arith.muli %scan3A_489, %mul3A_530 : i32
        %add3A_532 = arith.constant 2 : i32
        %add3A_533 = arith.addi %mul3A_531, %add3A_532 : i32
        %mul3A_534 = arith.constant 16 : i32
        %mul3A_535 = arith.muli %add3A_533, %mul3A_534 : i32
        %get3A_536 = arith.constant 0 : i32
        %get3A_537 = arith.constant 7 : i32
        %get3A_538 = arith.index_cast %get3A_536 : i32 to index
        %get3A_539 = arith.index_cast %get3A_537 : i32 to index
        %get3A_540 = arith.index_cast %mul3A_535 : i32 to index
        %get3A_541 = tpu.vector_load %arg12[%get3A_538, %get3A_539, %get3A_540] {strides = array<i32>} : memref<2x8x512xf32, #tpu.memory_space<vmem>>, vector<16xf32>,
        %mul3A_542 = arith.mulf %get3A_541, %gather3A_268 : vector<16xf32>
        %mul3A_543 = arith.constant 16 : i32
        %mul3A_544 = arith.muli %add3A_533, %mul3A_543 : i32
        %swap3A_545 = arith.constant 0 : i32
        %swap3A_546 = arith.constant 7 : i32
        %swap3A_547 = arith.index_cast %swap3A_545 : i32 to index
        %swap3A_548 = arith.index_cast %swap3A_546 : i32 to index
        %swap3A_549 = arith.index_cast %mul3A_544 : i32 to index
        %swap3A_550 = tpu.vector_load %arg14[%swap3A_547, %swap3A_548, %swap3A_549] {strides = array<i32>} : memref<2x8x512xf32, #tpu.memory_space<vmem>>, vector<16xf32>,
        tpu.vector_store %arg14[%swap3A_547, %swap3A_548, %swap3A_549], %mul3A_542 {strides = array<i32>} : memref<2x8x512xf32, #tpu.memory_space<vmem>>, vector<16xf32>,
        %mul3A_551 = arith.constant 8 : i32
        %mul3A_552 = arith.muli %scan3A_489, %mul3A_551 : i32
        %add3A_553 = arith.constant 3 : i32
        %add3A_554 = arith.addi %mul3A_552, %add3A_553 : i32
        %mul3A_555 = arith.constant 16 : i32
        %mul3A_556 = arith.muli %add3A_554, %mul3A_555 : i32
        %get3A_557 = arith.constant 0 : i32
        %get3A_558 = arith.constant 7 : i32
        %get3A_559 = arith.index_cast %get3A_557 : i32 to index
        %get3A_560 = arith.index_cast %get3A_558 : i32 to index
        %get3A_561 = arith.index_cast %mul3A_556 : i32 to index
        %get3A_562 = tpu.vector_load %arg12[%get3A_559, %get3A_560, %get3A_561] {strides = array<i32>} : memref<2x8x512xf32, #tpu.memory_space<vmem>>, vector<16xf32>,
        %mul3A_563 = arith.mulf %get3A_562, %gather3A_268 : vector<16xf32>
        %mul3A_564 = arith.constant 16 : i32
        %mul3A_565 = arith.muli %add3A_554, %mul3A_564 : i32
        %swap3A_566 = arith.constant 0 : i32
        %swap3A_567 = arith.constant 7 : i32
        %swap3A_568 = arith.index_cast %swap3A_566 : i32 to index
        %swap3A_569 = arith.index_cast %swap3A_567 : i32 to index
        %swap3A_570 = arith.index_cast %mul3A_565 : i32 to index
        %swap3A_571 = tpu.vector_load %arg14[%swap3A_568, %swap3A_569, %swap3A_570] {strides = array<i32>} : memref<2x8x512xf32, #tpu.memory_space<vmem>>, vector<16xf32>,
        tpu.vector_store %arg14[%swap3A_568, %swap3A_569, %swap3A_570], %mul3A_563 {strides = array<i32>} : memref<2x8x512xf32, #tpu.memory_space<vmem>>, vector<16xf32>,
        %mul3A_572 = arith.constant 8 : i32
        %mul3A_573 = arith.muli %scan3A_489, %mul3A_572 : i32
        %add3A_574 = arith.constant 4 : i32
        %add3A_575 = arith.addi %mul3A_573, %add3A_574 : i32
        %mul3A_576 = arith.constant 16 : i32
        %mul3A_577 = arith.muli %add3A_575, %mul3A_576 : i32
        %get3A_578 = arith.constant 0 : i32
        %get3A_579 = arith.constant 7 : i32
        %get3A_580 = arith.index_cast %get3A_578 : i32 to index
        %get3A_581 = arith.index_cast %get3A_579 : i32 to index
        %get3A_582 = arith.index_cast %mul3A_577 : i32 to index
        %get3A_583 = tpu.vector_load %arg12[%get3A_580, %get3A_581, %get3A_582] {strides = array<i32>} : memref<2x8x512xf32, #tpu.memory_space<vmem>>, vector<16xf32>,
        %mul3A_584 = arith.mulf %get3A_583, %gather3A_268 : vector<16xf32>
        %mul3A_585 = arith.constant 16 : i32
        %mul3A_586 = arith.muli %add3A_575, %mul3A_585 : i32
        %swap3A_587 = arith.constant 0 : i32
        %swap3A_588 = arith.constant 7 : i32
        %swap3A_589 = arith.index_cast %swap3A_587 : i32 to index
        %swap3A_590 = arith.index_cast %swap3A_588 : i32 to index
        %swap3A_591 = arith.index_cast %mul3A_586 : i32 to index
        %swap3A_592 = tpu.vector_load %arg14[%swap3A_589, %swap3A_590, %swap3A_591] {strides = array<i32>} : memref<2x8x512xf32, #tpu.memory_space<vmem>>, vector<16xf32>,
        tpu.vector_store %arg14[%swap3A_589, %swap3A_590, %swap3A_591], %mul3A_584 {strides = array<i32>} : memref<2x8x512xf32, #tpu.memory_space<vmem>>, vector<16xf32>,
        %mul3A_593 = arith.constant 8 : i32
        %mul3A_594 = arith.muli %scan3A_489, %mul3A_593 : i32
        %add3A_595 = arith.constant 5 : i32
        %add3A_596 = arith.addi %mul3A_594, %add3A_595 : i32
        %mul3A_597 = arith.constant 16 : i32
        %mul3A_598 = arith.muli %add3A_596, %mul3A_597 : i32
        %get3A_599 = arith.constant 0 : i32
        %get3A_600 = arith.constant 7 : i32
        %get3A_601 = arith.index_cast %get3A_599 : i32 to index
        %get3A_602 = arith.index_cast %get3A_600 : i32 to index
        %get3A_603 = arith.index_cast %mul3A_598 : i32 to index
        %get3A_604 = tpu.vector_load %arg12[%get3A_601, %get3A_602, %get3A_603] {strides = array<i32>} : memref<2x8x512xf32, #tpu.memory_space<vmem>>, vector<16xf32>,
        %mul3A_605 = arith.mulf %get3A_604, %gather3A_268 : vector<16xf32>
        %mul3A_606 = arith.constant 16 : i32
        %mul3A_607 = arith.muli %add3A_596, %mul3A_606 : i32
        %swap3A_608 = arith.constant 0 : i32
        %swap3A_609 = arith.constant 7 : i32
        %swap3A_610 = arith.index_cast %swap3A_608 : i32 to index
        %swap3A_611 = arith.index_cast %swap3A_609 : i32 to index
        %swap3A_612 = arith.index_cast %mul3A_607 : i32 to index
        %swap3A_613 = tpu.vector_load %arg14[%swap3A_610, %swap3A_611, %swap3A_612] {strides = array<i32>} : memref<2x8x512xf32, #tpu.memory_space<vmem>>, vector<16xf32>,
        tpu.vector_store %arg14[%swap3A_610, %swap3A_611, %swap3A_612], %mul3A_605 {strides = array<i32>} : memref<2x8x512xf32, #tpu.memory_space<vmem>>, vector<16xf32>,
        %mul3A_614 = arith.constant 8 : i32
        %mul3A_615 = arith.muli %scan3A_489, %mul3A_614 : i32
        %add3A_616 = arith.constant 6 : i32
        %add3A_617 = arith.addi %mul3A_615, %add3A_616 : i32
        %mul3A_618 = arith.constant 16 : i32
        %mul3A_619 = arith.muli %add3A_617, %mul3A_618 : i32
        %get3A_620 = arith.constant 0 : i32
        %get3A_621 = arith.constant 7 : i32
        %get3A_622 = arith.index_cast %get3A_620 : i32 to index
        %get3A_623 = arith.index_cast %get3A_621 : i32 to index
        %get3A_624 = arith.index_cast %mul3A_619 : i32 to index
        %get3A_625 = tpu.vector_load %arg12[%get3A_622, %get3A_623, %get3A_624] {strides = array<i32>} : memref<2x8x512xf32, #tpu.memory_space<vmem>>, vector<16xf32>,
        %mul3A_626 = arith.mulf %get3A_625, %gather3A_268 : vector<16xf32>
        %mul3A_627 = arith.constant 16 : i32
        %mul3A_628 = arith.muli %add3A_617, %mul3A_627 : i32
        %swap3A_629 = arith.constant 0 : i32
        %swap3A_630 = arith.constant 7 : i32
        %swap3A_631 = arith.index_cast %swap3A_629 : i32 to index
        %swap3A_632 = arith.index_cast %swap3A_630 : i32 to index
        %swap3A_633 = arith.index_cast %mul3A_628 : i32 to index
        %swap3A_634 = tpu.vector_load %arg14[%swap3A_631, %swap3A_632, %swap3A_633] {strides = array<i32>} : memref<2x8x512xf32, #tpu.memory_space<vmem>>, vector<16xf32>,
        tpu.vector_store %arg14[%swap3A_631, %swap3A_632, %swap3A_633], %mul3A_626 {strides = array<i32>} : memref<2x8x512xf32, #tpu.memory_space<vmem>>, vector<16xf32>,
        %mul3A_635 = arith.constant 8 : i32
        %mul3A_636 = arith.muli %scan3A_489, %mul3A_635 : i32
        %add3A_637 = arith.constant 7 : i32
        %add3A_638 = arith.addi %mul3A_636, %add3A_637 : i32
        %mul3A_639 = arith.constant 16 : i32
        %mul3A_640 = arith.muli %add3A_638, %mul3A_639 : i32
        %get3A_641 = arith.constant 0 : i32
        %get3A_642 = arith.constant 7 : i32
        %get3A_643 = arith.index_cast %get3A_641 : i32 to index
        %get3A_644 = arith.index_cast %get3A_642 : i32 to index
        %get3A_645 = arith.index_cast %mul3A_640 : i32 to index
        %get3A_646 = tpu.vector_load %arg12[%get3A_643, %get3A_644, %get3A_645] {strides = array<i32>} : memref<2x8x512xf32, #tpu.memory_space<vmem>>, vector<16xf32>,
        %mul3A_647 = arith.mulf %get3A_646, %gather3A_268 : vector<16xf32>
        %mul3A_648 = arith.constant 16 : i32
        %mul3A_649 = arith.muli %add3A_638, %mul3A_648 : i32
        %swap3A_650 = arith.constant 0 : i32
        %swap3A_651 = arith.constant 7 : i32
        %swap3A_652 = arith.index_cast %swap3A_650 : i32 to index
        %swap3A_653 = arith.index_cast %swap3A_651 : i32 to index
        %swap3A_654 = arith.index_cast %mul3A_649 : i32 to index
        %swap3A_655 = tpu.vector_load %arg14[%swap3A_652, %swap3A_653, %swap3A_654] {strides = array<i32>} : memref<2x8x512xf32, #tpu.memory_space<vmem>>, vector<16xf32>,
        tpu.vector_store %arg14[%swap3A_652, %swap3A_653, %swap3A_654], %mul3A_647 {strides = array<i32>} : memref<2x8x512xf32, #tpu.memory_space<vmem>>, vector<16xf32>,
      }
      %scan3A_274 = arith.constant 4 : i32
      %mul3A_275 = arith.constant 8 : i32
      %mul3A_276 = arith.muli %add3A_127, %mul3A_275 : i32
      %add3A_277 = arith.addi %add3A_35, %mul3A_276 : i32
      %dma_start3A_278 = arith.constant 0 : i32
      %dma_start3A_279 = arith.constant 0 : i32
      %dma_start3A_280 = arith.constant 0 : i32
      %dma_start3A_281 = tpu.memref_slice %arg13[%dma_start3A_278, %dma_start3A_279, %dma_start3A_280] : memref<2x8x1024xf32, #tpu.memory_space<vmem>> -> memref<1x8x1024xf32, #tpu.memory_space<vmem>>
      %dma_start3A_282 = tpu.memref_squeeze %dma_start3A_281 : memref<1x8x1024xf32, #tpu.memory_space<vmem>> -> memref<8x1024xf32, #tpu.memory_space<vmem>>
      %dma_start3A_283 = arith.constant 0 : i32
      %dma_start3A_284 = tpu.memref_slice %arg7[%add3A_277, %dma_start3A_283] : memref<8192x1024xf32, #tpu.memory_space<hbm>> -> memref<8x1024xf32, #tpu.memory_space<hbm>>
      %dma_start3A_285 = arith.constant 0 : i32
      %dma_start3A_286 = tpu.memref_slice %arg7[%add3A_277, %dma_start3A_285] : memref<8192x1024xf32, #tpu.memory_space<hbm>> -> memref<8x1024xf32, #tpu.memory_space<hbm>>
      %dma_start3A_287 = arith.constant 0 : i32
      %dma_start3A_288 = arith.constant 0 : i32
      %dma_start3A_289 = tpu.memref_slice %arg13[%dma_start3A_278, %dma_start3A_287, %dma_start3A_288] : memref<2x8x1024xf32, #tpu.memory_space<vmem>> -> memref<1x8x1024xf32, #tpu.memory_space<vmem>>
      %dma_start3A_290 = tpu.memref_squeeze %dma_start3A_289 : memref<1x8x1024xf32, #tpu.memory_space<vmem>> -> memref<8x1024xf32, #tpu.memory_space<vmem>>
      tpu.enqueue_dma source(%dma_start3A_290 : memref<8x1024xf32, #tpu.memory_space<vmem>>) target(%dma_start3A_286 : memref<8x1024xf32, #tpu.memory_space<hbm>>) target_semaphore(%arg19 : memref<!tpu.dma_semaphore, #tpu.memory_space<semaphore_mem>>)
      %dma_start3A_291 = arith.constant 0 : i32
      %dma_start3A_292 = arith.constant 0 : i32
      %dma_start3A_293 = arith.constant 0 : i32
      %dma_start3A_294 = tpu.memref_slice %arg14[%dma_start3A_291, %dma_start3A_292, %dma_start3A_293] : memref<2x8x512xf32, #tpu.memory_space<vmem>> -> memref<1x8x512xf32, #tpu.memory_space<vmem>>
      %dma_start3A_295 = tpu.memref_squeeze %dma_start3A_294 : memref<1x8x512xf32, #tpu.memory_space<vmem>> -> memref<8x512xf32, #tpu.memory_space<vmem>>
      %dma_start3A_296 = arith.constant 0 : i32
      %dma_start3A_297 = tpu.memref_slice %arg6[%add3A_277, %dma_start3A_296] : memref<8192x512xf32, #tpu.memory_space<hbm>> -> memref<8x512xf32, #tpu.memory_space<hbm>>
      %dma_start3A_298 = arith.constant 0 : i32
      %dma_start3A_299 = tpu.memref_slice %arg6[%add3A_277, %dma_start3A_298] : memref<8192x512xf32, #tpu.memory_space<hbm>> -> memref<8x512xf32, #tpu.memory_space<hbm>>
      %dma_start3A_300 = arith.constant 0 : i32
      %dma_start3A_301 = arith.constant 0 : i32
      %dma_start3A_302 = tpu.memref_slice %arg14[%dma_start3A_291, %dma_start3A_300, %dma_start3A_301] : memref<2x8x512xf32, #tpu.memory_space<vmem>> -> memref<1x8x512xf32, #tpu.memory_space<vmem>>
      %dma_start3A_303 = tpu.memref_squeeze %dma_start3A_302 : memref<1x8x512xf32, #tpu.memory_space<vmem>> -> memref<8x512xf32, #tpu.memory_space<vmem>>
      tpu.enqueue_dma source(%dma_start3A_303 : memref<8x512xf32, #tpu.memory_space<vmem>>) target(%dma_start3A_299 : memref<8x512xf32, #tpu.memory_space<hbm>>) target_semaphore(%arg21 : memref<!tpu.dma_semaphore, #tpu.memory_space<semaphore_mem>>)
      %mul3A_304 = arith.constant 2 : i32
      %mul3A_305 = arith.muli %mul3A_304, %scan3A_123 : i32
      %add3A_306 = arith.constant 1 : i32
      %add3A_307 = arith.addi %mul3A_305, %add3A_306 : i32
      %add3A_308 = arith.constant 1 : i32
      %add3A_309 = arith.addi %add3A_307, %add3A_308 : i32
      %lt3A_310 = arith.constant 32 : i32
      %lt3A_311 = arith.cmpi slt, %add3A_309, %lt3A_310 : i32
      %convert_element_type3A_312 = arith.extui %lt3A_311 : i1 to i32
      %cond3A_313 = arith.constant 0 : i32
      %cond3A_314 = arith.cmpi ne, %convert_element_type3A_312, %cond3A_313 : i32
      scf.if %cond3A_314 {
        %add3A_489 = arith.constant 1 : i32
        %add3A_490 = arith.addi %add3A_307, %add3A_489 : i32
        %mul3A_491 = arith.constant 8 : i32
        %mul3A_492 = arith.muli %add3A_490, %mul3A_491 : i32
        %dma_start3A_493 = arith.constant 0 : i32
        %dma_start3A_494 = arith.constant 0 : i32
        %dma_start3A_495 = arith.constant 0 : i32
        %dma_start3A_496 = tpu.memref_slice %arg11[%dma_start3A_493, %dma_start3A_494, %dma_start3A_495] : memref<2x8x2048xf32, #tpu.memory_space<vmem>> -> memref<1x8x2048xf32, #tpu.memory_space<vmem>>
        %dma_start3A_497 = tpu.memref_squeeze %dma_start3A_496 : memref<1x8x2048xf32, #tpu.memory_space<vmem>> -> memref<8x2048xf32, #tpu.memory_space<vmem>>
        %dma_start3A_498 = tpu.memref_slice %arg9[%mul3A_492] : memref<256xi32, #tpu.memory_space<vmem>> -> memref<8xi32, #tpu.memory_space<vmem>>
        %dma_start3A_499 = arith.constant 0 : i32
        %dma_start3A_500 = arith.constant 0 : i32
        %dma_start3A_501 = tpu.memref_slice %arg3[%dma_start3A_499, %dma_start3A_500] : memref<16384x2048xf32, #tpu.memory_space<hbm>> -> memref<16384x2048xf32, #tpu.memory_space<hbm>>
        tpu.enqueue_indirect_dma source(%dma_start3A_501 : memref<16384x2048xf32, #tpu.memory_space<hbm>>) target(%dma_start3A_497 : memref<8x2048xf32, #tpu.memory_space<vmem>>) offsets(%dma_start3A_498 : memref<8xi32, #tpu.memory_space<vmem>>) semaphore(%arg15 : memref<!tpu.dma_semaphore, #tpu.memory_space<semaphore_mem>>)
        %dma_start3A_502 = arith.constant 0 : i32
        %dma_start3A_503 = arith.constant 0 : i32
        %dma_start3A_504 = arith.constant 0 : i32
        %dma_start3A_505 = tpu.memref_slice %arg12[%dma_start3A_502, %dma_start3A_503, %dma_start3A_504] : memref<2x8x512xf32, #tpu.memory_space<vmem>> -> memref<1x8x512xf32, #tpu.memory_space<vmem>>
        %dma_start3A_506 = tpu.memref_squeeze %dma_start3A_505 : memref<1x8x512xf32, #tpu.memory_space<vmem>> -> memref<8x512xf32, #tpu.memory_space<vmem>>
        %dma_start3A_507 = tpu.memref_slice %arg9[%mul3A_492] : memref<256xi32, #tpu.memory_space<vmem>> -> memref<8xi32, #tpu.memory_space<vmem>>
        %dma_start3A_508 = arith.constant 0 : i32
        %dma_start3A_509 = arith.constant 0 : i32
        %dma_start3A_510 = tpu.memref_slice %arg2[%dma_start3A_508, %dma_start3A_509] : memref<16384x512xf32, #tpu.memory_space<hbm>> -> memref<16384x512xf32, #tpu.memory_space<hbm>>
        tpu.enqueue_indirect_dma source(%dma_start3A_510 : memref<16384x512xf32, #tpu.memory_space<hbm>>) target(%dma_start3A_506 : memref<8x512xf32, #tpu.memory_space<vmem>>) offsets(%dma_start3A_507 : memref<8xi32, #tpu.memory_space<vmem>>) semaphore(%arg17 : memref<!tpu.dma_semaphore, #tpu.memory_space<semaphore_mem>>)
      } else {
      }
      %mul3A_315 = arith.constant 8 : i32
      %mul3A_316 = arith.muli %add3A_307, %mul3A_315 : i32
      %dma_wait3A_317 = arith.constant 1 : i32
      %dma_wait3A_318 = arith.constant 0 : i32
      %dma_wait3A_319 = arith.constant 0 : i32
      %dma_wait3A_320 = tpu.memref_slice %arg11[%dma_wait3A_317, %dma_wait3A_318, %dma_wait3A_319] : memref<2x8x2048xf32, #tpu.memory_space<vmem>> -> memref<1x8x2048xf32, #tpu.memory_space<vmem>>
      %dma_wait3A_321 = tpu.memref_squeeze %dma_wait3A_320 : memref<1x8x2048xf32, #tpu.memory_space<vmem>> -> memref<8x2048xf32, #tpu.memory_space<vmem>>
      %dma_wait3A_322 = tpu.memref_slice %arg9[%mul3A_316] : memref<256xi32, #tpu.memory_space<vmem>> -> memref<8xi32, #tpu.memory_space<vmem>>
      %dma_wait3A_323 = arith.constant 0 : i32
      %dma_wait3A_324 = arith.constant 0 : i32
      %dma_wait3A_325 = tpu.memref_slice %arg3[%dma_wait3A_323, %dma_wait3A_324] : memref<16384x2048xf32, #tpu.memory_space<hbm>> -> memref<16384x2048xf32, #tpu.memory_space<hbm>>
      tpu.wait_indirect_dma semaphore(%arg16 : memref<!tpu.dma_semaphore, #tpu.memory_space<semaphore_mem>>) src(%dma_wait3A_325 : memref<16384x2048xf32, #tpu.memory_space<hbm>>) dst(%dma_wait3A_321 : memref<8x2048xf32, #tpu.memory_space<vmem>>)
      %dma_wait3A_326 = arith.constant 1 : i32
      %dma_wait3A_327 = arith.constant 0 : i32
      %dma_wait3A_328 = arith.constant 0 : i32
      %dma_wait3A_329 = tpu.memref_slice %arg12[%dma_wait3A_326, %dma_wait3A_327, %dma_wait3A_328] : memref<2x8x512xf32, #tpu.memory_space<vmem>> -> memref<1x8x512xf32, #tpu.memory_space<vmem>>
      %dma_wait3A_330 = tpu.memref_squeeze %dma_wait3A_329 : memref<1x8x512xf32, #tpu.memory_space<vmem>> -> memref<8x512xf32, #tpu.memory_space<vmem>>
      %dma_wait3A_331 = tpu.memref_slice %arg9[%mul3A_316] : memref<256xi32, #tpu.memory_space<vmem>> -> memref<8xi32, #tpu.memory_space<vmem>>
      %dma_wait3A_332 = arith.constant 0 : i32
      %dma_wait3A_333 = arith.constant 0 : i32
      %dma_wait3A_334 = tpu.memref_slice %arg2[%dma_wait3A_332, %dma_wait3A_333] : memref<16384x512xf32, #tpu.memory_space<hbm>> -> memref<16384x512xf32, #tpu.memory_space<hbm>>
      tpu.wait_indirect_dma semaphore(%arg18 : memref<!tpu.dma_semaphore, #tpu.memory_space<semaphore_mem>>) src(%dma_wait3A_334 : memref<16384x512xf32, #tpu.memory_space<hbm>>) dst(%dma_wait3A_330 : memref<8x512xf32, #tpu.memory_space<vmem>>)
      %ge3A_335 = arith.constant 2 : i32
      %ge3A_336 = arith.cmpi sge, %add3A_307, %ge3A_335 : i32
      %convert_element_type3A_337 = arith.extui %ge3A_336 : i1 to i32
      %cond3A_338 = arith.constant 0 : i32
      %cond3A_339 = arith.cmpi ne, %convert_element_type3A_337, %cond3A_338 : i32
      scf.if %cond3A_339 {
        %sub3A_489 = arith.constant 2 : i32
        %sub3A_490 = arith.subi %add3A_307, %sub3A_489 : i32
        %mul3A_491 = arith.constant 8 : i32
        %mul3A_492 = arith.muli %sub3A_490, %mul3A_491 : i32
        %add3A_493 = arith.addi %add3A_35, %mul3A_492 : i32
        %dma_wait3A_494 = arith.constant 1 : i32
        %dma_wait3A_495 = arith.constant 0 : i32
        %dma_wait3A_496 = arith.constant 0 : i32
        %dma_wait3A_497 = tpu.memref_slice %arg13[%dma_wait3A_494, %dma_wait3A_495, %dma_wait3A_496] : memref<2x8x1024xf32, #tpu.memory_space<vmem>> -> memref<1x8x1024xf32, #tpu.memory_space<vmem>>
        %dma_wait3A_498 = tpu.memref_squeeze %dma_wait3A_497 : memref<1x8x1024xf32, #tpu.memory_space<vmem>> -> memref<8x1024xf32, #tpu.memory_space<vmem>>
        %dma_wait3A_499 = arith.constant 0 : i32
        %dma_wait3A_500 = tpu.memref_slice %arg7[%add3A_493, %dma_wait3A_499] : memref<8192x1024xf32, #tpu.memory_space<hbm>> -> memref<8x1024xf32, #tpu.memory_space<hbm>>
        %dma_wait3A_501 = arith.constant 0 : i32
        %dma_wait3A_502 = tpu.memref_slice %arg7[%add3A_493, %dma_wait3A_501] : memref<8192x1024xf32, #tpu.memory_space<hbm>> -> memref<8x1024xf32, #tpu.memory_space<hbm>>
        %dma_wait3A_503 = arith.constant 0 : i32
        %dma_wait3A_504 = arith.constant 0 : i32
        %dma_wait3A_505 = tpu.memref_slice %arg13[%dma_wait3A_494, %dma_wait3A_503, %dma_wait3A_504] : memref<2x8x1024xf32, #tpu.memory_space<vmem>> -> memref<1x8x1024xf32, #tpu.memory_space<vmem>>
        %dma_wait3A_506 = tpu.memref_squeeze %dma_wait3A_505 : memref<1x8x1024xf32, #tpu.memory_space<vmem>> -> memref<8x1024xf32, #tpu.memory_space<vmem>>
        tpu.wait_dma2 semaphore(%arg20 : memref<!tpu.dma_semaphore, #tpu.memory_space<semaphore_mem>>) src(%dma_wait3A_506 : memref<8x1024xf32, #tpu.memory_space<vmem>>) dst(%dma_wait3A_502 : memref<8x1024xf32, #tpu.memory_space<hbm>>)
        %dma_wait3A_507 = arith.constant 1 : i32
        %dma_wait3A_508 = arith.constant 0 : i32
        %dma_wait3A_509 = arith.constant 0 : i32
        %dma_wait3A_510 = tpu.memref_slice %arg14[%dma_wait3A_507, %dma_wait3A_508, %dma_wait3A_509] : memref<2x8x512xf32, #tpu.memory_space<vmem>> -> memref<1x8x512xf32, #tpu.memory_space<vmem>>
        %dma_wait3A_511 = tpu.memref_squeeze %dma_wait3A_510 : memref<1x8x512xf32, #tpu.memory_space<vmem>> -> memref<8x512xf32, #tpu.memory_space<vmem>>
        %dma_wait3A_512 = arith.constant 0 : i32
        %dma_wait3A_513 = tpu.memref_slice %arg6[%add3A_493, %dma_wait3A_512] : memref<8192x512xf32, #tpu.memory_space<hbm>> -> memref<8x512xf32, #tpu.memory_space<hbm>>
        %dma_wait3A_514 = arith.constant 0 : i32
        %dma_wait3A_515 = tpu.memref_slice %arg6[%add3A_493, %dma_wait3A_514] : memref<8192x512xf32, #tpu.memory_space<hbm>> -> memref<8x512xf32, #tpu.memory_space<hbm>>
        %dma_wait3A_516 = arith.constant 0 : i32
        %dma_wait3A_517 = arith.constant 0 : i32
        %dma_wait3A_518 = tpu.memref_slice %arg14[%dma_wait3A_507, %dma_wait3A_516, %dma_wait3A_517] : memref<2x8x512xf32, #tpu.memory_space<vmem>> -> memref<1x8x512xf32, #tpu.memory_space<vmem>>
        %dma_wait3A_519 = tpu.memref_squeeze %dma_wait3A_518 : memref<1x8x512xf32, #tpu.memory_space<vmem>> -> memref<8x512xf32, #tpu.memory_space<vmem>>
        tpu.wait_dma2 semaphore(%arg22 : memref<!tpu.dma_semaphore, #tpu.memory_space<semaphore_mem>>) src(%dma_wait3A_519 : memref<8x512xf32, #tpu.memory_space<vmem>>) dst(%dma_wait3A_515 : memref<8x512xf32, #tpu.memory_space<hbm>>)
      } else {
      }
      %broadcast_in_dim3A_340 = arith.constant 1 : i32
      %broadcast_in_dim3A_341 = vector.broadcast %broadcast_in_dim3A_340 : i32 to vector<16xi32>
      %broadcast_in_dim3A_342 = arith.constant 0 : i32
      %broadcast_in_dim3A_343 = vector.broadcast %broadcast_in_dim3A_342 : i32 to vector<16xi32>
      %broadcast_in_dim3A_344 = arith.constant 1 : i32
      %broadcast_in_dim3A_345 = vector.broadcast %broadcast_in_dim3A_344 : i32 to vector<16xi32>
      %broadcast_in_dim3A_346 = arith.constant 2 : i32
      %broadcast_in_dim3A_347 = vector.broadcast %broadcast_in_dim3A_346 : i32 to vector<16xi32>
      %broadcast_in_dim3A_348 = arith.constant 3 : i32
      %broadcast_in_dim3A_349 = vector.broadcast %broadcast_in_dim3A_348 : i32 to vector<16xi32>
      %broadcast_in_dim3A_350 = arith.constant 4 : i32
      %broadcast_in_dim3A_351 = vector.broadcast %broadcast_in_dim3A_350 : i32 to vector<16xi32>
      %broadcast_in_dim3A_352 = arith.constant 5 : i32
      %broadcast_in_dim3A_353 = vector.broadcast %broadcast_in_dim3A_352 : i32 to vector<16xi32>
      %broadcast_in_dim3A_354 = arith.constant 6 : i32
      %broadcast_in_dim3A_355 = vector.broadcast %broadcast_in_dim3A_354 : i32 to vector<16xi32>
      %broadcast_in_dim3A_356 = arith.constant 7 : i32
      %broadcast_in_dim3A_357 = vector.broadcast %broadcast_in_dim3A_356 : i32 to vector<16xi32>
      %scan3A_358 = arith.constant 0 : i32
      %scan3A_359 = arith.constant 0 : i32
      %scan3A_360 = arith.constant 16 : i32
      %scan3A_361 = arith.addi %scan3A_359, %scan3A_360 : i32
      %scan3A_362 = arith.constant 1 : i32
      scf.for %scan3A_489 = %scan3A_359 to %scan3A_361 step %scan3A_362  : i32 {
        %mul3A_490 = arith.constant 4 : i32
        %mul3A_491 = arith.muli %scan3A_489, %mul3A_490 : i32
        %add3A_492 = arith.constant 0 : i32
        %add3A_493 = arith.addi %mul3A_491, %add3A_492 : i32
        %mul3A_494 = arith.constant 16 : i32
        %mul3A_495 = arith.muli %add3A_493, %mul3A_494 : i32
        %get3A = arith.index_cast %mul3A_495 : i32 to index
        %get3A_496 = tpu.vector_load %arg8[%get3A] {strides = array<i32>} : memref<1024xi32, #tpu.memory_space<vmem>>, vector<16xi32>,
        %gather3A_497 = tpu.vector_load_idx %arg11[%broadcast_in_dim3A_341, %broadcast_in_dim3A_343, %get3A_496] : memref<2x8x2048xf32, #tpu.memory_space<vmem>>[vector<16xi32>, vector<16xi32>, vector<16xi32>], vector<16xf32>,
        %mul3A_498 = arith.constant 16 : i32
        %mul3A_499 = arith.muli %add3A_493, %mul3A_498 : i32
        %swap3A = arith.constant 1 : i32
        %swap3A_500 = arith.constant 0 : i32
        %swap3A_501 = arith.index_cast %swap3A : i32 to index
        %swap3A_502 = arith.index_cast %swap3A_500 : i32 to index
        %swap3A_503 = arith.index_cast %mul3A_499 : i32 to index
        %swap3A_504 = tpu.vector_load %arg13[%swap3A_501, %swap3A_502, %swap3A_503] {strides = array<i32>} : memref<2x8x1024xf32, #tpu.memory_space<vmem>>, vector<16xf32>,
        tpu.vector_store %arg13[%swap3A_501, %swap3A_502, %swap3A_503], %gather3A_497 {strides = array<i32>} : memref<2x8x1024xf32, #tpu.memory_space<vmem>>, vector<16xf32>,
        %gather3A_505 = tpu.vector_load_idx %arg11[%broadcast_in_dim3A_341, %broadcast_in_dim3A_345, %get3A_496] : memref<2x8x2048xf32, #tpu.memory_space<vmem>>[vector<16xi32>, vector<16xi32>, vector<16xi32>], vector<16xf32>,
        %mul3A_506 = arith.constant 16 : i32
        %mul3A_507 = arith.muli %add3A_493, %mul3A_506 : i32
        %swap3A_508 = arith.constant 1 : i32
        %swap3A_509 = arith.constant 1 : i32
        %swap3A_510 = arith.index_cast %swap3A_508 : i32 to index
        %swap3A_511 = arith.index_cast %swap3A_509 : i32 to index
        %swap3A_512 = arith.index_cast %mul3A_507 : i32 to index
        %swap3A_513 = tpu.vector_load %arg13[%swap3A_510, %swap3A_511, %swap3A_512] {strides = array<i32>} : memref<2x8x1024xf32, #tpu.memory_space<vmem>>, vector<16xf32>,
        tpu.vector_store %arg13[%swap3A_510, %swap3A_511, %swap3A_512], %gather3A_505 {strides = array<i32>} : memref<2x8x1024xf32, #tpu.memory_space<vmem>>, vector<16xf32>,
        %gather3A_514 = tpu.vector_load_idx %arg11[%broadcast_in_dim3A_341, %broadcast_in_dim3A_347, %get3A_496] : memref<2x8x2048xf32, #tpu.memory_space<vmem>>[vector<16xi32>, vector<16xi32>, vector<16xi32>], vector<16xf32>,
        %mul3A_515 = arith.constant 16 : i32
        %mul3A_516 = arith.muli %add3A_493, %mul3A_515 : i32
        %swap3A_517 = arith.constant 1 : i32
        %swap3A_518 = arith.constant 2 : i32
        %swap3A_519 = arith.index_cast %swap3A_517 : i32 to index
        %swap3A_520 = arith.index_cast %swap3A_518 : i32 to index
        %swap3A_521 = arith.index_cast %mul3A_516 : i32 to index
        %swap3A_522 = tpu.vector_load %arg13[%swap3A_519, %swap3A_520, %swap3A_521] {strides = array<i32>} : memref<2x8x1024xf32, #tpu.memory_space<vmem>>, vector<16xf32>,
        tpu.vector_store %arg13[%swap3A_519, %swap3A_520, %swap3A_521], %gather3A_514 {strides = array<i32>} : memref<2x8x1024xf32, #tpu.memory_space<vmem>>, vector<16xf32>,
        %gather3A_523 = tpu.vector_load_idx %arg11[%broadcast_in_dim3A_341, %broadcast_in_dim3A_349, %get3A_496] : memref<2x8x2048xf32, #tpu.memory_space<vmem>>[vector<16xi32>, vector<16xi32>, vector<16xi32>], vector<16xf32>,
        %mul3A_524 = arith.constant 16 : i32
        %mul3A_525 = arith.muli %add3A_493, %mul3A_524 : i32
        %swap3A_526 = arith.constant 1 : i32
        %swap3A_527 = arith.constant 3 : i32
        %swap3A_528 = arith.index_cast %swap3A_526 : i32 to index
        %swap3A_529 = arith.index_cast %swap3A_527 : i32 to index
        %swap3A_530 = arith.index_cast %mul3A_525 : i32 to index
        %swap3A_531 = tpu.vector_load %arg13[%swap3A_528, %swap3A_529, %swap3A_530] {strides = array<i32>} : memref<2x8x1024xf32, #tpu.memory_space<vmem>>, vector<16xf32>,
        tpu.vector_store %arg13[%swap3A_528, %swap3A_529, %swap3A_530], %gather3A_523 {strides = array<i32>} : memref<2x8x1024xf32, #tpu.memory_space<vmem>>, vector<16xf32>,
        %gather3A_532 = tpu.vector_load_idx %arg11[%broadcast_in_dim3A_341, %broadcast_in_dim3A_351, %get3A_496] : memref<2x8x2048xf32, #tpu.memory_space<vmem>>[vector<16xi32>, vector<16xi32>, vector<16xi32>], vector<16xf32>,
        %mul3A_533 = arith.constant 16 : i32
        %mul3A_534 = arith.muli %add3A_493, %mul3A_533 : i32
        %swap3A_535 = arith.constant 1 : i32
        %swap3A_536 = arith.constant 4 : i32
        %swap3A_537 = arith.index_cast %swap3A_535 : i32 to index
        %swap3A_538 = arith.index_cast %swap3A_536 : i32 to index
        %swap3A_539 = arith.index_cast %mul3A_534 : i32 to index
        %swap3A_540 = tpu.vector_load %arg13[%swap3A_537, %swap3A_538, %swap3A_539] {strides = array<i32>} : memref<2x8x1024xf32, #tpu.memory_space<vmem>>, vector<16xf32>,
        tpu.vector_store %arg13[%swap3A_537, %swap3A_538, %swap3A_539], %gather3A_532 {strides = array<i32>} : memref<2x8x1024xf32, #tpu.memory_space<vmem>>, vector<16xf32>,
        %gather3A_541 = tpu.vector_load_idx %arg11[%broadcast_in_dim3A_341, %broadcast_in_dim3A_353, %get3A_496] : memref<2x8x2048xf32, #tpu.memory_space<vmem>>[vector<16xi32>, vector<16xi32>, vector<16xi32>], vector<16xf32>,
        %mul3A_542 = arith.constant 16 : i32
        %mul3A_543 = arith.muli %add3A_493, %mul3A_542 : i32
        %swap3A_544 = arith.constant 1 : i32
        %swap3A_545 = arith.constant 5 : i32
        %swap3A_546 = arith.index_cast %swap3A_544 : i32 to index
        %swap3A_547 = arith.index_cast %swap3A_545 : i32 to index
        %swap3A_548 = arith.index_cast %mul3A_543 : i32 to index
        %swap3A_549 = tpu.vector_load %arg13[%swap3A_546, %swap3A_547, %swap3A_548] {strides = array<i32>} : memref<2x8x1024xf32, #tpu.memory_space<vmem>>, vector<16xf32>,
        tpu.vector_store %arg13[%swap3A_546, %swap3A_547, %swap3A_548], %gather3A_541 {strides = array<i32>} : memref<2x8x1024xf32, #tpu.memory_space<vmem>>, vector<16xf32>,
        %gather3A_550 = tpu.vector_load_idx %arg11[%broadcast_in_dim3A_341, %broadcast_in_dim3A_355, %get3A_496] : memref<2x8x2048xf32, #tpu.memory_space<vmem>>[vector<16xi32>, vector<16xi32>, vector<16xi32>], vector<16xf32>,
        %mul3A_551 = arith.constant 16 : i32
        %mul3A_552 = arith.muli %add3A_493, %mul3A_551 : i32
        %swap3A_553 = arith.constant 1 : i32
        %swap3A_554 = arith.constant 6 : i32
        %swap3A_555 = arith.index_cast %swap3A_553 : i32 to index
        %swap3A_556 = arith.index_cast %swap3A_554 : i32 to index
        %swap3A_557 = arith.index_cast %mul3A_552 : i32 to index
        %swap3A_558 = tpu.vector_load %arg13[%swap3A_555, %swap3A_556, %swap3A_557] {strides = array<i32>} : memref<2x8x1024xf32, #tpu.memory_space<vmem>>, vector<16xf32>,
        tpu.vector_store %arg13[%swap3A_555, %swap3A_556, %swap3A_557], %gather3A_550 {strides = array<i32>} : memref<2x8x1024xf32, #tpu.memory_space<vmem>>, vector<16xf32>,
        %gather3A_559 = tpu.vector_load_idx %arg11[%broadcast_in_dim3A_341, %broadcast_in_dim3A_357, %get3A_496] : memref<2x8x2048xf32, #tpu.memory_space<vmem>>[vector<16xi32>, vector<16xi32>, vector<16xi32>], vector<16xf32>,
        %mul3A_560 = arith.constant 16 : i32
        %mul3A_561 = arith.muli %add3A_493, %mul3A_560 : i32
        %swap3A_562 = arith.constant 1 : i32
        %swap3A_563 = arith.constant 7 : i32
        %swap3A_564 = arith.index_cast %swap3A_562 : i32 to index
        %swap3A_565 = arith.index_cast %swap3A_563 : i32 to index
        %swap3A_566 = arith.index_cast %mul3A_561 : i32 to index
        %swap3A_567 = tpu.vector_load %arg13[%swap3A_564, %swap3A_565, %swap3A_566] {strides = array<i32>} : memref<2x8x1024xf32, #tpu.memory_space<vmem>>, vector<16xf32>,
        tpu.vector_store %arg13[%swap3A_564, %swap3A_565, %swap3A_566], %gather3A_559 {strides = array<i32>} : memref<2x8x1024xf32, #tpu.memory_space<vmem>>, vector<16xf32>,
        %mul3A_568 = arith.constant 4 : i32
        %mul3A_569 = arith.muli %scan3A_489, %mul3A_568 : i32
        %add3A_570 = arith.constant 1 : i32
        %add3A_571 = arith.addi %mul3A_569, %add3A_570 : i32
        %mul3A_572 = arith.constant 16 : i32
        %mul3A_573 = arith.muli %add3A_571, %mul3A_572 : i32
        %get3A_574 = arith.index_cast %mul3A_573 : i32 to index
        %get3A_575 = tpu.vector_load %arg8[%get3A_574] {strides = array<i32>} : memref<1024xi32, #tpu.memory_space<vmem>>, vector<16xi32>,
        %gather3A_576 = tpu.vector_load_idx %arg11[%broadcast_in_dim3A_341, %broadcast_in_dim3A_343, %get3A_575] : memref<2x8x2048xf32, #tpu.memory_space<vmem>>[vector<16xi32>, vector<16xi32>, vector<16xi32>], vector<16xf32>,
        %mul3A_577 = arith.constant 16 : i32
        %mul3A_578 = arith.muli %add3A_571, %mul3A_577 : i32
        %swap3A_579 = arith.constant 1 : i32
        %swap3A_580 = arith.constant 0 : i32
        %swap3A_581 = arith.index_cast %swap3A_579 : i32 to index
        %swap3A_582 = arith.index_cast %swap3A_580 : i32 to index
        %swap3A_583 = arith.index_cast %mul3A_578 : i32 to index
        %swap3A_584 = tpu.vector_load %arg13[%swap3A_581, %swap3A_582, %swap3A_583] {strides = array<i32>} : memref<2x8x1024xf32, #tpu.memory_space<vmem>>, vector<16xf32>,
        tpu.vector_store %arg13[%swap3A_581, %swap3A_582, %swap3A_583], %gather3A_576 {strides = array<i32>} : memref<2x8x1024xf32, #tpu.memory_space<vmem>>, vector<16xf32>,
        %gather3A_585 = tpu.vector_load_idx %arg11[%broadcast_in_dim3A_341, %broadcast_in_dim3A_345, %get3A_575] : memref<2x8x2048xf32, #tpu.memory_space<vmem>>[vector<16xi32>, vector<16xi32>, vector<16xi32>], vector<16xf32>,
        %mul3A_586 = arith.constant 16 : i32
        %mul3A_587 = arith.muli %add3A_571, %mul3A_586 : i32
        %swap3A_588 = arith.constant 1 : i32
        %swap3A_589 = arith.constant 1 : i32
        %swap3A_590 = arith.index_cast %swap3A_588 : i32 to index
        %swap3A_591 = arith.index_cast %swap3A_589 : i32 to index
        %swap3A_592 = arith.index_cast %mul3A_587 : i32 to index
        %swap3A_593 = tpu.vector_load %arg13[%swap3A_590, %swap3A_591, %swap3A_592] {strides = array<i32>} : memref<2x8x1024xf32, #tpu.memory_space<vmem>>, vector<16xf32>,
        tpu.vector_store %arg13[%swap3A_590, %swap3A_591, %swap3A_592], %gather3A_585 {strides = array<i32>} : memref<2x8x1024xf32, #tpu.memory_space<vmem>>, vector<16xf32>,
        %gather3A_594 = tpu.vector_load_idx %arg11[%broadcast_in_dim3A_341, %broadcast_in_dim3A_347, %get3A_575] : memref<2x8x2048xf32, #tpu.memory_space<vmem>>[vector<16xi32>, vector<16xi32>, vector<16xi32>], vector<16xf32>,
        %mul3A_595 = arith.constant 16 : i32
        %mul3A_596 = arith.muli %add3A_571, %mul3A_595 : i32
        %swap3A_597 = arith.constant 1 : i32
        %swap3A_598 = arith.constant 2 : i32
        %swap3A_599 = arith.index_cast %swap3A_597 : i32 to index
        %swap3A_600 = arith.index_cast %swap3A_598 : i32 to index
        %swap3A_601 = arith.index_cast %mul3A_596 : i32 to index
        %swap3A_602 = tpu.vector_load %arg13[%swap3A_599, %swap3A_600, %swap3A_601] {strides = array<i32>} : memref<2x8x1024xf32, #tpu.memory_space<vmem>>, vector<16xf32>,
        tpu.vector_store %arg13[%swap3A_599, %swap3A_600, %swap3A_601], %gather3A_594 {strides = array<i32>} : memref<2x8x1024xf32, #tpu.memory_space<vmem>>, vector<16xf32>,
        %gather3A_603 = tpu.vector_load_idx %arg11[%broadcast_in_dim3A_341, %broadcast_in_dim3A_349, %get3A_575] : memref<2x8x2048xf32, #tpu.memory_space<vmem>>[vector<16xi32>, vector<16xi32>, vector<16xi32>], vector<16xf32>,
        %mul3A_604 = arith.constant 16 : i32
        %mul3A_605 = arith.muli %add3A_571, %mul3A_604 : i32
        %swap3A_606 = arith.constant 1 : i32
        %swap3A_607 = arith.constant 3 : i32
        %swap3A_608 = arith.index_cast %swap3A_606 : i32 to index
        %swap3A_609 = arith.index_cast %swap3A_607 : i32 to index
        %swap3A_610 = arith.index_cast %mul3A_605 : i32 to index
        %swap3A_611 = tpu.vector_load %arg13[%swap3A_608, %swap3A_609, %swap3A_610] {strides = array<i32>} : memref<2x8x1024xf32, #tpu.memory_space<vmem>>, vector<16xf32>,
        tpu.vector_store %arg13[%swap3A_608, %swap3A_609, %swap3A_610], %gather3A_603 {strides = array<i32>} : memref<2x8x1024xf32, #tpu.memory_space<vmem>>, vector<16xf32>,
        %gather3A_612 = tpu.vector_load_idx %arg11[%broadcast_in_dim3A_341, %broadcast_in_dim3A_351, %get3A_575] : memref<2x8x2048xf32, #tpu.memory_space<vmem>>[vector<16xi32>, vector<16xi32>, vector<16xi32>], vector<16xf32>,
        %mul3A_613 = arith.constant 16 : i32
        %mul3A_614 = arith.muli %add3A_571, %mul3A_613 : i32
        %swap3A_615 = arith.constant 1 : i32
        %swap3A_616 = arith.constant 4 : i32
        %swap3A_617 = arith.index_cast %swap3A_615 : i32 to index
        %swap3A_618 = arith.index_cast %swap3A_616 : i32 to index
        %swap3A_619 = arith.index_cast %mul3A_614 : i32 to index
        %swap3A_620 = tpu.vector_load %arg13[%swap3A_617, %swap3A_618, %swap3A_619] {strides = array<i32>} : memref<2x8x1024xf32, #tpu.memory_space<vmem>>, vector<16xf32>,
        tpu.vector_store %arg13[%swap3A_617, %swap3A_618, %swap3A_619], %gather3A_612 {strides = array<i32>} : memref<2x8x1024xf32, #tpu.memory_space<vmem>>, vector<16xf32>,
        %gather3A_621 = tpu.vector_load_idx %arg11[%broadcast_in_dim3A_341, %broadcast_in_dim3A_353, %get3A_575] : memref<2x8x2048xf32, #tpu.memory_space<vmem>>[vector<16xi32>, vector<16xi32>, vector<16xi32>], vector<16xf32>,
        %mul3A_622 = arith.constant 16 : i32
        %mul3A_623 = arith.muli %add3A_571, %mul3A_622 : i32
        %swap3A_624 = arith.constant 1 : i32
        %swap3A_625 = arith.constant 5 : i32
        %swap3A_626 = arith.index_cast %swap3A_624 : i32 to index
        %swap3A_627 = arith.index_cast %swap3A_625 : i32 to index
        %swap3A_628 = arith.index_cast %mul3A_623 : i32 to index
        %swap3A_629 = tpu.vector_load %arg13[%swap3A_626, %swap3A_627, %swap3A_628] {strides = array<i32>} : memref<2x8x1024xf32, #tpu.memory_space<vmem>>, vector<16xf32>,
        tpu.vector_store %arg13[%swap3A_626, %swap3A_627, %swap3A_628], %gather3A_621 {strides = array<i32>} : memref<2x8x1024xf32, #tpu.memory_space<vmem>>, vector<16xf32>,
        %gather3A_630 = tpu.vector_load_idx %arg11[%broadcast_in_dim3A_341, %broadcast_in_dim3A_355, %get3A_575] : memref<2x8x2048xf32, #tpu.memory_space<vmem>>[vector<16xi32>, vector<16xi32>, vector<16xi32>], vector<16xf32>,
        %mul3A_631 = arith.constant 16 : i32
        %mul3A_632 = arith.muli %add3A_571, %mul3A_631 : i32
        %swap3A_633 = arith.constant 1 : i32
        %swap3A_634 = arith.constant 6 : i32
        %swap3A_635 = arith.index_cast %swap3A_633 : i32 to index
        %swap3A_636 = arith.index_cast %swap3A_634 : i32 to index
        %swap3A_637 = arith.index_cast %mul3A_632 : i32 to index
        %swap3A_638 = tpu.vector_load %arg13[%swap3A_635, %swap3A_636, %swap3A_637] {strides = array<i32>} : memref<2x8x1024xf32, #tpu.memory_space<vmem>>, vector<16xf32>,
        tpu.vector_store %arg13[%swap3A_635, %swap3A_636, %swap3A_637], %gather3A_630 {strides = array<i32>} : memref<2x8x1024xf32, #tpu.memory_space<vmem>>, vector<16xf32>,
        %gather3A_639 = tpu.vector_load_idx %arg11[%broadcast_in_dim3A_341, %broadcast_in_dim3A_357, %get3A_575] : memref<2x8x2048xf32, #tpu.memory_space<vmem>>[vector<16xi32>, vector<16xi32>, vector<16xi32>], vector<16xf32>,
        %mul3A_640 = arith.constant 16 : i32
        %mul3A_641 = arith.muli %add3A_571, %mul3A_640 : i32
        %swap3A_642 = arith.constant 1 : i32
        %swap3A_643 = arith.constant 7 : i32
        %swap3A_644 = arith.index_cast %swap3A_642 : i32 to index
        %swap3A_645 = arith.index_cast %swap3A_643 : i32 to index
        %swap3A_646 = arith.index_cast %mul3A_641 : i32 to index
        %swap3A_647 = tpu.vector_load %arg13[%swap3A_644, %swap3A_645, %swap3A_646] {strides = array<i32>} : memref<2x8x1024xf32, #tpu.memory_space<vmem>>, vector<16xf32>,
        tpu.vector_store %arg13[%swap3A_644, %swap3A_645, %swap3A_646], %gather3A_639 {strides = array<i32>} : memref<2x8x1024xf32, #tpu.memory_space<vmem>>, vector<16xf32>,
        %mul3A_648 = arith.constant 4 : i32
        %mul3A_649 = arith.muli %scan3A_489, %mul3A_648 : i32
        %add3A_650 = arith.constant 2 : i32
        %add3A_651 = arith.addi %mul3A_649, %add3A_650 : i32
        %mul3A_652 = arith.constant 16 : i32
        %mul3A_653 = arith.muli %add3A_651, %mul3A_652 : i32
        %get3A_654 = arith.index_cast %mul3A_653 : i32 to index
        %get3A_655 = tpu.vector_load %arg8[%get3A_654] {strides = array<i32>} : memref<1024xi32, #tpu.memory_space<vmem>>, vector<16xi32>,
        %gather3A_656 = tpu.vector_load_idx %arg11[%broadcast_in_dim3A_341, %broadcast_in_dim3A_343, %get3A_655] : memref<2x8x2048xf32, #tpu.memory_space<vmem>>[vector<16xi32>, vector<16xi32>, vector<16xi32>], vector<16xf32>,
        %mul3A_657 = arith.constant 16 : i32
        %mul3A_658 = arith.muli %add3A_651, %mul3A_657 : i32
        %swap3A_659 = arith.constant 1 : i32
        %swap3A_660 = arith.constant 0 : i32
        %swap3A_661 = arith.index_cast %swap3A_659 : i32 to index
        %swap3A_662 = arith.index_cast %swap3A_660 : i32 to index
        %swap3A_663 = arith.index_cast %mul3A_658 : i32 to index
        %swap3A_664 = tpu.vector_load %arg13[%swap3A_661, %swap3A_662, %swap3A_663] {strides = array<i32>} : memref<2x8x1024xf32, #tpu.memory_space<vmem>>, vector<16xf32>,
        tpu.vector_store %arg13[%swap3A_661, %swap3A_662, %swap3A_663], %gather3A_656 {strides = array<i32>} : memref<2x8x1024xf32, #tpu.memory_space<vmem>>, vector<16xf32>,
        %gather3A_665 = tpu.vector_load_idx %arg11[%broadcast_in_dim3A_341, %broadcast_in_dim3A_345, %get3A_655] : memref<2x8x2048xf32, #tpu.memory_space<vmem>>[vector<16xi32>, vector<16xi32>, vector<16xi32>], vector<16xf32>,
        %mul3A_666 = arith.constant 16 : i32
        %mul3A_667 = arith.muli %add3A_651, %mul3A_666 : i32
        %swap3A_668 = arith.constant 1 : i32
        %swap3A_669 = arith.constant 1 : i32
        %swap3A_670 = arith.index_cast %swap3A_668 : i32 to index
        %swap3A_671 = arith.index_cast %swap3A_669 : i32 to index
        %swap3A_672 = arith.index_cast %mul3A_667 : i32 to index
        %swap3A_673 = tpu.vector_load %arg13[%swap3A_670, %swap3A_671, %swap3A_672] {strides = array<i32>} : memref<2x8x1024xf32, #tpu.memory_space<vmem>>, vector<16xf32>,
        tpu.vector_store %arg13[%swap3A_670, %swap3A_671, %swap3A_672], %gather3A_665 {strides = array<i32>} : memref<2x8x1024xf32, #tpu.memory_space<vmem>>, vector<16xf32>,
        %gather3A_674 = tpu.vector_load_idx %arg11[%broadcast_in_dim3A_341, %broadcast_in_dim3A_347, %get3A_655] : memref<2x8x2048xf32, #tpu.memory_space<vmem>>[vector<16xi32>, vector<16xi32>, vector<16xi32>], vector<16xf32>,
        %mul3A_675 = arith.constant 16 : i32
        %mul3A_676 = arith.muli %add3A_651, %mul3A_675 : i32
        %swap3A_677 = arith.constant 1 : i32
        %swap3A_678 = arith.constant 2 : i32
        %swap3A_679 = arith.index_cast %swap3A_677 : i32 to index
        %swap3A_680 = arith.index_cast %swap3A_678 : i32 to index
        %swap3A_681 = arith.index_cast %mul3A_676 : i32 to index
        %swap3A_682 = tpu.vector_load %arg13[%swap3A_679, %swap3A_680, %swap3A_681] {strides = array<i32>} : memref<2x8x1024xf32, #tpu.memory_space<vmem>>, vector<16xf32>,
        tpu.vector_store %arg13[%swap3A_679, %swap3A_680, %swap3A_681], %gather3A_674 {strides = array<i32>} : memref<2x8x1024xf32, #tpu.memory_space<vmem>>, vector<16xf32>,
        %gather3A_683 = tpu.vector_load_idx %arg11[%broadcast_in_dim3A_341, %broadcast_in_dim3A_349, %get3A_655] : memref<2x8x2048xf32, #tpu.memory_space<vmem>>[vector<16xi32>, vector<16xi32>, vector<16xi32>], vector<16xf32>,
        %mul3A_684 = arith.constant 16 : i32
        %mul3A_685 = arith.muli %add3A_651, %mul3A_684 : i32
        %swap3A_686 = arith.constant 1 : i32
        %swap3A_687 = arith.constant 3 : i32
        %swap3A_688 = arith.index_cast %swap3A_686 : i32 to index
        %swap3A_689 = arith.index_cast %swap3A_687 : i32 to index
        %swap3A_690 = arith.index_cast %mul3A_685 : i32 to index
        %swap3A_691 = tpu.vector_load %arg13[%swap3A_688, %swap3A_689, %swap3A_690] {strides = array<i32>} : memref<2x8x1024xf32, #tpu.memory_space<vmem>>, vector<16xf32>,
        tpu.vector_store %arg13[%swap3A_688, %swap3A_689, %swap3A_690], %gather3A_683 {strides = array<i32>} : memref<2x8x1024xf32, #tpu.memory_space<vmem>>, vector<16xf32>,
        %gather3A_692 = tpu.vector_load_idx %arg11[%broadcast_in_dim3A_341, %broadcast_in_dim3A_351, %get3A_655] : memref<2x8x2048xf32, #tpu.memory_space<vmem>>[vector<16xi32>, vector<16xi32>, vector<16xi32>], vector<16xf32>,
        %mul3A_693 = arith.constant 16 : i32
        %mul3A_694 = arith.muli %add3A_651, %mul3A_693 : i32
        %swap3A_695 = arith.constant 1 : i32
        %swap3A_696 = arith.constant 4 : i32
        %swap3A_697 = arith.index_cast %swap3A_695 : i32 to index
        %swap3A_698 = arith.index_cast %swap3A_696 : i32 to index
        %swap3A_699 = arith.index_cast %mul3A_694 : i32 to index
        %swap3A_700 = tpu.vector_load %arg13[%swap3A_697, %swap3A_698, %swap3A_699] {strides = array<i32>} : memref<2x8x1024xf32, #tpu.memory_space<vmem>>, vector<16xf32>,
        tpu.vector_store %arg13[%swap3A_697, %swap3A_698, %swap3A_699], %gather3A_692 {strides = array<i32>} : memref<2x8x1024xf32, #tpu.memory_space<vmem>>, vector<16xf32>,
        %gather3A_701 = tpu.vector_load_idx %arg11[%broadcast_in_dim3A_341, %broadcast_in_dim3A_353, %get3A_655] : memref<2x8x2048xf32, #tpu.memory_space<vmem>>[vector<16xi32>, vector<16xi32>, vector<16xi32>], vector<16xf32>,
        %mul3A_702 = arith.constant 16 : i32
        %mul3A_703 = arith.muli %add3A_651, %mul3A_702 : i32
        %swap3A_704 = arith.constant 1 : i32
        %swap3A_705 = arith.constant 5 : i32
        %swap3A_706 = arith.index_cast %swap3A_704 : i32 to index
        %swap3A_707 = arith.index_cast %swap3A_705 : i32 to index
        %swap3A_708 = arith.index_cast %mul3A_703 : i32 to index
        %swap3A_709 = tpu.vector_load %arg13[%swap3A_706, %swap3A_707, %swap3A_708] {strides = array<i32>} : memref<2x8x1024xf32, #tpu.memory_space<vmem>>, vector<16xf32>,
        tpu.vector_store %arg13[%swap3A_706, %swap3A_707, %swap3A_708], %gather3A_701 {strides = array<i32>} : memref<2x8x1024xf32, #tpu.memory_space<vmem>>, vector<16xf32>,
        %gather3A_710 = tpu.vector_load_idx %arg11[%broadcast_in_dim3A_341, %broadcast_in_dim3A_355, %get3A_655] : memref<2x8x2048xf32, #tpu.memory_space<vmem>>[vector<16xi32>, vector<16xi32>, vector<16xi32>], vector<16xf32>,
        %mul3A_711 = arith.constant 16 : i32
        %mul3A_712 = arith.muli %add3A_651, %mul3A_711 : i32
        %swap3A_713 = arith.constant 1 : i32
        %swap3A_714 = arith.constant 6 : i32
        %swap3A_715 = arith.index_cast %swap3A_713 : i32 to index
        %swap3A_716 = arith.index_cast %swap3A_714 : i32 to index
        %swap3A_717 = arith.index_cast %mul3A_712 : i32 to index
        %swap3A_718 = tpu.vector_load %arg13[%swap3A_715, %swap3A_716, %swap3A_717] {strides = array<i32>} : memref<2x8x1024xf32, #tpu.memory_space<vmem>>, vector<16xf32>,
        tpu.vector_store %arg13[%swap3A_715, %swap3A_716, %swap3A_717], %gather3A_710 {strides = array<i32>} : memref<2x8x1024xf32, #tpu.memory_space<vmem>>, vector<16xf32>,
        %gather3A_719 = tpu.vector_load_idx %arg11[%broadcast_in_dim3A_341, %broadcast_in_dim3A_357, %get3A_655] : memref<2x8x2048xf32, #tpu.memory_space<vmem>>[vector<16xi32>, vector<16xi32>, vector<16xi32>], vector<16xf32>,
        %mul3A_720 = arith.constant 16 : i32
        %mul3A_721 = arith.muli %add3A_651, %mul3A_720 : i32
        %swap3A_722 = arith.constant 1 : i32
        %swap3A_723 = arith.constant 7 : i32
        %swap3A_724 = arith.index_cast %swap3A_722 : i32 to index
        %swap3A_725 = arith.index_cast %swap3A_723 : i32 to index
        %swap3A_726 = arith.index_cast %mul3A_721 : i32 to index
        %swap3A_727 = tpu.vector_load %arg13[%swap3A_724, %swap3A_725, %swap3A_726] {strides = array<i32>} : memref<2x8x1024xf32, #tpu.memory_space<vmem>>, vector<16xf32>,
        tpu.vector_store %arg13[%swap3A_724, %swap3A_725, %swap3A_726], %gather3A_719 {strides = array<i32>} : memref<2x8x1024xf32, #tpu.memory_space<vmem>>, vector<16xf32>,
        %mul3A_728 = arith.constant 4 : i32
        %mul3A_729 = arith.muli %scan3A_489, %mul3A_728 : i32
        %add3A_730 = arith.constant 3 : i32
        %add3A_731 = arith.addi %mul3A_729, %add3A_730 : i32
        %mul3A_732 = arith.constant 16 : i32
        %mul3A_733 = arith.muli %add3A_731, %mul3A_732 : i32
        %get3A_734 = arith.index_cast %mul3A_733 : i32 to index
        %get3A_735 = tpu.vector_load %arg8[%get3A_734] {strides = array<i32>} : memref<1024xi32, #tpu.memory_space<vmem>>, vector<16xi32>,
        %gather3A_736 = tpu.vector_load_idx %arg11[%broadcast_in_dim3A_341, %broadcast_in_dim3A_343, %get3A_735] : memref<2x8x2048xf32, #tpu.memory_space<vmem>>[vector<16xi32>, vector<16xi32>, vector<16xi32>], vector<16xf32>,
        %mul3A_737 = arith.constant 16 : i32
        %mul3A_738 = arith.muli %add3A_731, %mul3A_737 : i32
        %swap3A_739 = arith.constant 1 : i32
        %swap3A_740 = arith.constant 0 : i32
        %swap3A_741 = arith.index_cast %swap3A_739 : i32 to index
        %swap3A_742 = arith.index_cast %swap3A_740 : i32 to index
        %swap3A_743 = arith.index_cast %mul3A_738 : i32 to index
        %swap3A_744 = tpu.vector_load %arg13[%swap3A_741, %swap3A_742, %swap3A_743] {strides = array<i32>} : memref<2x8x1024xf32, #tpu.memory_space<vmem>>, vector<16xf32>,
        tpu.vector_store %arg13[%swap3A_741, %swap3A_742, %swap3A_743], %gather3A_736 {strides = array<i32>} : memref<2x8x1024xf32, #tpu.memory_space<vmem>>, vector<16xf32>,
        %gather3A_745 = tpu.vector_load_idx %arg11[%broadcast_in_dim3A_341, %broadcast_in_dim3A_345, %get3A_735] : memref<2x8x2048xf32, #tpu.memory_space<vmem>>[vector<16xi32>, vector<16xi32>, vector<16xi32>], vector<16xf32>,
        %mul3A_746 = arith.constant 16 : i32
        %mul3A_747 = arith.muli %add3A_731, %mul3A_746 : i32
        %swap3A_748 = arith.constant 1 : i32
        %swap3A_749 = arith.constant 1 : i32
        %swap3A_750 = arith.index_cast %swap3A_748 : i32 to index
        %swap3A_751 = arith.index_cast %swap3A_749 : i32 to index
        %swap3A_752 = arith.index_cast %mul3A_747 : i32 to index
        %swap3A_753 = tpu.vector_load %arg13[%swap3A_750, %swap3A_751, %swap3A_752] {strides = array<i32>} : memref<2x8x1024xf32, #tpu.memory_space<vmem>>, vector<16xf32>,
        tpu.vector_store %arg13[%swap3A_750, %swap3A_751, %swap3A_752], %gather3A_745 {strides = array<i32>} : memref<2x8x1024xf32, #tpu.memory_space<vmem>>, vector<16xf32>,
        %gather3A_754 = tpu.vector_load_idx %arg11[%broadcast_in_dim3A_341, %broadcast_in_dim3A_347, %get3A_735] : memref<2x8x2048xf32, #tpu.memory_space<vmem>>[vector<16xi32>, vector<16xi32>, vector<16xi32>], vector<16xf32>,
        %mul3A_755 = arith.constant 16 : i32
        %mul3A_756 = arith.muli %add3A_731, %mul3A_755 : i32
        %swap3A_757 = arith.constant 1 : i32
        %swap3A_758 = arith.constant 2 : i32
        %swap3A_759 = arith.index_cast %swap3A_757 : i32 to index
        %swap3A_760 = arith.index_cast %swap3A_758 : i32 to index
        %swap3A_761 = arith.index_cast %mul3A_756 : i32 to index
        %swap3A_762 = tpu.vector_load %arg13[%swap3A_759, %swap3A_760, %swap3A_761] {strides = array<i32>} : memref<2x8x1024xf32, #tpu.memory_space<vmem>>, vector<16xf32>,
        tpu.vector_store %arg13[%swap3A_759, %swap3A_760, %swap3A_761], %gather3A_754 {strides = array<i32>} : memref<2x8x1024xf32, #tpu.memory_space<vmem>>, vector<16xf32>,
        %gather3A_763 = tpu.vector_load_idx %arg11[%broadcast_in_dim3A_341, %broadcast_in_dim3A_349, %get3A_735] : memref<2x8x2048xf32, #tpu.memory_space<vmem>>[vector<16xi32>, vector<16xi32>, vector<16xi32>], vector<16xf32>,
        %mul3A_764 = arith.constant 16 : i32
        %mul3A_765 = arith.muli %add3A_731, %mul3A_764 : i32
        %swap3A_766 = arith.constant 1 : i32
        %swap3A_767 = arith.constant 3 : i32
        %swap3A_768 = arith.index_cast %swap3A_766 : i32 to index
        %swap3A_769 = arith.index_cast %swap3A_767 : i32 to index
        %swap3A_770 = arith.index_cast %mul3A_765 : i32 to index
        %swap3A_771 = tpu.vector_load %arg13[%swap3A_768, %swap3A_769, %swap3A_770] {strides = array<i32>} : memref<2x8x1024xf32, #tpu.memory_space<vmem>>, vector<16xf32>,
        tpu.vector_store %arg13[%swap3A_768, %swap3A_769, %swap3A_770], %gather3A_763 {strides = array<i32>} : memref<2x8x1024xf32, #tpu.memory_space<vmem>>, vector<16xf32>,
        %gather3A_772 = tpu.vector_load_idx %arg11[%broadcast_in_dim3A_341, %broadcast_in_dim3A_351, %get3A_735] : memref<2x8x2048xf32, #tpu.memory_space<vmem>>[vector<16xi32>, vector<16xi32>, vector<16xi32>], vector<16xf32>,
        %mul3A_773 = arith.constant 16 : i32
        %mul3A_774 = arith.muli %add3A_731, %mul3A_773 : i32
        %swap3A_775 = arith.constant 1 : i32
        %swap3A_776 = arith.constant 4 : i32
        %swap3A_777 = arith.index_cast %swap3A_775 : i32 to index
        %swap3A_778 = arith.index_cast %swap3A_776 : i32 to index
        %swap3A_779 = arith.index_cast %mul3A_774 : i32 to index
        %swap3A_780 = tpu.vector_load %arg13[%swap3A_777, %swap3A_778, %swap3A_779] {strides = array<i32>} : memref<2x8x1024xf32, #tpu.memory_space<vmem>>, vector<16xf32>,
        tpu.vector_store %arg13[%swap3A_777, %swap3A_778, %swap3A_779], %gather3A_772 {strides = array<i32>} : memref<2x8x1024xf32, #tpu.memory_space<vmem>>, vector<16xf32>,
        %gather3A_781 = tpu.vector_load_idx %arg11[%broadcast_in_dim3A_341, %broadcast_in_dim3A_353, %get3A_735] : memref<2x8x2048xf32, #tpu.memory_space<vmem>>[vector<16xi32>, vector<16xi32>, vector<16xi32>], vector<16xf32>,
        %mul3A_782 = arith.constant 16 : i32
        %mul3A_783 = arith.muli %add3A_731, %mul3A_782 : i32
        %swap3A_784 = arith.constant 1 : i32
        %swap3A_785 = arith.constant 5 : i32
        %swap3A_786 = arith.index_cast %swap3A_784 : i32 to index
        %swap3A_787 = arith.index_cast %swap3A_785 : i32 to index
        %swap3A_788 = arith.index_cast %mul3A_783 : i32 to index
        %swap3A_789 = tpu.vector_load %arg13[%swap3A_786, %swap3A_787, %swap3A_788] {strides = array<i32>} : memref<2x8x1024xf32, #tpu.memory_space<vmem>>, vector<16xf32>,
        tpu.vector_store %arg13[%swap3A_786, %swap3A_787, %swap3A_788], %gather3A_781 {strides = array<i32>} : memref<2x8x1024xf32, #tpu.memory_space<vmem>>, vector<16xf32>,
        %gather3A_790 = tpu.vector_load_idx %arg11[%broadcast_in_dim3A_341, %broadcast_in_dim3A_355, %get3A_735] : memref<2x8x2048xf32, #tpu.memory_space<vmem>>[vector<16xi32>, vector<16xi32>, vector<16xi32>], vector<16xf32>,
        %mul3A_791 = arith.constant 16 : i32
        %mul3A_792 = arith.muli %add3A_731, %mul3A_791 : i32
        %swap3A_793 = arith.constant 1 : i32
        %swap3A_794 = arith.constant 6 : i32
        %swap3A_795 = arith.index_cast %swap3A_793 : i32 to index
        %swap3A_796 = arith.index_cast %swap3A_794 : i32 to index
        %swap3A_797 = arith.index_cast %mul3A_792 : i32 to index
        %swap3A_798 = tpu.vector_load %arg13[%swap3A_795, %swap3A_796, %swap3A_797] {strides = array<i32>} : memref<2x8x1024xf32, #tpu.memory_space<vmem>>, vector<16xf32>,
        tpu.vector_store %arg13[%swap3A_795, %swap3A_796, %swap3A_797], %gather3A_790 {strides = array<i32>} : memref<2x8x1024xf32, #tpu.memory_space<vmem>>, vector<16xf32>,
        %gather3A_799 = tpu.vector_load_idx %arg11[%broadcast_in_dim3A_341, %broadcast_in_dim3A_357, %get3A_735] : memref<2x8x2048xf32, #tpu.memory_space<vmem>>[vector<16xi32>, vector<16xi32>, vector<16xi32>], vector<16xf32>,
        %mul3A_800 = arith.constant 16 : i32
        %mul3A_801 = arith.muli %add3A_731, %mul3A_800 : i32
        %swap3A_802 = arith.constant 1 : i32
        %swap3A_803 = arith.constant 7 : i32
        %swap3A_804 = arith.index_cast %swap3A_802 : i32 to index
        %swap3A_805 = arith.index_cast %swap3A_803 : i32 to index
        %swap3A_806 = arith.index_cast %mul3A_801 : i32 to index
        %swap3A_807 = tpu.vector_load %arg13[%swap3A_804, %swap3A_805, %swap3A_806] {strides = array<i32>} : memref<2x8x1024xf32, #tpu.memory_space<vmem>>, vector<16xf32>,
        tpu.vector_store %arg13[%swap3A_804, %swap3A_805, %swap3A_806], %gather3A_799 {strides = array<i32>} : memref<2x8x1024xf32, #tpu.memory_space<vmem>>, vector<16xf32>,
      }
      %scan3A_363 = arith.constant 16 : i32
      %mul3A_364 = arith.constant 8 : i32
      %mul3A_365 = arith.muli %add3A_307, %mul3A_364 : i32
      %add3A_366 = arith.constant 0 : i32
      %add3A_367 = arith.addi %mul3A_365, %add3A_366 : i32
      %broadcast_in_dim3A_368 = vector.broadcast %add3A_367 : i32 to vector<16xi32>
      %gather3A_369 = tpu.vector_load_idx %arg10[%broadcast_in_dim3A_368] : memref<256xf32, #tpu.memory_space<vmem>>[vector<16xi32>], vector<16xf32>,
      %scan3A_370 = arith.constant 0 : i32
      %scan3A_371 = arith.constant 0 : i32
      %scan3A_372 = arith.constant 4 : i32
      %scan3A_373 = arith.addi %scan3A_371, %scan3A_372 : i32
      %scan3A_374 = arith.constant 1 : i32
      scf.for %scan3A_489 = %scan3A_371 to %scan3A_373 step %scan3A_374  : i32 {
        %mul3A_490 = arith.constant 8 : i32
        %mul3A_491 = arith.muli %scan3A_489, %mul3A_490 : i32
        %add3A_492 = arith.constant 0 : i32
        %add3A_493 = arith.addi %mul3A_491, %add3A_492 : i32
        %mul3A_494 = arith.constant 16 : i32
        %mul3A_495 = arith.muli %add3A_493, %mul3A_494 : i32
        %get3A = arith.constant 1 : i32
        %get3A_496 = arith.constant 0 : i32
        %get3A_497 = arith.index_cast %get3A : i32 to index
        %get3A_498 = arith.index_cast %get3A_496 : i32 to index
        %get3A_499 = arith.index_cast %mul3A_495 : i32 to index
        %get3A_500 = tpu.vector_load %arg12[%get3A_497, %get3A_498, %get3A_499] {strides = array<i32>} : memref<2x8x512xf32, #tpu.memory_space<vmem>>, vector<16xf32>,
        %mul3A_501 = arith.mulf %get3A_500, %gather3A_369 : vector<16xf32>
        %mul3A_502 = arith.constant 16 : i32
        %mul3A_503 = arith.muli %add3A_493, %mul3A_502 : i32
        %swap3A = arith.constant 1 : i32
        %swap3A_504 = arith.constant 0 : i32
        %swap3A_505 = arith.index_cast %swap3A : i32 to index
        %swap3A_506 = arith.index_cast %swap3A_504 : i32 to index
        %swap3A_507 = arith.index_cast %mul3A_503 : i32 to index
        %swap3A_508 = tpu.vector_load %arg14[%swap3A_505, %swap3A_506, %swap3A_507] {strides = array<i32>} : memref<2x8x512xf32, #tpu.memory_space<vmem>>, vector<16xf32>,
        tpu.vector_store %arg14[%swap3A_505, %swap3A_506, %swap3A_507], %mul3A_501 {strides = array<i32>} : memref<2x8x512xf32, #tpu.memory_space<vmem>>, vector<16xf32>,
        %mul3A_509 = arith.constant 8 : i32
        %mul3A_510 = arith.muli %scan3A_489, %mul3A_509 : i32
        %add3A_511 = arith.constant 1 : i32
        %add3A_512 = arith.addi %mul3A_510, %add3A_511 : i32
        %mul3A_513 = arith.constant 16 : i32
        %mul3A_514 = arith.muli %add3A_512, %mul3A_513 : i32
        %get3A_515 = arith.constant 1 : i32
        %get3A_516 = arith.constant 0 : i32
        %get3A_517 = arith.index_cast %get3A_515 : i32 to index
        %get3A_518 = arith.index_cast %get3A_516 : i32 to index
        %get3A_519 = arith.index_cast %mul3A_514 : i32 to index
        %get3A_520 = tpu.vector_load %arg12[%get3A_517, %get3A_518, %get3A_519] {strides = array<i32>} : memref<2x8x512xf32, #tpu.memory_space<vmem>>, vector<16xf32>,
        %mul3A_521 = arith.mulf %get3A_520, %gather3A_369 : vector<16xf32>
        %mul3A_522 = arith.constant 16 : i32
        %mul3A_523 = arith.muli %add3A_512, %mul3A_522 : i32
        %swap3A_524 = arith.constant 1 : i32
        %swap3A_525 = arith.constant 0 : i32
        %swap3A_526 = arith.index_cast %swap3A_524 : i32 to index
        %swap3A_527 = arith.index_cast %swap3A_525 : i32 to index
        %swap3A_528 = arith.index_cast %mul3A_523 : i32 to index
        %swap3A_529 = tpu.vector_load %arg14[%swap3A_526, %swap3A_527, %swap3A_528] {strides = array<i32>} : memref<2x8x512xf32, #tpu.memory_space<vmem>>, vector<16xf32>,
        tpu.vector_store %arg14[%swap3A_526, %swap3A_527, %swap3A_528], %mul3A_521 {strides = array<i32>} : memref<2x8x512xf32, #tpu.memory_space<vmem>>, vector<16xf32>,
        %mul3A_530 = arith.constant 8 : i32
        %mul3A_531 = arith.muli %scan3A_489, %mul3A_530 : i32
        %add3A_532 = arith.constant 2 : i32
        %add3A_533 = arith.addi %mul3A_531, %add3A_532 : i32
        %mul3A_534 = arith.constant 16 : i32
        %mul3A_535 = arith.muli %add3A_533, %mul3A_534 : i32
        %get3A_536 = arith.constant 1 : i32
        %get3A_537 = arith.constant 0 : i32
        %get3A_538 = arith.index_cast %get3A_536 : i32 to index
        %get3A_539 = arith.index_cast %get3A_537 : i32 to index
        %get3A_540 = arith.index_cast %mul3A_535 : i32 to index
        %get3A_541 = tpu.vector_load %arg12[%get3A_538, %get3A_539, %get3A_540] {strides = array<i32>} : memref<2x8x512xf32, #tpu.memory_space<vmem>>, vector<16xf32>,
        %mul3A_542 = arith.mulf %get3A_541, %gather3A_369 : vector<16xf32>
        %mul3A_543 = arith.constant 16 : i32
        %mul3A_544 = arith.muli %add3A_533, %mul3A_543 : i32
        %swap3A_545 = arith.constant 1 : i32
        %swap3A_546 = arith.constant 0 : i32
        %swap3A_547 = arith.index_cast %swap3A_545 : i32 to index
        %swap3A_548 = arith.index_cast %swap3A_546 : i32 to index
        %swap3A_549 = arith.index_cast %mul3A_544 : i32 to index
        %swap3A_550 = tpu.vector_load %arg14[%swap3A_547, %swap3A_548, %swap3A_549] {strides = array<i32>} : memref<2x8x512xf32, #tpu.memory_space<vmem>>, vector<16xf32>,
        tpu.vector_store %arg14[%swap3A_547, %swap3A_548, %swap3A_549], %mul3A_542 {strides = array<i32>} : memref<2x8x512xf32, #tpu.memory_space<vmem>>, vector<16xf32>,
        %mul3A_551 = arith.constant 8 : i32
        %mul3A_552 = arith.muli %scan3A_489, %mul3A_551 : i32
        %add3A_553 = arith.constant 3 : i32
        %add3A_554 = arith.addi %mul3A_552, %add3A_553 : i32
        %mul3A_555 = arith.constant 16 : i32
        %mul3A_556 = arith.muli %add3A_554, %mul3A_555 : i32
        %get3A_557 = arith.constant 1 : i32
        %get3A_558 = arith.constant 0 : i32
        %get3A_559 = arith.index_cast %get3A_557 : i32 to index
        %get3A_560 = arith.index_cast %get3A_558 : i32 to index
        %get3A_561 = arith.index_cast %mul3A_556 : i32 to index
        %get3A_562 = tpu.vector_load %arg12[%get3A_559, %get3A_560, %get3A_561] {strides = array<i32>} : memref<2x8x512xf32, #tpu.memory_space<vmem>>, vector<16xf32>,
        %mul3A_563 = arith.mulf %get3A_562, %gather3A_369 : vector<16xf32>
        %mul3A_564 = arith.constant 16 : i32
        %mul3A_565 = arith.muli %add3A_554, %mul3A_564 : i32
        %swap3A_566 = arith.constant 1 : i32
        %swap3A_567 = arith.constant 0 : i32
        %swap3A_568 = arith.index_cast %swap3A_566 : i32 to index
        %swap3A_569 = arith.index_cast %swap3A_567 : i32 to index
        %swap3A_570 = arith.index_cast %mul3A_565 : i32 to index
        %swap3A_571 = tpu.vector_load %arg14[%swap3A_568, %swap3A_569, %swap3A_570] {strides = array<i32>} : memref<2x8x512xf32, #tpu.memory_space<vmem>>, vector<16xf32>,
        tpu.vector_store %arg14[%swap3A_568, %swap3A_569, %swap3A_570], %mul3A_563 {strides = array<i32>} : memref<2x8x512xf32, #tpu.memory_space<vmem>>, vector<16xf32>,
        %mul3A_572 = arith.constant 8 : i32
        %mul3A_573 = arith.muli %scan3A_489, %mul3A_572 : i32
        %add3A_574 = arith.constant 4 : i32
        %add3A_575 = arith.addi %mul3A_573, %add3A_574 : i32
        %mul3A_576 = arith.constant 16 : i32
        %mul3A_577 = arith.muli %add3A_575, %mul3A_576 : i32
        %get3A_578 = arith.constant 1 : i32
        %get3A_579 = arith.constant 0 : i32
        %get3A_580 = arith.index_cast %get3A_578 : i32 to index
        %get3A_581 = arith.index_cast %get3A_579 : i32 to index
        %get3A_582 = arith.index_cast %mul3A_577 : i32 to index
        %get3A_583 = tpu.vector_load %arg12[%get3A_580, %get3A_581, %get3A_582] {strides = array<i32>} : memref<2x8x512xf32, #tpu.memory_space<vmem>>, vector<16xf32>,
        %mul3A_584 = arith.mulf %get3A_583, %gather3A_369 : vector<16xf32>
        %mul3A_585 = arith.constant 16 : i32
        %mul3A_586 = arith.muli %add3A_575, %mul3A_585 : i32
        %swap3A_587 = arith.constant 1 : i32
        %swap3A_588 = arith.constant 0 : i32
        %swap3A_589 = arith.index_cast %swap3A_587 : i32 to index
        %swap3A_590 = arith.index_cast %swap3A_588 : i32 to index
        %swap3A_591 = arith.index_cast %mul3A_586 : i32 to index
        %swap3A_592 = tpu.vector_load %arg14[%swap3A_589, %swap3A_590, %swap3A_591] {strides = array<i32>} : memref<2x8x512xf32, #tpu.memory_space<vmem>>, vector<16xf32>,
        tpu.vector_store %arg14[%swap3A_589, %swap3A_590, %swap3A_591], %mul3A_584 {strides = array<i32>} : memref<2x8x512xf32, #tpu.memory_space<vmem>>, vector<16xf32>,
        %mul3A_593 = arith.constant 8 : i32
        %mul3A_594 = arith.muli %scan3A_489, %mul3A_593 : i32
        %add3A_595 = arith.constant 5 : i32
        %add3A_596 = arith.addi %mul3A_594, %add3A_595 : i32
        %mul3A_597 = arith.constant 16 : i32
        %mul3A_598 = arith.muli %add3A_596, %mul3A_597 : i32
        %get3A_599 = arith.constant 1 : i32
        %get3A_600 = arith.constant 0 : i32
        %get3A_601 = arith.index_cast %get3A_599 : i32 to index
        %get3A_602 = arith.index_cast %get3A_600 : i32 to index
        %get3A_603 = arith.index_cast %mul3A_598 : i32 to index
        %get3A_604 = tpu.vector_load %arg12[%get3A_601, %get3A_602, %get3A_603] {strides = array<i32>} : memref<2x8x512xf32, #tpu.memory_space<vmem>>, vector<16xf32>,
        %mul3A_605 = arith.mulf %get3A_604, %gather3A_369 : vector<16xf32>
        %mul3A_606 = arith.constant 16 : i32
        %mul3A_607 = arith.muli %add3A_596, %mul3A_606 : i32
        %swap3A_608 = arith.constant 1 : i32
        %swap3A_609 = arith.constant 0 : i32
        %swap3A_610 = arith.index_cast %swap3A_608 : i32 to index
        %swap3A_611 = arith.index_cast %swap3A_609 : i32 to index
        %swap3A_612 = arith.index_cast %mul3A_607 : i32 to index
        %swap3A_613 = tpu.vector_load %arg14[%swap3A_610, %swap3A_611, %swap3A_612] {strides = array<i32>} : memref<2x8x512xf32, #tpu.memory_space<vmem>>, vector<16xf32>,
        tpu.vector_store %arg14[%swap3A_610, %swap3A_611, %swap3A_612], %mul3A_605 {strides = array<i32>} : memref<2x8x512xf32, #tpu.memory_space<vmem>>, vector<16xf32>,
        %mul3A_614 = arith.constant 8 : i32
        %mul3A_615 = arith.muli %scan3A_489, %mul3A_614 : i32
        %add3A_616 = arith.constant 6 : i32
        %add3A_617 = arith.addi %mul3A_615, %add3A_616 : i32
        %mul3A_618 = arith.constant 16 : i32
        %mul3A_619 = arith.muli %add3A_617, %mul3A_618 : i32
        %get3A_620 = arith.constant 1 : i32
        %get3A_621 = arith.constant 0 : i32
        %get3A_622 = arith.index_cast %get3A_620 : i32 to index
        %get3A_623 = arith.index_cast %get3A_621 : i32 to index
        %get3A_624 = arith.index_cast %mul3A_619 : i32 to index
        %get3A_625 = tpu.vector_load %arg12[%get3A_622, %get3A_623, %get3A_624] {strides = array<i32>} : memref<2x8x512xf32, #tpu.memory_space<vmem>>, vector<16xf32>,
        %mul3A_626 = arith.mulf %get3A_625, %gather3A_369 : vector<16xf32>
        %mul3A_627 = arith.constant 16 : i32
        %mul3A_628 = arith.muli %add3A_617, %mul3A_627 : i32
        %swap3A_629 = arith.constant 1 : i32
        %swap3A_630 = arith.constant 0 : i32
        %swap3A_631 = arith.index_cast %swap3A_629 : i32 to index
        %swap3A_632 = arith.index_cast %swap3A_630 : i32 to index
        %swap3A_633 = arith.index_cast %mul3A_628 : i32 to index
        %swap3A_634 = tpu.vector_load %arg14[%swap3A_631, %swap3A_632, %swap3A_633] {strides = array<i32>} : memref<2x8x512xf32, #tpu.memory_space<vmem>>, vector<16xf32>,
        tpu.vector_store %arg14[%swap3A_631, %swap3A_632, %swap3A_633], %mul3A_626 {strides = array<i32>} : memref<2x8x512xf32, #tpu.memory_space<vmem>>, vector<16xf32>,
        %mul3A_635 = arith.constant 8 : i32
        %mul3A_636 = arith.muli %scan3A_489, %mul3A_635 : i32
        %add3A_637 = arith.constant 7 : i32
        %add3A_638 = arith.addi %mul3A_636, %add3A_637 : i32
        %mul3A_639 = arith.constant 16 : i32
        %mul3A_640 = arith.muli %add3A_638, %mul3A_639 : i32
        %get3A_641 = arith.constant 1 : i32
        %get3A_642 = arith.constant 0 : i32
        %get3A_643 = arith.index_cast %get3A_641 : i32 to index
        %get3A_644 = arith.index_cast %get3A_642 : i32 to index
        %get3A_645 = arith.index_cast %mul3A_640 : i32 to index
        %get3A_646 = tpu.vector_load %arg12[%get3A_643, %get3A_644, %get3A_645] {strides = array<i32>} : memref<2x8x512xf32, #tpu.memory_space<vmem>>, vector<16xf32>,
        %mul3A_647 = arith.mulf %get3A_646, %gather3A_369 : vector<16xf32>
        %mul3A_648 = arith.constant 16 : i32
        %mul3A_649 = arith.muli %add3A_638, %mul3A_648 : i32
        %swap3A_650 = arith.constant 1 : i32
        %swap3A_651 = arith.constant 0 : i32
        %swap3A_652 = arith.index_cast %swap3A_650 : i32 to index
        %swap3A_653 = arith.index_cast %swap3A_651 : i32 to index
        %swap3A_654 = arith.index_cast %mul3A_649 : i32 to index
        %swap3A_655 = tpu.vector_load %arg14[%swap3A_652, %swap3A_653, %swap3A_654] {strides = array<i32>} : memref<2x8x512xf32, #tpu.memory_space<vmem>>, vector<16xf32>,
        tpu.vector_store %arg14[%swap3A_652, %swap3A_653, %swap3A_654], %mul3A_647 {strides = array<i32>} : memref<2x8x512xf32, #tpu.memory_space<vmem>>, vector<16xf32>,
      }
      %scan3A_375 = arith.constant 4 : i32
      %mul3A_376 = arith.constant 8 : i32
      %mul3A_377 = arith.muli %add3A_307, %mul3A_376 : i32
      %add3A_378 = arith.constant 1 : i32
      %add3A_379 = arith.addi %mul3A_377, %add3A_378 : i32
      %broadcast_in_dim3A_380 = vector.broadcast %add3A_379 : i32 to vector<16xi32>
      %gather3A_381 = tpu.vector_load_idx %arg10[%broadcast_in_dim3A_380] : memref<256xf32, #tpu.memory_space<vmem>>[vector<16xi32>], vector<16xf32>,
      %scan3A_382 = arith.constant 0 : i32
      %scan3A_383 = arith.constant 0 : i32
      %scan3A_384 = arith.constant 4 : i32
      %scan3A_385 = arith.addi %scan3A_383, %scan3A_384 : i32
      %scan3A_386 = arith.constant 1 : i32
      scf.for %scan3A_489 = %scan3A_383 to %scan3A_385 step %scan3A_386  : i32 {
        %mul3A_490 = arith.constant 8 : i32
        %mul3A_491 = arith.muli %scan3A_489, %mul3A_490 : i32
        %add3A_492 = arith.constant 0 : i32
        %add3A_493 = arith.addi %mul3A_491, %add3A_492 : i32
        %mul3A_494 = arith.constant 16 : i32
        %mul3A_495 = arith.muli %add3A_493, %mul3A_494 : i32
        %get3A = arith.constant 1 : i32
        %get3A_496 = arith.constant 1 : i32
        %get3A_497 = arith.index_cast %get3A : i32 to index
        %get3A_498 = arith.index_cast %get3A_496 : i32 to index
        %get3A_499 = arith.index_cast %mul3A_495 : i32 to index
        %get3A_500 = tpu.vector_load %arg12[%get3A_497, %get3A_498, %get3A_499] {strides = array<i32>} : memref<2x8x512xf32, #tpu.memory_space<vmem>>, vector<16xf32>,
        %mul3A_501 = arith.mulf %get3A_500, %gather3A_381 : vector<16xf32>
        %mul3A_502 = arith.constant 16 : i32
        %mul3A_503 = arith.muli %add3A_493, %mul3A_502 : i32
        %swap3A = arith.constant 1 : i32
        %swap3A_504 = arith.constant 1 : i32
        %swap3A_505 = arith.index_cast %swap3A : i32 to index
        %swap3A_506 = arith.index_cast %swap3A_504 : i32 to index
        %swap3A_507 = arith.index_cast %mul3A_503 : i32 to index
        %swap3A_508 = tpu.vector_load %arg14[%swap3A_505, %swap3A_506, %swap3A_507] {strides = array<i32>} : memref<2x8x512xf32, #tpu.memory_space<vmem>>, vector<16xf32>,
        tpu.vector_store %arg14[%swap3A_505, %swap3A_506, %swap3A_507], %mul3A_501 {strides = array<i32>} : memref<2x8x512xf32, #tpu.memory_space<vmem>>, vector<16xf32>,
        %mul3A_509 = arith.constant 8 : i32
        %mul3A_510 = arith.muli %scan3A_489, %mul3A_509 : i32
        %add3A_511 = arith.constant 1 : i32
        %add3A_512 = arith.addi %mul3A_510, %add3A_511 : i32
        %mul3A_513 = arith.constant 16 : i32
        %mul3A_514 = arith.muli %add3A_512, %mul3A_513 : i32
        %get3A_515 = arith.constant 1 : i32
        %get3A_516 = arith.constant 1 : i32
        %get3A_517 = arith.index_cast %get3A_515 : i32 to index
        %get3A_518 = arith.index_cast %get3A_516 : i32 to index
        %get3A_519 = arith.index_cast %mul3A_514 : i32 to index
        %get3A_520 = tpu.vector_load %arg12[%get3A_517, %get3A_518, %get3A_519] {strides = array<i32>} : memref<2x8x512xf32, #tpu.memory_space<vmem>>, vector<16xf32>,
        %mul3A_521 = arith.mulf %get3A_520, %gather3A_381 : vector<16xf32>
        %mul3A_522 = arith.constant 16 : i32
        %mul3A_523 = arith.muli %add3A_512, %mul3A_522 : i32
        %swap3A_524 = arith.constant 1 : i32
        %swap3A_525 = arith.constant 1 : i32
        %swap3A_526 = arith.index_cast %swap3A_524 : i32 to index
        %swap3A_527 = arith.index_cast %swap3A_525 : i32 to index
        %swap3A_528 = arith.index_cast %mul3A_523 : i32 to index
        %swap3A_529 = tpu.vector_load %arg14[%swap3A_526, %swap3A_527, %swap3A_528] {strides = array<i32>} : memref<2x8x512xf32, #tpu.memory_space<vmem>>, vector<16xf32>,
        tpu.vector_store %arg14[%swap3A_526, %swap3A_527, %swap3A_528], %mul3A_521 {strides = array<i32>} : memref<2x8x512xf32, #tpu.memory_space<vmem>>, vector<16xf32>,
        %mul3A_530 = arith.constant 8 : i32
        %mul3A_531 = arith.muli %scan3A_489, %mul3A_530 : i32
        %add3A_532 = arith.constant 2 : i32
        %add3A_533 = arith.addi %mul3A_531, %add3A_532 : i32
        %mul3A_534 = arith.constant 16 : i32
        %mul3A_535 = arith.muli %add3A_533, %mul3A_534 : i32
        %get3A_536 = arith.constant 1 : i32
        %get3A_537 = arith.constant 1 : i32
        %get3A_538 = arith.index_cast %get3A_536 : i32 to index
        %get3A_539 = arith.index_cast %get3A_537 : i32 to index
        %get3A_540 = arith.index_cast %mul3A_535 : i32 to index
        %get3A_541 = tpu.vector_load %arg12[%get3A_538, %get3A_539, %get3A_540] {strides = array<i32>} : memref<2x8x512xf32, #tpu.memory_space<vmem>>, vector<16xf32>,
        %mul3A_542 = arith.mulf %get3A_541, %gather3A_381 : vector<16xf32>
        %mul3A_543 = arith.constant 16 : i32
        %mul3A_544 = arith.muli %add3A_533, %mul3A_543 : i32
        %swap3A_545 = arith.constant 1 : i32
        %swap3A_546 = arith.constant 1 : i32
        %swap3A_547 = arith.index_cast %swap3A_545 : i32 to index
        %swap3A_548 = arith.index_cast %swap3A_546 : i32 to index
        %swap3A_549 = arith.index_cast %mul3A_544 : i32 to index
        %swap3A_550 = tpu.vector_load %arg14[%swap3A_547, %swap3A_548, %swap3A_549] {strides = array<i32>} : memref<2x8x512xf32, #tpu.memory_space<vmem>>, vector<16xf32>,
        tpu.vector_store %arg14[%swap3A_547, %swap3A_548, %swap3A_549], %mul3A_542 {strides = array<i32>} : memref<2x8x512xf32, #tpu.memory_space<vmem>>, vector<16xf32>,
        %mul3A_551 = arith.constant 8 : i32
        %mul3A_552 = arith.muli %scan3A_489, %mul3A_551 : i32
        %add3A_553 = arith.constant 3 : i32
        %add3A_554 = arith.addi %mul3A_552, %add3A_553 : i32
        %mul3A_555 = arith.constant 16 : i32
        %mul3A_556 = arith.muli %add3A_554, %mul3A_555 : i32
        %get3A_557 = arith.constant 1 : i32
        %get3A_558 = arith.constant 1 : i32
        %get3A_559 = arith.index_cast %get3A_557 : i32 to index
        %get3A_560 = arith.index_cast %get3A_558 : i32 to index
        %get3A_561 = arith.index_cast %mul3A_556 : i32 to index
        %get3A_562 = tpu.vector_load %arg12[%get3A_559, %get3A_560, %get3A_561] {strides = array<i32>} : memref<2x8x512xf32, #tpu.memory_space<vmem>>, vector<16xf32>,
        %mul3A_563 = arith.mulf %get3A_562, %gather3A_381 : vector<16xf32>
        %mul3A_564 = arith.constant 16 : i32
        %mul3A_565 = arith.muli %add3A_554, %mul3A_564 : i32
        %swap3A_566 = arith.constant 1 : i32
        %swap3A_567 = arith.constant 1 : i32
        %swap3A_568 = arith.index_cast %swap3A_566 : i32 to index
        %swap3A_569 = arith.index_cast %swap3A_567 : i32 to index
        %swap3A_570 = arith.index_cast %mul3A_565 : i32 to index
        %swap3A_571 = tpu.vector_load %arg14[%swap3A_568, %swap3A_569, %swap3A_570] {strides = array<i32>} : memref<2x8x512xf32, #tpu.memory_space<vmem>>, vector<16xf32>,
        tpu.vector_store %arg14[%swap3A_568, %swap3A_569, %swap3A_570], %mul3A_563 {strides = array<i32>} : memref<2x8x512xf32, #tpu.memory_space<vmem>>, vector<16xf32>,
        %mul3A_572 = arith.constant 8 : i32
        %mul3A_573 = arith.muli %scan3A_489, %mul3A_572 : i32
        %add3A_574 = arith.constant 4 : i32
        %add3A_575 = arith.addi %mul3A_573, %add3A_574 : i32
        %mul3A_576 = arith.constant 16 : i32
        %mul3A_577 = arith.muli %add3A_575, %mul3A_576 : i32
        %get3A_578 = arith.constant 1 : i32
        %get3A_579 = arith.constant 1 : i32
        %get3A_580 = arith.index_cast %get3A_578 : i32 to index
        %get3A_581 = arith.index_cast %get3A_579 : i32 to index
        %get3A_582 = arith.index_cast %mul3A_577 : i32 to index
        %get3A_583 = tpu.vector_load %arg12[%get3A_580, %get3A_581, %get3A_582] {strides = array<i32>} : memref<2x8x512xf32, #tpu.memory_space<vmem>>, vector<16xf32>,
        %mul3A_584 = arith.mulf %get3A_583, %gather3A_381 : vector<16xf32>
        %mul3A_585 = arith.constant 16 : i32
        %mul3A_586 = arith.muli %add3A_575, %mul3A_585 : i32
        %swap3A_587 = arith.constant 1 : i32
        %swap3A_588 = arith.constant 1 : i32
        %swap3A_589 = arith.index_cast %swap3A_587 : i32 to index
        %swap3A_590 = arith.index_cast %swap3A_588 : i32 to index
        %swap3A_591 = arith.index_cast %mul3A_586 : i32 to index
        %swap3A_592 = tpu.vector_load %arg14[%swap3A_589, %swap3A_590, %swap3A_591] {strides = array<i32>} : memref<2x8x512xf32, #tpu.memory_space<vmem>>, vector<16xf32>,
        tpu.vector_store %arg14[%swap3A_589, %swap3A_590, %swap3A_591], %mul3A_584 {strides = array<i32>} : memref<2x8x512xf32, #tpu.memory_space<vmem>>, vector<16xf32>,
        %mul3A_593 = arith.constant 8 : i32
        %mul3A_594 = arith.muli %scan3A_489, %mul3A_593 : i32
        %add3A_595 = arith.constant 5 : i32
        %add3A_596 = arith.addi %mul3A_594, %add3A_595 : i32
        %mul3A_597 = arith.constant 16 : i32
        %mul3A_598 = arith.muli %add3A_596, %mul3A_597 : i32
        %get3A_599 = arith.constant 1 : i32
        %get3A_600 = arith.constant 1 : i32
        %get3A_601 = arith.index_cast %get3A_599 : i32 to index
        %get3A_602 = arith.index_cast %get3A_600 : i32 to index
        %get3A_603 = arith.index_cast %mul3A_598 : i32 to index
        %get3A_604 = tpu.vector_load %arg12[%get3A_601, %get3A_602, %get3A_603] {strides = array<i32>} : memref<2x8x512xf32, #tpu.memory_space<vmem>>, vector<16xf32>,
        %mul3A_605 = arith.mulf %get3A_604, %gather3A_381 : vector<16xf32>
        %mul3A_606 = arith.constant 16 : i32
        %mul3A_607 = arith.muli %add3A_596, %mul3A_606 : i32
        %swap3A_608 = arith.constant 1 : i32
        %swap3A_609 = arith.constant 1 : i32
        %swap3A_610 = arith.index_cast %swap3A_608 : i32 to index
        %swap3A_611 = arith.index_cast %swap3A_609 : i32 to index
        %swap3A_612 = arith.index_cast %mul3A_607 : i32 to index
        %swap3A_613 = tpu.vector_load %arg14[%swap3A_610, %swap3A_611, %swap3A_612] {strides = array<i32>} : memref<2x8x512xf32, #tpu.memory_space<vmem>>, vector<16xf32>,
        tpu.vector_store %arg14[%swap3A_610, %swap3A_611, %swap3A_612], %mul3A_605 {strides = array<i32>} : memref<2x8x512xf32, #tpu.memory_space<vmem>>, vector<16xf32>,
        %mul3A_614 = arith.constant 8 : i32
        %mul3A_615 = arith.muli %scan3A_489, %mul3A_614 : i32
        %add3A_616 = arith.constant 6 : i32
        %add3A_617 = arith.addi %mul3A_615, %add3A_616 : i32
        %mul3A_618 = arith.constant 16 : i32
        %mul3A_619 = arith.muli %add3A_617, %mul3A_618 : i32
        %get3A_620 = arith.constant 1 : i32
        %get3A_621 = arith.constant 1 : i32
        %get3A_622 = arith.index_cast %get3A_620 : i32 to index
        %get3A_623 = arith.index_cast %get3A_621 : i32 to index
        %get3A_624 = arith.index_cast %mul3A_619 : i32 to index
        %get3A_625 = tpu.vector_load %arg12[%get3A_622, %get3A_623, %get3A_624] {strides = array<i32>} : memref<2x8x512xf32, #tpu.memory_space<vmem>>, vector<16xf32>,
        %mul3A_626 = arith.mulf %get3A_625, %gather3A_381 : vector<16xf32>
        %mul3A_627 = arith.constant 16 : i32
        %mul3A_628 = arith.muli %add3A_617, %mul3A_627 : i32
        %swap3A_629 = arith.constant 1 : i32
        %swap3A_630 = arith.constant 1 : i32
        %swap3A_631 = arith.index_cast %swap3A_629 : i32 to index
        %swap3A_632 = arith.index_cast %swap3A_630 : i32 to index
        %swap3A_633 = arith.index_cast %mul3A_628 : i32 to index
        %swap3A_634 = tpu.vector_load %arg14[%swap3A_631, %swap3A_632, %swap3A_633] {strides = array<i32>} : memref<2x8x512xf32, #tpu.memory_space<vmem>>, vector<16xf32>,
        tpu.vector_store %arg14[%swap3A_631, %swap3A_632, %swap3A_633], %mul3A_626 {strides = array<i32>} : memref<2x8x512xf32, #tpu.memory_space<vmem>>, vector<16xf32>,
        %mul3A_635 = arith.constant 8 : i32
        %mul3A_636 = arith.muli %scan3A_489, %mul3A_635 : i32
        %add3A_637 = arith.constant 7 : i32
        %add3A_638 = arith.addi %mul3A_636, %add3A_637 : i32
        %mul3A_639 = arith.constant 16 : i32
        %mul3A_640 = arith.muli %add3A_638, %mul3A_639 : i32
        %get3A_641 = arith.constant 1 : i32
        %get3A_642 = arith.constant 1 : i32
        %get3A_643 = arith.index_cast %get3A_641 : i32 to index
        %get3A_644 = arith.index_cast %get3A_642 : i32 to index
        %get3A_645 = arith.index_cast %mul3A_640 : i32 to index
        %get3A_646 = tpu.vector_load %arg12[%get3A_643, %get3A_644, %get3A_645] {strides = array<i32>} : memref<2x8x512xf32, #tpu.memory_space<vmem>>, vector<16xf32>,
        %mul3A_647 = arith.mulf %get3A_646, %gather3A_381 : vector<16xf32>
        %mul3A_648 = arith.constant 16 : i32
        %mul3A_649 = arith.muli %add3A_638, %mul3A_648 : i32
        %swap3A_650 = arith.constant 1 : i32
        %swap3A_651 = arith.constant 1 : i32
        %swap3A_652 = arith.index_cast %swap3A_650 : i32 to index
        %swap3A_653 = arith.index_cast %swap3A_651 : i32 to index
        %swap3A_654 = arith.index_cast %mul3A_649 : i32 to index
        %swap3A_655 = tpu.vector_load %arg14[%swap3A_652, %swap3A_653, %swap3A_654] {strides = array<i32>} : memref<2x8x512xf32, #tpu.memory_space<vmem>>, vector<16xf32>,
        tpu.vector_store %arg14[%swap3A_652, %swap3A_653, %swap3A_654], %mul3A_647 {strides = array<i32>} : memref<2x8x512xf32, #tpu.memory_space<vmem>>, vector<16xf32>,
      }
      %scan3A_387 = arith.constant 4 : i32
      %mul3A_388 = arith.constant 8 : i32
      %mul3A_389 = arith.muli %add3A_307, %mul3A_388 : i32
      %add3A_390 = arith.constant 2 : i32
      %add3A_391 = arith.addi %mul3A_389, %add3A_390 : i32
      %broadcast_in_dim3A_392 = vector.broadcast %add3A_391 : i32 to vector<16xi32>
      %gather3A_393 = tpu.vector_load_idx %arg10[%broadcast_in_dim3A_392] : memref<256xf32, #tpu.memory_space<vmem>>[vector<16xi32>], vector<16xf32>,
      %scan3A_394 = arith.constant 0 : i32
      %scan3A_395 = arith.constant 0 : i32
      %scan3A_396 = arith.constant 4 : i32
      %scan3A_397 = arith.addi %scan3A_395, %scan3A_396 : i32
      %scan3A_398 = arith.constant 1 : i32
      scf.for %scan3A_489 = %scan3A_395 to %scan3A_397 step %scan3A_398  : i32 {
        %mul3A_490 = arith.constant 8 : i32
        %mul3A_491 = arith.muli %scan3A_489, %mul3A_490 : i32
        %add3A_492 = arith.constant 0 : i32
        %add3A_493 = arith.addi %mul3A_491, %add3A_492 : i32
        %mul3A_494 = arith.constant 16 : i32
        %mul3A_495 = arith.muli %add3A_493, %mul3A_494 : i32
        %get3A = arith.constant 1 : i32
        %get3A_496 = arith.constant 2 : i32
        %get3A_497 = arith.index_cast %get3A : i32 to index
        %get3A_498 = arith.index_cast %get3A_496 : i32 to index
        %get3A_499 = arith.index_cast %mul3A_495 : i32 to index
        %get3A_500 = tpu.vector_load %arg12[%get3A_497, %get3A_498, %get3A_499] {strides = array<i32>} : memref<2x8x512xf32, #tpu.memory_space<vmem>>, vector<16xf32>,
        %mul3A_501 = arith.mulf %get3A_500, %gather3A_393 : vector<16xf32>
        %mul3A_502 = arith.constant 16 : i32
        %mul3A_503 = arith.muli %add3A_493, %mul3A_502 : i32
        %swap3A = arith.constant 1 : i32
        %swap3A_504 = arith.constant 2 : i32
        %swap3A_505 = arith.index_cast %swap3A : i32 to index
        %swap3A_506 = arith.index_cast %swap3A_504 : i32 to index
        %swap3A_507 = arith.index_cast %mul3A_503 : i32 to index
        %swap3A_508 = tpu.vector_load %arg14[%swap3A_505, %swap3A_506, %swap3A_507] {strides = array<i32>} : memref<2x8x512xf32, #tpu.memory_space<vmem>>, vector<16xf32>,
        tpu.vector_store %arg14[%swap3A_505, %swap3A_506, %swap3A_507], %mul3A_501 {strides = array<i32>} : memref<2x8x512xf32, #tpu.memory_space<vmem>>, vector<16xf32>,
        %mul3A_509 = arith.constant 8 : i32
        %mul3A_510 = arith.muli %scan3A_489, %mul3A_509 : i32
        %add3A_511 = arith.constant 1 : i32
        %add3A_512 = arith.addi %mul3A_510, %add3A_511 : i32
        %mul3A_513 = arith.constant 16 : i32
        %mul3A_514 = arith.muli %add3A_512, %mul3A_513 : i32
        %get3A_515 = arith.constant 1 : i32
        %get3A_516 = arith.constant 2 : i32
        %get3A_517 = arith.index_cast %get3A_515 : i32 to index
        %get3A_518 = arith.index_cast %get3A_516 : i32 to index
        %get3A_519 = arith.index_cast %mul3A_514 : i32 to index
        %get3A_520 = tpu.vector_load %arg12[%get3A_517, %get3A_518, %get3A_519] {strides = array<i32>} : memref<2x8x512xf32, #tpu.memory_space<vmem>>, vector<16xf32>,
        %mul3A_521 = arith.mulf %get3A_520, %gather3A_393 : vector<16xf32>
        %mul3A_522 = arith.constant 16 : i32
        %mul3A_523 = arith.muli %add3A_512, %mul3A_522 : i32
        %swap3A_524 = arith.constant 1 : i32
        %swap3A_525 = arith.constant 2 : i32
        %swap3A_526 = arith.index_cast %swap3A_524 : i32 to index
        %swap3A_527 = arith.index_cast %swap3A_525 : i32 to index
        %swap3A_528 = arith.index_cast %mul3A_523 : i32 to index
        %swap3A_529 = tpu.vector_load %arg14[%swap3A_526, %swap3A_527, %swap3A_528] {strides = array<i32>} : memref<2x8x512xf32, #tpu.memory_space<vmem>>, vector<16xf32>,
        tpu.vector_store %arg14[%swap3A_526, %swap3A_527, %swap3A_528], %mul3A_521 {strides = array<i32>} : memref<2x8x512xf32, #tpu.memory_space<vmem>>, vector<16xf32>,
        %mul3A_530 = arith.constant 8 : i32
        %mul3A_531 = arith.muli %scan3A_489, %mul3A_530 : i32
        %add3A_532 = arith.constant 2 : i32
        %add3A_533 = arith.addi %mul3A_531, %add3A_532 : i32
        %mul3A_534 = arith.constant 16 : i32
        %mul3A_535 = arith.muli %add3A_533, %mul3A_534 : i32
        %get3A_536 = arith.constant 1 : i32
        %get3A_537 = arith.constant 2 : i32
        %get3A_538 = arith.index_cast %get3A_536 : i32 to index
        %get3A_539 = arith.index_cast %get3A_537 : i32 to index
        %get3A_540 = arith.index_cast %mul3A_535 : i32 to index
        %get3A_541 = tpu.vector_load %arg12[%get3A_538, %get3A_539, %get3A_540] {strides = array<i32>} : memref<2x8x512xf32, #tpu.memory_space<vmem>>, vector<16xf32>,
        %mul3A_542 = arith.mulf %get3A_541, %gather3A_393 : vector<16xf32>
        %mul3A_543 = arith.constant 16 : i32
        %mul3A_544 = arith.muli %add3A_533, %mul3A_543 : i32
        %swap3A_545 = arith.constant 1 : i32
        %swap3A_546 = arith.constant 2 : i32
        %swap3A_547 = arith.index_cast %swap3A_545 : i32 to index
        %swap3A_548 = arith.index_cast %swap3A_546 : i32 to index
        %swap3A_549 = arith.index_cast %mul3A_544 : i32 to index
        %swap3A_550 = tpu.vector_load %arg14[%swap3A_547, %swap3A_548, %swap3A_549] {strides = array<i32>} : memref<2x8x512xf32, #tpu.memory_space<vmem>>, vector<16xf32>,
        tpu.vector_store %arg14[%swap3A_547, %swap3A_548, %swap3A_549], %mul3A_542 {strides = array<i32>} : memref<2x8x512xf32, #tpu.memory_space<vmem>>, vector<16xf32>,
        %mul3A_551 = arith.constant 8 : i32
        %mul3A_552 = arith.muli %scan3A_489, %mul3A_551 : i32
        %add3A_553 = arith.constant 3 : i32
        %add3A_554 = arith.addi %mul3A_552, %add3A_553 : i32
        %mul3A_555 = arith.constant 16 : i32
        %mul3A_556 = arith.muli %add3A_554, %mul3A_555 : i32
        %get3A_557 = arith.constant 1 : i32
        %get3A_558 = arith.constant 2 : i32
        %get3A_559 = arith.index_cast %get3A_557 : i32 to index
        %get3A_560 = arith.index_cast %get3A_558 : i32 to index
        %get3A_561 = arith.index_cast %mul3A_556 : i32 to index
        %get3A_562 = tpu.vector_load %arg12[%get3A_559, %get3A_560, %get3A_561] {strides = array<i32>} : memref<2x8x512xf32, #tpu.memory_space<vmem>>, vector<16xf32>,
        %mul3A_563 = arith.mulf %get3A_562, %gather3A_393 : vector<16xf32>
        %mul3A_564 = arith.constant 16 : i32
        %mul3A_565 = arith.muli %add3A_554, %mul3A_564 : i32
        %swap3A_566 = arith.constant 1 : i32
        %swap3A_567 = arith.constant 2 : i32
        %swap3A_568 = arith.index_cast %swap3A_566 : i32 to index
        %swap3A_569 = arith.index_cast %swap3A_567 : i32 to index
        %swap3A_570 = arith.index_cast %mul3A_565 : i32 to index
        %swap3A_571 = tpu.vector_load %arg14[%swap3A_568, %swap3A_569, %swap3A_570] {strides = array<i32>} : memref<2x8x512xf32, #tpu.memory_space<vmem>>, vector<16xf32>,
        tpu.vector_store %arg14[%swap3A_568, %swap3A_569, %swap3A_570], %mul3A_563 {strides = array<i32>} : memref<2x8x512xf32, #tpu.memory_space<vmem>>, vector<16xf32>,
        %mul3A_572 = arith.constant 8 : i32
        %mul3A_573 = arith.muli %scan3A_489, %mul3A_572 : i32
        %add3A_574 = arith.constant 4 : i32
        %add3A_575 = arith.addi %mul3A_573, %add3A_574 : i32
        %mul3A_576 = arith.constant 16 : i32
        %mul3A_577 = arith.muli %add3A_575, %mul3A_576 : i32
        %get3A_578 = arith.constant 1 : i32
        %get3A_579 = arith.constant 2 : i32
        %get3A_580 = arith.index_cast %get3A_578 : i32 to index
        %get3A_581 = arith.index_cast %get3A_579 : i32 to index
        %get3A_582 = arith.index_cast %mul3A_577 : i32 to index
        %get3A_583 = tpu.vector_load %arg12[%get3A_580, %get3A_581, %get3A_582] {strides = array<i32>} : memref<2x8x512xf32, #tpu.memory_space<vmem>>, vector<16xf32>,
        %mul3A_584 = arith.mulf %get3A_583, %gather3A_393 : vector<16xf32>
        %mul3A_585 = arith.constant 16 : i32
        %mul3A_586 = arith.muli %add3A_575, %mul3A_585 : i32
        %swap3A_587 = arith.constant 1 : i32
        %swap3A_588 = arith.constant 2 : i32
        %swap3A_589 = arith.index_cast %swap3A_587 : i32 to index
        %swap3A_590 = arith.index_cast %swap3A_588 : i32 to index
        %swap3A_591 = arith.index_cast %mul3A_586 : i32 to index
        %swap3A_592 = tpu.vector_load %arg14[%swap3A_589, %swap3A_590, %swap3A_591] {strides = array<i32>} : memref<2x8x512xf32, #tpu.memory_space<vmem>>, vector<16xf32>,
        tpu.vector_store %arg14[%swap3A_589, %swap3A_590, %swap3A_591], %mul3A_584 {strides = array<i32>} : memref<2x8x512xf32, #tpu.memory_space<vmem>>, vector<16xf32>,
        %mul3A_593 = arith.constant 8 : i32
        %mul3A_594 = arith.muli %scan3A_489, %mul3A_593 : i32
        %add3A_595 = arith.constant 5 : i32
        %add3A_596 = arith.addi %mul3A_594, %add3A_595 : i32
        %mul3A_597 = arith.constant 16 : i32
        %mul3A_598 = arith.muli %add3A_596, %mul3A_597 : i32
        %get3A_599 = arith.constant 1 : i32
        %get3A_600 = arith.constant 2 : i32
        %get3A_601 = arith.index_cast %get3A_599 : i32 to index
        %get3A_602 = arith.index_cast %get3A_600 : i32 to index
        %get3A_603 = arith.index_cast %mul3A_598 : i32 to index
        %get3A_604 = tpu.vector_load %arg12[%get3A_601, %get3A_602, %get3A_603] {strides = array<i32>} : memref<2x8x512xf32, #tpu.memory_space<vmem>>, vector<16xf32>,
        %mul3A_605 = arith.mulf %get3A_604, %gather3A_393 : vector<16xf32>
        %mul3A_606 = arith.constant 16 : i32
        %mul3A_607 = arith.muli %add3A_596, %mul3A_606 : i32
        %swap3A_608 = arith.constant 1 : i32
        %swap3A_609 = arith.constant 2 : i32
        %swap3A_610 = arith.index_cast %swap3A_608 : i32 to index
        %swap3A_611 = arith.index_cast %swap3A_609 : i32 to index
        %swap3A_612 = arith.index_cast %mul3A_607 : i32 to index
        %swap3A_613 = tpu.vector_load %arg14[%swap3A_610, %swap3A_611, %swap3A_612] {strides = array<i32>} : memref<2x8x512xf32, #tpu.memory_space<vmem>>, vector<16xf32>,
        tpu.vector_store %arg14[%swap3A_610, %swap3A_611, %swap3A_612], %mul3A_605 {strides = array<i32>} : memref<2x8x512xf32, #tpu.memory_space<vmem>>, vector<16xf32>,
        %mul3A_614 = arith.constant 8 : i32
        %mul3A_615 = arith.muli %scan3A_489, %mul3A_614 : i32
        %add3A_616 = arith.constant 6 : i32
        %add3A_617 = arith.addi %mul3A_615, %add3A_616 : i32
        %mul3A_618 = arith.constant 16 : i32
        %mul3A_619 = arith.muli %add3A_617, %mul3A_618 : i32
        %get3A_620 = arith.constant 1 : i32
        %get3A_621 = arith.constant 2 : i32
        %get3A_622 = arith.index_cast %get3A_620 : i32 to index
        %get3A_623 = arith.index_cast %get3A_621 : i32 to index
        %get3A_624 = arith.index_cast %mul3A_619 : i32 to index
        %get3A_625 = tpu.vector_load %arg12[%get3A_622, %get3A_623, %get3A_624] {strides = array<i32>} : memref<2x8x512xf32, #tpu.memory_space<vmem>>, vector<16xf32>,
        %mul3A_626 = arith.mulf %get3A_625, %gather3A_393 : vector<16xf32>
        %mul3A_627 = arith.constant 16 : i32
        %mul3A_628 = arith.muli %add3A_617, %mul3A_627 : i32
        %swap3A_629 = arith.constant 1 : i32
        %swap3A_630 = arith.constant 2 : i32
        %swap3A_631 = arith.index_cast %swap3A_629 : i32 to index
        %swap3A_632 = arith.index_cast %swap3A_630 : i32 to index
        %swap3A_633 = arith.index_cast %mul3A_628 : i32 to index
        %swap3A_634 = tpu.vector_load %arg14[%swap3A_631, %swap3A_632, %swap3A_633] {strides = array<i32>} : memref<2x8x512xf32, #tpu.memory_space<vmem>>, vector<16xf32>,
        tpu.vector_store %arg14[%swap3A_631, %swap3A_632, %swap3A_633], %mul3A_626 {strides = array<i32>} : memref<2x8x512xf32, #tpu.memory_space<vmem>>, vector<16xf32>,
        %mul3A_635 = arith.constant 8 : i32
        %mul3A_636 = arith.muli %scan3A_489, %mul3A_635 : i32
        %add3A_637 = arith.constant 7 : i32
        %add3A_638 = arith.addi %mul3A_636, %add3A_637 : i32
        %mul3A_639 = arith.constant 16 : i32
        %mul3A_640 = arith.muli %add3A_638, %mul3A_639 : i32
        %get3A_641 = arith.constant 1 : i32
        %get3A_642 = arith.constant 2 : i32
        %get3A_643 = arith.index_cast %get3A_641 : i32 to index
        %get3A_644 = arith.index_cast %get3A_642 : i32 to index
        %get3A_645 = arith.index_cast %mul3A_640 : i32 to index
        %get3A_646 = tpu.vector_load %arg12[%get3A_643, %get3A_644, %get3A_645] {strides = array<i32>} : memref<2x8x512xf32, #tpu.memory_space<vmem>>, vector<16xf32>,
        %mul3A_647 = arith.mulf %get3A_646, %gather3A_393 : vector<16xf32>
        %mul3A_648 = arith.constant 16 : i32
        %mul3A_649 = arith.muli %add3A_638, %mul3A_648 : i32
        %swap3A_650 = arith.constant 1 : i32
        %swap3A_651 = arith.constant 2 : i32
        %swap3A_652 = arith.index_cast %swap3A_650 : i32 to index
        %swap3A_653 = arith.index_cast %swap3A_651 : i32 to index
        %swap3A_654 = arith.index_cast %mul3A_649 : i32 to index
        %swap3A_655 = tpu.vector_load %arg14[%swap3A_652, %swap3A_653, %swap3A_654] {strides = array<i32>} : memref<2x8x512xf32, #tpu.memory_space<vmem>>, vector<16xf32>,
        tpu.vector_store %arg14[%swap3A_652, %swap3A_653, %swap3A_654], %mul3A_647 {strides = array<i32>} : memref<2x8x512xf32, #tpu.memory_space<vmem>>, vector<16xf32>,
      }
      %scan3A_399 = arith.constant 4 : i32
      %mul3A_400 = arith.constant 8 : i32
      %mul3A_401 = arith.muli %add3A_307, %mul3A_400 : i32
      %add3A_402 = arith.constant 3 : i32
      %add3A_403 = arith.addi %mul3A_401, %add3A_402 : i32
      %broadcast_in_dim3A_404 = vector.broadcast %add3A_403 : i32 to vector<16xi32>
      %gather3A_405 = tpu.vector_load_idx %arg10[%broadcast_in_dim3A_404] : memref<256xf32, #tpu.memory_space<vmem>>[vector<16xi32>], vector<16xf32>,
      %scan3A_406 = arith.constant 0 : i32
      %scan3A_407 = arith.constant 0 : i32
      %scan3A_408 = arith.constant 4 : i32
      %scan3A_409 = arith.addi %scan3A_407, %scan3A_408 : i32
      %scan3A_410 = arith.constant 1 : i32
      scf.for %scan3A_489 = %scan3A_407 to %scan3A_409 step %scan3A_410  : i32 {
        %mul3A_490 = arith.constant 8 : i32
        %mul3A_491 = arith.muli %scan3A_489, %mul3A_490 : i32
        %add3A_492 = arith.constant 0 : i32
        %add3A_493 = arith.addi %mul3A_491, %add3A_492 : i32
        %mul3A_494 = arith.constant 16 : i32
        %mul3A_495 = arith.muli %add3A_493, %mul3A_494 : i32
        %get3A = arith.constant 1 : i32
        %get3A_496 = arith.constant 3 : i32
        %get3A_497 = arith.index_cast %get3A : i32 to index
        %get3A_498 = arith.index_cast %get3A_496 : i32 to index
        %get3A_499 = arith.index_cast %mul3A_495 : i32 to index
        %get3A_500 = tpu.vector_load %arg12[%get3A_497, %get3A_498, %get3A_499] {strides = array<i32>} : memref<2x8x512xf32, #tpu.memory_space<vmem>>, vector<16xf32>,
        %mul3A_501 = arith.mulf %get3A_500, %gather3A_405 : vector<16xf32>
        %mul3A_502 = arith.constant 16 : i32
        %mul3A_503 = arith.muli %add3A_493, %mul3A_502 : i32
        %swap3A = arith.constant 1 : i32
        %swap3A_504 = arith.constant 3 : i32
        %swap3A_505 = arith.index_cast %swap3A : i32 to index
        %swap3A_506 = arith.index_cast %swap3A_504 : i32 to index
        %swap3A_507 = arith.index_cast %mul3A_503 : i32 to index
        %swap3A_508 = tpu.vector_load %arg14[%swap3A_505, %swap3A_506, %swap3A_507] {strides = array<i32>} : memref<2x8x512xf32, #tpu.memory_space<vmem>>, vector<16xf32>,
        tpu.vector_store %arg14[%swap3A_505, %swap3A_506, %swap3A_507], %mul3A_501 {strides = array<i32>} : memref<2x8x512xf32, #tpu.memory_space<vmem>>, vector<16xf32>,
        %mul3A_509 = arith.constant 8 : i32
        %mul3A_510 = arith.muli %scan3A_489, %mul3A_509 : i32
        %add3A_511 = arith.constant 1 : i32
        %add3A_512 = arith.addi %mul3A_510, %add3A_511 : i32
        %mul3A_513 = arith.constant 16 : i32
        %mul3A_514 = arith.muli %add3A_512, %mul3A_513 : i32
        %get3A_515 = arith.constant 1 : i32
        %get3A_516 = arith.constant 3 : i32
        %get3A_517 = arith.index_cast %get3A_515 : i32 to index
        %get3A_518 = arith.index_cast %get3A_516 : i32 to index
        %get3A_519 = arith.index_cast %mul3A_514 : i32 to index
        %get3A_520 = tpu.vector_load %arg12[%get3A_517, %get3A_518, %get3A_519] {strides = array<i32>} : memref<2x8x512xf32, #tpu.memory_space<vmem>>, vector<16xf32>,
        %mul3A_521 = arith.mulf %get3A_520, %gather3A_405 : vector<16xf32>
        %mul3A_522 = arith.constant 16 : i32
        %mul3A_523 = arith.muli %add3A_512, %mul3A_522 : i32
        %swap3A_524 = arith.constant 1 : i32
        %swap3A_525 = arith.constant 3 : i32
        %swap3A_526 = arith.index_cast %swap3A_524 : i32 to index
        %swap3A_527 = arith.index_cast %swap3A_525 : i32 to index
        %swap3A_528 = arith.index_cast %mul3A_523 : i32 to index
        %swap3A_529 = tpu.vector_load %arg14[%swap3A_526, %swap3A_527, %swap3A_528] {strides = array<i32>} : memref<2x8x512xf32, #tpu.memory_space<vmem>>, vector<16xf32>,
        tpu.vector_store %arg14[%swap3A_526, %swap3A_527, %swap3A_528], %mul3A_521 {strides = array<i32>} : memref<2x8x512xf32, #tpu.memory_space<vmem>>, vector<16xf32>,
        %mul3A_530 = arith.constant 8 : i32
        %mul3A_531 = arith.muli %scan3A_489, %mul3A_530 : i32
        %add3A_532 = arith.constant 2 : i32
        %add3A_533 = arith.addi %mul3A_531, %add3A_532 : i32
        %mul3A_534 = arith.constant 16 : i32
        %mul3A_535 = arith.muli %add3A_533, %mul3A_534 : i32
        %get3A_536 = arith.constant 1 : i32
        %get3A_537 = arith.constant 3 : i32
        %get3A_538 = arith.index_cast %get3A_536 : i32 to index
        %get3A_539 = arith.index_cast %get3A_537 : i32 to index
        %get3A_540 = arith.index_cast %mul3A_535 : i32 to index
        %get3A_541 = tpu.vector_load %arg12[%get3A_538, %get3A_539, %get3A_540] {strides = array<i32>} : memref<2x8x512xf32, #tpu.memory_space<vmem>>, vector<16xf32>,
        %mul3A_542 = arith.mulf %get3A_541, %gather3A_405 : vector<16xf32>
        %mul3A_543 = arith.constant 16 : i32
        %mul3A_544 = arith.muli %add3A_533, %mul3A_543 : i32
        %swap3A_545 = arith.constant 1 : i32
        %swap3A_546 = arith.constant 3 : i32
        %swap3A_547 = arith.index_cast %swap3A_545 : i32 to index
        %swap3A_548 = arith.index_cast %swap3A_546 : i32 to index
        %swap3A_549 = arith.index_cast %mul3A_544 : i32 to index
        %swap3A_550 = tpu.vector_load %arg14[%swap3A_547, %swap3A_548, %swap3A_549] {strides = array<i32>} : memref<2x8x512xf32, #tpu.memory_space<vmem>>, vector<16xf32>,
        tpu.vector_store %arg14[%swap3A_547, %swap3A_548, %swap3A_549], %mul3A_542 {strides = array<i32>} : memref<2x8x512xf32, #tpu.memory_space<vmem>>, vector<16xf32>,
        %mul3A_551 = arith.constant 8 : i32
        %mul3A_552 = arith.muli %scan3A_489, %mul3A_551 : i32
        %add3A_553 = arith.constant 3 : i32
        %add3A_554 = arith.addi %mul3A_552, %add3A_553 : i32
        %mul3A_555 = arith.constant 16 : i32
        %mul3A_556 = arith.muli %add3A_554, %mul3A_555 : i32
        %get3A_557 = arith.constant 1 : i32
        %get3A_558 = arith.constant 3 : i32
        %get3A_559 = arith.index_cast %get3A_557 : i32 to index
        %get3A_560 = arith.index_cast %get3A_558 : i32 to index
        %get3A_561 = arith.index_cast %mul3A_556 : i32 to index
        %get3A_562 = tpu.vector_load %arg12[%get3A_559, %get3A_560, %get3A_561] {strides = array<i32>} : memref<2x8x512xf32, #tpu.memory_space<vmem>>, vector<16xf32>,
        %mul3A_563 = arith.mulf %get3A_562, %gather3A_405 : vector<16xf32>
        %mul3A_564 = arith.constant 16 : i32
        %mul3A_565 = arith.muli %add3A_554, %mul3A_564 : i32
        %swap3A_566 = arith.constant 1 : i32
        %swap3A_567 = arith.constant 3 : i32
        %swap3A_568 = arith.index_cast %swap3A_566 : i32 to index
        %swap3A_569 = arith.index_cast %swap3A_567 : i32 to index
        %swap3A_570 = arith.index_cast %mul3A_565 : i32 to index
        %swap3A_571 = tpu.vector_load %arg14[%swap3A_568, %swap3A_569, %swap3A_570] {strides = array<i32>} : memref<2x8x512xf32, #tpu.memory_space<vmem>>, vector<16xf32>,
        tpu.vector_store %arg14[%swap3A_568, %swap3A_569, %swap3A_570], %mul3A_563 {strides = array<i32>} : memref<2x8x512xf32, #tpu.memory_space<vmem>>, vector<16xf32>,
        %mul3A_572 = arith.constant 8 : i32
        %mul3A_573 = arith.muli %scan3A_489, %mul3A_572 : i32
        %add3A_574 = arith.constant 4 : i32
        %add3A_575 = arith.addi %mul3A_573, %add3A_574 : i32
        %mul3A_576 = arith.constant 16 : i32
        %mul3A_577 = arith.muli %add3A_575, %mul3A_576 : i32
        %get3A_578 = arith.constant 1 : i32
        %get3A_579 = arith.constant 3 : i32
        %get3A_580 = arith.index_cast %get3A_578 : i32 to index
        %get3A_581 = arith.index_cast %get3A_579 : i32 to index
        %get3A_582 = arith.index_cast %mul3A_577 : i32 to index
        %get3A_583 = tpu.vector_load %arg12[%get3A_580, %get3A_581, %get3A_582] {strides = array<i32>} : memref<2x8x512xf32, #tpu.memory_space<vmem>>, vector<16xf32>,
        %mul3A_584 = arith.mulf %get3A_583, %gather3A_405 : vector<16xf32>
        %mul3A_585 = arith.constant 16 : i32
        %mul3A_586 = arith.muli %add3A_575, %mul3A_585 : i32
        %swap3A_587 = arith.constant 1 : i32
        %swap3A_588 = arith.constant 3 : i32
        %swap3A_589 = arith.index_cast %swap3A_587 : i32 to index
        %swap3A_590 = arith.index_cast %swap3A_588 : i32 to index
        %swap3A_591 = arith.index_cast %mul3A_586 : i32 to index
        %swap3A_592 = tpu.vector_load %arg14[%swap3A_589, %swap3A_590, %swap3A_591] {strides = array<i32>} : memref<2x8x512xf32, #tpu.memory_space<vmem>>, vector<16xf32>,
        tpu.vector_store %arg14[%swap3A_589, %swap3A_590, %swap3A_591], %mul3A_584 {strides = array<i32>} : memref<2x8x512xf32, #tpu.memory_space<vmem>>, vector<16xf32>,
        %mul3A_593 = arith.constant 8 : i32
        %mul3A_594 = arith.muli %scan3A_489, %mul3A_593 : i32
        %add3A_595 = arith.constant 5 : i32
        %add3A_596 = arith.addi %mul3A_594, %add3A_595 : i32
        %mul3A_597 = arith.constant 16 : i32
        %mul3A_598 = arith.muli %add3A_596, %mul3A_597 : i32
        %get3A_599 = arith.constant 1 : i32
        %get3A_600 = arith.constant 3 : i32
        %get3A_601 = arith.index_cast %get3A_599 : i32 to index
        %get3A_602 = arith.index_cast %get3A_600 : i32 to index
        %get3A_603 = arith.index_cast %mul3A_598 : i32 to index
        %get3A_604 = tpu.vector_load %arg12[%get3A_601, %get3A_602, %get3A_603] {strides = array<i32>} : memref<2x8x512xf32, #tpu.memory_space<vmem>>, vector<16xf32>,
        %mul3A_605 = arith.mulf %get3A_604, %gather3A_405 : vector<16xf32>
        %mul3A_606 = arith.constant 16 : i32
        %mul3A_607 = arith.muli %add3A_596, %mul3A_606 : i32
        %swap3A_608 = arith.constant 1 : i32
        %swap3A_609 = arith.constant 3 : i32
        %swap3A_610 = arith.index_cast %swap3A_608 : i32 to index
        %swap3A_611 = arith.index_cast %swap3A_609 : i32 to index
        %swap3A_612 = arith.index_cast %mul3A_607 : i32 to index
        %swap3A_613 = tpu.vector_load %arg14[%swap3A_610, %swap3A_611, %swap3A_612] {strides = array<i32>} : memref<2x8x512xf32, #tpu.memory_space<vmem>>, vector<16xf32>,
        tpu.vector_store %arg14[%swap3A_610, %swap3A_611, %swap3A_612], %mul3A_605 {strides = array<i32>} : memref<2x8x512xf32, #tpu.memory_space<vmem>>, vector<16xf32>,
        %mul3A_614 = arith.constant 8 : i32
        %mul3A_615 = arith.muli %scan3A_489, %mul3A_614 : i32
        %add3A_616 = arith.constant 6 : i32
        %add3A_617 = arith.addi %mul3A_615, %add3A_616 : i32
        %mul3A_618 = arith.constant 16 : i32
        %mul3A_619 = arith.muli %add3A_617, %mul3A_618 : i32
        %get3A_620 = arith.constant 1 : i32
        %get3A_621 = arith.constant 3 : i32
        %get3A_622 = arith.index_cast %get3A_620 : i32 to index
        %get3A_623 = arith.index_cast %get3A_621 : i32 to index
        %get3A_624 = arith.index_cast %mul3A_619 : i32 to index
        %get3A_625 = tpu.vector_load %arg12[%get3A_622, %get3A_623, %get3A_624] {strides = array<i32>} : memref<2x8x512xf32, #tpu.memory_space<vmem>>, vector<16xf32>,
        %mul3A_626 = arith.mulf %get3A_625, %gather3A_405 : vector<16xf32>
        %mul3A_627 = arith.constant 16 : i32
        %mul3A_628 = arith.muli %add3A_617, %mul3A_627 : i32
        %swap3A_629 = arith.constant 1 : i32
        %swap3A_630 = arith.constant 3 : i32
        %swap3A_631 = arith.index_cast %swap3A_629 : i32 to index
        %swap3A_632 = arith.index_cast %swap3A_630 : i32 to index
        %swap3A_633 = arith.index_cast %mul3A_628 : i32 to index
        %swap3A_634 = tpu.vector_load %arg14[%swap3A_631, %swap3A_632, %swap3A_633] {strides = array<i32>} : memref<2x8x512xf32, #tpu.memory_space<vmem>>, vector<16xf32>,
        tpu.vector_store %arg14[%swap3A_631, %swap3A_632, %swap3A_633], %mul3A_626 {strides = array<i32>} : memref<2x8x512xf32, #tpu.memory_space<vmem>>, vector<16xf32>,
        %mul3A_635 = arith.constant 8 : i32
        %mul3A_636 = arith.muli %scan3A_489, %mul3A_635 : i32
        %add3A_637 = arith.constant 7 : i32
        %add3A_638 = arith.addi %mul3A_636, %add3A_637 : i32
        %mul3A_639 = arith.constant 16 : i32
        %mul3A_640 = arith.muli %add3A_638, %mul3A_639 : i32
        %get3A_641 = arith.constant 1 : i32
        %get3A_642 = arith.constant 3 : i32
        %get3A_643 = arith.index_cast %get3A_641 : i32 to index
        %get3A_644 = arith.index_cast %get3A_642 : i32 to index
        %get3A_645 = arith.index_cast %mul3A_640 : i32 to index
        %get3A_646 = tpu.vector_load %arg12[%get3A_643, %get3A_644, %get3A_645] {strides = array<i32>} : memref<2x8x512xf32, #tpu.memory_space<vmem>>, vector<16xf32>,
        %mul3A_647 = arith.mulf %get3A_646, %gather3A_405 : vector<16xf32>
        %mul3A_648 = arith.constant 16 : i32
        %mul3A_649 = arith.muli %add3A_638, %mul3A_648 : i32
        %swap3A_650 = arith.constant 1 : i32
        %swap3A_651 = arith.constant 3 : i32
        %swap3A_652 = arith.index_cast %swap3A_650 : i32 to index
        %swap3A_653 = arith.index_cast %swap3A_651 : i32 to index
        %swap3A_654 = arith.index_cast %mul3A_649 : i32 to index
        %swap3A_655 = tpu.vector_load %arg14[%swap3A_652, %swap3A_653, %swap3A_654] {strides = array<i32>} : memref<2x8x512xf32, #tpu.memory_space<vmem>>, vector<16xf32>,
        tpu.vector_store %arg14[%swap3A_652, %swap3A_653, %swap3A_654], %mul3A_647 {strides = array<i32>} : memref<2x8x512xf32, #tpu.memory_space<vmem>>, vector<16xf32>,
      }
      %scan3A_411 = arith.constant 4 : i32
      %mul3A_412 = arith.constant 8 : i32
      %mul3A_413 = arith.muli %add3A_307, %mul3A_412 : i32
      %add3A_414 = arith.constant 4 : i32
      %add3A_415 = arith.addi %mul3A_413, %add3A_414 : i32
      %broadcast_in_dim3A_416 = vector.broadcast %add3A_415 : i32 to vector<16xi32>
      %gather3A_417 = tpu.vector_load_idx %arg10[%broadcast_in_dim3A_416] : memref<256xf32, #tpu.memory_space<vmem>>[vector<16xi32>], vector<16xf32>,
      %scan3A_418 = arith.constant 0 : i32
      %scan3A_419 = arith.constant 0 : i32
      %scan3A_420 = arith.constant 4 : i32
      %scan3A_421 = arith.addi %scan3A_419, %scan3A_420 : i32
      %scan3A_422 = arith.constant 1 : i32
      scf.for %scan3A_489 = %scan3A_419 to %scan3A_421 step %scan3A_422  : i32 {
        %mul3A_490 = arith.constant 8 : i32
        %mul3A_491 = arith.muli %scan3A_489, %mul3A_490 : i32
        %add3A_492 = arith.constant 0 : i32
        %add3A_493 = arith.addi %mul3A_491, %add3A_492 : i32
        %mul3A_494 = arith.constant 16 : i32
        %mul3A_495 = arith.muli %add3A_493, %mul3A_494 : i32
        %get3A = arith.constant 1 : i32
        %get3A_496 = arith.constant 4 : i32
        %get3A_497 = arith.index_cast %get3A : i32 to index
        %get3A_498 = arith.index_cast %get3A_496 : i32 to index
        %get3A_499 = arith.index_cast %mul3A_495 : i32 to index
        %get3A_500 = tpu.vector_load %arg12[%get3A_497, %get3A_498, %get3A_499] {strides = array<i32>} : memref<2x8x512xf32, #tpu.memory_space<vmem>>, vector<16xf32>,
        %mul3A_501 = arith.mulf %get3A_500, %gather3A_417 : vector<16xf32>
        %mul3A_502 = arith.constant 16 : i32
        %mul3A_503 = arith.muli %add3A_493, %mul3A_502 : i32
        %swap3A = arith.constant 1 : i32
        %swap3A_504 = arith.constant 4 : i32
        %swap3A_505 = arith.index_cast %swap3A : i32 to index
        %swap3A_506 = arith.index_cast %swap3A_504 : i32 to index
        %swap3A_507 = arith.index_cast %mul3A_503 : i32 to index
        %swap3A_508 = tpu.vector_load %arg14[%swap3A_505, %swap3A_506, %swap3A_507] {strides = array<i32>} : memref<2x8x512xf32, #tpu.memory_space<vmem>>, vector<16xf32>,
        tpu.vector_store %arg14[%swap3A_505, %swap3A_506, %swap3A_507], %mul3A_501 {strides = array<i32>} : memref<2x8x512xf32, #tpu.memory_space<vmem>>, vector<16xf32>,
        %mul3A_509 = arith.constant 8 : i32
        %mul3A_510 = arith.muli %scan3A_489, %mul3A_509 : i32
        %add3A_511 = arith.constant 1 : i32
        %add3A_512 = arith.addi %mul3A_510, %add3A_511 : i32
        %mul3A_513 = arith.constant 16 : i32
        %mul3A_514 = arith.muli %add3A_512, %mul3A_513 : i32
        %get3A_515 = arith.constant 1 : i32
        %get3A_516 = arith.constant 4 : i32
        %get3A_517 = arith.index_cast %get3A_515 : i32 to index
        %get3A_518 = arith.index_cast %get3A_516 : i32 to index
        %get3A_519 = arith.index_cast %mul3A_514 : i32 to index
        %get3A_520 = tpu.vector_load %arg12[%get3A_517, %get3A_518, %get3A_519] {strides = array<i32>} : memref<2x8x512xf32, #tpu.memory_space<vmem>>, vector<16xf32>,
        %mul3A_521 = arith.mulf %get3A_520, %gather3A_417 : vector<16xf32>
        %mul3A_522 = arith.constant 16 : i32
        %mul3A_523 = arith.muli %add3A_512, %mul3A_522 : i32
        %swap3A_524 = arith.constant 1 : i32
        %swap3A_525 = arith.constant 4 : i32
        %swap3A_526 = arith.index_cast %swap3A_524 : i32 to index
        %swap3A_527 = arith.index_cast %swap3A_525 : i32 to index
        %swap3A_528 = arith.index_cast %mul3A_523 : i32 to index
        %swap3A_529 = tpu.vector_load %arg14[%swap3A_526, %swap3A_527, %swap3A_528] {strides = array<i32>} : memref<2x8x512xf32, #tpu.memory_space<vmem>>, vector<16xf32>,
        tpu.vector_store %arg14[%swap3A_526, %swap3A_527, %swap3A_528], %mul3A_521 {strides = array<i32>} : memref<2x8x512xf32, #tpu.memory_space<vmem>>, vector<16xf32>,
        %mul3A_530 = arith.constant 8 : i32
        %mul3A_531 = arith.muli %scan3A_489, %mul3A_530 : i32
        %add3A_532 = arith.constant 2 : i32
        %add3A_533 = arith.addi %mul3A_531, %add3A_532 : i32
        %mul3A_534 = arith.constant 16 : i32
        %mul3A_535 = arith.muli %add3A_533, %mul3A_534 : i32
        %get3A_536 = arith.constant 1 : i32
        %get3A_537 = arith.constant 4 : i32
        %get3A_538 = arith.index_cast %get3A_536 : i32 to index
        %get3A_539 = arith.index_cast %get3A_537 : i32 to index
        %get3A_540 = arith.index_cast %mul3A_535 : i32 to index
        %get3A_541 = tpu.vector_load %arg12[%get3A_538, %get3A_539, %get3A_540] {strides = array<i32>} : memref<2x8x512xf32, #tpu.memory_space<vmem>>, vector<16xf32>,
        %mul3A_542 = arith.mulf %get3A_541, %gather3A_417 : vector<16xf32>
        %mul3A_543 = arith.constant 16 : i32
        %mul3A_544 = arith.muli %add3A_533, %mul3A_543 : i32
        %swap3A_545 = arith.constant 1 : i32
        %swap3A_546 = arith.constant 4 : i32
        %swap3A_547 = arith.index_cast %swap3A_545 : i32 to index
        %swap3A_548 = arith.index_cast %swap3A_546 : i32 to index
        %swap3A_549 = arith.index_cast %mul3A_544 : i32 to index
        %swap3A_550 = tpu.vector_load %arg14[%swap3A_547, %swap3A_548, %swap3A_549] {strides = array<i32>} : memref<2x8x512xf32, #tpu.memory_space<vmem>>, vector<16xf32>,
        tpu.vector_store %arg14[%swap3A_547, %swap3A_548, %swap3A_549], %mul3A_542 {strides = array<i32>} : memref<2x8x512xf32, #tpu.memory_space<vmem>>, vector<16xf32>,
        %mul3A_551 = arith.constant 8 : i32
        %mul3A_552 = arith.muli %scan3A_489, %mul3A_551 : i32
        %add3A_553 = arith.constant 3 : i32
        %add3A_554 = arith.addi %mul3A_552, %add3A_553 : i32
        %mul3A_555 = arith.constant 16 : i32
        %mul3A_556 = arith.muli %add3A_554, %mul3A_555 : i32
        %get3A_557 = arith.constant 1 : i32
        %get3A_558 = arith.constant 4 : i32
        %get3A_559 = arith.index_cast %get3A_557 : i32 to index
        %get3A_560 = arith.index_cast %get3A_558 : i32 to index
        %get3A_561 = arith.index_cast %mul3A_556 : i32 to index
        %get3A_562 = tpu.vector_load %arg12[%get3A_559, %get3A_560, %get3A_561] {strides = array<i32>} : memref<2x8x512xf32, #tpu.memory_space<vmem>>, vector<16xf32>,
        %mul3A_563 = arith.mulf %get3A_562, %gather3A_417 : vector<16xf32>
        %mul3A_564 = arith.constant 16 : i32
        %mul3A_565 = arith.muli %add3A_554, %mul3A_564 : i32
        %swap3A_566 = arith.constant 1 : i32
        %swap3A_567 = arith.constant 4 : i32
        %swap3A_568 = arith.index_cast %swap3A_566 : i32 to index
        %swap3A_569 = arith.index_cast %swap3A_567 : i32 to index
        %swap3A_570 = arith.index_cast %mul3A_565 : i32 to index
        %swap3A_571 = tpu.vector_load %arg14[%swap3A_568, %swap3A_569, %swap3A_570] {strides = array<i32>} : memref<2x8x512xf32, #tpu.memory_space<vmem>>, vector<16xf32>,
        tpu.vector_store %arg14[%swap3A_568, %swap3A_569, %swap3A_570], %mul3A_563 {strides = array<i32>} : memref<2x8x512xf32, #tpu.memory_space<vmem>>, vector<16xf32>,
        %mul3A_572 = arith.constant 8 : i32
        %mul3A_573 = arith.muli %scan3A_489, %mul3A_572 : i32
        %add3A_574 = arith.constant 4 : i32
        %add3A_575 = arith.addi %mul3A_573, %add3A_574 : i32
        %mul3A_576 = arith.constant 16 : i32
        %mul3A_577 = arith.muli %add3A_575, %mul3A_576 : i32
        %get3A_578 = arith.constant 1 : i32
        %get3A_579 = arith.constant 4 : i32
        %get3A_580 = arith.index_cast %get3A_578 : i32 to index
        %get3A_581 = arith.index_cast %get3A_579 : i32 to index
        %get3A_582 = arith.index_cast %mul3A_577 : i32 to index
        %get3A_583 = tpu.vector_load %arg12[%get3A_580, %get3A_581, %get3A_582] {strides = array<i32>} : memref<2x8x512xf32, #tpu.memory_space<vmem>>, vector<16xf32>,
        %mul3A_584 = arith.mulf %get3A_583, %gather3A_417 : vector<16xf32>
        %mul3A_585 = arith.constant 16 : i32
        %mul3A_586 = arith.muli %add3A_575, %mul3A_585 : i32
        %swap3A_587 = arith.constant 1 : i32
        %swap3A_588 = arith.constant 4 : i32
        %swap3A_589 = arith.index_cast %swap3A_587 : i32 to index
        %swap3A_590 = arith.index_cast %swap3A_588 : i32 to index
        %swap3A_591 = arith.index_cast %mul3A_586 : i32 to index
        %swap3A_592 = tpu.vector_load %arg14[%swap3A_589, %swap3A_590, %swap3A_591] {strides = array<i32>} : memref<2x8x512xf32, #tpu.memory_space<vmem>>, vector<16xf32>,
        tpu.vector_store %arg14[%swap3A_589, %swap3A_590, %swap3A_591], %mul3A_584 {strides = array<i32>} : memref<2x8x512xf32, #tpu.memory_space<vmem>>, vector<16xf32>,
        %mul3A_593 = arith.constant 8 : i32
        %mul3A_594 = arith.muli %scan3A_489, %mul3A_593 : i32
        %add3A_595 = arith.constant 5 : i32
        %add3A_596 = arith.addi %mul3A_594, %add3A_595 : i32
        %mul3A_597 = arith.constant 16 : i32
        %mul3A_598 = arith.muli %add3A_596, %mul3A_597 : i32
        %get3A_599 = arith.constant 1 : i32
        %get3A_600 = arith.constant 4 : i32
        %get3A_601 = arith.index_cast %get3A_599 : i32 to index
        %get3A_602 = arith.index_cast %get3A_600 : i32 to index
        %get3A_603 = arith.index_cast %mul3A_598 : i32 to index
        %get3A_604 = tpu.vector_load %arg12[%get3A_601, %get3A_602, %get3A_603] {strides = array<i32>} : memref<2x8x512xf32, #tpu.memory_space<vmem>>, vector<16xf32>,
        %mul3A_605 = arith.mulf %get3A_604, %gather3A_417 : vector<16xf32>
        %mul3A_606 = arith.constant 16 : i32
        %mul3A_607 = arith.muli %add3A_596, %mul3A_606 : i32
        %swap3A_608 = arith.constant 1 : i32
        %swap3A_609 = arith.constant 4 : i32
        %swap3A_610 = arith.index_cast %swap3A_608 : i32 to index
        %swap3A_611 = arith.index_cast %swap3A_609 : i32 to index
        %swap3A_612 = arith.index_cast %mul3A_607 : i32 to index
        %swap3A_613 = tpu.vector_load %arg14[%swap3A_610, %swap3A_611, %swap3A_612] {strides = array<i32>} : memref<2x8x512xf32, #tpu.memory_space<vmem>>, vector<16xf32>,
        tpu.vector_store %arg14[%swap3A_610, %swap3A_611, %swap3A_612], %mul3A_605 {strides = array<i32>} : memref<2x8x512xf32, #tpu.memory_space<vmem>>, vector<16xf32>,
        %mul3A_614 = arith.constant 8 : i32
        %mul3A_615 = arith.muli %scan3A_489, %mul3A_614 : i32
        %add3A_616 = arith.constant 6 : i32
        %add3A_617 = arith.addi %mul3A_615, %add3A_616 : i32
        %mul3A_618 = arith.constant 16 : i32
        %mul3A_619 = arith.muli %add3A_617, %mul3A_618 : i32
        %get3A_620 = arith.constant 1 : i32
        %get3A_621 = arith.constant 4 : i32
        %get3A_622 = arith.index_cast %get3A_620 : i32 to index
        %get3A_623 = arith.index_cast %get3A_621 : i32 to index
        %get3A_624 = arith.index_cast %mul3A_619 : i32 to index
        %get3A_625 = tpu.vector_load %arg12[%get3A_622, %get3A_623, %get3A_624] {strides = array<i32>} : memref<2x8x512xf32, #tpu.memory_space<vmem>>, vector<16xf32>,
        %mul3A_626 = arith.mulf %get3A_625, %gather3A_417 : vector<16xf32>
        %mul3A_627 = arith.constant 16 : i32
        %mul3A_628 = arith.muli %add3A_617, %mul3A_627 : i32
        %swap3A_629 = arith.constant 1 : i32
        %swap3A_630 = arith.constant 4 : i32
        %swap3A_631 = arith.index_cast %swap3A_629 : i32 to index
        %swap3A_632 = arith.index_cast %swap3A_630 : i32 to index
        %swap3A_633 = arith.index_cast %mul3A_628 : i32 to index
        %swap3A_634 = tpu.vector_load %arg14[%swap3A_631, %swap3A_632, %swap3A_633] {strides = array<i32>} : memref<2x8x512xf32, #tpu.memory_space<vmem>>, vector<16xf32>,
        tpu.vector_store %arg14[%swap3A_631, %swap3A_632, %swap3A_633], %mul3A_626 {strides = array<i32>} : memref<2x8x512xf32, #tpu.memory_space<vmem>>, vector<16xf32>,
        %mul3A_635 = arith.constant 8 : i32
        %mul3A_636 = arith.muli %scan3A_489, %mul3A_635 : i32
        %add3A_637 = arith.constant 7 : i32
        %add3A_638 = arith.addi %mul3A_636, %add3A_637 : i32
        %mul3A_639 = arith.constant 16 : i32
        %mul3A_640 = arith.muli %add3A_638, %mul3A_639 : i32
        %get3A_641 = arith.constant 1 : i32
        %get3A_642 = arith.constant 4 : i32
        %get3A_643 = arith.index_cast %get3A_641 : i32 to index
        %get3A_644 = arith.index_cast %get3A_642 : i32 to index
        %get3A_645 = arith.index_cast %mul3A_640 : i32 to index
        %get3A_646 = tpu.vector_load %arg12[%get3A_643, %get3A_644, %get3A_645] {strides = array<i32>} : memref<2x8x512xf32, #tpu.memory_space<vmem>>, vector<16xf32>,
        %mul3A_647 = arith.mulf %get3A_646, %gather3A_417 : vector<16xf32>
        %mul3A_648 = arith.constant 16 : i32
        %mul3A_649 = arith.muli %add3A_638, %mul3A_648 : i32
        %swap3A_650 = arith.constant 1 : i32
        %swap3A_651 = arith.constant 4 : i32
        %swap3A_652 = arith.index_cast %swap3A_650 : i32 to index
        %swap3A_653 = arith.index_cast %swap3A_651 : i32 to index
        %swap3A_654 = arith.index_cast %mul3A_649 : i32 to index
        %swap3A_655 = tpu.vector_load %arg14[%swap3A_652, %swap3A_653, %swap3A_654] {strides = array<i32>} : memref<2x8x512xf32, #tpu.memory_space<vmem>>, vector<16xf32>,
        tpu.vector_store %arg14[%swap3A_652, %swap3A_653, %swap3A_654], %mul3A_647 {strides = array<i32>} : memref<2x8x512xf32, #tpu.memory_space<vmem>>, vector<16xf32>,
      }
      %scan3A_423 = arith.constant 4 : i32
      %mul3A_424 = arith.constant 8 : i32
      %mul3A_425 = arith.muli %add3A_307, %mul3A_424 : i32
      %add3A_426 = arith.constant 5 : i32
      %add3A_427 = arith.addi %mul3A_425, %add3A_426 : i32
      %broadcast_in_dim3A_428 = vector.broadcast %add3A_427 : i32 to vector<16xi32>
      %gather3A_429 = tpu.vector_load_idx %arg10[%broadcast_in_dim3A_428] : memref<256xf32, #tpu.memory_space<vmem>>[vector<16xi32>], vector<16xf32>,
      %scan3A_430 = arith.constant 0 : i32
      %scan3A_431 = arith.constant 0 : i32
      %scan3A_432 = arith.constant 4 : i32
      %scan3A_433 = arith.addi %scan3A_431, %scan3A_432 : i32
      %scan3A_434 = arith.constant 1 : i32
      scf.for %scan3A_489 = %scan3A_431 to %scan3A_433 step %scan3A_434  : i32 {
        %mul3A_490 = arith.constant 8 : i32
        %mul3A_491 = arith.muli %scan3A_489, %mul3A_490 : i32
        %add3A_492 = arith.constant 0 : i32
        %add3A_493 = arith.addi %mul3A_491, %add3A_492 : i32
        %mul3A_494 = arith.constant 16 : i32
        %mul3A_495 = arith.muli %add3A_493, %mul3A_494 : i32
        %get3A = arith.constant 1 : i32
        %get3A_496 = arith.constant 5 : i32
        %get3A_497 = arith.index_cast %get3A : i32 to index
        %get3A_498 = arith.index_cast %get3A_496 : i32 to index
        %get3A_499 = arith.index_cast %mul3A_495 : i32 to index
        %get3A_500 = tpu.vector_load %arg12[%get3A_497, %get3A_498, %get3A_499] {strides = array<i32>} : memref<2x8x512xf32, #tpu.memory_space<vmem>>, vector<16xf32>,
        %mul3A_501 = arith.mulf %get3A_500, %gather3A_429 : vector<16xf32>
        %mul3A_502 = arith.constant 16 : i32
        %mul3A_503 = arith.muli %add3A_493, %mul3A_502 : i32
        %swap3A = arith.constant 1 : i32
        %swap3A_504 = arith.constant 5 : i32
        %swap3A_505 = arith.index_cast %swap3A : i32 to index
        %swap3A_506 = arith.index_cast %swap3A_504 : i32 to index
        %swap3A_507 = arith.index_cast %mul3A_503 : i32 to index
        %swap3A_508 = tpu.vector_load %arg14[%swap3A_505, %swap3A_506, %swap3A_507] {strides = array<i32>} : memref<2x8x512xf32, #tpu.memory_space<vmem>>, vector<16xf32>,
        tpu.vector_store %arg14[%swap3A_505, %swap3A_506, %swap3A_507], %mul3A_501 {strides = array<i32>} : memref<2x8x512xf32, #tpu.memory_space<vmem>>, vector<16xf32>,
        %mul3A_509 = arith.constant 8 : i32
        %mul3A_510 = arith.muli %scan3A_489, %mul3A_509 : i32
        %add3A_511 = arith.constant 1 : i32
        %add3A_512 = arith.addi %mul3A_510, %add3A_511 : i32
        %mul3A_513 = arith.constant 16 : i32
        %mul3A_514 = arith.muli %add3A_512, %mul3A_513 : i32
        %get3A_515 = arith.constant 1 : i32
        %get3A_516 = arith.constant 5 : i32
        %get3A_517 = arith.index_cast %get3A_515 : i32 to index
        %get3A_518 = arith.index_cast %get3A_516 : i32 to index
        %get3A_519 = arith.index_cast %mul3A_514 : i32 to index
        %get3A_520 = tpu.vector_load %arg12[%get3A_517, %get3A_518, %get3A_519] {strides = array<i32>} : memref<2x8x512xf32, #tpu.memory_space<vmem>>, vector<16xf32>,
        %mul3A_521 = arith.mulf %get3A_520, %gather3A_429 : vector<16xf32>
        %mul3A_522 = arith.constant 16 : i32
        %mul3A_523 = arith.muli %add3A_512, %mul3A_522 : i32
        %swap3A_524 = arith.constant 1 : i32
        %swap3A_525 = arith.constant 5 : i32
        %swap3A_526 = arith.index_cast %swap3A_524 : i32 to index
        %swap3A_527 = arith.index_cast %swap3A_525 : i32 to index
        %swap3A_528 = arith.index_cast %mul3A_523 : i32 to index
        %swap3A_529 = tpu.vector_load %arg14[%swap3A_526, %swap3A_527, %swap3A_528] {strides = array<i32>} : memref<2x8x512xf32, #tpu.memory_space<vmem>>, vector<16xf32>,
        tpu.vector_store %arg14[%swap3A_526, %swap3A_527, %swap3A_528], %mul3A_521 {strides = array<i32>} : memref<2x8x512xf32, #tpu.memory_space<vmem>>, vector<16xf32>,
        %mul3A_530 = arith.constant 8 : i32
        %mul3A_531 = arith.muli %scan3A_489, %mul3A_530 : i32
        %add3A_532 = arith.constant 2 : i32
        %add3A_533 = arith.addi %mul3A_531, %add3A_532 : i32
        %mul3A_534 = arith.constant 16 : i32
        %mul3A_535 = arith.muli %add3A_533, %mul3A_534 : i32
        %get3A_536 = arith.constant 1 : i32
        %get3A_537 = arith.constant 5 : i32
        %get3A_538 = arith.index_cast %get3A_536 : i32 to index
        %get3A_539 = arith.index_cast %get3A_537 : i32 to index
        %get3A_540 = arith.index_cast %mul3A_535 : i32 to index
        %get3A_541 = tpu.vector_load %arg12[%get3A_538, %get3A_539, %get3A_540] {strides = array<i32>} : memref<2x8x512xf32, #tpu.memory_space<vmem>>, vector<16xf32>,
        %mul3A_542 = arith.mulf %get3A_541, %gather3A_429 : vector<16xf32>
        %mul3A_543 = arith.constant 16 : i32
        %mul3A_544 = arith.muli %add3A_533, %mul3A_543 : i32
        %swap3A_545 = arith.constant 1 : i32
        %swap3A_546 = arith.constant 5 : i32
        %swap3A_547 = arith.index_cast %swap3A_545 : i32 to index
        %swap3A_548 = arith.index_cast %swap3A_546 : i32 to index
        %swap3A_549 = arith.index_cast %mul3A_544 : i32 to index
        %swap3A_550 = tpu.vector_load %arg14[%swap3A_547, %swap3A_548, %swap3A_549] {strides = array<i32>} : memref<2x8x512xf32, #tpu.memory_space<vmem>>, vector<16xf32>,
        tpu.vector_store %arg14[%swap3A_547, %swap3A_548, %swap3A_549], %mul3A_542 {strides = array<i32>} : memref<2x8x512xf32, #tpu.memory_space<vmem>>, vector<16xf32>,
        %mul3A_551 = arith.constant 8 : i32
        %mul3A_552 = arith.muli %scan3A_489, %mul3A_551 : i32
        %add3A_553 = arith.constant 3 : i32
        %add3A_554 = arith.addi %mul3A_552, %add3A_553 : i32
        %mul3A_555 = arith.constant 16 : i32
        %mul3A_556 = arith.muli %add3A_554, %mul3A_555 : i32
        %get3A_557 = arith.constant 1 : i32
        %get3A_558 = arith.constant 5 : i32
        %get3A_559 = arith.index_cast %get3A_557 : i32 to index
        %get3A_560 = arith.index_cast %get3A_558 : i32 to index
        %get3A_561 = arith.index_cast %mul3A_556 : i32 to index
        %get3A_562 = tpu.vector_load %arg12[%get3A_559, %get3A_560, %get3A_561] {strides = array<i32>} : memref<2x8x512xf32, #tpu.memory_space<vmem>>, vector<16xf32>,
        %mul3A_563 = arith.mulf %get3A_562, %gather3A_429 : vector<16xf32>
        %mul3A_564 = arith.constant 16 : i32
        %mul3A_565 = arith.muli %add3A_554, %mul3A_564 : i32
        %swap3A_566 = arith.constant 1 : i32
        %swap3A_567 = arith.constant 5 : i32
        %swap3A_568 = arith.index_cast %swap3A_566 : i32 to index
        %swap3A_569 = arith.index_cast %swap3A_567 : i32 to index
        %swap3A_570 = arith.index_cast %mul3A_565 : i32 to index
        %swap3A_571 = tpu.vector_load %arg14[%swap3A_568, %swap3A_569, %swap3A_570] {strides = array<i32>} : memref<2x8x512xf32, #tpu.memory_space<vmem>>, vector<16xf32>,
        tpu.vector_store %arg14[%swap3A_568, %swap3A_569, %swap3A_570], %mul3A_563 {strides = array<i32>} : memref<2x8x512xf32, #tpu.memory_space<vmem>>, vector<16xf32>,
        %mul3A_572 = arith.constant 8 : i32
        %mul3A_573 = arith.muli %scan3A_489, %mul3A_572 : i32
        %add3A_574 = arith.constant 4 : i32
        %add3A_575 = arith.addi %mul3A_573, %add3A_574 : i32
        %mul3A_576 = arith.constant 16 : i32
        %mul3A_577 = arith.muli %add3A_575, %mul3A_576 : i32
        %get3A_578 = arith.constant 1 : i32
        %get3A_579 = arith.constant 5 : i32
        %get3A_580 = arith.index_cast %get3A_578 : i32 to index
        %get3A_581 = arith.index_cast %get3A_579 : i32 to index
        %get3A_582 = arith.index_cast %mul3A_577 : i32 to index
        %get3A_583 = tpu.vector_load %arg12[%get3A_580, %get3A_581, %get3A_582] {strides = array<i32>} : memref<2x8x512xf32, #tpu.memory_space<vmem>>, vector<16xf32>,
        %mul3A_584 = arith.mulf %get3A_583, %gather3A_429 : vector<16xf32>
        %mul3A_585 = arith.constant 16 : i32
        %mul3A_586 = arith.muli %add3A_575, %mul3A_585 : i32
        %swap3A_587 = arith.constant 1 : i32
        %swap3A_588 = arith.constant 5 : i32
        %swap3A_589 = arith.index_cast %swap3A_587 : i32 to index
        %swap3A_590 = arith.index_cast %swap3A_588 : i32 to index
        %swap3A_591 = arith.index_cast %mul3A_586 : i32 to index
        %swap3A_592 = tpu.vector_load %arg14[%swap3A_589, %swap3A_590, %swap3A_591] {strides = array<i32>} : memref<2x8x512xf32, #tpu.memory_space<vmem>>, vector<16xf32>,
        tpu.vector_store %arg14[%swap3A_589, %swap3A_590, %swap3A_591], %mul3A_584 {strides = array<i32>} : memref<2x8x512xf32, #tpu.memory_space<vmem>>, vector<16xf32>,
        %mul3A_593 = arith.constant 8 : i32
        %mul3A_594 = arith.muli %scan3A_489, %mul3A_593 : i32
        %add3A_595 = arith.constant 5 : i32
        %add3A_596 = arith.addi %mul3A_594, %add3A_595 : i32
        %mul3A_597 = arith.constant 16 : i32
        %mul3A_598 = arith.muli %add3A_596, %mul3A_597 : i32
        %get3A_599 = arith.constant 1 : i32
        %get3A_600 = arith.constant 5 : i32
        %get3A_601 = arith.index_cast %get3A_599 : i32 to index
        %get3A_602 = arith.index_cast %get3A_600 : i32 to index
        %get3A_603 = arith.index_cast %mul3A_598 : i32 to index
        %get3A_604 = tpu.vector_load %arg12[%get3A_601, %get3A_602, %get3A_603] {strides = array<i32>} : memref<2x8x512xf32, #tpu.memory_space<vmem>>, vector<16xf32>,
        %mul3A_605 = arith.mulf %get3A_604, %gather3A_429 : vector<16xf32>
        %mul3A_606 = arith.constant 16 : i32
        %mul3A_607 = arith.muli %add3A_596, %mul3A_606 : i32
        %swap3A_608 = arith.constant 1 : i32
        %swap3A_609 = arith.constant 5 : i32
        %swap3A_610 = arith.index_cast %swap3A_608 : i32 to index
        %swap3A_611 = arith.index_cast %swap3A_609 : i32 to index
        %swap3A_612 = arith.index_cast %mul3A_607 : i32 to index
        %swap3A_613 = tpu.vector_load %arg14[%swap3A_610, %swap3A_611, %swap3A_612] {strides = array<i32>} : memref<2x8x512xf32, #tpu.memory_space<vmem>>, vector<16xf32>,
        tpu.vector_store %arg14[%swap3A_610, %swap3A_611, %swap3A_612], %mul3A_605 {strides = array<i32>} : memref<2x8x512xf32, #tpu.memory_space<vmem>>, vector<16xf32>,
        %mul3A_614 = arith.constant 8 : i32
        %mul3A_615 = arith.muli %scan3A_489, %mul3A_614 : i32
        %add3A_616 = arith.constant 6 : i32
        %add3A_617 = arith.addi %mul3A_615, %add3A_616 : i32
        %mul3A_618 = arith.constant 16 : i32
        %mul3A_619 = arith.muli %add3A_617, %mul3A_618 : i32
        %get3A_620 = arith.constant 1 : i32
        %get3A_621 = arith.constant 5 : i32
        %get3A_622 = arith.index_cast %get3A_620 : i32 to index
        %get3A_623 = arith.index_cast %get3A_621 : i32 to index
        %get3A_624 = arith.index_cast %mul3A_619 : i32 to index
        %get3A_625 = tpu.vector_load %arg12[%get3A_622, %get3A_623, %get3A_624] {strides = array<i32>} : memref<2x8x512xf32, #tpu.memory_space<vmem>>, vector<16xf32>,
        %mul3A_626 = arith.mulf %get3A_625, %gather3A_429 : vector<16xf32>
        %mul3A_627 = arith.constant 16 : i32
        %mul3A_628 = arith.muli %add3A_617, %mul3A_627 : i32
        %swap3A_629 = arith.constant 1 : i32
        %swap3A_630 = arith.constant 5 : i32
        %swap3A_631 = arith.index_cast %swap3A_629 : i32 to index
        %swap3A_632 = arith.index_cast %swap3A_630 : i32 to index
        %swap3A_633 = arith.index_cast %mul3A_628 : i32 to index
        %swap3A_634 = tpu.vector_load %arg14[%swap3A_631, %swap3A_632, %swap3A_633] {strides = array<i32>} : memref<2x8x512xf32, #tpu.memory_space<vmem>>, vector<16xf32>,
        tpu.vector_store %arg14[%swap3A_631, %swap3A_632, %swap3A_633], %mul3A_626 {strides = array<i32>} : memref<2x8x512xf32, #tpu.memory_space<vmem>>, vector<16xf32>,
        %mul3A_635 = arith.constant 8 : i32
        %mul3A_636 = arith.muli %scan3A_489, %mul3A_635 : i32
        %add3A_637 = arith.constant 7 : i32
        %add3A_638 = arith.addi %mul3A_636, %add3A_637 : i32
        %mul3A_639 = arith.constant 16 : i32
        %mul3A_640 = arith.muli %add3A_638, %mul3A_639 : i32
        %get3A_641 = arith.constant 1 : i32
        %get3A_642 = arith.constant 5 : i32
        %get3A_643 = arith.index_cast %get3A_641 : i32 to index
        %get3A_644 = arith.index_cast %get3A_642 : i32 to index
        %get3A_645 = arith.index_cast %mul3A_640 : i32 to index
        %get3A_646 = tpu.vector_load %arg12[%get3A_643, %get3A_644, %get3A_645] {strides = array<i32>} : memref<2x8x512xf32, #tpu.memory_space<vmem>>, vector<16xf32>,
        %mul3A_647 = arith.mulf %get3A_646, %gather3A_429 : vector<16xf32>
        %mul3A_648 = arith.constant 16 : i32
        %mul3A_649 = arith.muli %add3A_638, %mul3A_648 : i32
        %swap3A_650 = arith.constant 1 : i32
        %swap3A_651 = arith.constant 5 : i32
        %swap3A_652 = arith.index_cast %swap3A_650 : i32 to index
        %swap3A_653 = arith.index_cast %swap3A_651 : i32 to index
        %swap3A_654 = arith.index_cast %mul3A_649 : i32 to index
        %swap3A_655 = tpu.vector_load %arg14[%swap3A_652, %swap3A_653, %swap3A_654] {strides = array<i32>} : memref<2x8x512xf32, #tpu.memory_space<vmem>>, vector<16xf32>,
        tpu.vector_store %arg14[%swap3A_652, %swap3A_653, %swap3A_654], %mul3A_647 {strides = array<i32>} : memref<2x8x512xf32, #tpu.memory_space<vmem>>, vector<16xf32>,
      }
      %scan3A_435 = arith.constant 4 : i32
      %mul3A_436 = arith.constant 8 : i32
      %mul3A_437 = arith.muli %add3A_307, %mul3A_436 : i32
      %add3A_438 = arith.constant 6 : i32
      %add3A_439 = arith.addi %mul3A_437, %add3A_438 : i32
      %broadcast_in_dim3A_440 = vector.broadcast %add3A_439 : i32 to vector<16xi32>
      %gather3A_441 = tpu.vector_load_idx %arg10[%broadcast_in_dim3A_440] : memref<256xf32, #tpu.memory_space<vmem>>[vector<16xi32>], vector<16xf32>,
      %scan3A_442 = arith.constant 0 : i32
      %scan3A_443 = arith.constant 0 : i32
      %scan3A_444 = arith.constant 4 : i32
      %scan3A_445 = arith.addi %scan3A_443, %scan3A_444 : i32
      %scan3A_446 = arith.constant 1 : i32
      scf.for %scan3A_489 = %scan3A_443 to %scan3A_445 step %scan3A_446  : i32 {
        %mul3A_490 = arith.constant 8 : i32
        %mul3A_491 = arith.muli %scan3A_489, %mul3A_490 : i32
        %add3A_492 = arith.constant 0 : i32
        %add3A_493 = arith.addi %mul3A_491, %add3A_492 : i32
        %mul3A_494 = arith.constant 16 : i32
        %mul3A_495 = arith.muli %add3A_493, %mul3A_494 : i32
        %get3A = arith.constant 1 : i32
        %get3A_496 = arith.constant 6 : i32
        %get3A_497 = arith.index_cast %get3A : i32 to index
        %get3A_498 = arith.index_cast %get3A_496 : i32 to index
        %get3A_499 = arith.index_cast %mul3A_495 : i32 to index
        %get3A_500 = tpu.vector_load %arg12[%get3A_497, %get3A_498, %get3A_499] {strides = array<i32>} : memref<2x8x512xf32, #tpu.memory_space<vmem>>, vector<16xf32>,
        %mul3A_501 = arith.mulf %get3A_500, %gather3A_441 : vector<16xf32>
        %mul3A_502 = arith.constant 16 : i32
        %mul3A_503 = arith.muli %add3A_493, %mul3A_502 : i32
        %swap3A = arith.constant 1 : i32
        %swap3A_504 = arith.constant 6 : i32
        %swap3A_505 = arith.index_cast %swap3A : i32 to index
        %swap3A_506 = arith.index_cast %swap3A_504 : i32 to index
        %swap3A_507 = arith.index_cast %mul3A_503 : i32 to index
        %swap3A_508 = tpu.vector_load %arg14[%swap3A_505, %swap3A_506, %swap3A_507] {strides = array<i32>} : memref<2x8x512xf32, #tpu.memory_space<vmem>>, vector<16xf32>,
        tpu.vector_store %arg14[%swap3A_505, %swap3A_506, %swap3A_507], %mul3A_501 {strides = array<i32>} : memref<2x8x512xf32, #tpu.memory_space<vmem>>, vector<16xf32>,
        %mul3A_509 = arith.constant 8 : i32
        %mul3A_510 = arith.muli %scan3A_489, %mul3A_509 : i32
        %add3A_511 = arith.constant 1 : i32
        %add3A_512 = arith.addi %mul3A_510, %add3A_511 : i32
        %mul3A_513 = arith.constant 16 : i32
        %mul3A_514 = arith.muli %add3A_512, %mul3A_513 : i32
        %get3A_515 = arith.constant 1 : i32
        %get3A_516 = arith.constant 6 : i32
        %get3A_517 = arith.index_cast %get3A_515 : i32 to index
        %get3A_518 = arith.index_cast %get3A_516 : i32 to index
        %get3A_519 = arith.index_cast %mul3A_514 : i32 to index
        %get3A_520 = tpu.vector_load %arg12[%get3A_517, %get3A_518, %get3A_519] {strides = array<i32>} : memref<2x8x512xf32, #tpu.memory_space<vmem>>, vector<16xf32>,
        %mul3A_521 = arith.mulf %get3A_520, %gather3A_441 : vector<16xf32>
        %mul3A_522 = arith.constant 16 : i32
        %mul3A_523 = arith.muli %add3A_512, %mul3A_522 : i32
        %swap3A_524 = arith.constant 1 : i32
        %swap3A_525 = arith.constant 6 : i32
        %swap3A_526 = arith.index_cast %swap3A_524 : i32 to index
        %swap3A_527 = arith.index_cast %swap3A_525 : i32 to index
        %swap3A_528 = arith.index_cast %mul3A_523 : i32 to index
        %swap3A_529 = tpu.vector_load %arg14[%swap3A_526, %swap3A_527, %swap3A_528] {strides = array<i32>} : memref<2x8x512xf32, #tpu.memory_space<vmem>>, vector<16xf32>,
        tpu.vector_store %arg14[%swap3A_526, %swap3A_527, %swap3A_528], %mul3A_521 {strides = array<i32>} : memref<2x8x512xf32, #tpu.memory_space<vmem>>, vector<16xf32>,
        %mul3A_530 = arith.constant 8 : i32
        %mul3A_531 = arith.muli %scan3A_489, %mul3A_530 : i32
        %add3A_532 = arith.constant 2 : i32
        %add3A_533 = arith.addi %mul3A_531, %add3A_532 : i32
        %mul3A_534 = arith.constant 16 : i32
        %mul3A_535 = arith.muli %add3A_533, %mul3A_534 : i32
        %get3A_536 = arith.constant 1 : i32
        %get3A_537 = arith.constant 6 : i32
        %get3A_538 = arith.index_cast %get3A_536 : i32 to index
        %get3A_539 = arith.index_cast %get3A_537 : i32 to index
        %get3A_540 = arith.index_cast %mul3A_535 : i32 to index
        %get3A_541 = tpu.vector_load %arg12[%get3A_538, %get3A_539, %get3A_540] {strides = array<i32>} : memref<2x8x512xf32, #tpu.memory_space<vmem>>, vector<16xf32>,
        %mul3A_542 = arith.mulf %get3A_541, %gather3A_441 : vector<16xf32>
        %mul3A_543 = arith.constant 16 : i32
        %mul3A_544 = arith.muli %add3A_533, %mul3A_543 : i32
        %swap3A_545 = arith.constant 1 : i32
        %swap3A_546 = arith.constant 6 : i32
        %swap3A_547 = arith.index_cast %swap3A_545 : i32 to index
        %swap3A_548 = arith.index_cast %swap3A_546 : i32 to index
        %swap3A_549 = arith.index_cast %mul3A_544 : i32 to index
        %swap3A_550 = tpu.vector_load %arg14[%swap3A_547, %swap3A_548, %swap3A_549] {strides = array<i32>} : memref<2x8x512xf32, #tpu.memory_space<vmem>>, vector<16xf32>,
        tpu.vector_store %arg14[%swap3A_547, %swap3A_548, %swap3A_549], %mul3A_542 {strides = array<i32>} : memref<2x8x512xf32, #tpu.memory_space<vmem>>, vector<16xf32>,
        %mul3A_551 = arith.constant 8 : i32
        %mul3A_552 = arith.muli %scan3A_489, %mul3A_551 : i32
        %add3A_553 = arith.constant 3 : i32
        %add3A_554 = arith.addi %mul3A_552, %add3A_553 : i32
        %mul3A_555 = arith.constant 16 : i32
        %mul3A_556 = arith.muli %add3A_554, %mul3A_555 : i32
        %get3A_557 = arith.constant 1 : i32
        %get3A_558 = arith.constant 6 : i32
        %get3A_559 = arith.index_cast %get3A_557 : i32 to index
        %get3A_560 = arith.index_cast %get3A_558 : i32 to index
        %get3A_561 = arith.index_cast %mul3A_556 : i32 to index
        %get3A_562 = tpu.vector_load %arg12[%get3A_559, %get3A_560, %get3A_561] {strides = array<i32>} : memref<2x8x512xf32, #tpu.memory_space<vmem>>, vector<16xf32>,
        %mul3A_563 = arith.mulf %get3A_562, %gather3A_441 : vector<16xf32>
        %mul3A_564 = arith.constant 16 : i32
        %mul3A_565 = arith.muli %add3A_554, %mul3A_564 : i32
        %swap3A_566 = arith.constant 1 : i32
        %swap3A_567 = arith.constant 6 : i32
        %swap3A_568 = arith.index_cast %swap3A_566 : i32 to index
        %swap3A_569 = arith.index_cast %swap3A_567 : i32 to index
        %swap3A_570 = arith.index_cast %mul3A_565 : i32 to index
        %swap3A_571 = tpu.vector_load %arg14[%swap3A_568, %swap3A_569, %swap3A_570] {strides = array<i32>} : memref<2x8x512xf32, #tpu.memory_space<vmem>>, vector<16xf32>,
        tpu.vector_store %arg14[%swap3A_568, %swap3A_569, %swap3A_570], %mul3A_563 {strides = array<i32>} : memref<2x8x512xf32, #tpu.memory_space<vmem>>, vector<16xf32>,
        %mul3A_572 = arith.constant 8 : i32
        %mul3A_573 = arith.muli %scan3A_489, %mul3A_572 : i32
        %add3A_574 = arith.constant 4 : i32
        %add3A_575 = arith.addi %mul3A_573, %add3A_574 : i32
        %mul3A_576 = arith.constant 16 : i32
        %mul3A_577 = arith.muli %add3A_575, %mul3A_576 : i32
        %get3A_578 = arith.constant 1 : i32
        %get3A_579 = arith.constant 6 : i32
        %get3A_580 = arith.index_cast %get3A_578 : i32 to index
        %get3A_581 = arith.index_cast %get3A_579 : i32 to index
        %get3A_582 = arith.index_cast %mul3A_577 : i32 to index
        %get3A_583 = tpu.vector_load %arg12[%get3A_580, %get3A_581, %get3A_582] {strides = array<i32>} : memref<2x8x512xf32, #tpu.memory_space<vmem>>, vector<16xf32>,
        %mul3A_584 = arith.mulf %get3A_583, %gather3A_441 : vector<16xf32>
        %mul3A_585 = arith.constant 16 : i32
        %mul3A_586 = arith.muli %add3A_575, %mul3A_585 : i32
        %swap3A_587 = arith.constant 1 : i32
        %swap3A_588 = arith.constant 6 : i32
        %swap3A_589 = arith.index_cast %swap3A_587 : i32 to index
        %swap3A_590 = arith.index_cast %swap3A_588 : i32 to index
        %swap3A_591 = arith.index_cast %mul3A_586 : i32 to index
        %swap3A_592 = tpu.vector_load %arg14[%swap3A_589, %swap3A_590, %swap3A_591] {strides = array<i32>} : memref<2x8x512xf32, #tpu.memory_space<vmem>>, vector<16xf32>,
        tpu.vector_store %arg14[%swap3A_589, %swap3A_590, %swap3A_591], %mul3A_584 {strides = array<i32>} : memref<2x8x512xf32, #tpu.memory_space<vmem>>, vector<16xf32>,
        %mul3A_593 = arith.constant 8 : i32
        %mul3A_594 = arith.muli %scan3A_489, %mul3A_593 : i32
        %add3A_595 = arith.constant 5 : i32
        %add3A_596 = arith.addi %mul3A_594, %add3A_595 : i32
        %mul3A_597 = arith.constant 16 : i32
        %mul3A_598 = arith.muli %add3A_596, %mul3A_597 : i32
        %get3A_599 = arith.constant 1 : i32
        %get3A_600 = arith.constant 6 : i32
        %get3A_601 = arith.index_cast %get3A_599 : i32 to index
        %get3A_602 = arith.index_cast %get3A_600 : i32 to index
        %get3A_603 = arith.index_cast %mul3A_598 : i32 to index
        %get3A_604 = tpu.vector_load %arg12[%get3A_601, %get3A_602, %get3A_603] {strides = array<i32>} : memref<2x8x512xf32, #tpu.memory_space<vmem>>, vector<16xf32>,
        %mul3A_605 = arith.mulf %get3A_604, %gather3A_441 : vector<16xf32>
        %mul3A_606 = arith.constant 16 : i32
        %mul3A_607 = arith.muli %add3A_596, %mul3A_606 : i32
        %swap3A_608 = arith.constant 1 : i32
        %swap3A_609 = arith.constant 6 : i32
        %swap3A_610 = arith.index_cast %swap3A_608 : i32 to index
        %swap3A_611 = arith.index_cast %swap3A_609 : i32 to index
        %swap3A_612 = arith.index_cast %mul3A_607 : i32 to index
        %swap3A_613 = tpu.vector_load %arg14[%swap3A_610, %swap3A_611, %swap3A_612] {strides = array<i32>} : memref<2x8x512xf32, #tpu.memory_space<vmem>>, vector<16xf32>,
        tpu.vector_store %arg14[%swap3A_610, %swap3A_611, %swap3A_612], %mul3A_605 {strides = array<i32>} : memref<2x8x512xf32, #tpu.memory_space<vmem>>, vector<16xf32>,
        %mul3A_614 = arith.constant 8 : i32
        %mul3A_615 = arith.muli %scan3A_489, %mul3A_614 : i32
        %add3A_616 = arith.constant 6 : i32
        %add3A_617 = arith.addi %mul3A_615, %add3A_616 : i32
        %mul3A_618 = arith.constant 16 : i32
        %mul3A_619 = arith.muli %add3A_617, %mul3A_618 : i32
        %get3A_620 = arith.constant 1 : i32
        %get3A_621 = arith.constant 6 : i32
        %get3A_622 = arith.index_cast %get3A_620 : i32 to index
        %get3A_623 = arith.index_cast %get3A_621 : i32 to index
        %get3A_624 = arith.index_cast %mul3A_619 : i32 to index
        %get3A_625 = tpu.vector_load %arg12[%get3A_622, %get3A_623, %get3A_624] {strides = array<i32>} : memref<2x8x512xf32, #tpu.memory_space<vmem>>, vector<16xf32>,
        %mul3A_626 = arith.mulf %get3A_625, %gather3A_441 : vector<16xf32>
        %mul3A_627 = arith.constant 16 : i32
        %mul3A_628 = arith.muli %add3A_617, %mul3A_627 : i32
        %swap3A_629 = arith.constant 1 : i32
        %swap3A_630 = arith.constant 6 : i32
        %swap3A_631 = arith.index_cast %swap3A_629 : i32 to index
        %swap3A_632 = arith.index_cast %swap3A_630 : i32 to index
        %swap3A_633 = arith.index_cast %mul3A_628 : i32 to index
        %swap3A_634 = tpu.vector_load %arg14[%swap3A_631, %swap3A_632, %swap3A_633] {strides = array<i32>} : memref<2x8x512xf32, #tpu.memory_space<vmem>>, vector<16xf32>,
        tpu.vector_store %arg14[%swap3A_631, %swap3A_632, %swap3A_633], %mul3A_626 {strides = array<i32>} : memref<2x8x512xf32, #tpu.memory_space<vmem>>, vector<16xf32>,
        %mul3A_635 = arith.constant 8 : i32
        %mul3A_636 = arith.muli %scan3A_489, %mul3A_635 : i32
        %add3A_637 = arith.constant 7 : i32
        %add3A_638 = arith.addi %mul3A_636, %add3A_637 : i32
        %mul3A_639 = arith.constant 16 : i32
        %mul3A_640 = arith.muli %add3A_638, %mul3A_639 : i32
        %get3A_641 = arith.constant 1 : i32
        %get3A_642 = arith.constant 6 : i32
        %get3A_643 = arith.index_cast %get3A_641 : i32 to index
        %get3A_644 = arith.index_cast %get3A_642 : i32 to index
        %get3A_645 = arith.index_cast %mul3A_640 : i32 to index
        %get3A_646 = tpu.vector_load %arg12[%get3A_643, %get3A_644, %get3A_645] {strides = array<i32>} : memref<2x8x512xf32, #tpu.memory_space<vmem>>, vector<16xf32>,
        %mul3A_647 = arith.mulf %get3A_646, %gather3A_441 : vector<16xf32>
        %mul3A_648 = arith.constant 16 : i32
        %mul3A_649 = arith.muli %add3A_638, %mul3A_648 : i32
        %swap3A_650 = arith.constant 1 : i32
        %swap3A_651 = arith.constant 6 : i32
        %swap3A_652 = arith.index_cast %swap3A_650 : i32 to index
        %swap3A_653 = arith.index_cast %swap3A_651 : i32 to index
        %swap3A_654 = arith.index_cast %mul3A_649 : i32 to index
        %swap3A_655 = tpu.vector_load %arg14[%swap3A_652, %swap3A_653, %swap3A_654] {strides = array<i32>} : memref<2x8x512xf32, #tpu.memory_space<vmem>>, vector<16xf32>,
        tpu.vector_store %arg14[%swap3A_652, %swap3A_653, %swap3A_654], %mul3A_647 {strides = array<i32>} : memref<2x8x512xf32, #tpu.memory_space<vmem>>, vector<16xf32>,
      }
      %scan3A_447 = arith.constant 4 : i32
      %mul3A_448 = arith.constant 8 : i32
      %mul3A_449 = arith.muli %add3A_307, %mul3A_448 : i32
      %add3A_450 = arith.constant 7 : i32
      %add3A_451 = arith.addi %mul3A_449, %add3A_450 : i32
      %broadcast_in_dim3A_452 = vector.broadcast %add3A_451 : i32 to vector<16xi32>
      %gather3A_453 = tpu.vector_load_idx %arg10[%broadcast_in_dim3A_452] : memref<256xf32, #tpu.memory_space<vmem>>[vector<16xi32>], vector<16xf32>,
      %scan3A_454 = arith.constant 0 : i32
      %scan3A_455 = arith.constant 0 : i32
      %scan3A_456 = arith.constant 4 : i32
      %scan3A_457 = arith.addi %scan3A_455, %scan3A_456 : i32
      %scan3A_458 = arith.constant 1 : i32
      scf.for %scan3A_489 = %scan3A_455 to %scan3A_457 step %scan3A_458  : i32 {
        %mul3A_490 = arith.constant 8 : i32
        %mul3A_491 = arith.muli %scan3A_489, %mul3A_490 : i32
        %add3A_492 = arith.constant 0 : i32
        %add3A_493 = arith.addi %mul3A_491, %add3A_492 : i32
        %mul3A_494 = arith.constant 16 : i32
        %mul3A_495 = arith.muli %add3A_493, %mul3A_494 : i32
        %get3A = arith.constant 1 : i32
        %get3A_496 = arith.constant 7 : i32
        %get3A_497 = arith.index_cast %get3A : i32 to index
        %get3A_498 = arith.index_cast %get3A_496 : i32 to index
        %get3A_499 = arith.index_cast %mul3A_495 : i32 to index
        %get3A_500 = tpu.vector_load %arg12[%get3A_497, %get3A_498, %get3A_499] {strides = array<i32>} : memref<2x8x512xf32, #tpu.memory_space<vmem>>, vector<16xf32>,
        %mul3A_501 = arith.mulf %get3A_500, %gather3A_453 : vector<16xf32>
        %mul3A_502 = arith.constant 16 : i32
        %mul3A_503 = arith.muli %add3A_493, %mul3A_502 : i32
        %swap3A = arith.constant 1 : i32
        %swap3A_504 = arith.constant 7 : i32
        %swap3A_505 = arith.index_cast %swap3A : i32 to index
        %swap3A_506 = arith.index_cast %swap3A_504 : i32 to index
        %swap3A_507 = arith.index_cast %mul3A_503 : i32 to index
        %swap3A_508 = tpu.vector_load %arg14[%swap3A_505, %swap3A_506, %swap3A_507] {strides = array<i32>} : memref<2x8x512xf32, #tpu.memory_space<vmem>>, vector<16xf32>,
        tpu.vector_store %arg14[%swap3A_505, %swap3A_506, %swap3A_507], %mul3A_501 {strides = array<i32>} : memref<2x8x512xf32, #tpu.memory_space<vmem>>, vector<16xf32>,
        %mul3A_509 = arith.constant 8 : i32
        %mul3A_510 = arith.muli %scan3A_489, %mul3A_509 : i32
        %add3A_511 = arith.constant 1 : i32
        %add3A_512 = arith.addi %mul3A_510, %add3A_511 : i32
        %mul3A_513 = arith.constant 16 : i32
        %mul3A_514 = arith.muli %add3A_512, %mul3A_513 : i32
        %get3A_515 = arith.constant 1 : i32
        %get3A_516 = arith.constant 7 : i32
        %get3A_517 = arith.index_cast %get3A_515 : i32 to index
        %get3A_518 = arith.index_cast %get3A_516 : i32 to index
        %get3A_519 = arith.index_cast %mul3A_514 : i32 to index
        %get3A_520 = tpu.vector_load %arg12[%get3A_517, %get3A_518, %get3A_519] {strides = array<i32>} : memref<2x8x512xf32, #tpu.memory_space<vmem>>, vector<16xf32>,
        %mul3A_521 = arith.mulf %get3A_520, %gather3A_453 : vector<16xf32>
        %mul3A_522 = arith.constant 16 : i32
        %mul3A_523 = arith.muli %add3A_512, %mul3A_522 : i32
        %swap3A_524 = arith.constant 1 : i32
        %swap3A_525 = arith.constant 7 : i32
        %swap3A_526 = arith.index_cast %swap3A_524 : i32 to index
        %swap3A_527 = arith.index_cast %swap3A_525 : i32 to index
        %swap3A_528 = arith.index_cast %mul3A_523 : i32 to index
        %swap3A_529 = tpu.vector_load %arg14[%swap3A_526, %swap3A_527, %swap3A_528] {strides = array<i32>} : memref<2x8x512xf32, #tpu.memory_space<vmem>>, vector<16xf32>,
        tpu.vector_store %arg14[%swap3A_526, %swap3A_527, %swap3A_528], %mul3A_521 {strides = array<i32>} : memref<2x8x512xf32, #tpu.memory_space<vmem>>, vector<16xf32>,
        %mul3A_530 = arith.constant 8 : i32
        %mul3A_531 = arith.muli %scan3A_489, %mul3A_530 : i32
        %add3A_532 = arith.constant 2 : i32
        %add3A_533 = arith.addi %mul3A_531, %add3A_532 : i32
        %mul3A_534 = arith.constant 16 : i32
        %mul3A_535 = arith.muli %add3A_533, %mul3A_534 : i32
        %get3A_536 = arith.constant 1 : i32
        %get3A_537 = arith.constant 7 : i32
        %get3A_538 = arith.index_cast %get3A_536 : i32 to index
        %get3A_539 = arith.index_cast %get3A_537 : i32 to index
        %get3A_540 = arith.index_cast %mul3A_535 : i32 to index
        %get3A_541 = tpu.vector_load %arg12[%get3A_538, %get3A_539, %get3A_540] {strides = array<i32>} : memref<2x8x512xf32, #tpu.memory_space<vmem>>, vector<16xf32>,
        %mul3A_542 = arith.mulf %get3A_541, %gather3A_453 : vector<16xf32>
        %mul3A_543 = arith.constant 16 : i32
        %mul3A_544 = arith.muli %add3A_533, %mul3A_543 : i32
        %swap3A_545 = arith.constant 1 : i32
        %swap3A_546 = arith.constant 7 : i32
        %swap3A_547 = arith.index_cast %swap3A_545 : i32 to index
        %swap3A_548 = arith.index_cast %swap3A_546 : i32 to index
        %swap3A_549 = arith.index_cast %mul3A_544 : i32 to index
        %swap3A_550 = tpu.vector_load %arg14[%swap3A_547, %swap3A_548, %swap3A_549] {strides = array<i32>} : memref<2x8x512xf32, #tpu.memory_space<vmem>>, vector<16xf32>,
        tpu.vector_store %arg14[%swap3A_547, %swap3A_548, %swap3A_549], %mul3A_542 {strides = array<i32>} : memref<2x8x512xf32, #tpu.memory_space<vmem>>, vector<16xf32>,
        %mul3A_551 = arith.constant 8 : i32
        %mul3A_552 = arith.muli %scan3A_489, %mul3A_551 : i32
        %add3A_553 = arith.constant 3 : i32
        %add3A_554 = arith.addi %mul3A_552, %add3A_553 : i32
        %mul3A_555 = arith.constant 16 : i32
        %mul3A_556 = arith.muli %add3A_554, %mul3A_555 : i32
        %get3A_557 = arith.constant 1 : i32
        %get3A_558 = arith.constant 7 : i32
        %get3A_559 = arith.index_cast %get3A_557 : i32 to index
        %get3A_560 = arith.index_cast %get3A_558 : i32 to index
        %get3A_561 = arith.index_cast %mul3A_556 : i32 to index
        %get3A_562 = tpu.vector_load %arg12[%get3A_559, %get3A_560, %get3A_561] {strides = array<i32>} : memref<2x8x512xf32, #tpu.memory_space<vmem>>, vector<16xf32>,
        %mul3A_563 = arith.mulf %get3A_562, %gather3A_453 : vector<16xf32>
        %mul3A_564 = arith.constant 16 : i32
        %mul3A_565 = arith.muli %add3A_554, %mul3A_564 : i32
        %swap3A_566 = arith.constant 1 : i32
        %swap3A_567 = arith.constant 7 : i32
        %swap3A_568 = arith.index_cast %swap3A_566 : i32 to index
        %swap3A_569 = arith.index_cast %swap3A_567 : i32 to index
        %swap3A_570 = arith.index_cast %mul3A_565 : i32 to index
        %swap3A_571 = tpu.vector_load %arg14[%swap3A_568, %swap3A_569, %swap3A_570] {strides = array<i32>} : memref<2x8x512xf32, #tpu.memory_space<vmem>>, vector<16xf32>,
        tpu.vector_store %arg14[%swap3A_568, %swap3A_569, %swap3A_570], %mul3A_563 {strides = array<i32>} : memref<2x8x512xf32, #tpu.memory_space<vmem>>, vector<16xf32>,
        %mul3A_572 = arith.constant 8 : i32
        %mul3A_573 = arith.muli %scan3A_489, %mul3A_572 : i32
        %add3A_574 = arith.constant 4 : i32
        %add3A_575 = arith.addi %mul3A_573, %add3A_574 : i32
        %mul3A_576 = arith.constant 16 : i32
        %mul3A_577 = arith.muli %add3A_575, %mul3A_576 : i32
        %get3A_578 = arith.constant 1 : i32
        %get3A_579 = arith.constant 7 : i32
        %get3A_580 = arith.index_cast %get3A_578 : i32 to index
        %get3A_581 = arith.index_cast %get3A_579 : i32 to index
        %get3A_582 = arith.index_cast %mul3A_577 : i32 to index
        %get3A_583 = tpu.vector_load %arg12[%get3A_580, %get3A_581, %get3A_582] {strides = array<i32>} : memref<2x8x512xf32, #tpu.memory_space<vmem>>, vector<16xf32>,
        %mul3A_584 = arith.mulf %get3A_583, %gather3A_453 : vector<16xf32>
        %mul3A_585 = arith.constant 16 : i32
        %mul3A_586 = arith.muli %add3A_575, %mul3A_585 : i32
        %swap3A_587 = arith.constant 1 : i32
        %swap3A_588 = arith.constant 7 : i32
        %swap3A_589 = arith.index_cast %swap3A_587 : i32 to index
        %swap3A_590 = arith.index_cast %swap3A_588 : i32 to index
        %swap3A_591 = arith.index_cast %mul3A_586 : i32 to index
        %swap3A_592 = tpu.vector_load %arg14[%swap3A_589, %swap3A_590, %swap3A_591] {strides = array<i32>} : memref<2x8x512xf32, #tpu.memory_space<vmem>>, vector<16xf32>,
        tpu.vector_store %arg14[%swap3A_589, %swap3A_590, %swap3A_591], %mul3A_584 {strides = array<i32>} : memref<2x8x512xf32, #tpu.memory_space<vmem>>, vector<16xf32>,
        %mul3A_593 = arith.constant 8 : i32
        %mul3A_594 = arith.muli %scan3A_489, %mul3A_593 : i32
        %add3A_595 = arith.constant 5 : i32
        %add3A_596 = arith.addi %mul3A_594, %add3A_595 : i32
        %mul3A_597 = arith.constant 16 : i32
        %mul3A_598 = arith.muli %add3A_596, %mul3A_597 : i32
        %get3A_599 = arith.constant 1 : i32
        %get3A_600 = arith.constant 7 : i32
        %get3A_601 = arith.index_cast %get3A_599 : i32 to index
        %get3A_602 = arith.index_cast %get3A_600 : i32 to index
        %get3A_603 = arith.index_cast %mul3A_598 : i32 to index
        %get3A_604 = tpu.vector_load %arg12[%get3A_601, %get3A_602, %get3A_603] {strides = array<i32>} : memref<2x8x512xf32, #tpu.memory_space<vmem>>, vector<16xf32>,
        %mul3A_605 = arith.mulf %get3A_604, %gather3A_453 : vector<16xf32>
        %mul3A_606 = arith.constant 16 : i32
        %mul3A_607 = arith.muli %add3A_596, %mul3A_606 : i32
        %swap3A_608 = arith.constant 1 : i32
        %swap3A_609 = arith.constant 7 : i32
        %swap3A_610 = arith.index_cast %swap3A_608 : i32 to index
        %swap3A_611 = arith.index_cast %swap3A_609 : i32 to index
        %swap3A_612 = arith.index_cast %mul3A_607 : i32 to index
        %swap3A_613 = tpu.vector_load %arg14[%swap3A_610, %swap3A_611, %swap3A_612] {strides = array<i32>} : memref<2x8x512xf32, #tpu.memory_space<vmem>>, vector<16xf32>,
        tpu.vector_store %arg14[%swap3A_610, %swap3A_611, %swap3A_612], %mul3A_605 {strides = array<i32>} : memref<2x8x512xf32, #tpu.memory_space<vmem>>, vector<16xf32>,
        %mul3A_614 = arith.constant 8 : i32
        %mul3A_615 = arith.muli %scan3A_489, %mul3A_614 : i32
        %add3A_616 = arith.constant 6 : i32
        %add3A_617 = arith.addi %mul3A_615, %add3A_616 : i32
        %mul3A_618 = arith.constant 16 : i32
        %mul3A_619 = arith.muli %add3A_617, %mul3A_618 : i32
        %get3A_620 = arith.constant 1 : i32
        %get3A_621 = arith.constant 7 : i32
        %get3A_622 = arith.index_cast %get3A_620 : i32 to index
        %get3A_623 = arith.index_cast %get3A_621 : i32 to index
        %get3A_624 = arith.index_cast %mul3A_619 : i32 to index
        %get3A_625 = tpu.vector_load %arg12[%get3A_622, %get3A_623, %get3A_624] {strides = array<i32>} : memref<2x8x512xf32, #tpu.memory_space<vmem>>, vector<16xf32>,
        %mul3A_626 = arith.mulf %get3A_625, %gather3A_453 : vector<16xf32>
        %mul3A_627 = arith.constant 16 : i32
        %mul3A_628 = arith.muli %add3A_617, %mul3A_627 : i32
        %swap3A_629 = arith.constant 1 : i32
        %swap3A_630 = arith.constant 7 : i32
        %swap3A_631 = arith.index_cast %swap3A_629 : i32 to index
        %swap3A_632 = arith.index_cast %swap3A_630 : i32 to index
        %swap3A_633 = arith.index_cast %mul3A_628 : i32 to index
        %swap3A_634 = tpu.vector_load %arg14[%swap3A_631, %swap3A_632, %swap3A_633] {strides = array<i32>} : memref<2x8x512xf32, #tpu.memory_space<vmem>>, vector<16xf32>,
        tpu.vector_store %arg14[%swap3A_631, %swap3A_632, %swap3A_633], %mul3A_626 {strides = array<i32>} : memref<2x8x512xf32, #tpu.memory_space<vmem>>, vector<16xf32>,
        %mul3A_635 = arith.constant 8 : i32
        %mul3A_636 = arith.muli %scan3A_489, %mul3A_635 : i32
        %add3A_637 = arith.constant 7 : i32
        %add3A_638 = arith.addi %mul3A_636, %add3A_637 : i32
        %mul3A_639 = arith.constant 16 : i32
        %mul3A_640 = arith.muli %add3A_638, %mul3A_639 : i32
        %get3A_641 = arith.constant 1 : i32
        %get3A_642 = arith.constant 7 : i32
        %get3A_643 = arith.index_cast %get3A_641 : i32 to index
        %get3A_644 = arith.index_cast %get3A_642 : i32 to index
        %get3A_645 = arith.index_cast %mul3A_640 : i32 to index
        %get3A_646 = tpu.vector_load %arg12[%get3A_643, %get3A_644, %get3A_645] {strides = array<i32>} : memref<2x8x512xf32, #tpu.memory_space<vmem>>, vector<16xf32>,
        %mul3A_647 = arith.mulf %get3A_646, %gather3A_453 : vector<16xf32>
        %mul3A_648 = arith.constant 16 : i32
        %mul3A_649 = arith.muli %add3A_638, %mul3A_648 : i32
        %swap3A_650 = arith.constant 1 : i32
        %swap3A_651 = arith.constant 7 : i32
        %swap3A_652 = arith.index_cast %swap3A_650 : i32 to index
        %swap3A_653 = arith.index_cast %swap3A_651 : i32 to index
        %swap3A_654 = arith.index_cast %mul3A_649 : i32 to index
        %swap3A_655 = tpu.vector_load %arg14[%swap3A_652, %swap3A_653, %swap3A_654] {strides = array<i32>} : memref<2x8x512xf32, #tpu.memory_space<vmem>>, vector<16xf32>,
        tpu.vector_store %arg14[%swap3A_652, %swap3A_653, %swap3A_654], %mul3A_647 {strides = array<i32>} : memref<2x8x512xf32, #tpu.memory_space<vmem>>, vector<16xf32>,
      }
      %scan3A_459 = arith.constant 4 : i32
      %mul3A_460 = arith.constant 8 : i32
      %mul3A_461 = arith.muli %add3A_307, %mul3A_460 : i32
      %add3A_462 = arith.addi %add3A_35, %mul3A_461 : i32
      %dma_start3A_463 = arith.constant 1 : i32
      %dma_start3A_464 = arith.constant 0 : i32
      %dma_start3A_465 = arith.constant 0 : i32
      %dma_start3A_466 = tpu.memref_slice %arg13[%dma_start3A_463, %dma_start3A_464, %dma_start3A_465] : memref<2x8x1024xf32, #tpu.memory_space<vmem>> -> memref<1x8x1024xf32, #tpu.memory_space<vmem>>
      %dma_start3A_467 = tpu.memref_squeeze %dma_start3A_466 : memref<1x8x1024xf32, #tpu.memory_space<vmem>> -> memref<8x1024xf32, #tpu.memory_space<vmem>>
      %dma_start3A_468 = arith.constant 0 : i32
      %dma_start3A_469 = tpu.memref_slice %arg7[%add3A_462, %dma_start3A_468] : memref<8192x1024xf32, #tpu.memory_space<hbm>> -> memref<8x1024xf32, #tpu.memory_space<hbm>>
      %dma_start3A_470 = arith.constant 0 : i32
      %dma_start3A_471 = tpu.memref_slice %arg7[%add3A_462, %dma_start3A_470] : memref<8192x1024xf32, #tpu.memory_space<hbm>> -> memref<8x1024xf32, #tpu.memory_space<hbm>>
      %dma_start3A_472 = arith.constant 0 : i32
      %dma_start3A_473 = arith.constant 0 : i32
      %dma_start3A_474 = tpu.memref_slice %arg13[%dma_start3A_463, %dma_start3A_472, %dma_start3A_473] : memref<2x8x1024xf32, #tpu.memory_space<vmem>> -> memref<1x8x1024xf32, #tpu.memory_space<vmem>>
      %dma_start3A_475 = tpu.memref_squeeze %dma_start3A_474 : memref<1x8x1024xf32, #tpu.memory_space<vmem>> -> memref<8x1024xf32, #tpu.memory_space<vmem>>
      tpu.enqueue_dma source(%dma_start3A_475 : memref<8x1024xf32, #tpu.memory_space<vmem>>) target(%dma_start3A_471 : memref<8x1024xf32, #tpu.memory_space<hbm>>) target_semaphore(%arg20 : memref<!tpu.dma_semaphore, #tpu.memory_space<semaphore_mem>>)
      %dma_start3A_476 = arith.constant 1 : i32
      %dma_start3A_477 = arith.constant 0 : i32
      %dma_start3A_478 = arith.constant 0 : i32
      %dma_start3A_479 = tpu.memref_slice %arg14[%dma_start3A_476, %dma_start3A_477, %dma_start3A_478] : memref<2x8x512xf32, #tpu.memory_space<vmem>> -> memref<1x8x512xf32, #tpu.memory_space<vmem>>
      %dma_start3A_480 = tpu.memref_squeeze %dma_start3A_479 : memref<1x8x512xf32, #tpu.memory_space<vmem>> -> memref<8x512xf32, #tpu.memory_space<vmem>>
      %dma_start3A_481 = arith.constant 0 : i32
      %dma_start3A_482 = tpu.memref_slice %arg6[%add3A_462, %dma_start3A_481] : memref<8192x512xf32, #tpu.memory_space<hbm>> -> memref<8x512xf32, #tpu.memory_space<hbm>>
      %dma_start3A_483 = arith.constant 0 : i32
      %dma_start3A_484 = tpu.memref_slice %arg6[%add3A_462, %dma_start3A_483] : memref<8192x512xf32, #tpu.memory_space<hbm>> -> memref<8x512xf32, #tpu.memory_space<hbm>>
      %dma_start3A_485 = arith.constant 0 : i32
      %dma_start3A_486 = arith.constant 0 : i32
      %dma_start3A_487 = tpu.memref_slice %arg14[%dma_start3A_476, %dma_start3A_485, %dma_start3A_486] : memref<2x8x512xf32, #tpu.memory_space<vmem>> -> memref<1x8x512xf32, #tpu.memory_space<vmem>>
      %dma_start3A_488 = tpu.memref_squeeze %dma_start3A_487 : memref<1x8x512xf32, #tpu.memory_space<vmem>> -> memref<8x512xf32, #tpu.memory_space<vmem>>
      tpu.enqueue_dma source(%dma_start3A_488 : memref<8x512xf32, #tpu.memory_space<vmem>>) target(%dma_start3A_484 : memref<8x512xf32, #tpu.memory_space<hbm>>) target_semaphore(%arg22 : memref<!tpu.dma_semaphore, #tpu.memory_space<semaphore_mem>>)
    }
    %scan3A_67 = arith.constant 16 : i32
    %add3A_68 = arith.constant 240 : i32
    %add3A_69 = arith.addi %add3A_35, %add3A_68 : i32
    %dma_wait3A = arith.constant 0 : i32
    %dma_wait3A_70 = arith.constant 0 : i32
    %dma_wait3A_71 = arith.constant 0 : i32
    %dma_wait3A_72 = tpu.memref_slice %arg13[%dma_wait3A, %dma_wait3A_70, %dma_wait3A_71] : memref<2x8x1024xf32, #tpu.memory_space<vmem>> -> memref<1x8x1024xf32, #tpu.memory_space<vmem>>
    %dma_wait3A_73 = tpu.memref_squeeze %dma_wait3A_72 : memref<1x8x1024xf32, #tpu.memory_space<vmem>> -> memref<8x1024xf32, #tpu.memory_space<vmem>>
    %dma_wait3A_74 = arith.constant 0 : i32
    %dma_wait3A_75 = tpu.memref_slice %arg7[%add3A_69, %dma_wait3A_74] : memref<8192x1024xf32, #tpu.memory_space<hbm>> -> memref<8x1024xf32, #tpu.memory_space<hbm>>
    %dma_wait3A_76 = arith.constant 0 : i32
    %dma_wait3A_77 = tpu.memref_slice %arg7[%add3A_69, %dma_wait3A_76] : memref<8192x1024xf32, #tpu.memory_space<hbm>> -> memref<8x1024xf32, #tpu.memory_space<hbm>>
    %dma_wait3A_78 = arith.constant 0 : i32
    %dma_wait3A_79 = arith.constant 0 : i32
    %dma_wait3A_80 = tpu.memref_slice %arg13[%dma_wait3A, %dma_wait3A_78, %dma_wait3A_79] : memref<2x8x1024xf32, #tpu.memory_space<vmem>> -> memref<1x8x1024xf32, #tpu.memory_space<vmem>>
    %dma_wait3A_81 = tpu.memref_squeeze %dma_wait3A_80 : memref<1x8x1024xf32, #tpu.memory_space<vmem>> -> memref<8x1024xf32, #tpu.memory_space<vmem>>
    tpu.wait_dma2 semaphore(%arg19 : memref<!tpu.dma_semaphore, #tpu.memory_space<semaphore_mem>>) src(%dma_wait3A_81 : memref<8x1024xf32, #tpu.memory_space<vmem>>) dst(%dma_wait3A_77 : memref<8x1024xf32, #tpu.memory_space<hbm>>)
    %dma_wait3A_82 = arith.constant 0 : i32
    %dma_wait3A_83 = arith.constant 0 : i32
    %dma_wait3A_84 = arith.constant 0 : i32
    %dma_wait3A_85 = tpu.memref_slice %arg14[%dma_wait3A_82, %dma_wait3A_83, %dma_wait3A_84] : memref<2x8x512xf32, #tpu.memory_space<vmem>> -> memref<1x8x512xf32, #tpu.memory_space<vmem>>
    %dma_wait3A_86 = tpu.memref_squeeze %dma_wait3A_85 : memref<1x8x512xf32, #tpu.memory_space<vmem>> -> memref<8x512xf32, #tpu.memory_space<vmem>>
    %dma_wait3A_87 = arith.constant 0 : i32
    %dma_wait3A_88 = tpu.memref_slice %arg6[%add3A_69, %dma_wait3A_87] : memref<8192x512xf32, #tpu.memory_space<hbm>> -> memref<8x512xf32, #tpu.memory_space<hbm>>
    %dma_wait3A_89 = arith.constant 0 : i32
    %dma_wait3A_90 = tpu.memref_slice %arg6[%add3A_69, %dma_wait3A_89] : memref<8192x512xf32, #tpu.memory_space<hbm>> -> memref<8x512xf32, #tpu.memory_space<hbm>>
    %dma_wait3A_91 = arith.constant 0 : i32
    %dma_wait3A_92 = arith.constant 0 : i32
    %dma_wait3A_93 = tpu.memref_slice %arg14[%dma_wait3A_82, %dma_wait3A_91, %dma_wait3A_92] : memref<2x8x512xf32, #tpu.memory_space<vmem>> -> memref<1x8x512xf32, #tpu.memory_space<vmem>>
    %dma_wait3A_94 = tpu.memref_squeeze %dma_wait3A_93 : memref<1x8x512xf32, #tpu.memory_space<vmem>> -> memref<8x512xf32, #tpu.memory_space<vmem>>
    tpu.wait_dma2 semaphore(%arg21 : memref<!tpu.dma_semaphore, #tpu.memory_space<semaphore_mem>>) src(%dma_wait3A_94 : memref<8x512xf32, #tpu.memory_space<vmem>>) dst(%dma_wait3A_90 : memref<8x512xf32, #tpu.memory_space<hbm>>)
    %add3A_95 = arith.constant 248 : i32
    %add3A_96 = arith.addi %add3A_35, %add3A_95 : i32
    %dma_wait3A_97 = arith.constant 1 : i32
    %dma_wait3A_98 = arith.constant 0 : i32
    %dma_wait3A_99 = arith.constant 0 : i32
    %dma_wait3A_100 = tpu.memref_slice %arg13[%dma_wait3A_97, %dma_wait3A_98, %dma_wait3A_99] : memref<2x8x1024xf32, #tpu.memory_space<vmem>> -> memref<1x8x1024xf32, #tpu.memory_space<vmem>>
    %dma_wait3A_101 = tpu.memref_squeeze %dma_wait3A_100 : memref<1x8x1024xf32, #tpu.memory_space<vmem>> -> memref<8x1024xf32, #tpu.memory_space<vmem>>
    %dma_wait3A_102 = arith.constant 0 : i32
    %dma_wait3A_103 = tpu.memref_slice %arg7[%add3A_96, %dma_wait3A_102] : memref<8192x1024xf32, #tpu.memory_space<hbm>> -> memref<8x1024xf32, #tpu.memory_space<hbm>>
    %dma_wait3A_104 = arith.constant 0 : i32
    %dma_wait3A_105 = tpu.memref_slice %arg7[%add3A_96, %dma_wait3A_104] : memref<8192x1024xf32, #tpu.memory_space<hbm>> -> memref<8x1024xf32, #tpu.memory_space<hbm>>
    %dma_wait3A_106 = arith.constant 0 : i32
    %dma_wait3A_107 = arith.constant 0 : i32
    %dma_wait3A_108 = tpu.memref_slice %arg13[%dma_wait3A_97, %dma_wait3A_106, %dma_wait3A_107] : memref<2x8x1024xf32, #tpu.memory_space<vmem>> -> memref<1x8x1024xf32, #tpu.memory_space<vmem>>
    %dma_wait3A_109 = tpu.memref_squeeze %dma_wait3A_108 : memref<1x8x1024xf32, #tpu.memory_space<vmem>> -> memref<8x1024xf32, #tpu.memory_space<vmem>>
    tpu.wait_dma2 semaphore(%arg20 : memref<!tpu.dma_semaphore, #tpu.memory_space<semaphore_mem>>) src(%dma_wait3A_109 : memref<8x1024xf32, #tpu.memory_space<vmem>>) dst(%dma_wait3A_105 : memref<8x1024xf32, #tpu.memory_space<hbm>>)
    %dma_wait3A_110 = arith.constant 1 : i32
    %dma_wait3A_111 = arith.constant 0 : i32
    %dma_wait3A_112 = arith.constant 0 : i32
    %dma_wait3A_113 = tpu.memref_slice %arg14[%dma_wait3A_110, %dma_wait3A_111, %dma_wait3A_112] : memref<2x8x512xf32, #tpu.memory_space<vmem>> -> memref<1x8x512xf32, #tpu.memory_space<vmem>>
    %dma_wait3A_114 = tpu.memref_squeeze %dma_wait3A_113 : memref<1x8x512xf32, #tpu.memory_space<vmem>> -> memref<8x512xf32, #tpu.memory_space<vmem>>
    %dma_wait3A_115 = arith.constant 0 : i32
    %dma_wait3A_116 = tpu.memref_slice %arg6[%add3A_96, %dma_wait3A_115] : memref<8192x512xf32, #tpu.memory_space<hbm>> -> memref<8x512xf32, #tpu.memory_space<hbm>>
    %dma_wait3A_117 = arith.constant 0 : i32
    %dma_wait3A_118 = tpu.memref_slice %arg6[%add3A_96, %dma_wait3A_117] : memref<8192x512xf32, #tpu.memory_space<hbm>> -> memref<8x512xf32, #tpu.memory_space<hbm>>
    %dma_wait3A_119 = arith.constant 0 : i32
    %dma_wait3A_120 = arith.constant 0 : i32
    %dma_wait3A_121 = tpu.memref_slice %arg14[%dma_wait3A_110, %dma_wait3A_119, %dma_wait3A_120] : memref<2x8x512xf32, #tpu.memory_space<vmem>> -> memref<1x8x512xf32, #tpu.memory_space<vmem>>
    %dma_wait3A_122 = tpu.memref_squeeze %dma_wait3A_121 : memref<1x8x512xf32, #tpu.memory_space<vmem>> -> memref<8x512xf32, #tpu.memory_space<vmem>>
    tpu.wait_dma2 semaphore(%arg22 : memref<!tpu.dma_semaphore, #tpu.memory_space<semaphore_mem>>) src(%dma_wait3A_122 : memref<8x512xf32, #tpu.memory_space<vmem>>) dst(%dma_wait3A_118 : memref<8x512xf32, #tpu.memory_space<hbm>>)
    return
  }
}

module attributes {stable_mosaic.version = 14 : i64} {
  func.func @body(%arg0: i32, %arg1: memref<1x2048x1xf32, #tpu.memory_space<vmem>>, %arg2: memref<1x1xf32, #tpu.memory_space<vmem>>, %arg3: memref<1x2048x1xf32, #tpu.memory_space<vmem>>) attributes {dimension_semantics = [#tpu.dimension_semantics<arbitrary>], iteration_bounds = array<i64: 8>, scalar_prefetch = 0 : i64, scratch_operands = 0 : i64, tpu.core_type = #tpu.core_type<tc>, window_params = [{transform_indices = @transform_0, window_bounds = array<i64: 1, 2048, 1>}, {pipeline_mode = #tpu.pipeline_mode<synchronous>, transform_indices = @transform_1, window_bounds = array<i64: 1, 1>}, {transform_indices = @transform_2, window_bounds = array<i64: 1, 2048, 1>}]} {
    %get3A = arith.constant 0 : index
    %get3A_0 = arith.constant 0 : index
    %get3A_1 = arith.constant 0 : index
    %get3A_2 = vector.load %arg1[%get3A, %get3A_0, %get3A_1] : memref<1x2048x1xf32, #tpu.memory_space<vmem>>, vector<1x2048x1xf32>
    %get3A_3 = arith.constant 0 : index
    %get3A_4 = arith.constant 0 : index
    %get3A_5 = vector.load %arg2[%get3A_3, %get3A_4] : memref<1x1xf32, #tpu.memory_space<vmem>>, vector<1x1xf32>
    %broadcast_in_dim3A = vector.shape_cast %get3A_5 : vector<1x1xf32> to vector<1x1x1xf32>
    %add3A = vector.broadcast %broadcast_in_dim3A : vector<1x1x1xf32> to vector<1x2048x1xf32>
    %add3A_6 = arith.addf %get3A_2, %add3A : vector<1x2048x1xf32>
    %max3A = arith.constant 0.000000e+00 : f32
    %max3A_7 = vector.broadcast %max3A : f32 to vector<1x2048x1xf32>
    %max3A_8 = arith.maximumf %add3A_6, %max3A_7 : vector<1x2048x1xf32>
    %add3A_9 = arith.constant 0.000000e+00 : f32
    %add3A_10 = vector.broadcast %add3A_9 : f32 to vector<1x2048x1xf32>
    %add3A_11 = arith.addf %max3A_8, %add3A_10 : vector<1x2048x1xf32>
    %tanh3A = math.tanh %add3A_11 : vector<1x2048x1xf32>
    %swap3A = arith.constant 0 : index
    %swap3A_12 = arith.constant 0 : index
    %swap3A_13 = arith.constant 0 : index
    %swap3A_14 = vector.load %arg3[%swap3A, %swap3A_12, %swap3A_13] : memref<1x2048x1xf32, #tpu.memory_space<vmem>>, vector<1x2048x1xf32>
    tpu.vector_store %arg3[%swap3A, %swap3A_12, %swap3A_13], %tanh3A {strides = array<i32>} : memref<1x2048x1xf32, #tpu.memory_space<vmem>>, vector<1x2048x1xf32>,
    return
  }
  func.func @transform_0(%arg0: i32) -> (i32, i32, i32) {
    %c0_i32 = arith.constant 0 : i32
    %c0_i32_0 = arith.constant 0 : i32
    %c0_i32_1 = arith.constant 0 : i32
    return %arg0, %c0_i32, %c0_i32_0 : i32, i32, i32
  }
  func.func @transform_1(%arg0: i32) -> (i32, i32) {
    %c0_i32 = arith.constant 0 : i32
    %c0_i32_0 = arith.constant 0 : i32
    %c0_i32_1 = arith.constant 0 : i32
    return %c0_i32, %c0_i32_0 : i32, i32
  }
  func.func @transform_2(%arg0: i32) -> (i32, i32, i32) {
    %c0_i32 = arith.constant 0 : i32
    %c0_i32_0 = arith.constant 0 : i32
    %c0_i32_1 = arith.constant 0 : i32
    return %arg0, %c0_i32, %c0_i32_0 : i32, i32, i32
  }
}

module attributes {stable_mosaic.version = 14 : i64} {
  func.func @body(%arg0: i32, %arg1: i32, %arg2: i32, %arg3: memref<1x512x512xf32, #tpu.memory_space<vmem>>, %arg4: memref<1x512x512xf32, #tpu.memory_space<vmem>>) attributes {dimension_semantics = [#tpu.dimension_semantics<arbitrary>, #tpu.dimension_semantics<arbitrary>, #tpu.dimension_semantics<arbitrary>], iteration_bounds = array<i64: 8, 2, 2>, scalar_prefetch = 0 : i64, scratch_operands = 0 : i64, tpu.core_type = #tpu.core_type<tc>, window_params = [{transform_indices = @transform_0, window_bounds = array<i64: 1, 512, 512>}, {transform_indices = @transform_1, window_bounds = array<i64: 1, 512, 512>}]} {
    %get3A = arith.constant 0 : index
    %get3A_0 = arith.constant 0 : index
    %get3A_1 = arith.constant 0 : index
    %get3A_2 = vector.load %arg3[%get3A, %get3A_0, %get3A_1] : memref<1x512x512xf32, #tpu.memory_space<vmem>>, vector<1x512x512xf32>
    %get3A_3 = vector.shape_cast %get3A_2 : vector<1x512x512xf32> to vector<512x512xf32>
    %transpose3A = tpu.transpose %get3A_3, [1, 0] : vector<512x512xf32> -> vector<512x512xf32>
    %swap3A = arith.constant 0 : index
    %swap3A_4 = arith.constant 0 : index
    %swap3A_5 = arith.constant 0 : index
    %swap3A_6 = vector.load %arg4[%swap3A, %swap3A_4, %swap3A_5] : memref<1x512x512xf32, #tpu.memory_space<vmem>>, vector<1x512x512xf32>
    %swap3A_7 = vector.shape_cast %swap3A_6 : vector<1x512x512xf32> to vector<512x512xf32>
    %swap3A_8 = vector.shape_cast %transpose3A : vector<512x512xf32> to vector<1x512x512xf32>
    tpu.vector_store %arg4[%swap3A, %swap3A_4, %swap3A_5], %swap3A_8 {strides = array<i32>} : memref<1x512x512xf32, #tpu.memory_space<vmem>>, vector<1x512x512xf32>,
    return
  }
  func.func @transform_0(%arg0: i32, %arg1: i32, %arg2: i32) -> (i32, i32, i32) {
    %c0_i32 = arith.constant 0 : i32
    return %arg0, %arg2, %arg1 : i32, i32, i32
  }
  func.func @transform_1(%arg0: i32, %arg1: i32, %arg2: i32) -> (i32, i32, i32) {
    %c0_i32 = arith.constant 0 : i32
    return %arg0, %arg1, %arg2 : i32, i32, i32
  }
}

</mosaic_0001>

<sc_bundles>
// kernel: kernel.6.cloned.1.call-start
scs
__scs_entry_jumppad:
0x0: {  	(pc) =	sbr.rel $0x88, $3  }
0x1: {  	(tag) =	ssettag $0x0;
	lr =	simm.s32 $0x1  }
0x2: {  	[smem:$0x3F9D] =	sst lr;
	_ =	strace $0xD0000000  }
0x3: {  	_ = 	snop  }
0x4: {  	_ = 	snop  }
0x5: {  	_ = 	snop  }
0x6: {  	_ = 	snop  }
0x7: {  	_ = 	snop  }
__scs_overlays_trampoline_lowered:
0x8: {  	[smem:$0x3FAC] =	sst s0  }
0x9: {  	[smem:$0x3FAD] =	sst s1  }
0xa: {  	[smem:$0x3FAE] =	sst s2  }
0xb: {  	[smem:$0x3FAF] =	sst s3  }
0xc: {  	[smem:$0x3FB0] =	sst s4  }
0xd: {  	[smem:$0x3FB1] =	sst s5  }
0xe: {  	[smem:$0x3FB2] =	sst s6  }
0xf: {  	[smem:$0x3FB3] =	sst s7  }
0x10: {  	[smem:$0x3FB4] =	sst s8  }
0x11: {  	[smem:$0x3FB5] =	sst s9;
	s0 =	simm.s32 @!p0 $0x0  }
0x12: {  	s1 =	sld [smem:$0x3F9B];
	s0 =	simm.s32 @p0 $0x1  }
0x13: {  	[smem:$0x3FB6] =	sst s0;
	s0 =	simm.s32 @!p1 $0x0  }
0x14: {  	s2 =	sld [smem:$0x3F9A];
	s0 =	simm.s32 @p1 $0x1  }
0x15: {  	[smem:$0x3FB7] =	sst s0;
	s0 =	simm.s32 @!p2 $0x0  }
0x16: {  	s3 =	sld [smem:$0x3FDB];
	s0 =	simm.s32 @p2 $0x1  }
0x17: {  	s4 =	simm.s32 $0x1BF5;
	[smem:$0x3FB9] =	sst s0  }
0x18: {  	s0 =	sld [smem:$0x3F9C];
	_ =	swait.ge [sflag:s4], $0x0  }
0x19: {  	s7 =	sld [smem:$0x3F9D]  }
0x1a: {  	s8 =	sadd.s32 $0xFFFFE003, lr  }
0x1b: {  	s9 =	sadd.s32 $0xFFFFFEF7, lr;
	s5 =	simm.s32 $0xFFFFFFFF;
	p2 =	slt.u32 s8, $0xFFFFF086  }
0x1c: {  	p1 =	slt.u32 s9, $0xF7A;
	s5 =	simm.s32 @!p2 $0x0  }
0x1d: {  	s5 =	simm.s32 @p1 $0x1;
	p0 =	seq.s32 s7, s2  }
0x1e: {  	s7 =	smul.u32 @!p0 $0xF7A, s2;
	p2 =	seq.s32 @!p0 s5, $0x0  }
0x1f: {  	s9 =	smul.u32 $0xF7A, s1;
	s8 =	simm.s32 @!p0 $0x1BF5;
	p2 =	por !p2, p0  }
0x20: {  	[sflag:s8] =	ssyncset.s32 @!p0 $0xFFFFF086;
	s6 =	sadd.s32 @!p0 s3, s7;
	s7 =	simm.s32 @!p0 $0x108  }
0x21: {  	s3 =	sadd.s32 s3, s9;
	s6 =	sadd.s32 @!p0 $0x88, s6;
	s7 =	simm.s32 @p2 $0x1082  }
0x22: {  	[simem:s7], [sflag:s8] =	dma.local @!p0 [hbm:s6], $0xF7A  }
0x23: {  	s9 =	sor.u32 $0xD0000000, s2;
	s6 =	simm.s32 $0x108;
	_ =	swait.ge @!p0 [sflag:s8], $0x0  }
0x24: {  	s3 =	sadd.s32 $0x88, s3;
	s6 =	simm.s32 @!p1 $0x1082;
	[sflag:s4] =	ssyncset.s32 $0xFFFFF086  }
0x25: {  	[simem:s6], [sflag:s4] =	dma.local [hbm:s3], $0xF7A  }
0x26: {  	[smem:$0x3F9D] =	sst s1;
	(tag) =	ssettag s2;
	_ =	strace s9  }
0x27: {  	s1 =	sld [smem:$0x3FAD]  }
0x28: {  	s2 =	sld [smem:$0x3FAE]  }
0x29: {  	s4 =	sld [smem:$0x3FB0]  }
0x2a: {  	p0 =	seq.s32 s5, $0x0;
	s5 =	sld [smem:$0x3FB1]  }
0x2b: {  	s6 =	sld [smem:$0x3FB2]  }
0x2c: {  	s7 =	sld [smem:$0x3FB3]  }
0x2d: {  	s3 =	simm.s32 $0x108;
	s8 =	sld [smem:$0x3FB4]  }
0x2e: {  	s3 =	simm.s32 @!p0 $0x1082;
	s9 =	sld [smem:$0x3FB5]  }
0x2f: {  	lr =	sadd.s32 s0, s3;
	s0 =	sld [smem:$0x3FAC]  }
0x30: {  	s3 =	sld [smem:$0x3FAF]  }
0x31: {  	[smem:$0x3FB8] =	sst s10  }
0x32: {  	s10 =	sld [smem:$0x3FB6];
	_ =	sdelay $0x3  }
0x33: {  	p0 =	seq.s32 s10, $0x1;
	s10 =	sld [smem:$0x3FB8];
	_ =	sdelay $0x3  }
0x34: {  	[smem:$0x3FB8] =	sst s10  }
0x35: {  	s10 =	sld [smem:$0x3FB7];
	_ =	sdelay $0x3  }
0x36: {  	p1 =	seq.s32 s10, $0x1;
	s10 =	sld [smem:$0x3FB8];
	_ =	sdelay $0x3  }
0x37: {  	[smem:$0x3FB8] =	sst s10  }
0x38: {  	s10 =	sld [smem:$0x3FB9]  }
0x39: {  	_ = 	snop;
	(pc) =	sbr.ind lr, $3  }
0x3a: {  	_ = 	snop  }
0x3b: {  	_ = 	snop  }
0x3c: {  	p2 =	seq.s32 s10, $0x1;
	s10 =	sld [smem:$0x3FB8]  }
0x3d: {  	_ =	shalt  }
0x3e: {  	_ =	shalt  }
0x3f: {  	_ =	shalt  }
0x40: {  	_ =	shalt  }
0x41: {  	_ =	shalt  }
0x42: {  	_ =	shalt  }
0x43: {  	_ =	shalt  }
0x44: {  	_ =	shalt  }
0x45: {  	_ =	shalt  }
0x46: {  	_ =	shalt  }
0x47: {  	_ =	shalt  }
0x48: {  	_ =	shalt  }
0x49: {  	_ =	shalt  }
0x4a: {  	_ =	shalt  }
0x4b: {  	_ =	shalt  }
0x4c: {  	_ =	shalt  }
0x4d: {  	_ =	shalt  }
0x4e: {  	_ =	shalt  }
0x4f: {  	_ =	shalt  }
0x50: {  	_ =	shalt  }
0x51: {  	_ =	shalt  }
0x52: {  	_ =	shalt  }
0x53: {  	_ =	shalt  }
0x54: {  	_ =	shalt  }
0x55: {  	_ =	shalt  }
0x56: {  	_ =	shalt  }
0x57: {  	_ =	shalt  }
0x58: {  	_ =	shalt  }
0x59: {  	_ =	shalt  }
0x5a: {  	_ =	shalt  }
0x5b: {  	_ =	shalt  }
0x5c: {  	_ =	shalt  }
0x5d: {  	_ =	shalt  }
0x5e: {  	_ =	shalt  }
0x5f: {  	_ =	shalt  }
0x60: {  	_ =	shalt  }
0x61: {  	_ =	shalt  }
0x62: {  	_ =	shalt  }
0x63: {  	_ =	shalt  }
0x64: {  	_ =	shalt  }
0x65: {  	_ =	shalt  }
0x66: {  	_ =	shalt  }
0x67: {  	_ =	shalt  }
0x68: {  	_ =	shalt  }
0x69: {  	_ =	shalt  }
0x6a: {  	_ =	shalt  }
0x6b: {  	_ =	shalt  }
0x6c: {  	_ =	shalt  }
0x6d: {  	_ =	shalt  }
0x6e: {  	_ =	shalt  }
0x6f: {  	_ =	shalt  }
0x70: {  	_ =	shalt  }
0x71: {  	_ =	shalt  }
0x72: {  	_ =	shalt  }
0x73: {  	_ =	shalt  }
0x74: {  	_ =	shalt  }
0x75: {  	_ =	shalt  }
0x76: {  	_ =	shalt  }
0x77: {  	_ =	shalt  }
0x78: {  	_ =	shalt  }
0x79: {  	_ =	shalt  }
0x7a: {  	_ =	shalt  }
0x7b: {  	_ =	shalt  }
0x7c: {  	_ =	shalt  }
0x7d: {  	_ =	shalt  }
0x7e: {  	_ =	shalt  }
0x7f: {  	_ =	shalt  }
0x80: {  	_ =	shalt  }
0x81: {  	_ =	shalt  }
0x82: {  	_ =	shalt  }
0x83: {  	_ =	shalt  }
0x84: {  	_ =	shalt  }
0x85: {  	_ =	shalt  }
0x86: {  	_ =	shalt  }
0x87: {  	_ =	shalt  }
.Lfunc_end0:
.L_simem_size_0:
called_computation_lowered:
.L_overlay_start_0:
0x88: {  	s2 =	sld [smem:$0x3FD9]  }
0x89: {  	s3 =	sld [smem:$0x3FFE];
	_ =	sdelay $0x1  }
0x8a: {  	s1 =	srdreg.scid  }
0x8b: {  	s0 =	sand.u32 $0x1, s1  }
0x8c: {  	s14 =	sshll.u32 s0, $0xA;
	s2 =	sadd.s32 s3, s2  }
0x8d: {  	s2 =	sadd.s32 s2, s14  }
0x8e: {  	[smem:$0x3FC4] =	sst s2  }
0x8f: {  	_ = 	snop  }
0x90: {  	s2 =	sld [smem:$0x3FD0];
	_ =	sdelay $0x2  }
0x91: {  	s15 =	simm.s32 $0xA;
	s4 =	simm.s32 $0x10  }
0x92: {  	[smem:s4], [sflag:s15] =	dma.local [hbm:s2], $0x1  }
0x93: {  	_ =	swait.eq [sflag:s15], $0x1  }
0x94: {  	[sflag:s15] =	ssyncset.done $0x0  }
0x95: {  	s16 =	sld [smem:$0x10];
	[sflag:s15] =	ssyncadd.s32 $0xFFFFFFFF  }
0x96: {  	s17 =	sld [smem:$0x11];
	(tm) =	ssettm $0x1  }
0x97: {  	s18 =	sld [smem:$0x3FFB];
	_ =	sdelay $0x3  }
0x98: {  	_ =	strace s18  }
0x99: {  	s4 =	sld [smem:$0x3FFC];
	_ =	sdelay $0x3  }
0x9a: {  	_ =	strace s4  }
0x9b: {  	s4 =	sld [smem:$0x3FFD];
	_ =	sdelay $0x3  }
0x9c: {  	_ =	strace s4  }
0x9d: {  	_ =	strace $0x8FFFFFFF  }
0x9e: {  	s19 =	sld [smem:$0x3FDB];
	_ =	sdelay $0x1  }
0x9f: {  	s5 =	simm.s32 $_scs_section_size  }
0xa0: {  	s6 =	simm.s32 $_size__tile_overlayer_lowered;
	s7 =	simm.s32 $_tile_overlayer_lowered  }
0xa1: {  	s22 =	simm.s32 $0x1BFF;
	s21 =	sshll.u32 s7, $0x1;
	s4 =	sadd.s32 s5, s19  }
0xa2: {  	s8 =	simm.s32 $0x0;
	s20 =	sshll.u32 s6, $0x1;
	s6 =	sadd.s32 s21, s4  }
0xa3: {  	[timem:s8], [sflag:s22] =	dma.local [hbm:s6], s20  }
0xa4: {  	_ =	swait.ge [sflag:s22], s20  }
0xa5: {  	s5 =	ssub.s32 $0x0, s20;
	[sflag:s22] =	ssyncset.done $0x0  }
0xa6: {  	[sflag:s22] =	ssyncadd.s32 s5;
	_ =	sdelay $0x1  }
0xa7: {  	s23 =	simm.s32 $0x1B8B  }
0xa8: {  	_ =	swait.ge [sflag:s23], $0x1  }
0xa9: {  	[sflag:s23] =	ssyncset.done $0x0  }
0xaa: {  	s25 =	simm.s32 $0x1B8E;
	s24 =	sld [smem:$0x3FFE];
	[sflag:s23] =	ssyncadd.s32 $0xFFFFFFFF  }
0xab: {  	s26 =	simm.s32 $execute0_lowered;
	[smem:$0x3FD2] =	sst s25  }
0xac: {  	s6 =	sshll.u32 s26, $0x1;
	_ =	strace $0x80000046;
	[dreg:$0x1] =	wrdreg $0xFFFFFFFF  }
0xad: {  	s28 =	simm.s32 $_size_execute0_lowered;
	s4 =	sadd.s32 s4, s6;
	[dreg:$0x0] =	wrdreg $0x0  }
0xae: {  	s6 =	sshll.u32 s28, $0x1;
	[dreg:$0x2] =	wrdreg s4  }
0xaf: {  	[dreg:$0x3] =	wrdreg s6  }
0xb0: {  	[dreg:$0x4] =	wrdreg $0xC0  }
0xb1: {  	_ =	task [dreg:s8], $0x5FFFF  }
0xb2: {  	[dreg:$0x1] =	wrdreg $0xFFFFFFFF  }
0xb3: {  	[dreg:$0x0] =	wrdreg $0x60  }
0xb4: {  	[dreg:$0x2] =	wrdreg s16  }
0xb5: {  	[dreg:$0x3] =	wrdreg s17  }
0xb6: {  	[dreg:$0x4] =	wrdreg s24  }
0xb7: {  	[dreg:$0x5] =	wrdreg $0x9  }
0xb8: {  	_ =	task.clear_ibuf [dreg:s8], $0x6FFFF;
	_ =	strace $0x90000046  }
0xb9: {  	s29 =	simm.s32 $0x9;
	_ =	strace $0x80000048  }
0xba: {  	_ =	swait.ge [sflag:s29], $0x1  }
0xbb: {  	[sflag:s29] =	ssyncadd.s32 $0xFFFFFFFF  }
0xbc: {  	_ =	strace $0x90000048  }
0xbd: {  	_ =	sfence  }
0xbe: {  	s30 =	sld [smem:$0x0];
	_ =	sdelay $0x2  }
0xbf: {  	s31 =	sshll.u32 s1, $0xD;
	s1 =	sshrl.u32 s1, $0x2  }
0xc0: {  	s3 =	sand.u32 $0x4000, s31;
	s1 =	sadd.s32 s1, s30  }
0xc1: {  	s0 =	sor.u32 s3, s0;
	s1 =	sshll.u32 s1, $0x11  }
0xc2: {  	s0 =	sor.u32 s1, s0  }
0xc3: {  	s0 =	sadd.s32 $0x8F2B, s0  }
0xc4: {  	[sflag:s0] =	ssyncadd.remote.s32 $0x1  }
0xc5: {  	_ =	sfence.sel $0xFFFF  }
0xc6: {  	[dreg:$0x0] =	wrdreg $0xFFFFFFFF;
	(pc) =	sbr.abs _section_cstart, $3  }
0xc7: {  	[dreg:$0x1] =	wrdreg $0xFFFFFFFF  }
0xc8: {  	_ =	task.clear_ibuf [dreg:s8], $0x2FFFF;
	_ =	strace $0x9FFFFFFF  }
0xc9: {  	(tm) =	ssettm $0x7FFFFFFF  }
tec
execute0_lowered:
.L_overlay_start_1:
0x0: {  	(tag) =	ssettag $0x1  }
0x1: {  	s1 =	stileid.u32  }
0x2: {  	p0 =	sgt.u32 s1, $0x3  }
.Ltmp0:
0x3: {  	s5 =	rddreg [dreg:$0x0];
	(pc) =	sbr.rel @p0 .LBB2_13-.Ltmp0, $4  }
0x4: {  	s3 =	rddreg [dreg:$0x1]  }
0x5: {  	s4 =	rddreg [dreg:$0x2];
	s2 =	simm.s32 $0x0  }
0x6: {  	[smem:$0x7FF] =	sst s2  }
0x7: {  	s0 =	rddreg [dreg:$0x3];
	_ =	strace $0x80000047  }
0x8: {  	s6 =	srdreg.scid  }
0x9: {  	s7 =	sshll.u32 s1, $0x1;
	s9 =	simm.s32 $0x1000;
	s6 =	sand.u32 $0x1, s6  }
0xa: {  	s10 =	simm.s32 $0x1400;
	s7 =	sor.u32 s6, s7;
	s6 =	ssub.s32 $0x2, s6  }
0xb: {  	s11 =	simm.s32 $0x0;
	s8 =	sshll.u32 s7, $0x7;
	s31 =	sshrl.u32 s6, $0x1  }
0xc: {  	s7 =	sshll.u32 s7, $0x8;
	s4 =	sadd.s32 s8, s4;
	s3 =	sadd.s32 s3, s8  }
0xd: {  	s6 =	ssub.s32 s6, s31;
	s5 =	sadd.s32 s5, s7;
	s7 =	simm.s32 $0x1  }
0xe: {  	v0 =	vimm.s32 $0x0;
	v1 =	vlaneseq.u32;
	s8 =	simm.s32 $0x20000000;
	s4 =	sadd.s32 $0x1000, s4;
	s6 =	smax.u32 s6, $0x1  }
.LBB2_2:
0xf: {  	s12 =	simm.s32 $0x0  }
0x10: {  	[tilespmem:s12], [sflag:$0x1] =	stream.linear.gather [hbm4b:s5+s12], $0x800, $0x38;
	[tilespmem:$0x1800] =	vst v63  }
0x11: {  	_ =	swait.ge [sflag:s7], $0x800  }
0x12: {  	[sflag:s7] =	ssyncset.done $0x0  }
0x13: {  	s13 =	simm.s32 $0x0;
	[sflag:s7] =	ssyncadd.s32 $0xFFFFF800  }
0x14: {  	s14 =	simm.s32 $0x40;
	v2 =	vld [tilespmem:s13+$0x0]  }
.LBB2_3:
0x15: {  	p0 =	seq.s32 s14, $0x1FC0  }
.Ltmp1:
0x16: {  	_ = 	snop;
	(pc) =	sbr.rel @!p0 .LBB2_3-.Ltmp1, $3  }
0x17: {  	_ =	sdelay $0x1  }
0x18: {  	[tilespmem:s13+$0x800] =	vst v2;
	s13 =	sshra.s32 s14, $0x2;
	s14 =	sadd.s32 $0x40, s14  }
0x19: {  	v2 =	vld [tilespmem:s13+$0x0]  }
0x1a: {  	_ =	sdelay $0x3  }
0x1b: {  	[tilespmem:s13+$0x800] =	vst v2;
	s13 =	simm.s32 $0x0  }
.LBB2_5:
0x1c: {  	s14 =	sshrl.u32 s8, s13;
	s16 =	simm.s32 $0x0  }
0x1d: {  	s14 =	sor.u32 s14, s12;
	v4 =	vld [tilespmem:s16+$0x800]  }
0x1e: {  	v2 =	vimm.s32 $0x0;
	s15 =	simm.s32 $0x40;
	v3 =	vmov s14  }
.LBB2_6:
0x1f: {  	p0 =	sne.s32 s15, $0x1FC0  }
.Ltmp2:
0x20: {  	_ = 	snop;
	(pc) =	sbr.rel @p0 .LBB2_6-.Ltmp2, $4  }
0x21: {  	_ = 	snop  }
0x22: {  	s16 =	sshra.s32 s15, $0x2;
	s15 =	sadd.s32 $0x40, s15;
	vm0 =	vlt.s32 v4, v3  }
0x23: {  	v4 =	vld [tilespmem:s16+$0x800];
	v5 =	vsel vm0, $0x1, v0  }
0x24: {  	v2 =	vadd.s32 v5, v2  }
0x25: {  	_ =	sdelay $0x2  }
0x26: {  	vm0 =	vlt.s32 v4, v3  }
0x27: {  	v3 =	vsel vm0, $0x1, v0  }
0x28: {  	v2 =	vadd.s32 v3, v2  }
0x29: {  	(xrf0) =	vadd.scan.msk.s32 $0xffff, v2;
	_ =	sdelay $0x5  }
0x2a: {  	v2, _, _ =	vpop (xrf0)  }
0x2b: {  	(v2sf) =	vpush v2, $0xF;
	_ =	sdelay $0xa  }
0x2c: {  	s13 =	sadd.s32 $0x1, s13  }
0x2d: {  	p1 =	seq.s32 s13, $0x1E  }
.Ltmp3:
0x2e: {  	_ = 	snop;
	(pc) =	sbr.rel @!p1 .LBB2_5-.Ltmp3, $4  }
0x2f: {  	_ = 	snop  }
0x30: {  	s15 =	spop (v2sf)  }
0x31: {  	p0 =	slt.s32 s15, $0x401  }
0x32: {  	s12 =	smov.u32 @p0 s14  }
0x33: {  	s13 =	simm.s32 $0x0  }
0x34: {  	v4 =	vld [tilespmem:s13+$0x800]  }
0x35: {  	v2 =	vmov s12;
	v3 =	vimm.s32 $0x0;
	s12 =	simm.s32 $0x40  }
.LBB2_9:
0x36: {  	p0 =	sne.s32 s12, $0x1FC0  }
.Ltmp4:
0x37: {  	_ = 	snop;
	(pc) =	sbr.rel @p0 .LBB2_9-.Ltmp4, $4  }
0x38: {  	_ = 	snop  }
0x39: {  	s13 =	sshra.s32 s12, $0x2;
	s12 =	sadd.s32 $0x40, s12;
	vm0 =	vlt.s32 v4, v2  }
0x3a: {  	v4 =	vld [tilespmem:s13+$0x800];
	v5 =	vsel vm0, $0x1, v0  }
0x3b: {  	v3 =	vadd.s32 v5, v3  }
0x3c: {  	_ =	sdelay $0x2  }
0x3d: {  	vm0 =	vlt.s32 v4, v2  }
0x3e: {  	v4 =	vsel vm0, $0x1, v0  }
0x3f: {  	v3 =	vadd.s32 v4, v3  }
0x40: {  	(xrf0) =	vadd.scan.msk.s32 $0xffff, v3;
	_ =	sdelay $0x5  }
0x41: {  	v3, _, _ =	vpop (xrf0)  }
0x42: {  	s12 =	simm.s32 $0x800;
	(v2sf) =	vpush v3, $0xF  }
0x43: {  	v4 =	vld [tilespmem:s12+$0x0];
	_ =	sdelay $0x4  }
0x44: {  	vm15 =	veq.s32 v4, v2  }
0x45: {  	v3 =	vsel vm15, $0x1, v0  }
0x46: {  	(xrf0) =	vadd.scan.msk.s32 $0xffff, v3;
	_ =	sdelay $0x5  }
0x47: {  	v5, _, _ =	vpop (xrf0)  }
0x48: {  	s31 =	spop (v2sf);
	(v2sf) =	vpush v5, $0xF;
	_ =	sdelay $0x1  }
0x49: {  	s12 =	simm.s32 $0x0;
	s13 =	ssub.s32 $0x400, s31  }
0x4a: {  	v6 =	vadd.s32 s12, v5;
	v3 =	vmov s13  }
0x4b: {  	vm1 =	vgt.s32 v6, v3  }
0x4c: {  	vm2 =	vgt.s32 v4, v2;
	vm0 =	vmand vm15, vm1  }
0x4d: {  	vm0 =	vmor vm2, vm0  }
0x4e: {  	v4 =	vsel vm0, $0x1, v0  }
0x4f: {  	(xrf0) =	vadd.scan.msk.s32 $0xffff, v4;
	_ =	sdelay $0x2  }
0x50: {  	v4 =	vmov s12  }
0x51: {  	v4 =	vadd.s32 $0xFFFFFFFF, v4  }
0x52: {  	v4 =	vbroadcast v4, $0x0  }
0x53: {  	v5, _, _ =	vpop (xrf0)  }
0x54: {  	v4 =	vadd.s32 v5, v4;
	s14 =	spop (v2sf);
	(v2sf) =	vpush v5, $0xF  }
0x55: {  	v6 =	vld [tilespmem:s12+$0x0];
	_ =	sdelay $0x2  }
0x56: {  	v7 =	vor.u32 s12, v1  }
0x57: {  	[tilespmem:v4+s9+$0x0] =	vst.idx.msk vm0, v7  }
0x58: {  	s16 =	simm.s32 $0x810;
	s17 =	simm.s32 $0x20;
	[tilespmem:v4+s10+$0x0] =	vst.idx.msk vm0, v6  }
0x59: {  	s13 =	simm.s32 $0x10;
	s15 =	sadd.s32 $0x0, s14;
	s14 =	simm.s32 $0x0;
	v4 =	vld [tilespmem:s16+$0x0]  }
.LBB2_11:
0x5a: {  	p0 =	sne.s32 s17, $0x7F0;
	_ =	sdelay $0x3  }
0x5b: {  	vm0 =	veq.s32 v4, v2;
	vm1 =	vgt.s32 v4, v2  }
0x5c: {  	v4 =	vsel vm0, $0x1, v0  }
0x5d: {  	(xrf0) =	vadd.scan.msk.s32 $0xffff, v4  }
0x5e: {  	s18 =	spop (v2sf)  }
0x5f: {  	s12 =	sadd.s32 s12, s18  }
0x60: {  	v4 =	vmov s12  }
0x61: {  	v4 =	vadd.s32 $0xFFFFFFFF, v4  }
0x62: {  	v4 =	vbroadcast v4, $0x0  }
0x63: {  	v5, _, _ =	vpop (xrf0)  }
0x64: {  	v6 =	vadd.s32 s15, v5;
	(v2sf) =	vpush v5, $0xF  }
0x65: {  	vm2 =	vgt.s32 v6, v3  }
0x66: {  	vm0 =	vmand vm0, vm2  }
0x67: {  	vm0 =	vmor vm1, vm0  }
0x68: {  	v5 =	vsel vm0, $0x1, v0  }
0x69: {  	(xrf0) =	vadd.scan.msk.s32 $0xffff, v5;
	_ =	sdelay $0x5  }
0x6a: {  	v5, _, _ =	vpop (xrf0)  }
0x6b: {  	s14 =	sadd.s32 $0x10, s14;
	v4 =	vadd.s32 v5, v4;
	(v2sf) =	vpush v5, $0xF  }
0x6c: {  	v5 =	vld [tilespmem:s14+$0x0];
	_ =	sdelay $0x1  }
.Ltmp5:
0x6d: {  	s18 =	spop (v2sf);
	(pc) =	sbr.rel @p0 .LBB2_11-.Ltmp5, $4  }
0x6e: {  	v6 =	vor.u32 s13, v1;
	s13 =	smov.u32 s17;
	s15 =	sadd.s32 s15, s18  }
0x6f: {  	[tilespmem:v4+s9+$0x0] =	vst.idx.msk vm0, v6  }
0x70: {  	s16 =	sadd.s32 $0x10, s16;
	[tilespmem:v4+s10+$0x0] =	vst.idx.msk vm0, v5  }
0x71: {  	s17 =	sadd.s32 $0x10, s17;
	v4 =	vld [tilespmem:s16+$0x0]  }
0x72: {  	_ =	sdelay $0x3  }
0x73: {  	vm0 =	veq.s32 v4, v2  }
0x74: {  	v5 =	vsel vm0, $0x1, v0  }
0x75: {  	(xrf0) =	vadd.scan.msk.s32 $0xffff, v5;
	_ =	sdelay $0x5  }
0x76: {  	v5, _, _ =	vpop (xrf0)  }
0x77: {  	v6 =	vadd.s32 s15, v5  }
0x78: {  	vm1 =	vgt.s32 v6, v3  }
0x79: {  	vm2 =	vgt.s32 v4, v2;
	vm0 =	vmand vm0, vm1  }
0x7a: {  	vm0 =	vmor vm2, vm0  }
0x7b: {  	v2 =	vsel vm0, $0x1, v0  }
0x7c: {  	(xrf0) =	vadd.scan.msk.s32 $0xffff, v2;
	_ =	sdelay $0x4  }
0x7d: {  	(v2sf) =	vpush v5, $0xF  }
0x7e: {  	v2, _, _ =	vpop (xrf0)  }
0x7f: {  	(v2sf) =	vpush v2, $0xF  }
0x80: {  	s28 =	spop (v2sf)  }
0x81: {  	s12 =	sadd.s32 s12, s28  }
0x82: {  	v3 =	vmov s12  }
0x83: {  	v3 =	vadd.s32 $0xFFFFFFFF, v3  }
0x84: {  	v3 =	vbroadcast v3, $0x0;
	_ =	sdelay $0x1  }
0x85: {  	s29 =	sadd.s32 $0x10, s14;
	v2 =	vadd.s32 v2, v3  }
0x86: {  	v3 =	vld [tilespmem:s29+$0x0];
	_ =	sdelay $0x2  }
0x87: {  	v63 =	vor.u32 s13, v1  }
0x88: {  	[tilespmem:v2+s9+$0x0] =	vst.idx.msk vm0, v63  }
0x89: {  	s30 =	spop (v2sf);
	[tilespmem:v2+s10+$0x0] =	vst.idx.msk vm0, v3  }
0x8a: {  	[hbm4b:s3+s2] =	stream.linear.scatter [tilespmem:s9], [sflag:$0x1], $0x400, $0x38;
	[tilespmem:$0x1800] =	vst v63  }
0x8b: {  	s31 =	spop (v2sf)  }
0x8c: {  	s11 =	sadd.s32 $0x1, s11;
	_ =	swait.ge [sflag:s7], $0x400  }
0x8d: {  	p0 =	sne.s32 s11, s6;
	[sflag:s7] =	ssyncset.done $0x0  }
.Ltmp6:
0x8e: {  	[sflag:s7] =	ssyncadd.s32 $0xFFFFFC00;
	(pc) =	sbr.rel @p0 .LBB2_2-.Ltmp6, $4  }
0x8f: {  	[hbm4b:s4+s2] =	stream.linear.scatter [tilespmem:s10], [sflag:$0x1], $0x400, $0x38;
	[tilespmem:$0x1800] =	vst v63  }
0x90: {  	_ =	swait.ge [sflag:s7], $0x400  }
0x91: {  	[sflag:s7] =	ssyncset.done $0x0  }
0x92: {  	[sflag:s7] =	ssyncadd.s32 $0xFFFFFC00  }
.LBB2_13:
0x93: {  	_ =	sfence.sel $0x180000  }
0x94: {  	[bflag:$0x0] =	sbarrier.arrive $0xFFFF  }
0x95: {  	p0 =	sne.s32 s1, $0x0;
	_ =	strace $0x90000047  }
0x96: {  	s0 =	sadd.s32 @!p0 $0x100000, s0;
	[bflag:$0x2] =	sbarrier.arrive $0xFFFF  }
0x97: {  	[sflag:s0] =	ssyncadd.tile.s32 @!p0 $0x1;
	_ =	shalt  }
.Lfunc_end2:
_tile_overlayer_lowered:
.L_overlay_start_2:
0x98: {  	(tag) =	ssettag $0x2  }
0x99: {  	s0 =	rddreg [dreg:$0x0];
	s2 =	stileid.u32  }
0x9a: {  	s1 =	rddreg [dreg:$0x1];
	p0 =	sne.s32 s2, $0x0  }
0x9b: {  	s3 =	rddreg [dreg:$0x2];
	[bflag:$0x3] =	sbarrier.arrive $0xFFFF;
	s2 =	simm.s32 @!p0 $0x1C01  }
0x9c: {  	[timem:s3], [sflag:s2] =	dma.local @!p0 [hbm:s0], s1  }
0x9d: {  	s0 =	simm.s32 @!p0 $0x1  }
0x9e: {  	_ =	swait.ge @!p0 [sflag:s0], s1  }
0x9f: {  	s1 =	ssub.s32 @!p0 $0x0, s1;
	[sflag:s0] =	ssyncset.done @!p0 $0x0  }
0xa0: {  	[sflag:s0] =	ssyncadd.s32 @!p0 s1  }
0xa1: {  	[bflag:$0x3] =	sbarrier.arrive $0xFFFF  }
0xa2: {  	_ =	shalt  }

// kernel: kernel.9.cloned.1.call-start
scs
__scs_entry_jumppad:
0x0: {  	(pc) =	sbr.rel $0x88, $3  }
0x1: {  	(tag) =	ssettag $0x0;
	lr =	simm.s32 $0x1  }
0x2: {  	[smem:$0x3F9D] =	sst lr;
	_ =	strace $0xD0000000  }
0x3: {  	_ = 	snop  }
0x4: {  	_ = 	snop  }
0x5: {  	_ = 	snop  }
0x6: {  	_ = 	snop  }
0x7: {  	_ = 	snop  }
__scs_overlays_trampoline_lowered:
0x8: {  	[smem:$0x3FAC] =	sst s0  }
0x9: {  	[smem:$0x3FAD] =	sst s1  }
0xa: {  	[smem:$0x3FAE] =	sst s2  }
0xb: {  	[smem:$0x3FAF] =	sst s3  }
0xc: {  	[smem:$0x3FB0] =	sst s4  }
0xd: {  	[smem:$0x3FB1] =	sst s5  }
0xe: {  	[smem:$0x3FB2] =	sst s6  }
0xf: {  	[smem:$0x3FB3] =	sst s7  }
0x10: {  	[smem:$0x3FB4] =	sst s8  }
0x11: {  	[smem:$0x3FB5] =	sst s9;
	s0 =	simm.s32 @!p0 $0x0  }
0x12: {  	s1 =	sld [smem:$0x3F9B];
	s0 =	simm.s32 @p0 $0x1  }
0x13: {  	[smem:$0x3FB6] =	sst s0;
	s0 =	simm.s32 @!p1 $0x0  }
0x14: {  	s2 =	sld [smem:$0x3F9A];
	s0 =	simm.s32 @p1 $0x1  }
0x15: {  	[smem:$0x3FB7] =	sst s0;
	s0 =	simm.s32 @!p2 $0x0  }
0x16: {  	s3 =	sld [smem:$0x3FDB];
	s0 =	simm.s32 @p2 $0x1  }
0x17: {  	s4 =	simm.s32 $0x1BF5;
	[smem:$0x3FB9] =	sst s0  }
0x18: {  	s0 =	sld [smem:$0x3F9C];
	_ =	swait.ge [sflag:s4], $0x0  }
0x19: {  	s7 =	sld [smem:$0x3F9D]  }
0x1a: {  	s8 =	sadd.s32 $0xFFFFE003, lr  }
0x1b: {  	s9 =	sadd.s32 $0xFFFFFEF7, lr;
	s5 =	simm.s32 $0xFFFFFFFF;
	p2 =	slt.u32 s8, $0xFFFFF086  }
0x1c: {  	p1 =	slt.u32 s9, $0xF7A;
	s5 =	simm.s32 @!p2 $0x0  }
0x1d: {  	s5 =	simm.s32 @p1 $0x1;
	p0 =	seq.s32 s7, s2  }
0x1e: {  	s7 =	smul.u32 @!p0 $0xF7A, s2;
	p2 =	seq.s32 @!p0 s5, $0x0  }
0x1f: {  	s9 =	smul.u32 $0xF7A, s1;
	s8 =	simm.s32 @!p0 $0x1BF5;
	p2 =	por !p2, p0  }
0x20: {  	[sflag:s8] =	ssyncset.s32 @!p0 $0xFFFFF086;
	s6 =	sadd.s32 @!p0 s3, s7;
	s7 =	simm.s32 @!p0 $0x108  }
0x21: {  	s3 =	sadd.s32 s3, s9;
	s6 =	sadd.s32 @!p0 $0x88, s6;
	s7 =	simm.s32 @p2 $0x1082  }
0x22: {  	[simem:s7], [sflag:s8] =	dma.local @!p0 [hbm:s6], $0xF7A  }
0x23: {  	s9 =	sor.u32 $0xD0000000, s2;
	s6 =	simm.s32 $0x108;
	_ =	swait.ge @!p0 [sflag:s8], $0x0  }
0x24: {  	s3 =	sadd.s32 $0x88, s3;
	s6 =	simm.s32 @!p1 $0x1082;
	[sflag:s4] =	ssyncset.s32 $0xFFFFF086  }
0x25: {  	[simem:s6], [sflag:s4] =	dma.local [hbm:s3], $0xF7A  }
0x26: {  	[smem:$0x3F9D] =	sst s1;
	(tag) =	ssettag s2;
	_ =	strace s9  }
0x27: {  	s1 =	sld [smem:$0x3FAD]  }
0x28: {  	s2 =	sld [smem:$0x3FAE]  }
0x29: {  	s4 =	sld [smem:$0x3FB0]  }
0x2a: {  	p0 =	seq.s32 s5, $0x0;
	s5 =	sld [smem:$0x3FB1]  }
0x2b: {  	s6 =	sld [smem:$0x3FB2]  }
0x2c: {  	s7 =	sld [smem:$0x3FB3]  }
0x2d: {  	s3 =	simm.s32 $0x108;
	s8 =	sld [smem:$0x3FB4]  }
0x2e: {  	s3 =	simm.s32 @!p0 $0x1082;
	s9 =	sld [smem:$0x3FB5]  }
0x2f: {  	lr =	sadd.s32 s0, s3;
	s0 =	sld [smem:$0x3FAC]  }
0x30: {  	s3 =	sld [smem:$0x3FAF]  }
0x31: {  	[smem:$0x3FB8] =	sst s10  }
0x32: {  	s10 =	sld [smem:$0x3FB6];
	_ =	sdelay $0x3  }
0x33: {  	p0 =	seq.s32 s10, $0x1;
	s10 =	sld [smem:$0x3FB8];
	_ =	sdelay $0x3  }
0x34: {  	[smem:$0x3FB8] =	sst s10  }
0x35: {  	s10 =	sld [smem:$0x3FB7];
	_ =	sdelay $0x3  }
0x36: {  	p1 =	seq.s32 s10, $0x1;
	s10 =	sld [smem:$0x3FB8];
	_ =	sdelay $0x3  }
0x37: {  	[smem:$0x3FB8] =	sst s10  }
0x38: {  	s10 =	sld [smem:$0x3FB9]  }
0x39: {  	_ = 	snop;
	(pc) =	sbr.ind lr, $3  }
0x3a: {  	_ = 	snop  }
0x3b: {  	_ = 	snop  }
0x3c: {  	p2 =	seq.s32 s10, $0x1;
	s10 =	sld [smem:$0x3FB8]  }
0x3d: {  	_ =	shalt  }
0x3e: {  	_ =	shalt  }
0x3f: {  	_ =	shalt  }
0x40: {  	_ =	shalt  }
0x41: {  	_ =	shalt  }
0x42: {  	_ =	shalt  }
0x43: {  	_ =	shalt  }
0x44: {  	_ =	shalt  }
0x45: {  	_ =	shalt  }
0x46: {  	_ =	shalt  }
0x47: {  	_ =	shalt  }
0x48: {  	_ =	shalt  }
0x49: {  	_ =	shalt  }
0x4a: {  	_ =	shalt  }
0x4b: {  	_ =	shalt  }
0x4c: {  	_ =	shalt  }
0x4d: {  	_ =	shalt  }
0x4e: {  	_ =	shalt  }
0x4f: {  	_ =	shalt  }
0x50: {  	_ =	shalt  }
0x51: {  	_ =	shalt  }
0x52: {  	_ =	shalt  }
0x53: {  	_ =	shalt  }
0x54: {  	_ =	shalt  }
0x55: {  	_ =	shalt  }
0x56: {  	_ =	shalt  }
0x57: {  	_ =	shalt  }
0x58: {  	_ =	shalt  }
0x59: {  	_ =	shalt  }
0x5a: {  	_ =	shalt  }
0x5b: {  	_ =	shalt  }
0x5c: {  	_ =	shalt  }
0x5d: {  	_ =	shalt  }
0x5e: {  	_ =	shalt  }
0x5f: {  	_ =	shalt  }
0x60: {  	_ =	shalt  }
0x61: {  	_ =	shalt  }
0x62: {  	_ =	shalt  }
0x63: {  	_ =	shalt  }
0x64: {  	_ =	shalt  }
0x65: {  	_ =	shalt  }
0x66: {  	_ =	shalt  }
0x67: {  	_ =	shalt  }
0x68: {  	_ =	shalt  }
0x69: {  	_ =	shalt  }
0x6a: {  	_ =	shalt  }
0x6b: {  	_ =	shalt  }
0x6c: {  	_ =	shalt  }
0x6d: {  	_ =	shalt  }
0x6e: {  	_ =	shalt  }
0x6f: {  	_ =	shalt  }
0x70: {  	_ =	shalt  }
0x71: {  	_ =	shalt  }
0x72: {  	_ =	shalt  }
0x73: {  	_ =	shalt  }
0x74: {  	_ =	shalt  }
0x75: {  	_ =	shalt  }
0x76: {  	_ =	shalt  }
0x77: {  	_ =	shalt  }
0x78: {  	_ =	shalt  }
0x79: {  	_ =	shalt  }
0x7a: {  	_ =	shalt  }
0x7b: {  	_ =	shalt  }
0x7c: {  	_ =	shalt  }
0x7d: {  	_ =	shalt  }
0x7e: {  	_ =	shalt  }
0x7f: {  	_ =	shalt  }
0x80: {  	_ =	shalt  }
0x81: {  	_ =	shalt  }
0x82: {  	_ =	shalt  }
0x83: {  	_ =	shalt  }
0x84: {  	_ =	shalt  }
0x85: {  	_ =	shalt  }
0x86: {  	_ =	shalt  }
0x87: {  	_ =	shalt  }
.Lfunc_end0:
.L_simem_size_0:
called_computation.1_lowered:
.L_overlay_start_0:
0x88: {  	s2 =	sld [smem:$0x3FD9]  }
0x89: {  	s3 =	sld [smem:$0x3FFE];
	_ =	sdelay $0x1  }
0x8a: {  	s1 =	srdreg.scid  }
0x8b: {  	s0 =	sand.u32 $0x1, s1  }
0x8c: {  	s14 =	sshll.u32 s0, $0xA;
	s2 =	sadd.s32 s3, s2  }
0x8d: {  	s2 =	sadd.s32 s2, s14  }
0x8e: {  	[smem:$0x3FC4] =	sst s2  }
0x8f: {  	_ = 	snop  }
0x90: {  	s2 =	sld [smem:$0x3FD0];
	_ =	sdelay $0x1  }
0x91: {  	s15 =	sld [smem:$0x3FC9]  }
0x92: {  	s5 =	simm.s32 $0xA;
	s6 =	simm.s32 $0x10;
	s4 =	sld [smem:$0x3FC8]  }
0x93: {  	[smem:s6], [sflag:s5] =	dma.local [hbm:s2], $0x1  }
0x94: {  	_ =	swait.eq [sflag:s5], $0x1  }
0x95: {  	[sflag:s5] =	ssyncset.done $0x0  }
0x96: {  	s16 =	sld [smem:$0x10];
	[sflag:s5] =	ssyncadd.s32 $0xFFFFFFFF  }
0x97: {  	s17 =	sld [smem:$0x11];
	(tm) =	ssettm $0x1  }
0x98: {  	s18 =	sld [smem:$0x3FFB];
	_ =	sdelay $0x3  }
0x99: {  	_ =	strace s18  }
0x9a: {  	s6 =	sld [smem:$0x3FFC];
	_ =	sdelay $0x3  }
0x9b: {  	_ =	strace s6  }
0x9c: {  	s6 =	sld [smem:$0x3FFD];
	_ =	sdelay $0x3  }
0x9d: {  	_ =	strace s6  }
0x9e: {  	_ =	strace $0x8FFFFFFF  }
0x9f: {  	s19 =	sld [smem:$0x3FDB];
	_ =	sdelay $0x1  }
0xa0: {  	s7 =	simm.s32 $_scs_section_size  }
0xa1: {  	s8 =	simm.s32 $_size__tile_overlayer_lowered;
	s9 =	simm.s32 $_tile_overlayer_lowered  }
0xa2: {  	s22 =	simm.s32 $0x1BFF;
	s21 =	sshll.u32 s9, $0x1;
	s6 =	sadd.s32 s7, s19  }
0xa3: {  	s10 =	simm.s32 $0x0;
	s20 =	sshll.u32 s8, $0x1;
	s8 =	sadd.s32 s21, s6  }
0xa4: {  	[timem:s10], [sflag:s22] =	dma.local [hbm:s8], s20  }
0xa5: {  	_ =	swait.ge [sflag:s22], s20  }
0xa6: {  	s7 =	ssub.s32 $0x0, s20;
	[sflag:s22] =	ssyncset.done $0x0  }
0xa7: {  	[sflag:s22] =	ssyncadd.s32 s7;
	_ =	sdelay $0x1  }
0xa8: {  	s23 =	simm.s32 $0x1B8B  }
0xa9: {  	_ =	swait.ge [sflag:s23], $0x1  }
0xaa: {  	[sflag:s23] =	ssyncset.done $0x0  }
0xab: {  	s25 =	simm.s32 $0x1B8E;
	s24 =	sld [smem:$0x3FFE];
	[sflag:s23] =	ssyncadd.s32 $0xFFFFFFFF  }
0xac: {  	s26 =	simm.s32 $execute0_lowered;
	[smem:$0x3FD2] =	sst s25  }
0xad: {  	s8 =	sshll.u32 s26, $0x1;
	_ =	strace $0x80000049;
	[dreg:$0x1] =	wrdreg $0xFFFFFFFF  }
0xae: {  	s28 =	simm.s32 $_size_execute0_lowered;
	s6 =	sadd.s32 s6, s8;
	[dreg:$0x0] =	wrdreg $0x0  }
0xaf: {  	s8 =	sshll.u32 s28, $0x1;
	[dreg:$0x2] =	wrdreg s6  }
0xb0: {  	[dreg:$0x3] =	wrdreg s8  }
0xb1: {  	[dreg:$0x4] =	wrdreg $0xC0  }
0xb2: {  	_ =	task [dreg:s10], $0x5FFFF  }
0xb3: {  	[dreg:$0x1] =	wrdreg $0xFFFFFFFF  }
0xb4: {  	[dreg:$0x0] =	wrdreg $0x60  }
0xb5: {  	[dreg:$0x2] =	wrdreg s15  }
0xb6: {  	[dreg:$0x3] =	wrdreg s4  }
0xb7: {  	[dreg:$0x4] =	wrdreg s17  }
0xb8: {  	[dreg:$0x5] =	wrdreg s24  }
0xb9: {  	[dreg:$0x6] =	wrdreg s16  }
0xba: {  	[dreg:$0x7] =	wrdreg $0x9  }
0xbb: {  	_ =	task.clear_ibuf [dreg:s10], $0x8FFFF;
	_ =	strace $0x90000049  }
0xbc: {  	s29 =	simm.s32 $0x9;
	_ =	strace $0x8000004B  }
0xbd: {  	_ =	swait.ge [sflag:s29], $0x1  }
0xbe: {  	[sflag:s29] =	ssyncadd.s32 $0xFFFFFFFF  }
0xbf: {  	_ =	strace $0x9000004B  }
0xc0: {  	_ =	sfence  }
0xc1: {  	s30 =	sld [smem:$0x0];
	_ =	sdelay $0x2  }
0xc2: {  	s31 =	sshll.u32 s1, $0xD;
	s1 =	sshrl.u32 s1, $0x2  }
0xc3: {  	s3 =	sand.u32 $0x4000, s31;
	s1 =	sadd.s32 s1, s30  }
0xc4: {  	s0 =	sor.u32 s3, s0;
	s1 =	sshll.u32 s1, $0x11  }
0xc5: {  	s0 =	sor.u32 s1, s0  }
0xc6: {  	s0 =	sadd.s32 $0x8F2B, s0  }
0xc7: {  	[sflag:s0] =	ssyncadd.remote.s32 $0x1  }
0xc8: {  	_ =	sfence.sel $0xFFFF  }
0xc9: {  	[dreg:$0x0] =	wrdreg $0xFFFFFFFF;
	(pc) =	sbr.abs _section_cstart, $3  }
0xca: {  	[dreg:$0x1] =	wrdreg $0xFFFFFFFF  }
0xcb: {  	_ =	task.clear_ibuf [dreg:s10], $0x2FFFF;
	_ =	strace $0x9FFFFFFF  }
0xcc: {  	(tm) =	ssettm $0x7FFFFFFF  }
0xcd: {  	_ =	shalt  }
tec
execute0_lowered:
.L_overlay_start_1:
0x0: {  	(tag) =	ssettag $0x1  }
0x1: {  	s7 =	rddreg [dreg:$0x0]  }
0x2: {  	s8 =	rddreg [dreg:$0x1]  }
0x3: {  	s2 =	rddreg [dreg:$0x2]  }
0x4: {  	s4 =	stileid.u32;
	s3 =	rddreg [dreg:$0x3]  }
0x5: {  	s0 =	srdreg.scid;
	s19 =	rddreg [dreg:$0x4];
	s6 =	simm.s32 $0x0  }
0x6: {  	s21 =	simm.s32 $0x500;
	s22 =	simm.s32 $0x600;
	s1 =	sshll.u32 s4, $0x1  }
0x7: {  	s0 =	sand.u32 $0x1, s0;
	s4 =	sshrl.u32 s4, $0x1;
	[smem:$0x7FF] =	sst s6  }
0x8: {  	s23 =	sadd.s32 $0x1400, s3;
	s28 =	sadd.s32 $0x300, s8;
	s29 =	sadd.s32 $0x400, s8  }
0x9: {  	s30 =	sadd.s32 $0x500, s8;
	s31 =	sadd.s32 $0x600, s8;
	s17 =	sadd.s32 $0x700, s8  }
0xa: {  	s18 =	sadd.s32 $0x100, s7;
	s1 =	sand.u32 $0x2, s1;
	s24 =	sshll.u32 s4, $0xA  }
0xb: {  	_ =	strace $0x8000004A;
	s9 =	sshll.u32 s4, $0x7;
	[dreg:$0x8] =	wrdreg s28  }
0xc: {  	s26 =	sshll.u32 s4, $0xB;
	[dreg:$0x9] =	wrdreg s29;
	s1 =	sor.u32 s0, s1  }
0xd: {  	[dreg:$0xa] =	wrdreg s30;
	s0 =	ssub.s32 $0x2, s0;
	s5 =	sshll.u32 s1, $0x8  }
0xe: {  	[dreg:$0xb] =	wrdreg s31;
	s25 =	sshrl.u32 s0, $0x1;
	s20 =	sor.u32 s24, s5  }
0xf: {  	s2 =	sadd.s32 s2, s9;
	s0 =	ssub.s32 s0, s25;
	s1 =	sshrl.u32 s20, $0x3  }
0x10: {  	v1 =	vlaneseq.u32;
	[dreg:$0x6] =	wrdreg s2;
	s0 =	smax.u32 s0, $0x1;
	s1 =	sadd.s32 s1, s3  }
0x11: {  	vm0 =	vmmov $0xffff;
	v2 =	vshrl.u32 v1, $0x3;
	s2 =	simm.s32 $0x0;
	[dreg:$0xc] =	wrdreg s0;
	s1 =	sadd.s32 $0x1000, s1  }
0x12: {  	v1 =	vand.u32 $0x7, v1;
	v2 =	vmul.u32 $0x8, v2;
	v0 =	vmov s26;
	s24 =	sadd.s32 $0x100, s8;
	s25 =	sadd.s32 $0x200, s8;
	[dreg:$0x7] =	wrdreg s1  }
.LBB2_1:
0x13: {  	[dreg:$0xd] =	wrdreg s2  }
0x14: {  	s0 =	rddreg [dreg:$0x6];
	s1 =	simm.s32 $0x9  }
0x15: {  	[tilespmem:s6], [sflag:$0x9] =	stream.linear.gather [hbm4b:s0+s6], $0x400, $0x38;
	[tilespmem:$0x10600] =	vst v63  }
0x16: {  	_ =	swait.ge [sflag:s1], $0x400  }
0x17: {  	[sflag:s1] =	ssyncset.done $0x0  }
0x18: {  	s29 =	rddreg [dreg:$0x7];
	[sflag:s1] =	ssyncadd.s32 $0xFFFFFC00  }
0x19: {  	[tilespmem:s21], [sflag:$0x9] =	stream.linear.gather [hbm4b:s29+s6], $0x100, $0x38;
	[tilespmem:$0x10600] =	vst v63  }
0x1a: {  	s30 =	sand.u32 $0x80, s6;
	_ =	swait.ge [sflag:s1], $0x100  }
0x1b: {  	s31 =	sand.u32 $0x70, s6;
	s0 =	sadd.s32 s30, s5;
	[sflag:s1] =	ssyncset.done $0x0  }
0x1c: {  	s2 =	sadd.s32 s31, s0;
	[sflag:s1] =	ssyncadd.s32 $0xFFFFFF00  }
0x1d: {  	v3 =	vld [tilespmem:s2+$0x0];
	_ =	sdelay $0x2  }
0x1e: {  	s1 =	simm.s32 $0x10  }
0x1f: {  	s0 =	simm.s32 $0x400;
	s3 =	sand.u32 $0x80, s1;
	s2 =	simm.s32 $0x20  }
.LBB2_2:
0x20: {  	p0 =	sne.s32 s2, $0xF0;
	s1 =	sand.u32 $0x70, s1;
	s3 =	sadd.s32 s3, s5;
	v3 =	vadd.s32 v0, v3  }
0x21: {  	s3 =	sadd.s32 s1, s3;
	[tilespmem:s0+$0x0] =	vst v3;
	s1 =	smov.u32 s2  }
.Ltmp0:
0x22: {  	v3 =	vld [tilespmem:s3+$0x0];
	(pc) =	sbr.rel @p0 .LBB2_2-.Ltmp0, $2  }
0x23: {  	_ =	sdelay $0x2  }
0x24: {  	s2 =	sadd.s32 $0x10, s2;
	s0 =	sadd.s32 $0x10, s0;
	s3 =	sand.u32 $0x80, s1  }
0x25: {  	s1 =	sand.u32 $0x70, s1;
	s2 =	sadd.s32 s3, s5;
	v3 =	vadd.s32 v0, v3  }
0x26: {  	s1 =	sadd.s32 s1, s2;
	[tilespmem:s0+$0x0] =	vst v3  }
0x27: {  	v3 =	vld [tilespmem:s1+$0x0];
	_ =	sdelay $0x4  }
0x28: {  	s3 =	sadd.s32 $0x10, s0;
	v3 =	vadd.s32 v0, v3  }
0x29: {  	[tilespmem:s3+$0x0] =	vst v3  }
0x2a: {  	v3 =	vld.msk [tilespmem:$0x400], $0xff;
	_ =	sdelay $0x4  }
0x2b: {  	v4 =	vshll.u32 v3, $0x4  }
0x2c: {  	v3 =	vand.u32 $0x7, v3;
	v4 =	vand.u32 $0xFFFFFF80, v4  }
0x2d: {  	v3 =	vor.u32 v3, v4  }
0x2e: {  	v3 =	vperm.xlane v3, v1;
	_ =	sdelay $0x1  }
0x2f: {  	v3 =	vadd.s32 v2, v3;
	_ =	sdelay $0x3  }
0x30: {  	s26 =	simm.s32 $0x0  }
0x31: {  	[tilespmem:s22], [sflag:$0x1] =	stream.indirect_vreg.gather [hbm4b:s8+s26], $0x80, v3, vm0, $0xb8;
	[tilespmem:$0x10600] =	vst v63  }
0x32: {  	s4 =	simm.s32 $0xE00  }
0x33: {  	[tilespmem:s4], [sflag:$0x1] =	stream.indirect_vreg.gather [hbm4b:s24+s26], $0x80, v3, vm0, $0xb8;
	[tilespmem:$0x10600] =	vst v63  }
0x34: {  	s9 =	simm.s32 $0x1600  }
0x35: {  	[tilespmem:s9], [sflag:$0x1] =	stream.indirect_vreg.gather [hbm4b:s25+s26], $0x80, v3, vm0, $0xb8;
	[tilespmem:$0x10600] =	vst v63  }
0x36: {  	s10 =	rddreg [dreg:$0x8];
	s11 =	simm.s32 $0x1E00  }
0x37: {  	[tilespmem:s11], [sflag:$0x1] =	stream.indirect_vreg.gather [hbm4b:s10+s26], $0x80, v3, vm0, $0xb8;
	[tilespmem:$0x10600] =	vst v63  }
0x38: {  	s12 =	rddreg [dreg:$0x9];
	s13 =	simm.s32 $0x2600  }
0x39: {  	[tilespmem:s13], [sflag:$0x1] =	stream.indirect_vreg.gather [hbm4b:s12+s26], $0x80, v3, vm0, $0xb8;
	[tilespmem:$0x10600] =	vst v63  }
0x3a: {  	s14 =	rddreg [dreg:$0xa];
	s15 =	simm.s32 $0x2E00  }
0x3b: {  	[tilespmem:s15], [sflag:$0x1] =	stream.indirect_vreg.gather [hbm4b:s14+s26], $0x80, v3, vm0, $0xb8;
	[tilespmem:$0x10600] =	vst v63  }
0x3c: {  	s16 =	rddreg [dreg:$0xb];
	s28 =	simm.s32 $0x3600  }
0x3d: {  	[tilespmem:s28], [sflag:$0x1] =	stream.indirect_vreg.gather [hbm4b:s16+s26], $0x80, v3, vm0, $0xb8;
	[tilespmem:$0x10600] =	vst v63  }
0x3e: {  	s29 =	simm.s32 $0x3E00  }
0x3f: {  	[tilespmem:s29], [sflag:$0x1] =	stream.indirect_vreg.gather [hbm4b:s17+s26], $0x80, v3, vm0, $0xb8;
	[tilespmem:$0x10600] =	vst v63  }
0x40: {  	v3 =	vld.msk [tilespmem:$0x400], $0xff;
	_ =	sdelay $0x4  }
0x41: {  	v63 =	vshll.u32 v3, $0x2  }
0x42: {  	v3 =	vand.u32 $0x7, v3;
	v4 =	vand.u32 $0xFFFFFFE0, v63  }
0x43: {  	v3 =	vor.u32 v3, v4  }
0x44: {  	v3 =	vperm.xlane v3, v1;
	_ =	sdelay $0x1  }
0x45: {  	v3 =	vadd.s32 v2, v3;
	_ =	sdelay $0x3  }
0x46: {  	s30 =	simm.s32 $0x8600  }
0x47: {  	[tilespmem:s30], [sflag:$0x3] =	stream.indirect_vreg.gather [hbm4b:s7+s26], $0x80, v3, vm0, $0xb8;
	[tilespmem:$0x10600] =	vst v63  }
0x48: {  	s31 =	simm.s32 $0x8E00  }
0x49: {  	[tilespmem:s31], [sflag:$0x3] =	stream.indirect_vreg.gather [hbm4b:s18+s26], $0x80, v3, vm0, $0xb8;
	[tilespmem:$0x10600] =	vst v63  }
.LBB2_4:
0x4a: {  	s29 =	sshllo.u32 s26, $0x1  }
0x4b: {  	s28 =	sshll.u32 s29, $0x3  }
0x4c: {  	s0 =	sand.u32 $0x3FFFFFF8, s28  }
0x4d: {  	v3 =	vld.msk [tilespmem:s0+$0x400], $0xff;
	_ =	sdelay $0x4  }
0x4e: {  	v4 =	vshll.u32 v3, $0x4  }
0x4f: {  	v3 =	vand.u32 $0x7, v3;
	v4 =	vand.u32 $0xFFFFFF80, v4  }
0x50: {  	v3 =	vor.u32 v3, v4  }
0x51: {  	v3 =	vperm.xlane v3, v1;
	_ =	sdelay $0x1  }
0x52: {  	v3 =	vadd.s32 v2, v3;
	_ =	sdelay $0x3  }
0x53: {  	s1 =	simm.s32 $0x4600  }
0x54: {  	[tilespmem:s1], [sflag:$0x2] =	stream.indirect_vreg.gather [hbm4b:s8+s6], $0x80, v3, vm0, $0xb8;
	[tilespmem:$0x10600] =	vst v63  }
0x55: {  	s14 =	simm.s32 $0x4E00  }
0x56: {  	[tilespmem:s14], [sflag:$0x2] =	stream.indirect_vreg.gather [hbm4b:s24+s6], $0x80, v3, vm0, $0xb8;
	[tilespmem:$0x10600] =	vst v63  }
0x57: {  	s15 =	simm.s32 $0x5600  }
0x58: {  	[tilespmem:s15], [sflag:$0x2] =	stream.indirect_vreg.gather [hbm4b:s25+s6], $0x80, v3, vm0, $0xb8;
	[tilespmem:$0x10600] =	vst v63  }
0x59: {  	s16 =	rddreg [dreg:$0x8];
	s2 =	simm.s32 $0x5E00  }
0x5a: {  	[tilespmem:s2], [sflag:$0x2] =	stream.indirect_vreg.gather [hbm4b:s16+s6], $0x80, v3, vm0, $0xb8;
	[tilespmem:$0x10600] =	vst v63  }
0x5b: {  	s3 =	simm.s32 $0x6600;
	s2 =	rddreg [dreg:$0x9]  }
0x5c: {  	[tilespmem:s3], [sflag:$0x2] =	stream.indirect_vreg.gather [hbm4b:s2+s6], $0x80, v3, vm0, $0xb8;
	[tilespmem:$0x10600] =	vst v63  }
0x5d: {  	s4 =	rddreg [dreg:$0xa];
	s9 =	simm.s32 $0x6E00  }
0x5e: {  	[tilespmem:s9], [sflag:$0x2] =	stream.indirect_vreg.gather [hbm4b:s4+s6], $0x80, v3, vm0, $0xb8;
	[tilespmem:$0x10600] =	vst v63  }
0x5f: {  	s10 =	rddreg [dreg:$0xb];
	s11 =	simm.s32 $0x7600  }
0x60: {  	[tilespmem:s11], [sflag:$0x2] =	stream.indirect_vreg.gather [hbm4b:s10+s6], $0x80, v3, vm0, $0xb8;
	[tilespmem:$0x10600] =	vst v63  }
0x61: {  	s12 =	simm.s32 $0x7E00  }
0x62: {  	[tilespmem:s12], [sflag:$0x2] =	stream.indirect_vreg.gather [hbm4b:s17+s6], $0x80, v3, vm0, $0xb8;
	[tilespmem:$0x10600] =	vst v63  }
0x63: {  	v3 =	vld.msk [tilespmem:s0+$0x400], $0xff;
	_ =	sdelay $0x4  }
0x64: {  	v63 =	vshll.u32 v3, $0x2  }
0x65: {  	v3 =	vand.u32 $0x7, v3;
	v4 =	vand.u32 $0xFFFFFFE0, v63  }
0x66: {  	v3 =	vor.u32 v3, v4  }
0x67: {  	v3 =	vperm.xlane v3, v1;
	_ =	sdelay $0x1  }
0x68: {  	v3 =	vadd.s32 v2, v3;
	_ =	sdelay $0x3  }
0x69: {  	s13 =	simm.s32 $0x9600  }
0x6a: {  	[tilespmem:s13], [sflag:$0x4] =	stream.indirect_vreg.gather [hbm4b:s7+s6], $0x80, v3, vm0, $0xb8;
	[tilespmem:$0x10600] =	vst v63  }
0x6b: {  	s14 =	simm.s32 $0x9E00;
	s15 =	simm.s32 $0x1  }
0x6c: {  	[tilespmem:s14], [sflag:$0x4] =	stream.indirect_vreg.gather [hbm4b:s18+s6], $0x80, v3, vm0, $0xb8;
	[tilespmem:$0x10600] =	vst v63  }
0x6d: {  	_ =	swait.ge [sflag:s15], $0x4000  }
0x6e: {  	[sflag:s15] =	ssyncset.done $0x0  }
0x6f: {  	s16 =	simm.s32 $0x3;
	[sflag:s15] =	ssyncadd.s32 $0xFFFFC000  }
0x70: {  	_ =	swait.ge [sflag:s16], $0x1000  }
0x71: {  	p0 =	seq.s32 s26, $0x0;
	[sflag:s16] =	ssyncset.done $0x0  }
0x72: {  	s0 =	simm.s32 @!p0 $0x5;
	[sflag:s16] =	ssyncadd.s32 $0xFFFFF000  }
0x73: {  	_ =	swait.ge @!p0 [sflag:s0], $0x2000  }
0x74: {  	[sflag:s0] =	ssyncset.done @!p0 $0x0  }
0x75: {  	[sflag:s0] =	ssyncadd.s32 @!p0 $0xFFFFE000;
	s0 =	simm.s32 @!p0 $0x7  }
0x76: {  	_ =	swait.ge @!p0 [sflag:s0], $0x1000  }
0x77: {  	p1 =	por $0x0, $0x0;
	s30 =	simm.s32 $0x0;
	[sflag:s0] =	ssyncset.done @!p0 $0x0  }
0x78: {  	s31 =	simm.s32 $0x0;
	s3 =	simm.s32 $0x0;
	[sflag:s0] =	ssyncadd.s32 @!p0 $0xFFFFF000  }
.LBB2_5:
0x79: {  	v3 =	vld [tilespmem:s3+$0x0];
	_ =	sdelay $0x4  }
0x7a: {  	v4 =	vshll.u32 v3, $0x3  }
0x7b: {  	v3 =	vand.u32 $0x7F, v3;
	v4 =	vand.u32 $0xFFFFFC00, v4  }
0x7c: {  	v3 =	vor.u32 v3, v4;
	_ =	sdelay $0x4  }
0x7d: {  	v4 =	vld.idx.msk [tilespmem:v3+s22+$0x0], $0xffff  }
0x7e: {  	v5 =	vor.u32 $0x80, v3  }
0x7f: {  	s0 =	sand.u32 $0x1C00, s31  }
0x80: {  	s4 =	sand.u32 $0x40, s30;
	s1 =	sadd.s32 $0xA600, s0  }
0x81: {  	s0 =	sor.u32 s4, s1  }
0x82: {  	[tilespmem:s0+$0x0] =	vst v4  }
0x83: {  	v4 =	vld.idx.msk [tilespmem:v5+s22+$0x0], $0xffff  }
0x84: {  	v38 =	vor.u32 $0x100, v3;
	_ =	sdelay $0x3  }
0x85: {  	[tilespmem:s0+$0x80] =	vst v4  }
0x86: {  	v4 =	vld.idx.msk [tilespmem:v38+s22+$0x0], $0xffff  }
0x87: {  	v39 =	vor.u32 $0x180, v3;
	_ =	sdelay $0x3  }
0x88: {  	[tilespmem:s0+$0x100] =	vst v4  }
0x89: {  	v4 =	vld.idx.msk [tilespmem:v39+s22+$0x0], $0xffff  }
0x8a: {  	v40 =	vor.u32 $0x200, v3;
	_ =	sdelay $0x3  }
0x8b: {  	[tilespmem:s0+$0x180] =	vst v4  }
0x8c: {  	s0 =	simm.s32 $0x1;
	v4 =	vld.idx.msk [tilespmem:v40+s22+$0x0], $0xffff  }
0x8d: {  	v41 =	vor.u32 $0x280, v3;
	s0 =	simm.s32 @!p1 $0x0  }
0x8e: {  	s0 =	sshll.u32 s0, $0x6  }
0x8f: {  	s2 =	sadd.s32 s0, s31  }
0x90: {  	s0 =	sor.u32 $0x200, s2  }
0x91: {  	[tilespmem:s0+$0xA600] =	vst v4  }
0x92: {  	v4 =	vld.idx.msk [tilespmem:v41+s22+$0x0], $0xffff  }
0x93: {  	v42 =	vor.u32 $0x300, v3;
	_ =	sdelay $0x2  }
0x94: {  	s16 =	sor.u32 $0x280, s2  }
0x95: {  	[tilespmem:s16+$0xA600] =	vst v4  }
0x96: {  	v4 =	vld.idx.msk [tilespmem:v42+s22+$0x0], $0xffff  }
0x97: {  	v3 =	vor.u32 $0x380, v3;
	_ =	sdelay $0x2  }
0x98: {  	s9 =	sor.u32 $0x300, s2  }
0x99: {  	[tilespmem:s9+$0xA600] =	vst v4  }
0x9a: {  	v3 =	vld.idx.msk [tilespmem:v3+s22+$0x0], $0xffff;
	_ =	sdelay $0x2  }
0x9b: {  	s10 =	sor.u32 s31, s30  }
0x9c: {  	s0 =	sand.u32 $0x380, s30;
	s9 =	sor.u32 $0x380, s10;
	s10 =	sor.u32 $0x10, s4  }
0x9d: {  	s11 =	sor.u32 s10, s0;
	[tilespmem:s9+$0xA600] =	vst v3  }
0x9e: {  	v3 =	vld [tilespmem:s11+$0x0];
	_ =	sdelay $0x4  }
0x9f: {  	v43 =	vshll.u32 v3, $0x3  }
0xa0: {  	v3 =	vand.u32 $0x7F, v3;
	v4 =	vand.u32 $0xFFFFFC00, v43  }
0xa1: {  	v3 =	vor.u32 v3, v4;
	_ =	sdelay $0x4  }
0xa2: {  	v4 =	vld.idx.msk [tilespmem:v3+s22+$0x0], $0xffff  }
0xa3: {  	v44 =	vor.u32 $0x80, v3;
	_ =	sdelay $0x2  }
0xa4: {  	s12 =	sor.u32 s10, s1  }
0xa5: {  	[tilespmem:s12+$0x0] =	vst v4  }
0xa6: {  	v4 =	vld.idx.msk [tilespmem:v44+s22+$0x0], $0xffff  }
0xa7: {  	v45 =	vor.u32 $0x100, v3;
	_ =	sdelay $0x3  }
0xa8: {  	[tilespmem:s12+$0x80] =	vst v4  }
0xa9: {  	v4 =	vld.idx.msk [tilespmem:v45+s22+$0x0], $0xffff  }
0xaa: {  	v46 =	vor.u32 $0x180, v3;
	_ =	sdelay $0x3  }
0xab: {  	[tilespmem:s12+$0x100] =	vst v4  }
0xac: {  	v4 =	vld.idx.msk [tilespmem:v46+s22+$0x0], $0xffff  }
0xad: {  	v47 =	vor.u32 $0x200, v3;
	_ =	sdelay $0x3  }
0xae: {  	[tilespmem:s12+$0x180] =	vst v4  }
0xaf: {  	v4 =	vld.idx.msk [tilespmem:v47+s22+$0x0], $0xffff  }
0xb0: {  	v48 =	vor.u32 $0x280, v3;
	_ =	sdelay $0x1  }
0xb1: {  	s13 =	sadd.s32 $0x10, s2  }
0xb2: {  	s14 =	sor.u32 $0x200, s13  }
0xb3: {  	[tilespmem:s14+$0xA600] =	vst v4  }
0xb4: {  	v4 =	vld.idx.msk [tilespmem:v48+s22+$0x0], $0xffff  }
0xb5: {  	v49 =	vor.u32 $0x300, v3;
	_ =	sdelay $0x2  }
0xb6: {  	s15 =	sor.u32 $0x280, s13  }
0xb7: {  	[tilespmem:s15+$0xA600] =	vst v4  }
0xb8: {  	v4 =	vld.idx.msk [tilespmem:v49+s22+$0x0], $0xffff  }
0xb9: {  	v3 =	vor.u32 $0x380, v3;
	_ =	sdelay $0x2  }
0xba: {  	s16 =	sor.u32 $0x300, s13  }
0xbb: {  	[tilespmem:s16+$0xA600] =	vst v4  }
0xbc: {  	v3 =	vld.idx.msk [tilespmem:v3+s22+$0x0], $0xffff;
	_ =	sdelay $0x3  }
0xbd: {  	s9 =	sor.u32 $0x380, s13;
	s11 =	sor.u32 $0x20, s4  }
0xbe: {  	s12 =	sor.u32 s11, s0;
	[tilespmem:s9+$0xA600] =	vst v3  }
0xbf: {  	v3 =	vld [tilespmem:s12+$0x0];
	_ =	sdelay $0x4  }
0xc0: {  	v50 =	vshll.u32 v3, $0x3  }
0xc1: {  	v3 =	vand.u32 $0x7F, v3;
	v4 =	vand.u32 $0xFFFFFC00, v50  }
0xc2: {  	v3 =	vor.u32 v3, v4;
	_ =	sdelay $0x4  }
0xc3: {  	v4 =	vld.idx.msk [tilespmem:v3+s22+$0x0], $0xffff  }
0xc4: {  	v51 =	vor.u32 $0x80, v3;
	_ =	sdelay $0x2  }
0xc5: {  	s13 =	sor.u32 s11, s1  }
0xc6: {  	[tilespmem:s13+$0x0] =	vst v4  }
0xc7: {  	v4 =	vld.idx.msk [tilespmem:v51+s22+$0x0], $0xffff  }
0xc8: {  	v52 =	vor.u32 $0x100, v3;
	_ =	sdelay $0x3  }
0xc9: {  	[tilespmem:s13+$0x80] =	vst v4  }
0xca: {  	v4 =	vld.idx.msk [tilespmem:v52+s22+$0x0], $0xffff  }
0xcb: {  	v53 =	vor.u32 $0x180, v3;
	_ =	sdelay $0x3  }
0xcc: {  	[tilespmem:s13+$0x100] =	vst v4  }
0xcd: {  	v4 =	vld.idx.msk [tilespmem:v53+s22+$0x0], $0xffff  }
0xce: {  	v54 =	vor.u32 $0x200, v3;
	_ =	sdelay $0x3  }
0xcf: {  	[tilespmem:s13+$0x180] =	vst v4  }
0xd0: {  	v4 =	vld.idx.msk [tilespmem:v54+s22+$0x0], $0xffff  }
0xd1: {  	v55 =	vor.u32 $0x280, v3;
	_ =	sdelay $0x1  }
0xd2: {  	s14 =	sadd.s32 $0x20, s2  }
0xd3: {  	s15 =	sor.u32 $0x200, s14  }
0xd4: {  	[tilespmem:s15+$0xA600] =	vst v4  }
0xd5: {  	v4 =	vld.idx.msk [tilespmem:v55+s22+$0x0], $0xffff  }
0xd6: {  	v56 =	vor.u32 $0x300, v3;
	_ =	sdelay $0x2  }
0xd7: {  	s16 =	sor.u32 $0x280, s14  }
0xd8: {  	[tilespmem:s16+$0xA600] =	vst v4  }
0xd9: {  	v4 =	vld.idx.msk [tilespmem:v56+s22+$0x0], $0xffff  }
0xda: {  	v3 =	vor.u32 $0x380, v3;
	_ =	sdelay $0x2  }
0xdb: {  	s11 =	sor.u32 $0x300, s14  }
0xdc: {  	[tilespmem:s11+$0xA600] =	vst v4  }
0xdd: {  	v3 =	vld.idx.msk [tilespmem:v3+s22+$0x0], $0xffff;
	_ =	sdelay $0x3  }
0xde: {  	s4 =	sor.u32 $0x30, s4;
	s9 =	sor.u32 $0x380, s14  }
0xdf: {  	s0 =	sor.u32 s4, s0;
	[tilespmem:s9+$0xA600] =	vst v3  }
0xe0: {  	v3 =	vld [tilespmem:s0+$0x0];
	_ =	sdelay $0x4  }
0xe1: {  	v57 =	vshll.u32 v3, $0x3  }
0xe2: {  	v3 =	vand.u32 $0x7F, v3;
	v4 =	vand.u32 $0xFFFFFC00, v57  }
0xe3: {  	v3 =	vor.u32 v3, v4;
	_ =	sdelay $0x4  }
0xe4: {  	v4 =	vld.idx.msk [tilespmem:v3+s22+$0x0], $0xffff  }
0xe5: {  	v58 =	vor.u32 $0x80, v3;
	_ =	sdelay $0x2  }
0xe6: {  	s12 =	sor.u32 s4, s1  }
0xe7: {  	[tilespmem:s12+$0x0] =	vst v4  }
0xe8: {  	v4 =	vld.idx.msk [tilespmem:v58+s22+$0x0], $0xffff  }
0xe9: {  	v59 =	vor.u32 $0x100, v3;
	_ =	sdelay $0x3  }
0xea: {  	[tilespmem:s12+$0x80] =	vst v4  }
0xeb: {  	v4 =	vld.idx.msk [tilespmem:v59+s22+$0x0], $0xffff  }
0xec: {  	v60 =	vor.u32 $0x180, v3;
	_ =	sdelay $0x3  }
0xed: {  	[tilespmem:s12+$0x100] =	vst v4  }
0xee: {  	v4 =	vld.idx.msk [tilespmem:v60+s22+$0x0], $0xffff  }
0xef: {  	v61 =	vor.u32 $0x200, v3;
	_ =	sdelay $0x3  }
0xf0: {  	[tilespmem:s12+$0x180] =	vst v4  }
0xf1: {  	v4 =	vld.idx.msk [tilespmem:v61+s22+$0x0], $0xffff  }
0xf2: {  	v62 =	vor.u32 $0x280, v3;
	_ =	sdelay $0x1  }
0xf3: {  	s13 =	sadd.s32 $0x30, s2  }
0xf4: {  	s14 =	sor.u32 $0x200, s13  }
0xf5: {  	[tilespmem:s14+$0xA600] =	vst v4  }
0xf6: {  	v4 =	vld.idx.msk [tilespmem:v62+s22+$0x0], $0xffff  }
0xf7: {  	v63 =	vor.u32 $0x300, v3;
	_ =	sdelay $0x2  }
0xf8: {  	s15 =	sor.u32 $0x280, s13  }
0xf9: {  	[tilespmem:s15+$0xA600] =	vst v4  }
0xfa: {  	v4 =	vld.idx.msk [tilespmem:v63+s22+$0x0], $0xffff  }
0xfb: {  	v3 =	vor.u32 $0x380, v3;
	_ =	sdelay $0x2  }
0xfc: {  	s16 =	sor.u32 $0x300, s13  }
0xfd: {  	[tilespmem:s16+$0xA600] =	vst v4  }
0xfe: {  	p2 =	sne.s32 s31, $0x1E00;
	v3 =	vld.idx.msk [tilespmem:v3+s22+$0x0], $0xffff  }
.Ltmp1:
0xff: {  	_ = 	snop;
	(pc) =	sbr.rel @p2 .LBB2_5-.Ltmp1, $3  }
0x100: {  	_ =	sdelay $0x1  }
0x101: {  	s3 =	sadd.s32 $0x40, s3;
	s0 =	sor.u32 $0x380, s13  }
0x102: {  	p1 =	por !p1, !p1;
	s31 =	sadd.s32 $0x200, s31;
	s30 =	sadd.s32 $0x40, s30;
	[tilespmem:s0+$0xA600] =	vst v3  }
0x103: {  	s30 =	sshll.u32 s26, $0x4  }
0x104: {  	v3 =	vmov s30  }
0x105: {  	v3 =	vbroadcast v3, $0x0;
	_ =	sdelay $0x4  }
0x106: {  	v4 =	vld [tilespmem:$0x8600]  }
0x107: {  	v3 =	vld.idx.msk [tilespmem:v3+s21+$0x0], $0xffff  }
0x108: {  	v5 =	vld [tilespmem:$0x8610]  }
0x109: {  	v6 =	vld [tilespmem:$0x8620]  }
0x10a: {  	v7 =	vld [tilespmem:$0x8630]  }
0x10b: {  	v8 =	vld [tilespmem:$0x8640]  }
0x10c: {  	v9 =	vld [tilespmem:$0x8650];
	v4 =	vmul.f32 v4, v3  }
0x10d: {  	v10 =	vld [tilespmem:$0x8660];
	v5 =	vmul.f32 v5, v3  }
0x10e: {  	v47 =	vld [tilespmem:$0x8670];
	v46 =	vmul.f32 v6, v3;
	[tilespmem:$0xE600] =	vst v4  }
0x10f: {  	v49 =	vld [tilespmem:$0x8A00];
	v48 =	vmul.f32 v7, v3;
	[tilespmem:$0xE610] =	vst v5  }
0x110: {  	v51 =	vld [tilespmem:$0x8A10];
	v50 =	vmul.f32 v8, v3;
	[tilespmem:$0xE620] =	vst v46  }
0x111: {  	v53 =	vld [tilespmem:$0x8A20];
	v52 =	vmul.f32 v9, v3;
	[tilespmem:$0xE630] =	vst v48  }
0x112: {  	v55 =	vld [tilespmem:$0x8A30];
	v54 =	vmul.f32 v10, v3;
	[tilespmem:$0xE640] =	vst v50  }
0x113: {  	v57 =	vld [tilespmem:$0x8A40];
	v56 =	vmul.f32 v47, v3;
	[tilespmem:$0xE650] =	vst v52  }
0x114: {  	v59 =	vld [tilespmem:$0x8A50];
	v58 =	vmul.f32 v49, v3;
	[tilespmem:$0xE660] =	vst v54  }
0x115: {  	v61 =	vld [tilespmem:$0x8A60];
	v60 =	vmul.f32 v51, v3;
	[tilespmem:$0xE670] =	vst v56  }
0x116: {  	v63 =	vld [tilespmem:$0x8A70];
	v62 =	vmul.f32 v53, v3;
	[tilespmem:$0xEA00] =	vst v58  }
0x117: {  	v13 =	vld [tilespmem:$0x8E00];
	v12 =	vmul.f32 v55, v3;
	[tilespmem:$0xEA10] =	vst v60  }
0x118: {  	v15 =	vld [tilespmem:$0x8E10];
	v14 =	vmul.f32 v57, v3;
	[tilespmem:$0xEA20] =	vst v62  }
0x119: {  	v17 =	vld [tilespmem:$0x8E20];
	v16 =	vmul.f32 v59, v3;
	[tilespmem:$0xEA30] =	vst v12  }
0x11a: {  	v19 =	vld [tilespmem:$0x8E30];
	v18 =	vmul.f32 v61, v3;
	[tilespmem:$0xEA40] =	vst v14  }
0x11b: {  	v21 =	vld [tilespmem:$0x8E40];
	v20 =	vmul.f32 v63, v3;
	[tilespmem:$0xEA50] =	vst v16  }
0x11c: {  	v22 =	vmul.f32 v13, v3;
	[tilespmem:$0xEA60] =	vst v18  }
0x11d: {  	v23 =	vmul.f32 v15, v3;
	[tilespmem:$0xEA70] =	vst v20  }
0x11e: {  	v24 =	vmul.f32 v17, v3;
	[tilespmem:$0xEE00] =	vst v22  }
0x11f: {  	v25 =	vmul.f32 v19, v3;
	[tilespmem:$0xEE10] =	vst v23  }
0x120: {  	v29 =	vld [tilespmem:$0x8E70];
	v26 =	vmul.f32 v21, v3;
	[tilespmem:$0xEE20] =	vst v24  }
0x121: {  	v27 =	vld [tilespmem:$0x8E50];
	[tilespmem:$0xEE30] =	vst v25  }
0x122: {  	v28 =	vld [tilespmem:$0x8E60];
	[tilespmem:$0xEE40] =	vst v26  }
0x123: {  	v30 =	vld [tilespmem:$0x9200]  }
0x124: {  	v31 =	vld [tilespmem:$0x9210]  }
0x125: {  	v34 =	vmul.f32 v29, v3;
	v32 =	vld [tilespmem:$0x9220]  }
0x126: {  	v4 =	vmul.f32 v27, v3;
	v33 =	vld [tilespmem:$0x9230]  }
0x127: {  	v5 =	vmul.f32 v28, v3;
	v35 =	vld [tilespmem:$0x9240];
	[tilespmem:$0xEE70] =	vst v34  }
0x128: {  	v37 =	vld [tilespmem:$0x9250];
	[tilespmem:$0xEE50] =	vst v4;
	v36 =	vmul.f32 v30, v3  }
0x129: {  	v39 =	vld [tilespmem:$0x9260];
	[tilespmem:$0xEE60] =	vst v5;
	v38 =	vmul.f32 v31, v3  }
0x12a: {  	s0 =	sor.u32 $0x1, s30;
	v41 =	vld [tilespmem:$0x9270];
	v40 =	vmul.f32 v32, v3;
	[tilespmem:$0xF200] =	vst v36  }
0x12b: {  	v43 =	vmov s0;
	v42 =	vmul.f32 v33, v3;
	[tilespmem:$0xF210] =	vst v38  }
0x12c: {  	v45 =	vbroadcast v43, $0x0;
	v44 =	vmul.f32 v35, v3;
	[tilespmem:$0xF220] =	vst v40  }
0x12d: {  	v46 =	vmul.f32 v37, v3;
	[tilespmem:$0xF230] =	vst v42  }
0x12e: {  	v47 =	vmul.f32 v39, v3;
	[tilespmem:$0xF240] =	vst v44  }
0x12f: {  	v3 =	vmul.f32 v41, v3;
	[tilespmem:$0xF250] =	vst v46  }
0x130: {  	[tilespmem:$0xF260] =	vst v47  }
0x131: {  	v48 =	vld [tilespmem:$0x8680];
	[tilespmem:$0xF270] =	vst v3  }
0x132: {  	v3 =	vld.idx.msk [tilespmem:v45+s21+$0x0], $0xffff  }
0x133: {  	v49 =	vld [tilespmem:$0x8690]  }
0x134: {  	v50 =	vld [tilespmem:$0x86A0]  }
0x135: {  	v51 =	vld [tilespmem:$0x86B0]  }
0x136: {  	v52 =	vld [tilespmem:$0x86C0]  }
0x137: {  	v53 =	vld [tilespmem:$0x86D0];
	v4 =	vmul.f32 v48, v3  }
0x138: {  	v54 =	vld [tilespmem:$0x86E0];
	v5 =	vmul.f32 v49, v3  }
0x139: {  	v56 =	vld [tilespmem:$0x86F0];
	v55 =	vmul.f32 v50, v3;
	[tilespmem:$0xE680] =	vst v4  }
0x13a: {  	v58 =	vld [tilespmem:$0x8A80];
	v57 =	vmul.f32 v51, v3;
	[tilespmem:$0xE690] =	vst v5  }
0x13b: {  	v60 =	vld [tilespmem:$0x8A90];
	v59 =	vmul.f32 v52, v3;
	[tilespmem:$0xE6A0] =	vst v55  }
0x13c: {  	v62 =	vld [tilespmem:$0x8AA0];
	v61 =	vmul.f32 v53, v3;
	[tilespmem:$0xE6B0] =	vst v57  }
0x13d: {  	v12 =	vld [tilespmem:$0x8AB0];
	v63 =	vmul.f32 v54, v3;
	[tilespmem:$0xE6C0] =	vst v59  }
0x13e: {  	v14 =	vld [tilespmem:$0x8AC0];
	v13 =	vmul.f32 v56, v3;
	[tilespmem:$0xE6D0] =	vst v61  }
0x13f: {  	v16 =	vld [tilespmem:$0x8AD0];
	v15 =	vmul.f32 v58, v3;
	[tilespmem:$0xE6E0] =	vst v63  }
0x140: {  	v18 =	vld [tilespmem:$0x8AE0];
	v17 =	vmul.f32 v60, v3;
	[tilespmem:$0xE6F0] =	vst v13  }
0x141: {  	v20 =	vld [tilespmem:$0x8AF0];
	v19 =	vmul.f32 v62, v3;
	[tilespmem:$0xEA80] =	vst v15  }
0x142: {  	v22 =	vld [tilespmem:$0x8E80];
	v21 =	vmul.f32 v12, v3;
	[tilespmem:$0xEA90] =	vst v17  }
0x143: {  	v24 =	vld [tilespmem:$0x8E90];
	v23 =	vmul.f32 v14, v3;
	[tilespmem:$0xEAA0] =	vst v19  }
0x144: {  	v26 =	vld [tilespmem:$0x8EA0];
	v25 =	vmul.f32 v16, v3;
	[tilespmem:$0xEAB0] =	vst v21  }
0x145: {  	v28 =	vld [tilespmem:$0x8EB0];
	v27 =	vmul.f32 v18, v3;
	[tilespmem:$0xEAC0] =	vst v23  }
0x146: {  	v30 =	vld [tilespmem:$0x8EC0];
	v29 =	vmul.f32 v20, v3;
	[tilespmem:$0xEAD0] =	vst v25  }
0x147: {  	v32 =	vld [tilespmem:$0x8ED0];
	v31 =	vmul.f32 v22, v3;
	[tilespmem:$0xEAE0] =	vst v27  }
0x148: {  	v34 =	vld [tilespmem:$0x8EE0];
	v33 =	vmul.f32 v24, v3;
	[tilespmem:$0xEAF0] =	vst v29  }
0x149: {  	v36 =	vld [tilespmem:$0x8EF0];
	v35 =	vmul.f32 v26, v3;
	[tilespmem:$0xEE80] =	vst v31  }
0x14a: {  	v38 =	vld [tilespmem:$0x9280];
	v37 =	vmul.f32 v28, v3;
	[tilespmem:$0xEE90] =	vst v33  }
0x14b: {  	v40 =	vld [tilespmem:$0x9290];
	v39 =	vmul.f32 v30, v3;
	[tilespmem:$0xEEA0] =	vst v35  }
0x14c: {  	v42 =	vld [tilespmem:$0x92A0];
	v41 =	vmul.f32 v32, v3;
	[tilespmem:$0xEEB0] =	vst v37  }
0x14d: {  	v44 =	vld [tilespmem:$0x92B0];
	v43 =	vmul.f32 v34, v3;
	[tilespmem:$0xEEC0] =	vst v39  }
0x14e: {  	v46 =	vld [tilespmem:$0x92C0];
	v45 =	vmul.f32 v36, v3;
	[tilespmem:$0xEED0] =	vst v41  }
0x14f: {  	v47 =	vmul.f32 v38, v3;
	v48 =	vld [tilespmem:$0x92D0];
	[tilespmem:$0xEEE0] =	vst v43  }
0x150: {  	v49 =	vmul.f32 v40, v3;
	v50 =	vld [tilespmem:$0x92E0];
	[tilespmem:$0xEEF0] =	vst v45  }
0x151: {  	s11 =	sor.u32 $0x2, s30;
	v51 =	vmul.f32 v42, v3;
	v52 =	vld [tilespmem:$0x92F0];
	[tilespmem:$0xF280] =	vst v47  }
0x152: {  	v53 =	vmul.f32 v44, v3;
	v54 =	vmov s11;
	[tilespmem:$0xF290] =	vst v49  }
0x153: {  	v6 =	vbroadcast v54, $0x0;
	[tilespmem:$0xF2A0] =	vst v51;
	v55 =	vmul.f32 v46, v3  }
0x154: {  	[tilespmem:$0xF2B0] =	vst v53;
	v56 =	vmul.f32 v48, v3  }
0x155: {  	[tilespmem:$0xF2C0] =	vst v55;
	v57 =	vmul.f32 v50, v3  }
0x156: {  	v3 =	vmul.f32 v52, v3;
	[tilespmem:$0xF2D0] =	vst v56  }
0x157: {  	[tilespmem:$0xF2E0] =	vst v57  }
0x158: {  	v58 =	vld [tilespmem:$0x8700];
	[tilespmem:$0xF2F0] =	vst v3  }
0x159: {  	v3 =	vld.idx.msk [tilespmem:v6+s21+$0x0], $0xffff  }
0x15a: {  	v59 =	vld [tilespmem:$0x8710]  }
0x15b: {  	v60 =	vld [tilespmem:$0x8720]  }
0x15c: {  	v61 =	vld [tilespmem:$0x8730]  }
0x15d: {  	v62 =	vld [tilespmem:$0x8740]  }
0x15e: {  	v63 =	vld [tilespmem:$0x8750];
	v4 =	vmul.f32 v58, v3  }
0x15f: {  	v12 =	vld [tilespmem:$0x8760];
	v5 =	vmul.f32 v59, v3  }
0x160: {  	v14 =	vld [tilespmem:$0x8770];
	v13 =	vmul.f32 v60, v3;
	[tilespmem:$0xE700] =	vst v4  }
0x161: {  	v16 =	vld [tilespmem:$0x8B00];
	v15 =	vmul.f32 v61, v3;
	[tilespmem:$0xE710] =	vst v5  }
0x162: {  	v18 =	vld [tilespmem:$0x8B10];
	v17 =	vmul.f32 v62, v3;
	[tilespmem:$0xE720] =	vst v13  }
0x163: {  	v20 =	vld [tilespmem:$0x8B20];
	v19 =	vmul.f32 v63, v3;
	[tilespmem:$0xE730] =	vst v15  }
0x164: {  	v22 =	vld [tilespmem:$0x8B30];
	v21 =	vmul.f32 v12, v3;
	[tilespmem:$0xE740] =	vst v17  }
0x165: {  	v24 =	vld [tilespmem:$0x8B40];
	v23 =	vmul.f32 v14, v3;
	[tilespmem:$0xE750] =	vst v19  }
0x166: {  	v26 =	vld [tilespmem:$0x8B50];
	v25 =	vmul.f32 v16, v3;
	[tilespmem:$0xE760] =	vst v21  }
0x167: {  	v28 =	vld [tilespmem:$0x8B60];
	v27 =	vmul.f32 v18, v3;
	[tilespmem:$0xE770] =	vst v23  }
0x168: {  	v30 =	vld [tilespmem:$0x8B70];
	v29 =	vmul.f32 v20, v3;
	[tilespmem:$0xEB00] =	vst v25  }
0x169: {  	v32 =	vld [tilespmem:$0x8F00];
	v31 =	vmul.f32 v22, v3;
	[tilespmem:$0xEB10] =	vst v27  }
0x16a: {  	v34 =	vld [tilespmem:$0x8F10];
	v33 =	vmul.f32 v24, v3;
	[tilespmem:$0xEB20] =	vst v29  }
0x16b: {  	v36 =	vld [tilespmem:$0x8F20];
	v35 =	vmul.f32 v26, v3;
	[tilespmem:$0xEB30] =	vst v31  }
0x16c: {  	v38 =	vld [tilespmem:$0x8F30];
	v37 =	vmul.f32 v28, v3;
	[tilespmem:$0xEB40] =	vst v33  }
0x16d: {  	v40 =	vld [tilespmem:$0x8F40];
	v39 =	vmul.f32 v30, v3;
	[tilespmem:$0xEB50] =	vst v35  }
0x16e: {  	v42 =	vld [tilespmem:$0x8F50];
	v41 =	vmul.f32 v32, v3;
	[tilespmem:$0xEB60] =	vst v37  }
0x16f: {  	v44 =	vld [tilespmem:$0x8F60];
	v43 =	vmul.f32 v34, v3;
	[tilespmem:$0xEB70] =	vst v39  }
0x170: {  	v46 =	vld [tilespmem:$0x8F70];
	v45 =	vmul.f32 v36, v3;
	[tilespmem:$0xEF00] =	vst v41  }
0x171: {  	v48 =	vld [tilespmem:$0x9300];
	v47 =	vmul.f32 v38, v3;
	[tilespmem:$0xEF10] =	vst v43  }
0x172: {  	v50 =	vld [tilespmem:$0x9310];
	v49 =	vmul.f32 v40, v3;
	[tilespmem:$0xEF20] =	vst v45  }
0x173: {  	v52 =	vld [tilespmem:$0x9320];
	v51 =	vmul.f32 v42, v3;
	[tilespmem:$0xEF30] =	vst v47  }
0x174: {  	v54 =	vld [tilespmem:$0x9330];
	v53 =	vmul.f32 v44, v3;
	[tilespmem:$0xEF40] =	vst v49  }
0x175: {  	v56 =	vld [tilespmem:$0x9340];
	v55 =	vmul.f32 v46, v3;
	[tilespmem:$0xEF50] =	vst v51  }
0x176: {  	v57 =	vmul.f32 v48, v3;
	v58 =	vld [tilespmem:$0x9350];
	[tilespmem:$0xEF60] =	vst v53  }
0x177: {  	v59 =	vmul.f32 v50, v3;
	v60 =	vld [tilespmem:$0x9360];
	[tilespmem:$0xEF70] =	vst v55  }
0x178: {  	s12 =	sor.u32 $0x3, s30;
	v61 =	vmul.f32 v52, v3;
	v62 =	vld [tilespmem:$0x9370];
	[tilespmem:$0xF300] =	vst v57  }
0x179: {  	v11 =	vmov s12;
	v63 =	vmul.f32 v54, v3;
	[tilespmem:$0xF310] =	vst v59  }
0x17a: {  	v6 =	vbroadcast v11, $0x0;
	v12 =	vmul.f32 v56, v3;
	[tilespmem:$0xF320] =	vst v61  }
0x17b: {  	[tilespmem:$0xF330] =	vst v63;
	v13 =	vmul.f32 v58, v3  }
0x17c: {  	[tilespmem:$0xF340] =	vst v12;
	v14 =	vmul.f32 v60, v3  }
0x17d: {  	v3 =	vmul.f32 v62, v3;
	[tilespmem:$0xF350] =	vst v13  }
0x17e: {  	[tilespmem:$0xF360] =	vst v14  }
0x17f: {  	v15 =	vld [tilespmem:$0x8780];
	[tilespmem:$0xF370] =	vst v3  }
0x180: {  	v3 =	vld.idx.msk [tilespmem:v6+s21+$0x0], $0xffff  }
0x181: {  	v16 =	vld [tilespmem:$0x8790]  }
0x182: {  	v17 =	vld [tilespmem:$0x87A0]  }
0x183: {  	v18 =	vld [tilespmem:$0x87B0]  }
0x184: {  	v19 =	vld [tilespmem:$0x87C0]  }
0x185: {  	v20 =	vld [tilespmem:$0x87D0];
	v4 =	vmul.f32 v15, v3  }
0x186: {  	v21 =	vld [tilespmem:$0x87E0];
	v5 =	vmul.f32 v16, v3  }
0x187: {  	v23 =	vld [tilespmem:$0x87F0];
	v22 =	vmul.f32 v17, v3;
	[tilespmem:$0xE780] =	vst v4  }
0x188: {  	v25 =	vld [tilespmem:$0x8B80];
	v24 =	vmul.f32 v18, v3;
	[tilespmem:$0xE790] =	vst v5  }
0x189: {  	v27 =	vld [tilespmem:$0x8B90];
	v26 =	vmul.f32 v19, v3;
	[tilespmem:$0xE7A0] =	vst v22  }
0x18a: {  	v29 =	vld [tilespmem:$0x8BA0];
	v28 =	vmul.f32 v20, v3;
	[tilespmem:$0xE7B0] =	vst v24  }
0x18b: {  	v31 =	vld [tilespmem:$0x8BB0];
	v30 =	vmul.f32 v21, v3;
	[tilespmem:$0xE7C0] =	vst v26  }
0x18c: {  	v33 =	vld [tilespmem:$0x8BC0];
	v32 =	vmul.f32 v23, v3;
	[tilespmem:$0xE7D0] =	vst v28  }
0x18d: {  	v35 =	vld [tilespmem:$0x8BD0];
	v34 =	vmul.f32 v25, v3;
	[tilespmem:$0xE7E0] =	vst v30  }
0x18e: {  	v37 =	vld [tilespmem:$0x8BE0];
	v36 =	vmul.f32 v27, v3;
	[tilespmem:$0xE7F0] =	vst v32  }
0x18f: {  	v39 =	vld [tilespmem:$0x8BF0];
	v38 =	vmul.f32 v29, v3;
	[tilespmem:$0xEB80] =	vst v34  }
0x190: {  	v41 =	vld [tilespmem:$0x8F80];
	v40 =	vmul.f32 v31, v3;
	[tilespmem:$0xEB90] =	vst v36  }
0x191: {  	v43 =	vld [tilespmem:$0x8F90];
	v42 =	vmul.f32 v33, v3;
	[tilespmem:$0xEBA0] =	vst v38  }
0x192: {  	v45 =	vld [tilespmem:$0x8FA0];
	v44 =	vmul.f32 v35, v3;
	[tilespmem:$0xEBB0] =	vst v40  }
0x193: {  	v47 =	vld [tilespmem:$0x8FB0];
	v46 =	vmul.f32 v37, v3;
	[tilespmem:$0xEBC0] =	vst v42  }
0x194: {  	v49 =	vld [tilespmem:$0x8FC0];
	v48 =	vmul.f32 v39, v3;
	[tilespmem:$0xEBD0] =	vst v44  }
0x195: {  	v51 =	vld [tilespmem:$0x8FD0];
	v50 =	vmul.f32 v41, v3;
	[tilespmem:$0xEBE0] =	vst v46  }
0x196: {  	v53 =	vld [tilespmem:$0x8FE0];
	v52 =	vmul.f32 v43, v3;
	[tilespmem:$0xEBF0] =	vst v48  }
0x197: {  	v55 =	vld [tilespmem:$0x8FF0];
	v54 =	vmul.f32 v45, v3;
	[tilespmem:$0xEF80] =	vst v50  }
0x198: {  	v57 =	vld [tilespmem:$0x9380];
	v56 =	vmul.f32 v47, v3;
	[tilespmem:$0xEF90] =	vst v52  }
0x199: {  	v59 =	vld [tilespmem:$0x9390];
	v58 =	vmul.f32 v49, v3;
	[tilespmem:$0xEFA0] =	vst v54  }
0x19a: {  	v61 =	vld [tilespmem:$0x93A0];
	v60 =	vmul.f32 v51, v3;
	[tilespmem:$0xEFB0] =	vst v56  }
0x19b: {  	v63 =	vld [tilespmem:$0x93B0];
	v62 =	vmul.f32 v53, v3;
	[tilespmem:$0xEFC0] =	vst v58  }
0x19c: {  	v13 =	vld [tilespmem:$0x93C0];
	v12 =	vmul.f32 v55, v3;
	[tilespmem:$0xEFD0] =	vst v60  }
0x19d: {  	v14 =	vmul.f32 v57, v3;
	v15 =	vld [tilespmem:$0x93D0];
	[tilespmem:$0xEFE0] =	vst v62  }
0x19e: {  	v16 =	vmul.f32 v59, v3;
	v17 =	vld [tilespmem:$0x93E0];
	[tilespmem:$0xEFF0] =	vst v12  }
0x19f: {  	s13 =	sor.u32 $0x4, s30;
	v18 =	vmul.f32 v61, v3;
	v19 =	vld [tilespmem:$0x93F0];
	[tilespmem:$0xF380] =	vst v14  }
0x1a0: {  	v20 =	vmul.f32 v63, v3;
	v21 =	vmov s13;
	[tilespmem:$0xF390] =	vst v16  }
0x1a1: {  	v6 =	vbroadcast v21, $0x0;
	[tilespmem:$0xF3A0] =	vst v18;
	v22 =	vmul.f32 v13, v3  }
0x1a2: {  	[tilespmem:$0xF3B0] =	vst v20;
	v23 =	vmul.f32 v15, v3  }
0x1a3: {  	[tilespmem:$0xF3C0] =	vst v22;
	v24 =	vmul.f32 v17, v3  }
0x1a4: {  	v3 =	vmul.f32 v19, v3;
	[tilespmem:$0xF3D0] =	vst v23  }
0x1a5: {  	[tilespmem:$0xF3E0] =	vst v24  }
0x1a6: {  	v25 =	vld [tilespmem:$0x8800];
	[tilespmem:$0xF3F0] =	vst v3  }
0x1a7: {  	v3 =	vld.idx.msk [tilespmem:v6+s21+$0x0], $0xffff  }
0x1a8: {  	v26 =	vld [tilespmem:$0x8810]  }
0x1a9: {  	v27 =	vld [tilespmem:$0x8820]  }
0x1aa: {  	v28 =	vld [tilespmem:$0x8830]  }
0x1ab: {  	v29 =	vld [tilespmem:$0x8840]  }
0x1ac: {  	v30 =	vld [tilespmem:$0x8850];
	v4 =	vmul.f32 v25, v3  }
0x1ad: {  	v31 =	vld [tilespmem:$0x8860];
	v5 =	vmul.f32 v26, v3  }
0x1ae: {  	v33 =	vld [tilespmem:$0x8870];
	v32 =	vmul.f32 v27, v3;
	[tilespmem:$0xE800] =	vst v4  }
0x1af: {  	v35 =	vld [tilespmem:$0x8C00];
	v34 =	vmul.f32 v28, v3;
	[tilespmem:$0xE810] =	vst v5  }
0x1b0: {  	v37 =	vld [tilespmem:$0x8C10];
	v36 =	vmul.f32 v29, v3;
	[tilespmem:$0xE820] =	vst v32  }
0x1b1: {  	v39 =	vld [tilespmem:$0x8C20];
	v38 =	vmul.f32 v30, v3;
	[tilespmem:$0xE830] =	vst v34  }
0x1b2: {  	v41 =	vld [tilespmem:$0x8C30];
	v40 =	vmul.f32 v31, v3;
	[tilespmem:$0xE840] =	vst v36  }
0x1b3: {  	v43 =	vld [tilespmem:$0x8C40];
	v42 =	vmul.f32 v33, v3;
	[tilespmem:$0xE850] =	vst v38  }
0x1b4: {  	v45 =	vld [tilespmem:$0x8C50];
	v44 =	vmul.f32 v35, v3;
	[tilespmem:$0xE860] =	vst v40  }
0x1b5: {  	v47 =	vld [tilespmem:$0x8C60];
	v46 =	vmul.f32 v37, v3;
	[tilespmem:$0xE870] =	vst v42  }
0x1b6: {  	v49 =	vld [tilespmem:$0x8C70];
	v48 =	vmul.f32 v39, v3;
	[tilespmem:$0xEC00] =	vst v44  }
0x1b7: {  	v51 =	vld [tilespmem:$0x9000];
	v50 =	vmul.f32 v41, v3;
	[tilespmem:$0xEC10] =	vst v46  }
0x1b8: {  	v53 =	vld [tilespmem:$0x9010];
	v52 =	vmul.f32 v43, v3;
	[tilespmem:$0xEC20] =	vst v48  }
0x1b9: {  	v55 =	vld [tilespmem:$0x9020];
	v54 =	vmul.f32 v45, v3;
	[tilespmem:$0xEC30] =	vst v50  }
0x1ba: {  	v57 =	vld [tilespmem:$0x9030];
	v56 =	vmul.f32 v47, v3;
	[tilespmem:$0xEC40] =	vst v52  }
0x1bb: {  	v59 =	vld [tilespmem:$0x9040];
	v58 =	vmul.f32 v49, v3;
	[tilespmem:$0xEC50] =	vst v54  }
0x1bc: {  	v61 =	vld [tilespmem:$0x9050];
	v60 =	vmul.f32 v51, v3;
	[tilespmem:$0xEC60] =	vst v56  }
0x1bd: {  	v63 =	vld [tilespmem:$0x9060];
	v62 =	vmul.f32 v53, v3;
	[tilespmem:$0xEC70] =	vst v58  }
0x1be: {  	v13 =	vld [tilespmem:$0x9070];
	v12 =	vmul.f32 v55, v3;
	[tilespmem:$0xF000] =	vst v60  }
0x1bf: {  	v15 =	vld [tilespmem:$0x9400];
	v14 =	vmul.f32 v57, v3;
	[tilespmem:$0xF010] =	vst v62  }
0x1c0: {  	v17 =	vld [tilespmem:$0x9410];
	v16 =	vmul.f32 v59, v3;
	[tilespmem:$0xF020] =	vst v12  }
0x1c1: {  	v19 =	vld [tilespmem:$0x9420];
	v18 =	vmul.f32 v61, v3;
	[tilespmem:$0xF030] =	vst v14  }
0x1c2: {  	v21 =	vld [tilespmem:$0x9430];
	v20 =	vmul.f32 v63, v3;
	[tilespmem:$0xF040] =	vst v16  }
0x1c3: {  	v23 =	vld [tilespmem:$0x9440];
	v22 =	vmul.f32 v13, v3;
	[tilespmem:$0xF050] =	vst v18  }
0x1c4: {  	v24 =	vmul.f32 v15, v3;
	v25 =	vld [tilespmem:$0x9450];
	[tilespmem:$0xF060] =	vst v20  }
0x1c5: {  	v26 =	vmul.f32 v17, v3;
	v27 =	vld [tilespmem:$0x9460];
	[tilespmem:$0xF070] =	vst v22  }
0x1c6: {  	s14 =	sor.u32 $0x5, s30;
	v28 =	vmul.f32 v19, v3;
	v29 =	vld [tilespmem:$0x9470];
	[tilespmem:$0xF400] =	vst v24  }
0x1c7: {  	v30 =	vmul.f32 v21, v3;
	v31 =	vmov s14;
	[tilespmem:$0xF410] =	vst v26  }
0x1c8: {  	v6 =	vbroadcast v31, $0x0;
	[tilespmem:$0xF420] =	vst v28;
	v32 =	vmul.f32 v23, v3  }
0x1c9: {  	[tilespmem:$0xF430] =	vst v30;
	v33 =	vmul.f32 v25, v3  }
0x1ca: {  	[tilespmem:$0xF440] =	vst v32;
	v34 =	vmul.f32 v27, v3  }
0x1cb: {  	v3 =	vmul.f32 v29, v3;
	[tilespmem:$0xF450] =	vst v33  }
0x1cc: {  	[tilespmem:$0xF460] =	vst v34  }
0x1cd: {  	v35 =	vld [tilespmem:$0x8880];
	[tilespmem:$0xF470] =	vst v3  }
0x1ce: {  	v3 =	vld.idx.msk [tilespmem:v6+s21+$0x0], $0xffff  }
0x1cf: {  	v36 =	vld [tilespmem:$0x8890]  }
0x1d0: {  	v37 =	vld [tilespmem:$0x88A0]  }
0x1d1: {  	v38 =	vld [tilespmem:$0x88B0]  }
0x1d2: {  	v39 =	vld [tilespmem:$0x88C0]  }
0x1d3: {  	v40 =	vld [tilespmem:$0x88D0];
	v4 =	vmul.f32 v35, v3  }
0x1d4: {  	v41 =	vld [tilespmem:$0x88E0];
	v5 =	vmul.f32 v36, v3  }
0x1d5: {  	v43 =	vld [tilespmem:$0x88F0];
	v42 =	vmul.f32 v37, v3;
	[tilespmem:$0xE880] =	vst v4  }
0x1d6: {  	v45 =	vld [tilespmem:$0x8C80];
	v44 =	vmul.f32 v38, v3;
	[tilespmem:$0xE890] =	vst v5  }
0x1d7: {  	v47 =	vld [tilespmem:$0x8C90];
	v46 =	vmul.f32 v39, v3;
	[tilespmem:$0xE8A0] =	vst v42  }
0x1d8: {  	v49 =	vld [tilespmem:$0x8CA0];
	v48 =	vmul.f32 v40, v3;
	[tilespmem:$0xE8B0] =	vst v44  }
0x1d9: {  	v51 =	vld [tilespmem:$0x8CB0];
	v50 =	vmul.f32 v41, v3;
	[tilespmem:$0xE8C0] =	vst v46  }
0x1da: {  	v53 =	vld [tilespmem:$0x8CC0];
	v52 =	vmul.f32 v43, v3;
	[tilespmem:$0xE8D0] =	vst v48  }
0x1db: {  	v55 =	vld [tilespmem:$0x8CD0];
	v54 =	vmul.f32 v45, v3;
	[tilespmem:$0xE8E0] =	vst v50  }
0x1dc: {  	v57 =	vld [tilespmem:$0x8CE0];
	v56 =	vmul.f32 v47, v3;
	[tilespmem:$0xE8F0] =	vst v52  }
0x1dd: {  	v59 =	vld [tilespmem:$0x8CF0];
	v58 =	vmul.f32 v49, v3;
	[tilespmem:$0xEC80] =	vst v54  }
0x1de: {  	v61 =	vld [tilespmem:$0x9080];
	v60 =	vmul.f32 v51, v3;
	[tilespmem:$0xEC90] =	vst v56  }
0x1df: {  	v63 =	vld [tilespmem:$0x9090];
	v62 =	vmul.f32 v53, v3;
	[tilespmem:$0xECA0] =	vst v58  }
0x1e0: {  	v13 =	vld [tilespmem:$0x90A0];
	v12 =	vmul.f32 v55, v3;
	[tilespmem:$0xECB0] =	vst v60  }
0x1e1: {  	v15 =	vld [tilespmem:$0x90B0];
	v14 =	vmul.f32 v57, v3;
	[tilespmem:$0xECC0] =	vst v62  }
0x1e2: {  	v17 =	vld [tilespmem:$0x90C0];
	v16 =	vmul.f32 v59, v3;
	[tilespmem:$0xECD0] =	vst v12  }
0x1e3: {  	v19 =	vld [tilespmem:$0x90D0];
	v18 =	vmul.f32 v61, v3;
	[tilespmem:$0xECE0] =	vst v14  }
0x1e4: {  	v21 =	vld [tilespmem:$0x90E0];
	v20 =	vmul.f32 v63, v3;
	[tilespmem:$0xECF0] =	vst v16  }
0x1e5: {  	v23 =	vld [tilespmem:$0x90F0];
	v22 =	vmul.f32 v13, v3;
	[tilespmem:$0xF080] =	vst v18  }
0x1e6: {  	v25 =	vld [tilespmem:$0x9480];
	v24 =	vmul.f32 v15, v3;
	[tilespmem:$0xF090] =	vst v20  }
0x1e7: {  	v27 =	vld [tilespmem:$0x9490];
	v26 =	vmul.f32 v17, v3;
	[tilespmem:$0xF0A0] =	vst v22  }
0x1e8: {  	v29 =	vld [tilespmem:$0x94A0];
	v28 =	vmul.f32 v19, v3;
	[tilespmem:$0xF0B0] =	vst v24  }
0x1e9: {  	v31 =	vld [tilespmem:$0x94B0];
	v30 =	vmul.f32 v21, v3;
	[tilespmem:$0xF0C0] =	vst v26  }
0x1ea: {  	v33 =	vld [tilespmem:$0x94C0];
	v32 =	vmul.f32 v23, v3;
	[tilespmem:$0xF0D0] =	vst v28  }
0x1eb: {  	v34 =	vmul.f32 v25, v3;
	v35 =	vld [tilespmem:$0x94D0];
	[tilespmem:$0xF0E0] =	vst v30  }
0x1ec: {  	v36 =	vmul.f32 v27, v3;
	v37 =	vld [tilespmem:$0x94E0];
	[tilespmem:$0xF0F0] =	vst v32  }
0x1ed: {  	s15 =	sor.u32 $0x6, s30;
	v38 =	vmul.f32 v29, v3;
	v39 =	vld [tilespmem:$0x94F0];
	[tilespmem:$0xF480] =	vst v34  }
0x1ee: {  	v40 =	vmul.f32 v31, v3;
	v41 =	vmov s15;
	[tilespmem:$0xF490] =	vst v36  }
0x1ef: {  	v6 =	vbroadcast v41, $0x0;
	[tilespmem:$0xF4A0] =	vst v38;
	v42 =	vmul.f32 v33, v3  }
0x1f0: {  	[tilespmem:$0xF4B0] =	vst v40;
	v43 =	vmul.f32 v35, v3  }
0x1f1: {  	[tilespmem:$0xF4C0] =	vst v42;
	v44 =	vmul.f32 v37, v3  }
0x1f2: {  	v3 =	vmul.f32 v39, v3;
	[tilespmem:$0xF4D0] =	vst v43  }
0x1f3: {  	[tilespmem:$0xF4E0] =	vst v44  }
0x1f4: {  	v45 =	vld [tilespmem:$0x8900];
	[tilespmem:$0xF4F0] =	vst v3  }
0x1f5: {  	v3 =	vld.idx.msk [tilespmem:v6+s21+$0x0], $0xffff  }
0x1f6: {  	v46 =	vld [tilespmem:$0x8910]  }
0x1f7: {  	v47 =	vld [tilespmem:$0x8920]  }
0x1f8: {  	v48 =	vld [tilespmem:$0x8930]  }
0x1f9: {  	v49 =	vld [tilespmem:$0x8940]  }
0x1fa: {  	v50 =	vld [tilespmem:$0x8950];
	v4 =	vmul.f32 v45, v3  }
0x1fb: {  	v51 =	vld [tilespmem:$0x8960];
	v5 =	vmul.f32 v46, v3  }
0x1fc: {  	v53 =	vld [tilespmem:$0x8970];
	v52 =	vmul.f32 v47, v3;
	[tilespmem:$0xE900] =	vst v4  }
0x1fd: {  	v55 =	vld [tilespmem:$0x8D00];
	v54 =	vmul.f32 v48, v3;
	[tilespmem:$0xE910] =	vst v5  }
0x1fe: {  	v57 =	vld [tilespmem:$0x8D10];
	v56 =	vmul.f32 v49, v3;
	[tilespmem:$0xE920] =	vst v52  }
0x1ff: {  	v59 =	vld [tilespmem:$0x8D20];
	v58 =	vmul.f32 v50, v3;
	[tilespmem:$0xE930] =	vst v54  }
0x200: {  	v61 =	vld [tilespmem:$0x8D30];
	v60 =	vmul.f32 v51, v3;
	[tilespmem:$0xE940] =	vst v56  }
0x201: {  	v63 =	vld [tilespmem:$0x8D40];
	v62 =	vmul.f32 v53, v3;
	[tilespmem:$0xE950] =	vst v58  }
0x202: {  	v13 =	vld [tilespmem:$0x8D50];
	v12 =	vmul.f32 v55, v3;
	[tilespmem:$0xE960] =	vst v60  }
0x203: {  	v15 =	vld [tilespmem:$0x8D60];
	v14 =	vmul.f32 v57, v3;
	[tilespmem:$0xE970] =	vst v62  }
0x204: {  	v17 =	vld [tilespmem:$0x8D70];
	v16 =	vmul.f32 v59, v3;
	[tilespmem:$0xED00] =	vst v12  }
0x205: {  	v19 =	vld [tilespmem:$0x9100];
	v18 =	vmul.f32 v61, v3;
	[tilespmem:$0xED10] =	vst v14  }
0x206: {  	v21 =	vld [tilespmem:$0x9110];
	v20 =	vmul.f32 v63, v3;
	[tilespmem:$0xED20] =	vst v16  }
0x207: {  	v23 =	vld [tilespmem:$0x9120];
	v22 =	vmul.f32 v13, v3;
	[tilespmem:$0xED30] =	vst v18  }
0x208: {  	v25 =	vld [tilespmem:$0x9130];
	v24 =	vmul.f32 v15, v3;
	[tilespmem:$0xED40] =	vst v20  }
0x209: {  	v27 =	vld [tilespmem:$0x9140];
	v26 =	vmul.f32 v17, v3;
	[tilespmem:$0xED50] =	vst v22  }
0x20a: {  	v29 =	vld [tilespmem:$0x9150];
	v28 =	vmul.f32 v19, v3;
	[tilespmem:$0xED60] =	vst v24  }
0x20b: {  	v31 =	vld [tilespmem:$0x9160];
	v30 =	vmul.f32 v21, v3;
	[tilespmem:$0xED70] =	vst v26  }
0x20c: {  	v33 =	vld [tilespmem:$0x9170];
	v32 =	vmul.f32 v23, v3;
	[tilespmem:$0xF100] =	vst v28  }
0x20d: {  	v35 =	vld [tilespmem:$0x9500];
	v34 =	vmul.f32 v25, v3;
	[tilespmem:$0xF110] =	vst v30  }
0x20e: {  	v37 =	vld [tilespmem:$0x9510];
	v36 =	vmul.f32 v27, v3;
	[tilespmem:$0xF120] =	vst v32  }
0x20f: {  	v39 =	vld [tilespmem:$0x9520];
	v38 =	vmul.f32 v29, v3;
	[tilespmem:$0xF130] =	vst v34  }
0x210: {  	v41 =	vld [tilespmem:$0x9530];
	v40 =	vmul.f32 v31, v3;
	[tilespmem:$0xF140] =	vst v36  }
0x211: {  	v43 =	vld [tilespmem:$0x9540];
	v42 =	vmul.f32 v33, v3;
	[tilespmem:$0xF150] =	vst v38  }
0x212: {  	v44 =	vmul.f32 v35, v3;
	v45 =	vld [tilespmem:$0x9550];
	[tilespmem:$0xF160] =	vst v40  }
0x213: {  	v46 =	vmul.f32 v37, v3;
	v47 =	vld [tilespmem:$0x9560];
	[tilespmem:$0xF170] =	vst v42  }
0x214: {  	s16 =	sor.u32 $0x7, s30;
	v48 =	vmul.f32 v39, v3;
	v49 =	vld [tilespmem:$0x9570];
	[tilespmem:$0xF500] =	vst v44  }
0x215: {  	v50 =	vmul.f32 v41, v3;
	v51 =	vmov s16;
	[tilespmem:$0xF510] =	vst v46  }
0x216: {  	v6 =	vbroadcast v51, $0x0;
	[tilespmem:$0xF520] =	vst v48;
	v52 =	vmul.f32 v43, v3  }
0x217: {  	[tilespmem:$0xF530] =	vst v50;
	v53 =	vmul.f32 v45, v3  }
0x218: {  	[tilespmem:$0xF540] =	vst v52;
	v54 =	vmul.f32 v47, v3  }
0x219: {  	v3 =	vmul.f32 v49, v3;
	[tilespmem:$0xF550] =	vst v53  }
0x21a: {  	[tilespmem:$0xF560] =	vst v54  }
0x21b: {  	v55 =	vld [tilespmem:$0x8980];
	[tilespmem:$0xF570] =	vst v3  }
0x21c: {  	v3 =	vld.idx.msk [tilespmem:v6+s21+$0x0], $0xffff  }
0x21d: {  	v56 =	vld [tilespmem:$0x8990]  }
0x21e: {  	v57 =	vld [tilespmem:$0x89A0]  }
0x21f: {  	v58 =	vld [tilespmem:$0x89B0]  }
0x220: {  	v59 =	vld [tilespmem:$0x89C0]  }
0x221: {  	v60 =	vld [tilespmem:$0x89D0];
	v4 =	vmul.f32 v55, v3  }
0x222: {  	v61 =	vld [tilespmem:$0x89E0];
	v5 =	vmul.f32 v56, v3  }
0x223: {  	v63 =	vld [tilespmem:$0x89F0];
	v62 =	vmul.f32 v57, v3;
	[tilespmem:$0xE980] =	vst v4  }
0x224: {  	v13 =	vld [tilespmem:$0x8D80];
	v12 =	vmul.f32 v58, v3;
	[tilespmem:$0xE990] =	vst v5  }
0x225: {  	v15 =	vld [tilespmem:$0x8D90];
	v14 =	vmul.f32 v59, v3;
	[tilespmem:$0xE9A0] =	vst v62  }
0x226: {  	v17 =	vld [tilespmem:$0x8DA0];
	v16 =	vmul.f32 v60, v3;
	[tilespmem:$0xE9B0] =	vst v12  }
0x227: {  	v19 =	vld [tilespmem:$0x8DB0];
	v18 =	vmul.f32 v61, v3;
	[tilespmem:$0xE9C0] =	vst v14  }
0x228: {  	v21 =	vld [tilespmem:$0x8DC0];
	v20 =	vmul.f32 v63, v3;
	[tilespmem:$0xE9D0] =	vst v16  }
0x229: {  	v23 =	vld [tilespmem:$0x8DD0];
	v22 =	vmul.f32 v13, v3;
	[tilespmem:$0xE9E0] =	vst v18  }
0x22a: {  	v25 =	vld [tilespmem:$0x8DE0];
	v24 =	vmul.f32 v15, v3;
	[tilespmem:$0xE9F0] =	vst v20  }
0x22b: {  	v27 =	vld [tilespmem:$0x8DF0];
	v26 =	vmul.f32 v17, v3;
	[tilespmem:$0xED80] =	vst v22  }
0x22c: {  	v29 =	vld [tilespmem:$0x9180];
	v28 =	vmul.f32 v19, v3;
	[tilespmem:$0xED90] =	vst v24  }
0x22d: {  	v31 =	vld [tilespmem:$0x9190];
	v30 =	vmul.f32 v21, v3;
	[tilespmem:$0xEDA0] =	vst v26  }
0x22e: {  	v33 =	vld [tilespmem:$0x91A0];
	v32 =	vmul.f32 v23, v3;
	[tilespmem:$0xEDB0] =	vst v28  }
0x22f: {  	v35 =	vld [tilespmem:$0x91B0];
	v34 =	vmul.f32 v25, v3;
	[tilespmem:$0xEDC0] =	vst v30  }
0x230: {  	v37 =	vld [tilespmem:$0x91C0];
	v36 =	vmul.f32 v27, v3;
	[tilespmem:$0xEDD0] =	vst v32  }
0x231: {  	v39 =	vld [tilespmem:$0x91D0];
	v38 =	vmul.f32 v29, v3;
	[tilespmem:$0xEDE0] =	vst v34  }
0x232: {  	v41 =	vld [tilespmem:$0x91E0];
	v40 =	vmul.f32 v31, v3;
	[tilespmem:$0xEDF0] =	vst v36  }
0x233: {  	v43 =	vld [tilespmem:$0x91F0];
	v42 =	vmul.f32 v33, v3;
	[tilespmem:$0xF180] =	vst v38  }
0x234: {  	v45 =	vld [tilespmem:$0x9580];
	v44 =	vmul.f32 v35, v3;
	[tilespmem:$0xF190] =	vst v40  }
0x235: {  	v47 =	vld [tilespmem:$0x9590];
	v46 =	vmul.f32 v37, v3;
	[tilespmem:$0xF1A0] =	vst v42  }
0x236: {  	v49 =	vld [tilespmem:$0x95A0];
	v48 =	vmul.f32 v39, v3;
	[tilespmem:$0xF1B0] =	vst v44  }
0x237: {  	v51 =	vld [tilespmem:$0x95B0];
	v50 =	vmul.f32 v41, v3;
	[tilespmem:$0xF1C0] =	vst v46  }
0x238: {  	v53 =	vld [tilespmem:$0x95C0];
	v52 =	vmul.f32 v43, v3;
	[tilespmem:$0xF1D0] =	vst v48  }
0x239: {  	v54 =	vmul.f32 v45, v3;
	v55 =	vld [tilespmem:$0x95D0];
	[tilespmem:$0xF1E0] =	vst v50  }
0x23a: {  	v56 =	vmul.f32 v47, v3;
	v57 =	vld [tilespmem:$0x95E0];
	[tilespmem:$0xF1F0] =	vst v52  }
0x23b: {  	v58 =	vmul.f32 v49, v3;
	v59 =	vld [tilespmem:$0x95F0];
	[tilespmem:$0xF580] =	vst v54  }
0x23c: {  	v60 =	vmul.f32 v51, v3;
	[tilespmem:$0xF590] =	vst v56  }
0x23d: {  	v61 =	vmul.f32 v53, v3;
	[tilespmem:$0xF5A0] =	vst v58  }
0x23e: {  	[tilespmem:$0xF5B0] =	vst v60;
	v62 =	vmul.f32 v55, v3  }
0x23f: {  	[tilespmem:$0xF5C0] =	vst v61;
	v63 =	vmul.f32 v57, v3  }
0x240: {  	s13 =	smov.u32 s20;
	s20 =	sor.u32 s20, s30;
	v3 =	vmul.f32 v59, v3;
	[tilespmem:$0xF5D0] =	vst v62  }
0x241: {  	s2 =	simm.s32 $0xA600;
	s1 =	sshll.u32 s20, $0x7;
	[tilespmem:$0xF5E0] =	vst v63  }
0x242: {  	p1 =	seq.s32 s26, $0xF;
	s0 =	sshll.u32 s20, $0x6;
	s1 =	sadd.s32 s23, s1;
	[tilespmem:$0xF5F0] =	vst v3  }
0x243: {  	[hbm4b:s1+s6] =	stream.linear.scatter [tilespmem:s2], [sflag:$0x5], $0x2000, $0x38;
	[tilespmem:$0x10600] =	vst v63  }
0x244: {  	s0 =	sadd.s32 s19, s0;
	s14 =	smov.u32 s23;
	s23 =	simm.s32 $0xE600  }
0x245: {  	[hbm4b:s0+s6] =	stream.linear.scatter [tilespmem:s23], [sflag:$0x7], $0x1000, $0x38;
	[tilespmem:$0x10600] =	vst v63  }
0x246: {  	s0 =	sshll.u32 @!p1 s26, $0x4  }
0x247: {  	s0 =	sand.u32 @!p1 $0x3FFFFFF0, s0  }
0x248: {  	v3 =	vld.msk @!p1 [tilespmem:s0+$0x410], $0xff;
	_ =	sdelay $0x4  }
0x249: {  	v4 =	vshll.u32 @!p1 v3, $0x4  }
0x24a: {  	v5 =	vlaneseq.u32 @!p1;
	v3 =	vand.u32 @!p1 $0x7, v3;
	v4 =	vand.u32 @!p1 $0xFFFFFF80, v4  }
0x24b: {  	v3 =	vor.u32 @!p1 v3, v4;
	v4 =	vand.u32 @!p1 $0x7, v5;
	v5 =	vshrl.u32 @!p1 v5, $0x3  }
0x24c: {  	v3 =	vperm.xlane @!p1 v3, v4;
	v5 =	vmul.u32 @!p1 $0x8, v5;
	_ =	sdelay $0x1  }
0x24d: {  	v3 =	vadd.s32 @!p1 v5, v3;
	_ =	sdelay $0x3  }
0x24e: {  	vm1 =	vmmov @!p1 $0xffff;
	s1 =	simm.s32 @!p1 $0x0;
	s2 =	simm.s32 @!p1 $0x600  }
0x24f: {  	[tilespmem:s2], [sflag:$0x1] =	stream.indirect_vreg.gather @!p1 [hbm4b:s8+s1], $0x80, v3, vm1, $0xb8;
	[tilespmem:$0x10600] =	vst v63  }
0x250: {  	s2 =	simm.s32 @!p1 $0xE00  }
0x251: {  	[tilespmem:s2], [sflag:$0x1] =	stream.indirect_vreg.gather @!p1 [hbm4b:s24+s1], $0x80, v3, vm1, $0xb8;
	[tilespmem:$0x10600] =	vst v63  }
0x252: {  	s2 =	simm.s32 @!p1 $0x1600  }
0x253: {  	[tilespmem:s2], [sflag:$0x1] =	stream.indirect_vreg.gather @!p1 [hbm4b:s25+s1], $0x80, v3, vm1, $0xb8;
	[tilespmem:$0x10600] =	vst v63  }
0x254: {  	s3 =	rddreg [dreg:$0x8];
	s2 =	simm.s32 @!p1 $0x1E00  }
0x255: {  	[tilespmem:s2], [sflag:$0x1] =	stream.indirect_vreg.gather @!p1 [hbm4b:s3+s1], $0x80, v3, vm1, $0xb8;
	[tilespmem:$0x10600] =	vst v63  }
0x256: {  	s2 =	simm.s32 @!p1 $0x2600;
	s3 =	rddreg [dreg:$0x9]  }
0x257: {  	[tilespmem:s2], [sflag:$0x1] =	stream.indirect_vreg.gather @!p1 [hbm4b:s3+s1], $0x80, v3, vm1, $0xb8;
	[tilespmem:$0x10600] =	vst v63  }
0x258: {  	s2 =	simm.s32 @!p1 $0x2E00;
	s3 =	rddreg [dreg:$0xa]  }
0x259: {  	[tilespmem:s2], [sflag:$0x1] =	stream.indirect_vreg.gather @!p1 [hbm4b:s3+s1], $0x80, v3, vm1, $0xb8;
	[tilespmem:$0x10600] =	vst v63  }
0x25a: {  	s2 =	simm.s32 @!p1 $0x3600;
	s3 =	rddreg [dreg:$0xb]  }
0x25b: {  	[tilespmem:s2], [sflag:$0x1] =	stream.indirect_vreg.gather @!p1 [hbm4b:s3+s1], $0x80, v3, vm1, $0xb8;
	[tilespmem:$0x10600] =	vst v63  }
0x25c: {  	s2 =	simm.s32 @!p1 $0x3E00  }
0x25d: {  	[tilespmem:s2], [sflag:$0x1] =	stream.indirect_vreg.gather @!p1 [hbm4b:s17+s1], $0x80, v3, vm1, $0xb8;
	[tilespmem:$0x10600] =	vst v63  }
0x25e: {  	v3 =	vld.msk @!p1 [tilespmem:s0+$0x410], $0xff;
	_ =	sdelay $0x4  }
0x25f: {  	v6 =	vshll.u32 @!p1 v3, $0x2  }
0x260: {  	v3 =	vand.u32 @!p1 $0x7, v3;
	v6 =	vand.u32 @!p1 $0xFFFFFFE0, v6  }
0x261: {  	v3 =	vor.u32 @!p1 v3, v6  }
0x262: {  	v3 =	vperm.xlane @!p1 v3, v4;
	_ =	sdelay $0x1  }
0x263: {  	v3 =	vadd.s32 @!p1 v5, v3;
	_ =	sdelay $0x3  }
0x264: {  	s0 =	simm.s32 @!p1 $0x8600  }
0x265: {  	[tilespmem:s0], [sflag:$0x3] =	stream.indirect_vreg.gather @!p1 [hbm4b:s7+s1], $0x80, v3, vm1, $0xb8;
	[tilespmem:$0x10600] =	vst v63  }
0x266: {  	s15 =	smov.u32 s24;
	s24 =	simm.s32 $0x2;
	s0 =	simm.s32 @!p1 $0x8E00  }
0x267: {  	[tilespmem:s0], [sflag:$0x3] =	stream.indirect_vreg.gather @!p1 [hbm4b:s18+s1], $0x80, v3, vm1, $0xb8;
	[tilespmem:$0x10600] =	vst v63  }
0x268: {  	_ =	swait.ge [sflag:s24], $0x4000  }
0x269: {  	[sflag:s24] =	ssyncset.done $0x0  }
0x26a: {  	s16 =	smov.u32 s25;
	s25 =	simm.s32 $0x4;
	[sflag:s24] =	ssyncadd.s32 $0xFFFFC000  }
0x26b: {  	_ =	swait.ge [sflag:s25], $0x1000  }
0x26c: {  	[sflag:s25] =	ssyncset.done $0x0  }
0x26d: {  	s0 =	simm.s32 @!p0 $0x6;
	[sflag:s25] =	ssyncadd.s32 $0xFFFFF000  }
0x26e: {  	_ =	swait.ge @!p0 [sflag:s0], $0x2000  }
0x26f: {  	[sflag:s0] =	ssyncset.done @!p0 $0x0  }
0x270: {  	[sflag:s0] =	ssyncadd.s32 @!p0 $0xFFFFE000;
	s0 =	simm.s32 @!p0 $0x8  }
0x271: {  	s31 =	simm.s32 $0x0;
	s12 =	smov.u32 s19;
	_ =	swait.ge @!p0 [sflag:s0], $0x1000  }
0x272: {  	s11 =	smov.u32 s8;
	s30 =	simm.s32 $0x0;
	[sflag:s0] =	ssyncset.done @!p0 $0x0  }
0x273: {  	s8 =	smov.u32 s7;
	s3 =	simm.s32 $0x0;
	[sflag:s0] =	ssyncadd.s32 @!p0 $0xFFFFF000  }
.LBB2_7:
0x274: {  	v3 =	vld [tilespmem:s30+$0x0];
	_ =	sdelay $0x4  }
0x275: {  	v4 =	vshll.u32 v3, $0x3  }
0x276: {  	v3 =	vand.u32 $0x7F, v3;
	v4 =	vand.u32 $0xFFFFFC00, v4  }
0x277: {  	v3 =	vor.u32 v3, v4  }
0x278: {  	v4 =	vadd.s32 $0x4000, v3;
	_ =	sdelay $0x4  }
0x279: {  	v4 =	vld.idx.msk [tilespmem:v4+s22+$0x0], $0xffff  }
0x27a: {  	v5 =	vadd.s32 $0x4080, v3  }
0x27b: {  	s0 =	sand.u32 $0x1C00, s31  }
0x27c: {  	s10 =	sand.u32 $0x40, s3;
	s19 =	sadd.s32 $0xC600, s0  }
0x27d: {  	s1 =	sor.u32 s10, s19  }
0x27e: {  	[tilespmem:s1+$0x0] =	vst v4  }
0x27f: {  	v4 =	vld.idx.msk [tilespmem:v5+s22+$0x0], $0xffff  }
0x280: {  	v38 =	vadd.s32 $0x4100, v3;
	_ =	sdelay $0x1  }
0x281: {  	s20 =	sadd.s32 $0xC680, s0  }
0x282: {  	s2 =	sor.u32 s10, s20  }
0x283: {  	[tilespmem:s2+$0x0] =	vst v4  }
0x284: {  	v4 =	vld.idx.msk [tilespmem:v38+s22+$0x0], $0xffff  }
0x285: {  	v39 =	vadd.s32 $0x4180, v3;
	_ =	sdelay $0x1  }
0x286: {  	s24 =	sadd.s32 $0xC700, s0  }
0x287: {  	s4 =	sor.u32 s10, s24  }
0x288: {  	[tilespmem:s4+$0x0] =	vst v4  }
0x289: {  	v4 =	vld.idx.msk [tilespmem:v39+s22+$0x0], $0xffff  }
0x28a: {  	v40 =	vadd.s32 $0x4200, v3;
	_ =	sdelay $0x1  }
0x28b: {  	s25 =	sadd.s32 $0xC780, s0  }
0x28c: {  	s7 =	sor.u32 s10, s25  }
0x28d: {  	[tilespmem:s7+$0x0] =	vst v4  }
0x28e: {  	v4 =	vld.idx.msk [tilespmem:v40+s22+$0x0], $0xffff  }
0x28f: {  	v41 =	vadd.s32 $0x4280, v3;
	_ =	sdelay $0x1  }
0x290: {  	s4 =	sadd.s32 $0xC800, s0  }
0x291: {  	s9 =	sor.u32 s10, s4  }
0x292: {  	[tilespmem:s9+$0x0] =	vst v4  }
0x293: {  	v4 =	vld.idx.msk [tilespmem:v41+s22+$0x0], $0xffff  }
0x294: {  	v42 =	vadd.s32 $0x4300, v3;
	_ =	sdelay $0x1  }
0x295: {  	s1 =	sadd.s32 $0xC880, s0  }
0x296: {  	s2 =	sor.u32 s10, s1  }
0x297: {  	[tilespmem:s2+$0x0] =	vst v4  }
0x298: {  	v4 =	vld.idx.msk [tilespmem:v42+s22+$0x0], $0xffff  }
0x299: {  	v3 =	vadd.s32 $0x4380, v3;
	_ =	sdelay $0x1  }
0x29a: {  	s2 =	sadd.s32 $0xC900, s0  }
0x29b: {  	s9 =	sor.u32 s10, s2  }
0x29c: {  	[tilespmem:s9+$0x0] =	vst v4  }
0x29d: {  	v3 =	vld.idx.msk [tilespmem:v3+s22+$0x0], $0xffff;
	_ =	sdelay $0x2  }
0x29e: {  	s9 =	sadd.s32 $0xC980, s0  }
0x29f: {  	s7 =	sor.u32 $0x10, s10;
	s0 =	sand.u32 $0x380, s3;
	s23 =	sor.u32 s10, s9  }
0x2a0: {  	[tilespmem:s23+$0x0] =	vst v3;
	s23 =	sor.u32 s7, s0  }
0x2a1: {  	v3 =	vld [tilespmem:s23+$0x0];
	_ =	sdelay $0x4  }
0x2a2: {  	v43 =	vshll.u32 v3, $0x3  }
0x2a3: {  	v3 =	vand.u32 $0x7F, v3;
	v4 =	vand.u32 $0xFFFFFC00, v43  }
0x2a4: {  	v3 =	vor.u32 v3, v4  }
0x2a5: {  	v4 =	vadd.s32 $0x4000, v3;
	_ =	sdelay $0x4  }
0x2a6: {  	v4 =	vld.idx.msk [tilespmem:v4+s22+$0x0], $0xffff  }
0x2a7: {  	v44 =	vadd.s32 $0x4080, v3;
	_ =	sdelay $0x2  }
0x2a8: {  	s23 =	sor.u32 s7, s19  }
0x2a9: {  	[tilespmem:s23+$0x0] =	vst v4  }
0x2aa: {  	v4 =	vld.idx.msk [tilespmem:v44+s22+$0x0], $0xffff  }
0x2ab: {  	v45 =	vadd.s32 $0x4100, v3;
	_ =	sdelay $0x2  }
0x2ac: {  	s23 =	sor.u32 s7, s20  }
0x2ad: {  	[tilespmem:s23+$0x0] =	vst v4  }
0x2ae: {  	v4 =	vld.idx.msk [tilespmem:v45+s22+$0x0], $0xffff  }
0x2af: {  	v46 =	vadd.s32 $0x4180, v3;
	_ =	sdelay $0x2  }
0x2b0: {  	s23 =	sor.u32 s7, s24  }
0x2b1: {  	[tilespmem:s23+$0x0] =	vst v4  }
0x2b2: {  	v4 =	vld.idx.msk [tilespmem:v46+s22+$0x0], $0xffff  }
0x2b3: {  	v47 =	vadd.s32 $0x4200, v3;
	_ =	sdelay $0x2  }
0x2b4: {  	s23 =	sor.u32 s7, s25  }
0x2b5: {  	[tilespmem:s23+$0x0] =	vst v4  }
0x2b6: {  	v4 =	vld.idx.msk [tilespmem:v47+s22+$0x0], $0xffff  }
0x2b7: {  	v48 =	vadd.s32 $0x4280, v3;
	_ =	sdelay $0x2  }
0x2b8: {  	s23 =	sor.u32 s7, s4  }
0x2b9: {  	[tilespmem:s23+$0x0] =	vst v4  }
0x2ba: {  	v4 =	vld.idx.msk [tilespmem:v48+s22+$0x0], $0xffff  }
0x2bb: {  	v49 =	vadd.s32 $0x4300, v3;
	_ =	sdelay $0x2  }
0x2bc: {  	s23 =	sor.u32 s7, s1  }
0x2bd: {  	[tilespmem:s23+$0x0] =	vst v4  }
0x2be: {  	v4 =	vld.idx.msk [tilespmem:v49+s22+$0x0], $0xffff  }
0x2bf: {  	v3 =	vadd.s32 $0x4380, v3;
	_ =	sdelay $0x2  }
0x2c0: {  	s23 =	sor.u32 s7, s2  }
0x2c1: {  	[tilespmem:s23+$0x0] =	vst v4  }
0x2c2: {  	v3 =	vld.idx.msk [tilespmem:v3+s22+$0x0], $0xffff;
	_ =	sdelay $0x3  }
0x2c3: {  	s7 =	sor.u32 s7, s9;
	s23 =	sor.u32 $0x20, s10  }
0x2c4: {  	[tilespmem:s7+$0x0] =	vst v3;
	s7 =	sor.u32 s23, s0  }
0x2c5: {  	v3 =	vld [tilespmem:s7+$0x0];
	_ =	sdelay $0x4  }
0x2c6: {  	v50 =	vshll.u32 v3, $0x3  }
0x2c7: {  	v3 =	vand.u32 $0x7F, v3;
	v4 =	vand.u32 $0xFFFFFC00, v50  }
0x2c8: {  	v3 =	vor.u32 v3, v4  }
0x2c9: {  	v4 =	vadd.s32 $0x4000, v3;
	_ =	sdelay $0x4  }
0x2ca: {  	v4 =	vld.idx.msk [tilespmem:v4+s22+$0x0], $0xffff  }
0x2cb: {  	v51 =	vadd.s32 $0x4080, v3;
	_ =	sdelay $0x2  }
0x2cc: {  	s7 =	sor.u32 s23, s19  }
0x2cd: {  	[tilespmem:s7+$0x0] =	vst v4  }
0x2ce: {  	v4 =	vld.idx.msk [tilespmem:v51+s22+$0x0], $0xffff  }
0x2cf: {  	v52 =	vadd.s32 $0x4100, v3;
	_ =	sdelay $0x2  }
0x2d0: {  	s7 =	sor.u32 s23, s20  }
0x2d1: {  	[tilespmem:s7+$0x0] =	vst v4  }
0x2d2: {  	v4 =	vld.idx.msk [tilespmem:v52+s22+$0x0], $0xffff  }
0x2d3: {  	v53 =	vadd.s32 $0x4180, v3;
	_ =	sdelay $0x2  }
0x2d4: {  	s7 =	sor.u32 s23, s24  }
0x2d5: {  	[tilespmem:s7+$0x0] =	vst v4  }
0x2d6: {  	v4 =	vld.idx.msk [tilespmem:v53+s22+$0x0], $0xffff  }
0x2d7: {  	v54 =	vadd.s32 $0x4200, v3;
	_ =	sdelay $0x2  }
0x2d8: {  	s7 =	sor.u32 s23, s25  }
0x2d9: {  	[tilespmem:s7+$0x0] =	vst v4  }
0x2da: {  	v4 =	vld.idx.msk [tilespmem:v54+s22+$0x0], $0xffff  }
0x2db: {  	v55 =	vadd.s32 $0x4280, v3;
	_ =	sdelay $0x2  }
0x2dc: {  	s7 =	sor.u32 s23, s4  }
0x2dd: {  	[tilespmem:s7+$0x0] =	vst v4  }
0x2de: {  	v4 =	vld.idx.msk [tilespmem:v55+s22+$0x0], $0xffff  }
0x2df: {  	v56 =	vadd.s32 $0x4300, v3;
	_ =	sdelay $0x2  }
0x2e0: {  	s7 =	sor.u32 s23, s1  }
0x2e1: {  	[tilespmem:s7+$0x0] =	vst v4  }
0x2e2: {  	v4 =	vld.idx.msk [tilespmem:v56+s22+$0x0], $0xffff  }
0x2e3: {  	v3 =	vadd.s32 $0x4380, v3;
	_ =	sdelay $0x2  }
0x2e4: {  	s7 =	sor.u32 s23, s2  }
0x2e5: {  	[tilespmem:s7+$0x0] =	vst v4  }
0x2e6: {  	v3 =	vld.idx.msk [tilespmem:v3+s22+$0x0], $0xffff;
	_ =	sdelay $0x3  }
0x2e7: {  	s10 =	sor.u32 $0x30, s10;
	s23 =	sor.u32 s23, s9  }
0x2e8: {  	s0 =	sor.u32 s10, s0;
	[tilespmem:s23+$0x0] =	vst v3  }
0x2e9: {  	v3 =	vld [tilespmem:s0+$0x0];
	_ =	sdelay $0x4  }
0x2ea: {  	v57 =	vshll.u32 v3, $0x3  }
0x2eb: {  	v3 =	vand.u32 $0x7F, v3;
	v4 =	vand.u32 $0xFFFFFC00, v57  }
0x2ec: {  	v3 =	vor.u32 v3, v4  }
0x2ed: {  	v4 =	vadd.s32 $0x4000, v3;
	_ =	sdelay $0x4  }
0x2ee: {  	v4 =	vld.idx.msk [tilespmem:v4+s22+$0x0], $0xffff  }
0x2ef: {  	v58 =	vadd.s32 $0x4080, v3;
	_ =	sdelay $0x2  }
0x2f0: {  	s19 =	sor.u32 s10, s19  }
0x2f1: {  	[tilespmem:s19+$0x0] =	vst v4  }
0x2f2: {  	v4 =	vld.idx.msk [tilespmem:v58+s22+$0x0], $0xffff  }
0x2f3: {  	v59 =	vadd.s32 $0x4100, v3;
	_ =	sdelay $0x2  }
0x2f4: {  	s23 =	sor.u32 s10, s20  }
0x2f5: {  	[tilespmem:s23+$0x0] =	vst v4  }
0x2f6: {  	v4 =	vld.idx.msk [tilespmem:v59+s22+$0x0], $0xffff  }
0x2f7: {  	v60 =	vadd.s32 $0x4180, v3;
	_ =	sdelay $0x2  }
0x2f8: {  	s7 =	sor.u32 s10, s24  }
0x2f9: {  	[tilespmem:s7+$0x0] =	vst v4  }
0x2fa: {  	v4 =	vld.idx.msk [tilespmem:v60+s22+$0x0], $0xffff  }
0x2fb: {  	v61 =	vadd.s32 $0x4200, v3;
	_ =	sdelay $0x2  }
0x2fc: {  	s19 =	sor.u32 s10, s25  }
0x2fd: {  	[tilespmem:s19+$0x0] =	vst v4  }
0x2fe: {  	v4 =	vld.idx.msk [tilespmem:v61+s22+$0x0], $0xffff  }
0x2ff: {  	v62 =	vadd.s32 $0x4280, v3;
	_ =	sdelay $0x2  }
0x300: {  	s20 =	sor.u32 s10, s4  }
0x301: {  	[tilespmem:s20+$0x0] =	vst v4  }
0x302: {  	v4 =	vld.idx.msk [tilespmem:v62+s22+$0x0], $0xffff  }
0x303: {  	v63 =	vadd.s32 $0x4300, v3;
	_ =	sdelay $0x2  }
0x304: {  	s23 =	sor.u32 s10, s1  }
0x305: {  	[tilespmem:s23+$0x0] =	vst v4  }
0x306: {  	v4 =	vld.idx.msk [tilespmem:v63+s22+$0x0], $0xffff  }
0x307: {  	v3 =	vadd.s32 $0x4380, v3;
	_ =	sdelay $0x2  }
0x308: {  	s24 =	sor.u32 s10, s2  }
0x309: {  	[tilespmem:s24+$0x0] =	vst v4  }
0x30a: {  	p0 =	sne.s32 s3, $0x3C0;
	v3 =	vld.idx.msk [tilespmem:v3+s22+$0x0], $0xffff  }
.Ltmp2:
0x30b: {  	_ = 	snop;
	(pc) =	sbr.rel @p0 .LBB2_7-.Ltmp2, $3  }
0x30c: {  	_ =	sdelay $0x1  }
0x30d: {  	s25 =	sor.u32 s10, s9  }
0x30e: {  	s31 =	sadd.s32 $0x200, s31;
	s30 =	sadd.s32 $0x40, s30;
	s3 =	sadd.s32 $0x40, s3;
	[tilespmem:s25+$0x0] =	vst v3  }
0x30f: {  	v3 =	vmov s28  }
0x310: {  	v3 =	vbroadcast v3, $0x0;
	_ =	sdelay $0x4  }
0x311: {  	v4 =	vld [tilespmem:$0x9600]  }
0x312: {  	v3 =	vld.idx.msk [tilespmem:v3+s21+$0x0], $0xffff  }
0x313: {  	v5 =	vld [tilespmem:$0x9610]  }
0x314: {  	v6 =	vld [tilespmem:$0x9620]  }
0x315: {  	v7 =	vld [tilespmem:$0x9630]  }
0x316: {  	v8 =	vld [tilespmem:$0x9640]  }
0x317: {  	v9 =	vld [tilespmem:$0x9650];
	v4 =	vmul.f32 v4, v3  }
0x318: {  	v10 =	vld [tilespmem:$0x9660];
	v5 =	vmul.f32 v5, v3  }
0x319: {  	v48 =	vld [tilespmem:$0x9670];
	v47 =	vmul.f32 v6, v3;
	[tilespmem:$0xF600] =	vst v4  }
0x31a: {  	v50 =	vld [tilespmem:$0x9A00];
	v49 =	vmul.f32 v7, v3;
	[tilespmem:$0xF610] =	vst v5  }
0x31b: {  	v52 =	vld [tilespmem:$0x9A10];
	v51 =	vmul.f32 v8, v3;
	[tilespmem:$0xF620] =	vst v47  }
0x31c: {  	v54 =	vld [tilespmem:$0x9A20];
	v53 =	vmul.f32 v9, v3;
	[tilespmem:$0xF630] =	vst v49  }
0x31d: {  	v55 =	vmul.f32 v10, v3;
	[tilespmem:$0xF640] =	vst v51  }
0x31e: {  	v56 =	vmul.f32 v48, v3;
	[tilespmem:$0xF650] =	vst v53  }
0x31f: {  	v57 =	vmul.f32 v50, v3;
	[tilespmem:$0xF660] =	vst v55  }
0x320: {  	v58 =	vmul.f32 v52, v3;
	[tilespmem:$0xF670] =	vst v56  }
0x321: {  	v59 =	vmul.f32 v54, v3;
	[tilespmem:$0xFA00] =	vst v57  }
0x322: {  	[tilespmem:$0xFA10] =	vst v58  }
0x323: {  	[tilespmem:$0xFA20] =	vst v59  }
0x324: {  	v4 =	vld [tilespmem:$0x9A30]  }
0x325: {  	v60 =	vld [tilespmem:$0x9A40]  }
0x326: {  	v61 =	vld [tilespmem:$0x9A50]  }
0x327: {  	v62 =	vld [tilespmem:$0x9A60]  }
0x328: {  	v63 =	vld [tilespmem:$0x9A70]  }
0x329: {  	v12 =	vld [tilespmem:$0x9E00];
	v4 =	vmul.f32 v4, v3  }
0x32a: {  	v13 =	vld [tilespmem:$0x9E10];
	v5 =	vmul.f32 v60, v3  }
0x32b: {  	v15 =	vld [tilespmem:$0x9E20];
	v14 =	vmul.f32 v61, v3;
	[tilespmem:$0xFA30] =	vst v4  }
0x32c: {  	v17 =	vld [tilespmem:$0x9E30];
	v16 =	vmul.f32 v62, v3;
	[tilespmem:$0xFA40] =	vst v5  }
0x32d: {  	v19 =	vld [tilespmem:$0x9E40];
	v18 =	vmul.f32 v63, v3;
	[tilespmem:$0xFA50] =	vst v14  }
0x32e: {  	v21 =	vld [tilespmem:$0x9E50];
	v20 =	vmul.f32 v12, v3;
	[tilespmem:$0xFA60] =	vst v16  }
0x32f: {  	v23 =	vld [tilespmem:$0x9E60];
	v22 =	vmul.f32 v13, v3;
	[tilespmem:$0xFA70] =	vst v18  }
0x330: {  	v25 =	vld [tilespmem:$0x9E70];
	v24 =	vmul.f32 v15, v3;
	[tilespmem:$0xFE00] =	vst v20  }
0x331: {  	v27 =	vld [tilespmem:$0xA200];
	v26 =	vmul.f32 v17, v3;
	[tilespmem:$0xFE10] =	vst v22  }
0x332: {  	v29 =	vld [tilespmem:$0xA210];
	v28 =	vmul.f32 v19, v3;
	[tilespmem:$0xFE20] =	vst v24  }
0x333: {  	v31 =	vld [tilespmem:$0xA220];
	v30 =	vmul.f32 v21, v3;
	[tilespmem:$0xFE30] =	vst v26  }
0x334: {  	v33 =	vld [tilespmem:$0xA230];
	v32 =	vmul.f32 v23, v3;
	[tilespmem:$0xFE40] =	vst v28  }
0x335: {  	v35 =	vld [tilespmem:$0xA240];
	v34 =	vmul.f32 v25, v3;
	[tilespmem:$0xFE50] =	vst v30  }
0x336: {  	v37 =	vld [tilespmem:$0xA250];
	v36 =	vmul.f32 v27, v3;
	[tilespmem:$0xFE60] =	vst v32  }
0x337: {  	v39 =	vld [tilespmem:$0xA260];
	v38 =	vmul.f32 v29, v3;
	[tilespmem:$0xFE70] =	vst v34  }
0x338: {  	s0 =	sor.u32 $0x1, s28;
	v41 =	vld [tilespmem:$0xA270];
	v40 =	vmul.f32 v31, v3;
	[tilespmem:$0x10200] =	vst v36  }
0x339: {  	v43 =	vmov s0;
	v42 =	vmul.f32 v33, v3;
	[tilespmem:$0x10210] =	vst v38  }
0x33a: {  	v45 =	vbroadcast v43, $0x0;
	v44 =	vmul.f32 v35, v3;
	[tilespmem:$0x10220] =	vst v40  }
0x33b: {  	v46 =	vmul.f32 v37, v3;
	[tilespmem:$0x10230] =	vst v42  }
0x33c: {  	v47 =	vmul.f32 v39, v3;
	[tilespmem:$0x10240] =	vst v44  }
0x33d: {  	v3 =	vmul.f32 v41, v3;
	[tilespmem:$0x10250] =	vst v46  }
0x33e: {  	[tilespmem:$0x10260] =	vst v47  }
0x33f: {  	v48 =	vld [tilespmem:$0x9680];
	[tilespmem:$0x10270] =	vst v3  }
0x340: {  	v3 =	vld.idx.msk [tilespmem:v45+s21+$0x0], $0xffff  }
0x341: {  	v49 =	vld [tilespmem:$0x9690]  }
0x342: {  	v50 =	vld [tilespmem:$0x96A0]  }
0x343: {  	v51 =	vld [tilespmem:$0x96B0]  }
0x344: {  	v52 =	vld [tilespmem:$0x96C0]  }
0x345: {  	v53 =	vld [tilespmem:$0x96D0];
	v4 =	vmul.f32 v48, v3  }
0x346: {  	v54 =	vld [tilespmem:$0x96E0];
	v5 =	vmul.f32 v49, v3  }
0x347: {  	v56 =	vld [tilespmem:$0x96F0];
	v55 =	vmul.f32 v50, v3;
	[tilespmem:$0xF680] =	vst v4  }
0x348: {  	v58 =	vld [tilespmem:$0x9A80];
	v57 =	vmul.f32 v51, v3;
	[tilespmem:$0xF690] =	vst v5  }
0x349: {  	v60 =	vld [tilespmem:$0x9A90];
	v59 =	vmul.f32 v52, v3;
	[tilespmem:$0xF6A0] =	vst v55  }
0x34a: {  	v62 =	vld [tilespmem:$0x9AA0];
	v61 =	vmul.f32 v53, v3;
	[tilespmem:$0xF6B0] =	vst v57  }
0x34b: {  	v12 =	vld [tilespmem:$0x9AB0];
	v63 =	vmul.f32 v54, v3;
	[tilespmem:$0xF6C0] =	vst v59  }
0x34c: {  	v14 =	vld [tilespmem:$0x9AC0];
	v13 =	vmul.f32 v56, v3;
	[tilespmem:$0xF6D0] =	vst v61  }
0x34d: {  	v16 =	vld [tilespmem:$0x9AD0];
	v15 =	vmul.f32 v58, v3;
	[tilespmem:$0xF6E0] =	vst v63  }
0x34e: {  	v18 =	vld [tilespmem:$0x9AE0];
	v17 =	vmul.f32 v60, v3;
	[tilespmem:$0xF6F0] =	vst v13  }
0x34f: {  	v20 =	vld [tilespmem:$0x9AF0];
	v19 =	vmul.f32 v62, v3;
	[tilespmem:$0xFA80] =	vst v15  }
0x350: {  	v22 =	vld [tilespmem:$0x9E80];
	v21 =	vmul.f32 v12, v3;
	[tilespmem:$0xFA90] =	vst v17  }
0x351: {  	v24 =	vld [tilespmem:$0x9E90];
	v23 =	vmul.f32 v14, v3;
	[tilespmem:$0xFAA0] =	vst v19  }
0x352: {  	v26 =	vld [tilespmem:$0x9EA0];
	v25 =	vmul.f32 v16, v3;
	[tilespmem:$0xFAB0] =	vst v21  }
0x353: {  	v28 =	vld [tilespmem:$0x9EB0];
	v27 =	vmul.f32 v18, v3;
	[tilespmem:$0xFAC0] =	vst v23  }
0x354: {  	v30 =	vld [tilespmem:$0x9EC0];
	v29 =	vmul.f32 v20, v3;
	[tilespmem:$0xFAD0] =	vst v25  }
0x355: {  	v32 =	vld [tilespmem:$0x9ED0];
	v31 =	vmul.f32 v22, v3;
	[tilespmem:$0xFAE0] =	vst v27  }
0x356: {  	v34 =	vld [tilespmem:$0x9EE0];
	v33 =	vmul.f32 v24, v3;
	[tilespmem:$0xFAF0] =	vst v29  }
0x357: {  	v36 =	vld [tilespmem:$0x9EF0];
	v35 =	vmul.f32 v26, v3;
	[tilespmem:$0xFE80] =	vst v31  }
0x358: {  	v38 =	vld [tilespmem:$0xA280];
	v37 =	vmul.f32 v28, v3;
	[tilespmem:$0xFE90] =	vst v33  }
0x359: {  	v40 =	vld [tilespmem:$0xA290];
	v39 =	vmul.f32 v30, v3;
	[tilespmem:$0xFEA0] =	vst v35  }
0x35a: {  	v42 =	vld [tilespmem:$0xA2A0];
	v41 =	vmul.f32 v32, v3;
	[tilespmem:$0xFEB0] =	vst v37  }
0x35b: {  	v44 =	vld [tilespmem:$0xA2B0];
	v43 =	vmul.f32 v34, v3;
	[tilespmem:$0xFEC0] =	vst v39  }
0x35c: {  	v46 =	vld [tilespmem:$0xA2C0];
	v45 =	vmul.f32 v36, v3;
	[tilespmem:$0xFED0] =	vst v41  }
0x35d: {  	v47 =	vmul.f32 v38, v3;
	v48 =	vld [tilespmem:$0xA2D0];
	[tilespmem:$0xFEE0] =	vst v43  }
0x35e: {  	v49 =	vmul.f32 v40, v3;
	v50 =	vld [tilespmem:$0xA2E0];
	[tilespmem:$0xFEF0] =	vst v45  }
0x35f: {  	s19 =	sor.u32 $0x2, s28;
	v51 =	vmul.f32 v42, v3;
	v52 =	vld [tilespmem:$0xA2F0];
	[tilespmem:$0x10280] =	vst v47  }
0x360: {  	v53 =	vmul.f32 v44, v3;
	v54 =	vmov s19;
	[tilespmem:$0x10290] =	vst v49  }
0x361: {  	v6 =	vbroadcast v54, $0x0;
	[tilespmem:$0x102A0] =	vst v51;
	v55 =	vmul.f32 v46, v3  }
0x362: {  	[tilespmem:$0x102B0] =	vst v53;
	v56 =	vmul.f32 v48, v3  }
0x363: {  	[tilespmem:$0x102C0] =	vst v55;
	v57 =	vmul.f32 v50, v3  }
0x364: {  	v3 =	vmul.f32 v52, v3;
	[tilespmem:$0x102D0] =	vst v56  }
0x365: {  	[tilespmem:$0x102E0] =	vst v57  }
0x366: {  	v58 =	vld [tilespmem:$0x9700];
	[tilespmem:$0x102F0] =	vst v3  }
0x367: {  	v3 =	vld.idx.msk [tilespmem:v6+s21+$0x0], $0xffff  }
0x368: {  	v59 =	vld [tilespmem:$0x9710]  }
0x369: {  	v60 =	vld [tilespmem:$0x9720]  }
0x36a: {  	v61 =	vld [tilespmem:$0x9730]  }
0x36b: {  	v62 =	vld [tilespmem:$0x9740]  }
0x36c: {  	v63 =	vld [tilespmem:$0x9750];
	v4 =	vmul.f32 v58, v3  }
0x36d: {  	v12 =	vld [tilespmem:$0x9760];
	v5 =	vmul.f32 v59, v3  }
0x36e: {  	v14 =	vld [tilespmem:$0x9770];
	v13 =	vmul.f32 v60, v3;
	[tilespmem:$0xF700] =	vst v4  }
0x36f: {  	v16 =	vld [tilespmem:$0x9B00];
	v15 =	vmul.f32 v61, v3;
	[tilespmem:$0xF710] =	vst v5  }
0x370: {  	v18 =	vld [tilespmem:$0x9B10];
	v17 =	vmul.f32 v62, v3;
	[tilespmem:$0xF720] =	vst v13  }
0x371: {  	v20 =	vld [tilespmem:$0x9B20];
	v19 =	vmul.f32 v63, v3;
	[tilespmem:$0xF730] =	vst v15  }
0x372: {  	v22 =	vld [tilespmem:$0x9B30];
	v21 =	vmul.f32 v12, v3;
	[tilespmem:$0xF740] =	vst v17  }
0x373: {  	v24 =	vld [tilespmem:$0x9B40];
	v23 =	vmul.f32 v14, v3;
	[tilespmem:$0xF750] =	vst v19  }
0x374: {  	v26 =	vld [tilespmem:$0x9B50];
	v25 =	vmul.f32 v16, v3;
	[tilespmem:$0xF760] =	vst v21  }
0x375: {  	v28 =	vld [tilespmem:$0x9B60];
	v27 =	vmul.f32 v18, v3;
	[tilespmem:$0xF770] =	vst v23  }
0x376: {  	v30 =	vld [tilespmem:$0x9B70];
	v29 =	vmul.f32 v20, v3;
	[tilespmem:$0xFB00] =	vst v25  }
0x377: {  	v32 =	vld [tilespmem:$0x9F00];
	v31 =	vmul.f32 v22, v3;
	[tilespmem:$0xFB10] =	vst v27  }
0x378: {  	v34 =	vld [tilespmem:$0x9F10];
	v33 =	vmul.f32 v24, v3;
	[tilespmem:$0xFB20] =	vst v29  }
0x379: {  	v36 =	vld [tilespmem:$0x9F20];
	v35 =	vmul.f32 v26, v3;
	[tilespmem:$0xFB30] =	vst v31  }
0x37a: {  	v38 =	vld [tilespmem:$0x9F30];
	v37 =	vmul.f32 v28, v3;
	[tilespmem:$0xFB40] =	vst v33  }
0x37b: {  	v40 =	vld [tilespmem:$0x9F40];
	v39 =	vmul.f32 v30, v3;
	[tilespmem:$0xFB50] =	vst v35  }
0x37c: {  	v42 =	vld [tilespmem:$0x9F50];
	v41 =	vmul.f32 v32, v3;
	[tilespmem:$0xFB60] =	vst v37  }
0x37d: {  	v44 =	vld [tilespmem:$0x9F60];
	v43 =	vmul.f32 v34, v3;
	[tilespmem:$0xFB70] =	vst v39  }
0x37e: {  	v46 =	vld [tilespmem:$0x9F70];
	v45 =	vmul.f32 v36, v3;
	[tilespmem:$0xFF00] =	vst v41  }
0x37f: {  	v48 =	vld [tilespmem:$0xA300];
	v47 =	vmul.f32 v38, v3;
	[tilespmem:$0xFF10] =	vst v43  }
0x380: {  	v50 =	vld [tilespmem:$0xA310];
	v49 =	vmul.f32 v40, v3;
	[tilespmem:$0xFF20] =	vst v45  }
0x381: {  	v52 =	vld [tilespmem:$0xA320];
	v51 =	vmul.f32 v42, v3;
	[tilespmem:$0xFF30] =	vst v47  }
0x382: {  	v54 =	vld [tilespmem:$0xA330];
	v53 =	vmul.f32 v44, v3;
	[tilespmem:$0xFF40] =	vst v49  }
0x383: {  	v56 =	vld [tilespmem:$0xA340];
	v55 =	vmul.f32 v46, v3;
	[tilespmem:$0xFF50] =	vst v51  }
0x384: {  	v57 =	vmul.f32 v48, v3;
	v58 =	vld [tilespmem:$0xA350];
	[tilespmem:$0xFF60] =	vst v53  }
0x385: {  	v59 =	vmul.f32 v50, v3;
	v60 =	vld [tilespmem:$0xA360];
	[tilespmem:$0xFF70] =	vst v55  }
0x386: {  	s20 =	sor.u32 $0x3, s28;
	v61 =	vmul.f32 v52, v3;
	v62 =	vld [tilespmem:$0xA370];
	[tilespmem:$0x10300] =	vst v57  }
0x387: {  	v11 =	vmov s20;
	v63 =	vmul.f32 v54, v3;
	[tilespmem:$0x10310] =	vst v59  }
0x388: {  	v6 =	vbroadcast v11, $0x0;
	v12 =	vmul.f32 v56, v3;
	[tilespmem:$0x10320] =	vst v61  }
0x389: {  	[tilespmem:$0x10330] =	vst v63;
	v13 =	vmul.f32 v58, v3  }
0x38a: {  	[tilespmem:$0x10340] =	vst v12;
	v14 =	vmul.f32 v60, v3  }
0x38b: {  	v3 =	vmul.f32 v62, v3;
	[tilespmem:$0x10350] =	vst v13  }
0x38c: {  	[tilespmem:$0x10360] =	vst v14  }
0x38d: {  	v15 =	vld [tilespmem:$0x9780];
	[tilespmem:$0x10370] =	vst v3  }
0x38e: {  	v3 =	vld.idx.msk [tilespmem:v6+s21+$0x0], $0xffff  }
0x38f: {  	v16 =	vld [tilespmem:$0x9790]  }
0x390: {  	v17 =	vld [tilespmem:$0x97A0]  }
0x391: {  	v18 =	vld [tilespmem:$0x97B0]  }
0x392: {  	v19 =	vld [tilespmem:$0x97C0]  }
0x393: {  	v20 =	vld [tilespmem:$0x97D0];
	v4 =	vmul.f32 v15, v3  }
0x394: {  	v21 =	vld [tilespmem:$0x97E0];
	v5 =	vmul.f32 v16, v3  }
0x395: {  	v23 =	vld [tilespmem:$0x97F0];
	v22 =	vmul.f32 v17, v3;
	[tilespmem:$0xF780] =	vst v4  }
0x396: {  	v25 =	vld [tilespmem:$0x9B80];
	v24 =	vmul.f32 v18, v3;
	[tilespmem:$0xF790] =	vst v5  }
0x397: {  	v27 =	vld [tilespmem:$0x9B90];
	v26 =	vmul.f32 v19, v3;
	[tilespmem:$0xF7A0] =	vst v22  }
0x398: {  	v29 =	vld [tilespmem:$0x9BA0];
	v28 =	vmul.f32 v20, v3;
	[tilespmem:$0xF7B0] =	vst v24  }
0x399: {  	v31 =	vld [tilespmem:$0x9BB0];
	v30 =	vmul.f32 v21, v3;
	[tilespmem:$0xF7C0] =	vst v26  }
0x39a: {  	v33 =	vld [tilespmem:$0x9BC0];
	v32 =	vmul.f32 v23, v3;
	[tilespmem:$0xF7D0] =	vst v28  }
0x39b: {  	v35 =	vld [tilespmem:$0x9BD0];
	v34 =	vmul.f32 v25, v3;
	[tilespmem:$0xF7E0] =	vst v30  }
0x39c: {  	v37 =	vld [tilespmem:$0x9BE0];
	v36 =	vmul.f32 v27, v3;
	[tilespmem:$0xF7F0] =	vst v32  }
0x39d: {  	v39 =	vld [tilespmem:$0x9BF0];
	v38 =	vmul.f32 v29, v3;
	[tilespmem:$0xFB80] =	vst v34  }
0x39e: {  	v41 =	vld [tilespmem:$0x9F80];
	v40 =	vmul.f32 v31, v3;
	[tilespmem:$0xFB90] =	vst v36  }
0x39f: {  	v43 =	vld [tilespmem:$0x9F90];
	v42 =	vmul.f32 v33, v3;
	[tilespmem:$0xFBA0] =	vst v38  }
0x3a0: {  	v45 =	vld [tilespmem:$0x9FA0];
	v44 =	vmul.f32 v35, v3;
	[tilespmem:$0xFBB0] =	vst v40  }
0x3a1: {  	v47 =	vld [tilespmem:$0x9FB0];
	v46 =	vmul.f32 v37, v3;
	[tilespmem:$0xFBC0] =	vst v42  }
0x3a2: {  	v49 =	vld [tilespmem:$0x9FC0];
	v48 =	vmul.f32 v39, v3;
	[tilespmem:$0xFBD0] =	vst v44  }
0x3a3: {  	v51 =	vld [tilespmem:$0x9FD0];
	v50 =	vmul.f32 v41, v3;
	[tilespmem:$0xFBE0] =	vst v46  }
0x3a4: {  	v53 =	vld [tilespmem:$0x9FE0];
	v52 =	vmul.f32 v43, v3;
	[tilespmem:$0xFBF0] =	vst v48  }
0x3a5: {  	v55 =	vld [tilespmem:$0x9FF0];
	v54 =	vmul.f32 v45, v3;
	[tilespmem:$0xFF80] =	vst v50  }
0x3a6: {  	v57 =	vld [tilespmem:$0xA380];
	v56 =	vmul.f32 v47, v3;
	[tilespmem:$0xFF90] =	vst v52  }
0x3a7: {  	v59 =	vld [tilespmem:$0xA390];
	v58 =	vmul.f32 v49, v3;
	[tilespmem:$0xFFA0] =	vst v54  }
0x3a8: {  	v61 =	vld [tilespmem:$0xA3A0];
	v60 =	vmul.f32 v51, v3;
	[tilespmem:$0xFFB0] =	vst v56  }
0x3a9: {  	v63 =	vld [tilespmem:$0xA3B0];
	v62 =	vmul.f32 v53, v3;
	[tilespmem:$0xFFC0] =	vst v58  }
0x3aa: {  	v13 =	vld [tilespmem:$0xA3C0];
	v12 =	vmul.f32 v55, v3;
	[tilespmem:$0xFFD0] =	vst v60  }
0x3ab: {  	v14 =	vmul.f32 v57, v3;
	v15 =	vld [tilespmem:$0xA3D0];
	[tilespmem:$0xFFE0] =	vst v62  }
0x3ac: {  	v16 =	vmul.f32 v59, v3;
	v17 =	vld [tilespmem:$0xA3E0];
	[tilespmem:$0xFFF0] =	vst v12  }
0x3ad: {  	s23 =	sor.u32 $0x4, s28;
	v18 =	vmul.f32 v61, v3;
	v19 =	vld [tilespmem:$0xA3F0];
	[tilespmem:$0x10380] =	vst v14  }
0x3ae: {  	v20 =	vmul.f32 v63, v3;
	v21 =	vmov s23;
	[tilespmem:$0x10390] =	vst v16  }
0x3af: {  	v6 =	vbroadcast v21, $0x0;
	[tilespmem:$0x103A0] =	vst v18;
	v22 =	vmul.f32 v13, v3  }
0x3b0: {  	[tilespmem:$0x103B0] =	vst v20;
	v23 =	vmul.f32 v15, v3  }
0x3b1: {  	[tilespmem:$0x103C0] =	vst v22;
	v24 =	vmul.f32 v17, v3  }
0x3b2: {  	v3 =	vmul.f32 v19, v3;
	[tilespmem:$0x103D0] =	vst v23  }
0x3b3: {  	[tilespmem:$0x103E0] =	vst v24  }
0x3b4: {  	v25 =	vld [tilespmem:$0x9800];
	[tilespmem:$0x103F0] =	vst v3  }
0x3b5: {  	v3 =	vld.idx.msk [tilespmem:v6+s21+$0x0], $0xffff  }
0x3b6: {  	v26 =	vld [tilespmem:$0x9810]  }
0x3b7: {  	v27 =	vld [tilespmem:$0x9820]  }
0x3b8: {  	v28 =	vld [tilespmem:$0x9830]  }
0x3b9: {  	v29 =	vld [tilespmem:$0x9840]  }
0x3ba: {  	v30 =	vld [tilespmem:$0x9850];
	v4 =	vmul.f32 v25, v3  }
0x3bb: {  	v31 =	vld [tilespmem:$0x9860];
	v5 =	vmul.f32 v26, v3  }
0x3bc: {  	v33 =	vld [tilespmem:$0x9870];
	v32 =	vmul.f32 v27, v3;
	[tilespmem:$0xF800] =	vst v4  }
0x3bd: {  	v35 =	vld [tilespmem:$0x9C00];
	v34 =	vmul.f32 v28, v3;
	[tilespmem:$0xF810] =	vst v5  }
0x3be: {  	v37 =	vld [tilespmem:$0x9C10];
	v36 =	vmul.f32 v29, v3;
	[tilespmem:$0xF820] =	vst v32  }
0x3bf: {  	v39 =	vld [tilespmem:$0x9C20];
	v38 =	vmul.f32 v30, v3;
	[tilespmem:$0xF830] =	vst v34  }
0x3c0: {  	v41 =	vld [tilespmem:$0x9C30];
	v40 =	vmul.f32 v31, v3;
	[tilespmem:$0xF840] =	vst v36  }
0x3c1: {  	v43 =	vld [tilespmem:$0x9C40];
	v42 =	vmul.f32 v33, v3;
	[tilespmem:$0xF850] =	vst v38  }
0x3c2: {  	v45 =	vld [tilespmem:$0x9C50];
	v44 =	vmul.f32 v35, v3;
	[tilespmem:$0xF860] =	vst v40  }
0x3c3: {  	v47 =	vld [tilespmem:$0x9C60];
	v46 =	vmul.f32 v37, v3;
	[tilespmem:$0xF870] =	vst v42  }
0x3c4: {  	v49 =	vld [tilespmem:$0x9C70];
	v48 =	vmul.f32 v39, v3;
	[tilespmem:$0xFC00] =	vst v44  }
0x3c5: {  	v51 =	vld [tilespmem:$0xA000];
	v50 =	vmul.f32 v41, v3;
	[tilespmem:$0xFC10] =	vst v46  }
0x3c6: {  	v53 =	vld [tilespmem:$0xA010];
	v52 =	vmul.f32 v43, v3;
	[tilespmem:$0xFC20] =	vst v48  }
0x3c7: {  	v55 =	vld [tilespmem:$0xA020];
	v54 =	vmul.f32 v45, v3;
	[tilespmem:$0xFC30] =	vst v50  }
0x3c8: {  	v57 =	vld [tilespmem:$0xA030];
	v56 =	vmul.f32 v47, v3;
	[tilespmem:$0xFC40] =	vst v52  }
0x3c9: {  	v59 =	vld [tilespmem:$0xA040];
	v58 =	vmul.f32 v49, v3;
	[tilespmem:$0xFC50] =	vst v54  }
0x3ca: {  	v61 =	vld [tilespmem:$0xA050];
	v60 =	vmul.f32 v51, v3;
	[tilespmem:$0xFC60] =	vst v56  }
0x3cb: {  	v63 =	vld [tilespmem:$0xA060];
	v62 =	vmul.f32 v53, v3;
	[tilespmem:$0xFC70] =	vst v58  }
0x3cc: {  	v13 =	vld [tilespmem:$0xA070];
	v12 =	vmul.f32 v55, v3;
	[tilespmem:$0x10000] =	vst v60  }
0x3cd: {  	v15 =	vld [tilespmem:$0xA400];
	v14 =	vmul.f32 v57, v3;
	[tilespmem:$0x10010] =	vst v62  }
0x3ce: {  	v17 =	vld [tilespmem:$0xA410];
	v16 =	vmul.f32 v59, v3;
	[tilespmem:$0x10020] =	vst v12  }
0x3cf: {  	v19 =	vld [tilespmem:$0xA420];
	v18 =	vmul.f32 v61, v3;
	[tilespmem:$0x10030] =	vst v14  }
0x3d0: {  	v21 =	vld [tilespmem:$0xA430];
	v20 =	vmul.f32 v63, v3;
	[tilespmem:$0x10040] =	vst v16  }
0x3d1: {  	v23 =	vld [tilespmem:$0xA440];
	v22 =	vmul.f32 v13, v3;
	[tilespmem:$0x10050] =	vst v18  }
0x3d2: {  	v24 =	vmul.f32 v15, v3;
	v25 =	vld [tilespmem:$0xA450];
	[tilespmem:$0x10060] =	vst v20  }
0x3d3: {  	v26 =	vmul.f32 v17, v3;
	v27 =	vld [tilespmem:$0xA460];
	[tilespmem:$0x10070] =	vst v22  }
0x3d4: {  	s24 =	sor.u32 $0x5, s28;
	v28 =	vmul.f32 v19, v3;
	v29 =	vld [tilespmem:$0xA470];
	[tilespmem:$0x10400] =	vst v24  }
0x3d5: {  	v30 =	vmul.f32 v21, v3;
	v31 =	vmov s24;
	[tilespmem:$0x10410] =	vst v26  }
0x3d6: {  	v6 =	vbroadcast v31, $0x0;
	[tilespmem:$0x10420] =	vst v28;
	v32 =	vmul.f32 v23, v3  }
0x3d7: {  	[tilespmem:$0x10430] =	vst v30;
	v33 =	vmul.f32 v25, v3  }
0x3d8: {  	[tilespmem:$0x10440] =	vst v32;
	v34 =	vmul.f32 v27, v3  }
0x3d9: {  	v3 =	vmul.f32 v29, v3;
	[tilespmem:$0x10450] =	vst v33  }
0x3da: {  	[tilespmem:$0x10460] =	vst v34  }
0x3db: {  	v35 =	vld [tilespmem:$0x9880];
	[tilespmem:$0x10470] =	vst v3  }
0x3dc: {  	v3 =	vld.idx.msk [tilespmem:v6+s21+$0x0], $0xffff  }
0x3dd: {  	v36 =	vld [tilespmem:$0x9890]  }
0x3de: {  	v37 =	vld [tilespmem:$0x98A0]  }
0x3df: {  	v38 =	vld [tilespmem:$0x98B0]  }
0x3e0: {  	v39 =	vld [tilespmem:$0x98C0]  }
0x3e1: {  	v40 =	vld [tilespmem:$0x98D0];
	v4 =	vmul.f32 v35, v3  }
0x3e2: {  	v41 =	vld [tilespmem:$0x98E0];
	v5 =	vmul.f32 v36, v3  }
0x3e3: {  	v43 =	vld [tilespmem:$0x98F0];
	v42 =	vmul.f32 v37, v3;
	[tilespmem:$0xF880] =	vst v4  }
0x3e4: {  	v45 =	vld [tilespmem:$0x9C80];
	v44 =	vmul.f32 v38, v3;
	[tilespmem:$0xF890] =	vst v5  }
0x3e5: {  	v47 =	vld [tilespmem:$0x9C90];
	v46 =	vmul.f32 v39, v3;
	[tilespmem:$0xF8A0] =	vst v42  }
0x3e6: {  	v49 =	vld [tilespmem:$0x9CA0];
	v48 =	vmul.f32 v40, v3;
	[tilespmem:$0xF8B0] =	vst v44  }
0x3e7: {  	v51 =	vld [tilespmem:$0x9CB0];
	v50 =	vmul.f32 v41, v3;
	[tilespmem:$0xF8C0] =	vst v46  }
0x3e8: {  	v53 =	vld [tilespmem:$0x9CC0];
	v52 =	vmul.f32 v43, v3;
	[tilespmem:$0xF8D0] =	vst v48  }
0x3e9: {  	v55 =	vld [tilespmem:$0x9CD0];
	v54 =	vmul.f32 v45, v3;
	[tilespmem:$0xF8E0] =	vst v50  }
0x3ea: {  	v57 =	vld [tilespmem:$0x9CE0];
	v56 =	vmul.f32 v47, v3;
	[tilespmem:$0xF8F0] =	vst v52  }
0x3eb: {  	v59 =	vld [tilespmem:$0x9CF0];
	v58 =	vmul.f32 v49, v3;
	[tilespmem:$0xFC80] =	vst v54  }
0x3ec: {  	v61 =	vld [tilespmem:$0xA080];
	v60 =	vmul.f32 v51, v3;
	[tilespmem:$0xFC90] =	vst v56  }
0x3ed: {  	v63 =	vld [tilespmem:$0xA090];
	v62 =	vmul.f32 v53, v3;
	[tilespmem:$0xFCA0] =	vst v58  }
0x3ee: {  	v13 =	vld [tilespmem:$0xA0A0];
	v12 =	vmul.f32 v55, v3;
	[tilespmem:$0xFCB0] =	vst v60  }
0x3ef: {  	v15 =	vld [tilespmem:$0xA0B0];
	v14 =	vmul.f32 v57, v3;
	[tilespmem:$0xFCC0] =	vst v62  }
0x3f0: {  	v17 =	vld [tilespmem:$0xA0C0];
	v16 =	vmul.f32 v59, v3;
	[tilespmem:$0xFCD0] =	vst v12  }
0x3f1: {  	v19 =	vld [tilespmem:$0xA0D0];
	v18 =	vmul.f32 v61, v3;
	[tilespmem:$0xFCE0] =	vst v14  }
0x3f2: {  	v21 =	vld [tilespmem:$0xA0E0];
	v20 =	vmul.f32 v63, v3;
	[tilespmem:$0xFCF0] =	vst v16  }
0x3f3: {  	v23 =	vld [tilespmem:$0xA0F0];
	v22 =	vmul.f32 v13, v3;
	[tilespmem:$0x10080] =	vst v18  }
0x3f4: {  	v25 =	vld [tilespmem:$0xA480];
	v24 =	vmul.f32 v15, v3;
	[tilespmem:$0x10090] =	vst v20  }
0x3f5: {  	v27 =	vld [tilespmem:$0xA490];
	v26 =	vmul.f32 v17, v3;
	[tilespmem:$0x100A0] =	vst v22  }
0x3f6: {  	v29 =	vld [tilespmem:$0xA4A0];
	v28 =	vmul.f32 v19, v3;
	[tilespmem:$0x100B0] =	vst v24  }
0x3f7: {  	v31 =	vld [tilespmem:$0xA4B0];
	v30 =	vmul.f32 v21, v3;
	[tilespmem:$0x100C0] =	vst v26  }
0x3f8: {  	v33 =	vld [tilespmem:$0xA4C0];
	v32 =	vmul.f32 v23, v3;
	[tilespmem:$0x100D0] =	vst v28  }
0x3f9: {  	v34 =	vmul.f32 v25, v3;
	v35 =	vld [tilespmem:$0xA4D0];
	[tilespmem:$0x100E0] =	vst v30  }
0x3fa: {  	v36 =	vmul.f32 v27, v3;
	v37 =	vld [tilespmem:$0xA4E0];
	[tilespmem:$0x100F0] =	vst v32  }
0x3fb: {  	s25 =	sor.u32 $0x6, s28;
	v38 =	vmul.f32 v29, v3;
	v39 =	vld [tilespmem:$0xA4F0];
	[tilespmem:$0x10480] =	vst v34  }
0x3fc: {  	v40 =	vmul.f32 v31, v3;
	v41 =	vmov s25;
	[tilespmem:$0x10490] =	vst v36  }
0x3fd: {  	v6 =	vbroadcast v41, $0x0;
	[tilespmem:$0x104A0] =	vst v38;
	v42 =	vmul.f32 v33, v3  }
0x3fe: {  	[tilespmem:$0x104B0] =	vst v40;
	v43 =	vmul.f32 v35, v3  }
0x3ff: {  	[tilespmem:$0x104C0] =	vst v42;
	v44 =	vmul.f32 v37, v3  }
0x400: {  	v3 =	vmul.f32 v39, v3;
	[tilespmem:$0x104D0] =	vst v43  }
0x401: {  	[tilespmem:$0x104E0] =	vst v44  }
0x402: {  	v45 =	vld [tilespmem:$0x9900];
	[tilespmem:$0x104F0] =	vst v3  }
0x403: {  	v3 =	vld.idx.msk [tilespmem:v6+s21+$0x0], $0xffff  }
0x404: {  	v46 =	vld [tilespmem:$0x9910]  }
0x405: {  	v47 =	vld [tilespmem:$0x9920]  }
0x406: {  	v48 =	vld [tilespmem:$0x9930]  }
0x407: {  	v49 =	vld [tilespmem:$0x9940]  }
0x408: {  	v50 =	vld [tilespmem:$0x9950];
	v4 =	vmul.f32 v45, v3  }
0x409: {  	v51 =	vld [tilespmem:$0x9960];
	v5 =	vmul.f32 v46, v3  }
0x40a: {  	v53 =	vld [tilespmem:$0x9970];
	v52 =	vmul.f32 v47, v3;
	[tilespmem:$0xF900] =	vst v4  }
0x40b: {  	v55 =	vld [tilespmem:$0x9D00];
	v54 =	vmul.f32 v48, v3;
	[tilespmem:$0xF910] =	vst v5  }
0x40c: {  	v57 =	vld [tilespmem:$0x9D10];
	v56 =	vmul.f32 v49, v3;
	[tilespmem:$0xF920] =	vst v52  }
0x40d: {  	v59 =	vld [tilespmem:$0x9D20];
	v58 =	vmul.f32 v50, v3;
	[tilespmem:$0xF930] =	vst v54  }
0x40e: {  	v61 =	vld [tilespmem:$0x9D30];
	v60 =	vmul.f32 v51, v3;
	[tilespmem:$0xF940] =	vst v56  }
0x40f: {  	v63 =	vld [tilespmem:$0x9D40];
	v62 =	vmul.f32 v53, v3;
	[tilespmem:$0xF950] =	vst v58  }
0x410: {  	v13 =	vld [tilespmem:$0x9D50];
	v12 =	vmul.f32 v55, v3;
	[tilespmem:$0xF960] =	vst v60  }
0x411: {  	v15 =	vld [tilespmem:$0x9D60];
	v14 =	vmul.f32 v57, v3;
	[tilespmem:$0xF970] =	vst v62  }
0x412: {  	v17 =	vld [tilespmem:$0x9D70];
	v16 =	vmul.f32 v59, v3;
	[tilespmem:$0xFD00] =	vst v12  }
0x413: {  	v19 =	vld [tilespmem:$0xA100];
	v18 =	vmul.f32 v61, v3;
	[tilespmem:$0xFD10] =	vst v14  }
0x414: {  	v21 =	vld [tilespmem:$0xA110];
	v20 =	vmul.f32 v63, v3;
	[tilespmem:$0xFD20] =	vst v16  }
0x415: {  	v23 =	vld [tilespmem:$0xA120];
	v22 =	vmul.f32 v13, v3;
	[tilespmem:$0xFD30] =	vst v18  }
0x416: {  	v25 =	vld [tilespmem:$0xA130];
	v24 =	vmul.f32 v15, v3;
	[tilespmem:$0xFD40] =	vst v20  }
0x417: {  	v27 =	vld [tilespmem:$0xA140];
	v26 =	vmul.f32 v17, v3;
	[tilespmem:$0xFD50] =	vst v22  }
0x418: {  	v29 =	vld [tilespmem:$0xA150];
	v28 =	vmul.f32 v19, v3;
	[tilespmem:$0xFD60] =	vst v24  }
0x419: {  	v31 =	vld [tilespmem:$0xA160];
	v30 =	vmul.f32 v21, v3;
	[tilespmem:$0xFD70] =	vst v26  }
0x41a: {  	v33 =	vld [tilespmem:$0xA170];
	v32 =	vmul.f32 v23, v3;
	[tilespmem:$0x10100] =	vst v28  }
0x41b: {  	v35 =	vld [tilespmem:$0xA500];
	v34 =	vmul.f32 v25, v3;
	[tilespmem:$0x10110] =	vst v30  }
0x41c: {  	v37 =	vld [tilespmem:$0xA510];
	v36 =	vmul.f32 v27, v3;
	[tilespmem:$0x10120] =	vst v32  }
0x41d: {  	v39 =	vld [tilespmem:$0xA520];
	v38 =	vmul.f32 v29, v3;
	[tilespmem:$0x10130] =	vst v34  }
0x41e: {  	v41 =	vld [tilespmem:$0xA530];
	v40 =	vmul.f32 v31, v3;
	[tilespmem:$0x10140] =	vst v36  }
0x41f: {  	v43 =	vld [tilespmem:$0xA540];
	v42 =	vmul.f32 v33, v3;
	[tilespmem:$0x10150] =	vst v38  }
0x420: {  	v44 =	vmul.f32 v35, v3;
	v45 =	vld [tilespmem:$0xA550];
	[tilespmem:$0x10160] =	vst v40  }
0x421: {  	v46 =	vmul.f32 v37, v3;
	v47 =	vld [tilespmem:$0xA560];
	[tilespmem:$0x10170] =	vst v42  }
0x422: {  	v48 =	vmul.f32 v39, v3;
	v49 =	vld [tilespmem:$0xA570];
	[tilespmem:$0x10500] =	vst v44  }
0x423: {  	v50 =	vmul.f32 v41, v3;
	[tilespmem:$0x10510] =	vst v46  }
0x424: {  	s29 =	sshllo.u32 s29, $0x3;
	v51 =	vmul.f32 v43, v3;
	[tilespmem:$0x10520] =	vst v48  }
0x425: {  	v53 =	vmov s29;
	[tilespmem:$0x10530] =	vst v50;
	v52 =	vmul.f32 v45, v3  }
0x426: {  	[tilespmem:$0x10540] =	vst v51;
	v54 =	vmul.f32 v47, v3  }
0x427: {  	v3 =	vmul.f32 v49, v3;
	[tilespmem:$0x10550] =	vst v52  }
0x428: {  	[tilespmem:$0x10560] =	vst v54  }
0x429: {  	v55 =	vld [tilespmem:$0x9980];
	[tilespmem:$0x10570] =	vst v3  }
0x42a: {  	v3 =	vld.idx.msk [tilespmem:v53+s21+$0x0], $0xffff  }
0x42b: {  	v56 =	vld [tilespmem:$0x9990]  }
0x42c: {  	v57 =	vld [tilespmem:$0x99A0]  }
0x42d: {  	v58 =	vld [tilespmem:$0x99B0]  }
0x42e: {  	v59 =	vld [tilespmem:$0x99C0]  }
0x42f: {  	v60 =	vld [tilespmem:$0x99D0];
	v4 =	vmul.f32 v55, v3  }
0x430: {  	v61 =	vld [tilespmem:$0x99E0];
	v5 =	vmul.f32 v56, v3  }
0x431: {  	v63 =	vld [tilespmem:$0x99F0];
	v62 =	vmul.f32 v57, v3;
	[tilespmem:$0xF980] =	vst v4  }
0x432: {  	v13 =	vld [tilespmem:$0x9D80];
	v12 =	vmul.f32 v58, v3;
	[tilespmem:$0xF990] =	vst v5  }
0x433: {  	v15 =	vld [tilespmem:$0x9D90];
	v14 =	vmul.f32 v59, v3;
	[tilespmem:$0xF9A0] =	vst v62  }
0x434: {  	v17 =	vld [tilespmem:$0x9DA0];
	v16 =	vmul.f32 v60, v3;
	[tilespmem:$0xF9B0] =	vst v12  }
0x435: {  	v19 =	vld [tilespmem:$0x9DB0];
	v18 =	vmul.f32 v61, v3;
	[tilespmem:$0xF9C0] =	vst v14  }
0x436: {  	v21 =	vld [tilespmem:$0x9DC0];
	v20 =	vmul.f32 v63, v3;
	[tilespmem:$0xF9D0] =	vst v16  }
0x437: {  	v23 =	vld [tilespmem:$0x9DD0];
	v22 =	vmul.f32 v13, v3;
	[tilespmem:$0xF9E0] =	vst v18  }
0x438: {  	v25 =	vld [tilespmem:$0x9DE0];
	v24 =	vmul.f32 v15, v3;
	[tilespmem:$0xF9F0] =	vst v20  }
0x439: {  	v27 =	vld [tilespmem:$0x9DF0];
	v26 =	vmul.f32 v17, v3;
	[tilespmem:$0xFD80] =	vst v22  }
0x43a: {  	v29 =	vld [tilespmem:$0xA180];
	v28 =	vmul.f32 v19, v3;
	[tilespmem:$0xFD90] =	vst v24  }
0x43b: {  	v31 =	vld [tilespmem:$0xA190];
	v30 =	vmul.f32 v21, v3;
	[tilespmem:$0xFDA0] =	vst v26  }
0x43c: {  	v33 =	vld [tilespmem:$0xA1A0];
	v32 =	vmul.f32 v23, v3;
	[tilespmem:$0xFDB0] =	vst v28  }
0x43d: {  	v35 =	vld [tilespmem:$0xA1B0];
	v34 =	vmul.f32 v25, v3;
	[tilespmem:$0xFDC0] =	vst v30  }
0x43e: {  	v37 =	vld [tilespmem:$0xA1C0];
	v36 =	vmul.f32 v27, v3;
	[tilespmem:$0xFDD0] =	vst v32  }
0x43f: {  	v39 =	vld [tilespmem:$0xA1D0];
	v38 =	vmul.f32 v29, v3;
	[tilespmem:$0xFDE0] =	vst v34  }
0x440: {  	v41 =	vld [tilespmem:$0xA1E0];
	v40 =	vmul.f32 v31, v3;
	[tilespmem:$0xFDF0] =	vst v36  }
0x441: {  	v43 =	vld [tilespmem:$0xA1F0];
	v42 =	vmul.f32 v33, v3;
	[tilespmem:$0x10180] =	vst v38  }
0x442: {  	v45 =	vld [tilespmem:$0xA580];
	v44 =	vmul.f32 v35, v3;
	[tilespmem:$0x10190] =	vst v40  }
0x443: {  	v47 =	vld [tilespmem:$0xA590];
	v46 =	vmul.f32 v37, v3;
	[tilespmem:$0x101A0] =	vst v42  }
0x444: {  	v49 =	vld [tilespmem:$0xA5A0];
	v48 =	vmul.f32 v39, v3;
	[tilespmem:$0x101B0] =	vst v44  }
0x445: {  	v51 =	vld [tilespmem:$0xA5B0];
	v50 =	vmul.f32 v41, v3;
	[tilespmem:$0x101C0] =	vst v46  }
0x446: {  	v53 =	vld [tilespmem:$0xA5C0];
	v52 =	vmul.f32 v43, v3;
	[tilespmem:$0x101D0] =	vst v48  }
0x447: {  	v54 =	vmul.f32 v45, v3;
	v55 =	vld [tilespmem:$0xA5D0];
	[tilespmem:$0x101E0] =	vst v50  }
0x448: {  	v56 =	vmul.f32 v47, v3;
	v57 =	vld [tilespmem:$0xA5E0];
	[tilespmem:$0x101F0] =	vst v52  }
0x449: {  	v58 =	vmul.f32 v49, v3;
	v59 =	vld [tilespmem:$0xA5F0];
	[tilespmem:$0x10580] =	vst v54  }
0x44a: {  	v60 =	vmul.f32 v51, v3;
	[tilespmem:$0x10590] =	vst v56  }
0x44b: {  	v61 =	vmul.f32 v53, v3;
	[tilespmem:$0x105A0] =	vst v58  }
0x44c: {  	s30 =	sor.u32 s13, s28;
	s2 =	simm.s32 $0xC600;
	[tilespmem:$0x105B0] =	vst v60;
	v62 =	vmul.f32 v55, v3  }
0x44d: {  	s31 =	simm.s32 $0xF600;
	s26 =	sadd.s32 $0x1, s26;
	s7 =	smov.u32 s8;
	[tilespmem:$0x105C0] =	vst v61;
	v63 =	vmul.f32 v57, v3  }
0x44e: {  	s8 =	smov.u32 s11;
	s20 =	smov.u32 s13;
	p0 =	sne.s32 s26, $0x10;
	v3 =	vmul.f32 v59, v3;
	[tilespmem:$0x105D0] =	vst v62  }
.Ltmp3:
0x44f: {  	s1 =	sshll.u32 s30, $0x7;
	s0 =	sshll.u32 s30, $0x6;
	[tilespmem:$0x105E0] =	vst v63;
	(pc) =	sbr.rel @p0 .LBB2_4-.Ltmp3, $4  }
0x450: {  	s1 =	sadd.s32 s14, s1;
	s0 =	sadd.s32 s12, s0;
	s19 =	smov.u32 s12;
	[tilespmem:$0x105F0] =	vst v3  }
0x451: {  	[hbm4b:s1+s6] =	stream.linear.scatter [tilespmem:s2], [sflag:$0x6], $0x2000, $0x38;
	[tilespmem:$0x10600] =	vst v63  }
0x452: {  	s23 =	smov.u32 s14;
	s24 =	smov.u32 s15;
	s25 =	smov.u32 s16  }
0x453: {  	[hbm4b:s0+s6] =	stream.linear.scatter [tilespmem:s31], [sflag:$0x8], $0x1000, $0x38;
	[tilespmem:$0x10600] =	vst v63  }
0x454: {  	s0 =	simm.s32 $0x5  }
0x455: {  	_ =	swait.ge [sflag:s0], $0x2000  }
0x456: {  	[sflag:s0] =	ssyncset.done $0x0  }
0x457: {  	s29 =	simm.s32 $0x7;
	[sflag:s0] =	ssyncadd.s32 $0xFFFFE000  }
0x458: {  	_ =	swait.ge [sflag:s29], $0x1000  }
0x459: {  	[sflag:s29] =	ssyncset.done $0x0  }
0x45a: {  	s30 =	simm.s32 $0x6;
	[sflag:s29] =	ssyncadd.s32 $0xFFFFF000  }
0x45b: {  	_ =	swait.ge [sflag:s30], $0x2000  }
0x45c: {  	[sflag:s30] =	ssyncset.done $0x0  }
0x45d: {  	s1 =	simm.s32 $0x8;
	[sflag:s30] =	ssyncadd.s32 $0xFFFFE000  }
0x45e: {  	_ =	swait.ge [sflag:s1], $0x1000  }
0x45f: {  	s2 =	rddreg [dreg:$0xd]  }
0x460: {  	s31 =	rddreg [dreg:$0xc];
	s2 =	sadd.s32 $0x1, s2  }
0x461: {  	p0 =	sne.s32 s2, s31  }
.Ltmp4:
0x462: {  	_ = 	snop;
	(pc) =	sbr.rel @p0 .LBB2_1-.Ltmp4, $3  }
0x463: {  	_ =	sdelay $0x1  }
0x464: {  	[sflag:s1] =	ssyncset.done $0x0  }
0x465: {  	[sflag:s1] =	ssyncadd.s32 $0xFFFFF000  }
0x466: {  	_ =	sfence.sel $0x180000  }
0x467: {  	[bflag:$0x0] =	sbarrier.arrive $0xFFFF  }
0x468: {  	_ =	strace $0x9000004A  }
0x469: {  	s0 =	stileid.u32;
	[bflag:$0x2] =	sbarrier.arrive $0xFFFF  }
0x46a: {  	p0 =	sne.s32 s0, $0x0;
	s0 =	rddreg [dreg:$0x5]  }
0x46b: {  	s0 =	sadd.s32 @!p0 $0x100000, s0  }
0x46c: {  	[sflag:s0] =	ssyncadd.tile.s32 @!p0 $0x1;
	_ =	shalt  }
.Lfunc_end2:
_tile_overlayer_lowered:
.L_overlay_start_2:
0x46d: {  	(tag) =	ssettag $0x2  }
0x46e: {  	s0 =	rddreg [dreg:$0x0];
	s2 =	stileid.u32  }
0x46f: {  	s1 =	rddreg [dreg:$0x1];
	p0 =	sne.s32 s2, $0x0  }
0x470: {  	s3 =	rddreg [dreg:$0x2];
	[bflag:$0x3] =	sbarrier.arrive $0xFFFF;
	s2 =	simm.s32 @!p0 $0x1C09  }
0x471: {  	[timem:s3], [sflag:s2] =	dma.local @!p0 [hbm:s0], s1  }
0x472: {  	s0 =	simm.s32 @!p0 $0x9  }
0x473: {  	_ =	swait.ge @!p0 [sflag:s0], s1  }
0x474: {  	s1 =	ssub.s32 @!p0 $0x0, s1;
	[sflag:s0] =	ssyncset.done @!p0 $0x0  }
0x475: {  	[sflag:s0] =	ssyncadd.s32 @!p0 s1  }
0x476: {  	[bflag:$0x3] =	sbarrier.arrive $0xFFFF  }
0x477: {  	_ =	shalt  }

</sc_bundles>
